<compile_context>
chip_gen: v7x
topology: tpu7x:2x2x1
jax: 0.10.2.dev20260603
libtpu: 0.0.44.dev20260713+nightly
codegen_flags: <defaults>
</compile_context>

<pallas_src>
import jax
import jax.numpy as jnp
from jax import lax
from jax.experimental import pallas as pl
from jax.experimental.pallas import tpu as pltpu
from jax.experimental.pallas import tpu_sc as plsc

N = 10000
E = 320000
H = 8
DH = 16
D = H * DH
NC = 2
NS = 16
NW = NC * NS
EW = E // NW
CH = 80
NCH = EW // CH
ZW = 144
RB = 1000
NEG = -1e30

f32 = jnp.float32
i32 = jnp.int32



def _prep_outputs(z, i, zr_ref, sd_ref, ds_ref, sm_ref, aa_ref):
    sd2 = jnp.dot(z, aa_ref[...], preferred_element_type=f32)
    sd_ref[...] = sd2[:, 0:16]
    ds_ref[...] = sd2[:, 16:32]
    rb = z.shape[0]
    zr_ref[...] = jnp.concatenate(
        [z, jnp.ones((rb, 8), f32), jnp.zeros((rb, 8), f32)], axis=1)
    bm = jnp.max(sd2[:, 0:16], axis=0, keepdims=True)

    @pl.when(i == 0)
    def _():
        sm_ref[...] = jnp.full((1, 16), NEG, f32)

    sm_ref[...] = jnp.maximum(sm_ref[...], bm)


def _dense0_body(h_ref, we_ref, be_ref, wc_ref, aa_ref,
                 h0_ref, zr_ref, sd_ref, ds_ref, sm_ref):
    i = pl.program_id(0)
    h0 = jnp.dot(h_ref[...], we_ref[...], preferred_element_type=f32) + be_ref[...]
    h0_ref[...] = h0
    z = jnp.dot(h0, wc_ref[...], preferred_element_type=f32)
    _prep_outputs(z, i, zr_ref, sd_ref, ds_ref, sm_ref, aa_ref)


def _post_head(hin_ref, a0_ref, a1_ref, g_ref, b_ref, p_ref):
    acc = a0_ref[...] + a1_ref[...]
    den = jnp.dot(acc[:, 128:136], p_ref[...], preferred_element_type=f32)
    ratio = jnp.where(den > 0, acc[:, 0:128] / den, 0.0)
    t = ratio * g_ref[...] + b_ref[...]
    hn = jnp.where(t > 0, t, jnp.exp(jnp.minimum(t, 0.0)) - 1.0)
    return hin_ref[...] + hn


def _post_body(hin_ref, a0_ref, a1_ref, g_ref, b_ref, p_ref, wc_ref, aa_ref,
               hn_ref, zr_ref, sd_ref, ds_ref, sm_ref):
    i = pl.program_id(0)
    hv = _post_head(hin_ref, a0_ref, a1_ref, g_ref, b_ref, p_ref)
    hn_ref[...] = hv
    z = jnp.dot(hv, wc_ref[...], preferred_element_type=f32)
    _prep_outputs(z, i, zr_ref, sd_ref, ds_ref, sm_ref, aa_ref)


def _final_body(hin_ref, a0_ref, a1_ref, g_ref, b_ref, p_ref,
                m0_ref, b0_ref, m1_ref, b1_ref, m2_ref, b2_ref,
                out_ref, sacc_ref):
    i = pl.program_id(0)
    hv = _post_head(hin_ref, a0_ref, a1_ref, g_ref, b_ref, p_ref)
    part = jnp.sum(hv, axis=0, keepdims=True)

    @pl.when(i == 0)
    def _():
        sacc_ref[...] = jnp.zeros_like(sacc_ref)

    sacc_ref[...] += part

    @pl.when(i == pl.num_programs(0) - 1)
    def _():
        hg = sacc_ref[...] * (1.0 / N)
        x = jnp.maximum(
            jnp.dot(hg, m0_ref[...], preferred_element_type=f32) + b0_ref[...], 0.0)
        x = jnp.maximum(
            jnp.dot(x, m1_ref[...], preferred_element_type=f32) + b1_ref[...], 0.0)
        out_ref[...] = jnp.dot(x, m2_ref[...], preferred_element_type=f32) + b2_ref[...]


def _row_spec(w):
    return pl.BlockSpec((RB, w), lambda i: (i, 0))


def _full_spec(r, c):
    return pl.BlockSpec((r, c), lambda i: (0, 0))


_GRID = N // RB

_STATE_SHAPES = [jax.ShapeDtypeStruct((N, D), f32),
                 jax.ShapeDtypeStruct((N, ZW), f32),
                 jax.ShapeDtypeStruct((N, 16), f32),
                 jax.ShapeDtypeStruct((N, 16), f32),
                 jax.ShapeDtypeStruct((1, 16), f32)]
_STATE_SPECS = [_row_spec(D), _row_spec(ZW), _row_spec(16), _row_spec(16),
                _full_spec(1, 16)]

_dense0 = pl.pallas_call(
    _dense0_body,
    grid=(_GRID,),
    in_specs=[_row_spec(D), _full_spec(D, D), _full_spec(1, D),
              _full_spec(D, D), _full_spec(D, 32)],
    out_specs=_STATE_SPECS,
    out_shape=_STATE_SHAPES,
)

_post = pl.pallas_call(
    _post_body,
    grid=(_GRID,),
    in_specs=[_row_spec(D), _row_spec(ZW), _row_spec(ZW), _full_spec(1, D),
              _full_spec(1, D), _full_spec(8, D), _full_spec(D, D),
              _full_spec(D, 32)],
    out_specs=_STATE_SPECS,
    out_shape=_STATE_SHAPES,
)

_final = pl.pallas_call(
    _final_body,
    grid=(_GRID,),
    in_specs=[_row_spec(D), _row_spec(ZW), _row_spec(ZW), _full_spec(1, D),
              _full_spec(1, D), _full_spec(8, D), _full_spec(D, 64),
              _full_spec(1, 64), _full_spec(64, 32), _full_spec(1, 32),
              _full_spec(32, 10), _full_spec(1, 10)],
    out_specs=pl.BlockSpec((1, 10), lambda i: (0, 0)),
    out_shape=jax.ShapeDtypeStruct((1, 10), f32),
    scratch_shapes=[pltpu.VMEM((1, D), f32)],
)



_MESH = plsc.VectorSubcoreMesh(core_axis_name="c", subcore_axis_name="s")
_NOTC = pltpu.CompilerParams(use_tc_tiling_on_sc=False)

_GDN = lax.GatherDimensionNumbers(
    offset_dims=(), collapsed_slice_dims=(0,), start_index_map=(0,))


def _vgather(vec, idx):
    return lax.gather(vec, idx[:, None], _GDN, (1,),
                      mode=lax.GatherScatterMode.PROMISE_IN_BOUNDS)


def _edge_body(sd_hbm, ds_hbm, sm_hbm, zr_hbm, src2_hbm, dst2_hbm,
               acc_hbm, zv, av, bv, srcv, dstv, smv, zbuf, acc_sh):
    cc = lax.axis_index("c")
    ss = lax.axis_index("s")
    wid = ss * NC + cc
    iota = lax.iota(i32, 16)
    lane8 = iota < 8
    idx8 = jnp.where(lane8, iota, iota - 8)
    zero = jnp.zeros((16,), f32)

    pltpu.sync_copy(sm_hbm, smv)

    def zrow(j, carry):
        for c9 in range(ZW // 16):
            zbuf[j, pl.ds(c9 * 16, 16)] = zero
        return carry
    lax.fori_loop(0, 100, zrow, 0)

    def zchunk(k, carry):
        cid = ss + k * NS

        @pl.when(cid < N // 100)
        def _():
            pltpu.sync_copy(zbuf, acc_sh.at[pl.ds(cid * 100, 100), :])
        return carry
    lax.fori_loop(0, (N // 100 + NS - 1) // NS, zchunk, 0)
    plsc.subcore_barrier()

    smaxv = smv[pl.ds(0, 16)]

    def chunk(ci, carry):
        pltpu.sync_copy(src2_hbm.at[wid, ci], srcv)
        pltpu.sync_copy(dst2_hbm.at[wid, ci], dstv)
        pltpu.sync_copy(sd_hbm.at[srcv], av)
        pltpu.sync_copy(ds_hbm.at[dstv], bv)
        pltpu.sync_copy(zr_hbm.at[srcv], zv)

        @plsc.parallel_loop(0, CH, 1, unroll=4)
        def edge(k):
            a = av[k]
            b = bv[k]
            t = a + b
            lr = jnp.maximum(t, t * 0.01)
            dg = b + smaxv
            m = jnp.maximum(dg, dg * 0.01)
            ex = jnp.exp(lr - m)
            exm = jnp.where(lane8, ex, 0.0)
            exd = _vgather(exm, idx8)
            for c8 in range(8):
                sl = pl.ds(c8 * 16, 16)
                zv[k, sl] = zv[k, sl] * exd
            zv[k, pl.ds(128, 16)] = exm
        pltpu.sync_copy(zv, acc_sh.at[dstv], add=True)
        return carry
    lax.fori_loop(0, NCH, chunk, 0)

    plsc.subcore_barrier()

    def ochunk(k, carry):
        cid = ss + k * NS

        @pl.when(cid < N // 100)
        def _():
            sl = pl.ds(cid * 100, 100)
            pltpu.sync_copy(acc_sh.at[sl, :], zbuf)
            pltpu.sync_copy(zbuf, acc_hbm.at[cc, sl, :])
        return carry
    lax.fori_loop(0, (N // 100 + NS - 1) // NS, ochunk, 0)


_edge = pl.kernel(
    _edge_body,
    out_type=jax.ShapeDtypeStruct((NC, N, ZW), f32),
    mesh=_MESH,
    compiler_params=_NOTC,
    scratch_types=[
        pltpu.VMEM((CH, ZW), f32),
        pltpu.VMEM((CH, 16), f32),
        pltpu.VMEM((CH, 16), f32),
        pltpu.VMEM((CH,), i32),
        pltpu.VMEM((CH,), i32),
        pltpu.VMEM((16,), f32),
        pltpu.VMEM((100, ZW), f32),
        pltpu.VMEM_SHARED((N, ZW), f32),
    ],
)



def _run(h, src2, dst2, W_emb, b_emb, W, a, gamma, beta,
         M0, mb0, M1, mb1, M2, mb2):
    L = W.shape[0]
    cidx = jnp.arange(D)
    hof = cidx % 8
    jof = cidx // 8
    PERM = hof * DH + jof
    Wcat = jnp.transpose(W, (0, 2, 1, 3)).reshape(L, D, D)[:, PERM][:, :, PERM]
    a_s = a[:, hof, jof]
    a_d = a[:, hof, DH + jof]
    A_all = jnp.zeros((L, D, 32), f32)
    A_all = A_all.at[:, cidx, hof].set(a_s)
    A_all = A_all.at[:, cidx, 8 + hof].set(a_d)
    A_all = A_all.at[:, cidx, 16 + hof].set(a_d)
    P = (jnp.arange(8)[:, None] == hof[None, :]).astype(f32)
    gam = jnp.transpose(gamma, (0, 2, 1)).reshape(L, 1, D)
    bet = jnp.transpose(beta, (0, 2, 1)).reshape(L, 1, D)
    W_emb = W_emb[:, PERM]
    b_emb = b_emb[PERM]
    M0 = M0[PERM]

    hcur, zr, sd, ds, sm = _dense0(h, W_emb, b_emb.reshape(1, D),
                                   Wcat[0], A_all[0])
    out = None
    for l in range(L):
        acc = _edge(sd, ds, sm.reshape(16), zr, src2, dst2)
        if l + 1 < L:
            hcur, zr, sd, ds, sm = _post(hcur, acc[0], acc[1], gam[l], bet[l],
                                         P, Wcat[l + 1], A_all[l + 1])
        else:
            out = _final(hcur, acc[0], acc[1], gam[l], bet[l], P,
                         M0, mb0.reshape(1, 64), M1, mb1.reshape(1, 32),
                         M2, mb2.reshape(1, 10))
    return out


def kernel(h, edge_index, e, W_emb, b_emb, W, a, gamma, beta,
           M0, mb0, M1, mb1, M2, mb2):
    out_dtype = jnp.result_type(h.dtype, W_emb.dtype, M2.dtype)
    h, W_emb, b_emb, W, a, gamma, beta = (
        x.astype(f32) for x in (h, W_emb, b_emb, W, a, gamma, beta))
    M0, mb0, M1, mb1, M2, mb2 = (
        x.astype(f32) for x in (M0, mb0, M1, mb1, M2, mb2))
    edge_index = edge_index.astype(i32)
    with jax.enable_x64(False):
        src2 = edge_index[0].reshape(NW, NCH, CH)
        dst2 = edge_index[1].reshape(NW, NCH, CH)
        out = _run(h, src2, dst2, W_emb, b_emb, W, a, gamma, beta,
                   M0, mb0, M1, mb1, M2, mb2)
    return out.astype(out_dtype)

# --- scband reference (transcript-rebuilt; emitter-appended) ---
"""Pipeline reference for scband-gatnet-80942953660858 (READ-ONLY COPY).

The authoritative reference and input builder live on the scoring server;
editing this copy changes nothing except your own understanding.
"""

import jax, jax.numpy as jnp
import numpy as np
jax.config.update("jax_enable_x64", True)

N_NODES = 10000
N_EDGES = 320000
D_IN = 128
H = 8
DH = 16
L = 4
N_CLASSES = 10

def setup_inputs(seed: int = 0) -> dict:
    key = jax.random.key(seed)
    ks = jax.random.split(key, 16)
    h = jax.random.normal(ks[0], (N_NODES, D_IN), dtype=jnp.float32)
    edge_index = jax.random.randint(ks[1], (2, N_EDGES), 0, N_NODES, dtype=jnp.int64)
    e = jax.random.normal(ks[2], (N_EDGES, 4), dtype=jnp.float32)
    W_emb = jax.random.normal(ks[3], (D_IN, H * DH), dtype=jnp.float32) / np.sqrt(D_IN)
    b_emb = jnp.zeros((H * DH,), dtype=jnp.float32)
    W = jax.random.normal(ks[4], (L, H, H * DH, DH), dtype=jnp.float32) / np.sqrt(H * DH)
    a = jax.random.normal(ks[5], (L, H, 2 * DH), dtype=jnp.float32) / np.sqrt(2 * DH)
    gamma = jnp.ones((L, H, DH), dtype=jnp.float32)
    beta = jnp.zeros((L, H, DH), dtype=jnp.float32)
    M0 = jax.random.normal(ks[6], (H * DH, 64), dtype=jnp.float32) / np.sqrt(float(H * DH))
    mb0 = jnp.zeros((64,), dtype=jnp.float32)
    M1 = jax.random.normal(ks[7], (64, 32), dtype=jnp.float32) / np.sqrt(64.0)
    mb1 = jnp.zeros((32,), dtype=jnp.float32)
    M2 = jax.random.normal(ks[8], (32, N_CLASSES), dtype=jnp.float32) / np.sqrt(32.0)
    mb2 = jnp.zeros((N_CLASSES,), dtype=jnp.float32)
    return {"h": h, "edge_index": edge_index, "e": e, "W_emb": W_emb, "b_emb": b_emb, "W": W, "a": a, "gamma": gamma, "beta": beta, "M0": M0, "mb0": mb0, "M1": M1, "mb1": mb1, "M2": M2, "mb2": mb2}

def _gat_forward(h, edge_index, W_emb, b_emb, W, a, gamma, beta, M0, mb0, M1, mb1, M2, mb2):
    src = edge_index[0]
    dst = edge_index[1]
    N = h.shape[0]
    # embedding_h
    h = h @ W_emb + b_emb
    n_layers = W.shape[0]
    n_heads = W.shape[1]
    for l in range(n_layers):
        h_in = h
        outs = []
        for hd in range(n_heads):
            # GATHeadLayer: fc projection
            z = h @ W[l, hd]  # [N, DH]
            z_src = jnp.take(z, src, axis=0)
            z_dst = jnp.take(z, dst, axis=0)
            # edge attention: attn_fc(cat(z_src, z_dst)) then leaky_relu (default slope 0.01)
            logits = jnp.concatenate([z_src, z_dst], axis=-1) @ a[l, hd]
            logits = jax.nn.leaky_relu(logits, negative_slope=0.01)
            # edge softmax normalized over incoming edges of dst
            m = jax.ops.segment_max(logits, dst, num_segments=N)
            m = jnp.where(jnp.isfinite(m), m, 0.0)
            ex = jnp.exp(logits - jnp.take(m, dst))
            denom = jax.ops.segment_sum(ex, dst, num_segments=N)
            alpha = ex / (jnp.take(denom, dst) + 1e-9)
            # aggregate
            hn = jax.ops.segment_sum(alpha[:, None] * z_src, dst, num_segments=N)
            # batchnorm (eval mode, running stats 0/1) -> affine
            hn = hn * gamma[l, hd] + beta[l, hd]
            hn = jax.nn.elu(hn)
            outs.append(hn)
        h = h_in + jnp.concatenate(outs, axis=-1)  # residual + head concat
    # mean readout over the (single) graph
    hg = jnp.mean(h, axis=0, keepdims=True)
    # MLPReadout: 128 -> 64 -> 32 -> n_classes with ReLU
    x = jax.nn.relu(hg @ M0 + mb0)
    x = jax.nn.relu(x @ M1 + mb1)
    return x @ M2 + mb2

def reference(h, edge_index, e, W_emb, b_emb, W, a, gamma, beta, M0, mb0, M1, mb1, M2, mb2):
    # e (edge features) is accepted by GATNet.forward but unused by the GAT layers
    return _gat_forward(h, edge_index, W_emb, b_emb, W, a, gamma, beta, M0, mb0, M1, mb1, M2, mb2)

if __name__ == "__main__":
    import jax
    _d = setup_inputs()
    print(jax.jit(kernel)(*tuple(_d.values())))

</pallas_src>

<mosaic_0001>
#map = affine_map<(d0, d1) -> (0, 0)>
#map1 = affine_map<(d0, d1) -> (0)>
#map2 = affine_map<(d0, d1) -> (0, 0, 0)>
module attributes {stable_mosaic.version = 14 : i64} {
  func.func @_edge_body(%arg0: i32, %arg1: i32, %arg2: memref<10000x16xf32, #tpu.memory_space<hbm>>, %arg3: memref<10000x16xf32, #tpu.memory_space<hbm>>, %arg4: memref<16xf32, #tpu.memory_space<hbm>>, %arg5: memref<10000x144xf32, #tpu.memory_space<hbm>>, %arg6: memref<32x125x80xi32, #tpu.memory_space<hbm>>, %arg7: memref<32x125x80xi32, #tpu.memory_space<hbm>>, %arg8: memref<2x10000x144xf32, #tpu.memory_space<hbm>>, %arg9: memref<80x144xf32, #tpu.memory_space<vmem>>, %arg10: memref<80x16xf32, #tpu.memory_space<vmem>>, %arg11: memref<80x16xf32, #tpu.memory_space<vmem>>, %arg12: memref<80xi32, #tpu.memory_space<vmem>>, %arg13: memref<80xi32, #tpu.memory_space<vmem>>, %arg14: memref<16xf32, #tpu.memory_space<vmem>>, %arg15: memref<100x144xf32, #tpu.memory_space<vmem>>, %arg16: memref<10000x144xf32, #tpu.memory_space<vmem_shared>>) attributes {dimension_semantics = [#tpu.dimension_semantics<core_parallel>, #tpu.dimension_semantics<subcore_parallel>], iteration_bounds = array<i64: 2, 16>, scalar_prefetch = 0 : i64, scratch_operands = 8 : i64, tpu.core_type = #tpu.core_type<sc_vector_subcore>, window_params = [{transform_indices = #map}, {transform_indices = #map}, {transform_indices = #map1}, {transform_indices = #map}, {transform_indices = #map2}, {transform_indices = #map2}, {transform_indices = #map2}]} {
    %mul3A = arith.constant 2 : i32
    %mul3A_0 = arith.muli %arg1, %mul3A : i32
    %add3A = arith.addi %mul3A_0, %arg0 : i32
    %iota3A = tpu.iota {dimensions = array<i32: 0>} : vector<16xi32>
    %lt3A = arith.constant 8 : i32
    %lt3A_1 = vector.broadcast %lt3A : i32 to vector<16xi32>
    %lt3A_2 = arith.cmpi slt, %iota3A, %lt3A_1 : vector<16xi32>
    %sub3A = arith.constant 8 : i32
    %sub3A_3 = vector.broadcast %sub3A : i32 to vector<16xi32>
    %sub3A_4 = arith.subi %iota3A, %sub3A_3 : vector<16xi32>
    %select_n3A = arith.select %lt3A_2, %iota3A, %sub3A_4 : vector<16xi1>, vector<16xi32>
    %broadcast_in_dim3A = arith.constant 0.000000e+00 : f32
    %broadcast_in_dim3A_5 = vector.broadcast %broadcast_in_dim3A : f32 to vector<16xf32>
    "tpu.region"() ({
      %run_scoped3A = tpu.sem_alloc : memref<!tpu.dma_semaphore, #tpu.memory_space<semaphore_mem>>
      tpu.enqueue_dma source(%arg4 : memref<16xf32, #tpu.memory_space<hbm>>) target(%arg14 : memref<16xf32, #tpu.memory_space<vmem>>) target_semaphore(%run_scoped3A : memref<!tpu.dma_semaphore, #tpu.memory_space<semaphore_mem>>)
      tpu.wait_dma2 semaphore(%run_scoped3A : memref<!tpu.dma_semaphore, #tpu.memory_space<semaphore_mem>>) src(%arg4 : memref<16xf32, #tpu.memory_space<hbm>>) dst(%arg14 : memref<16xf32, #tpu.memory_space<vmem>>)
      tpu.yield
    }) : () -> ()
    %scan3A = arith.constant 0 : i32
    %scan3A_6 = arith.constant 0 : i32
    %scan3A_7 = arith.constant 100 : i32
    %scan3A_8 = arith.addi %scan3A_6, %scan3A_7 : i32
    %scan3A_9 = arith.constant 1 : i32
    scf.for %scan3A_32 = %scan3A_6 to %scan3A_8 step %scan3A_9  : i32 {
      %swap3A = arith.index_cast %scan3A_32 : i32 to index
      %swap3A_33 = arith.constant 0 : index
      %swap3A_34 = tpu.vector_load %arg15[%swap3A, %swap3A_33] {strides = array<i32>} : memref<100x144xf32, #tpu.memory_space<vmem>>, vector<1x16xf32>,
      %swap3A_35 = vector.shape_cast %swap3A_34 : vector<1x16xf32> to vector<16xf32>
      %swap3A_36 = vector.shape_cast %broadcast_in_dim3A_5 : vector<16xf32> to vector<1x16xf32>
      tpu.vector_store %arg15[%swap3A, %swap3A_33], %swap3A_36 {strides = array<i32>} : memref<100x144xf32, #tpu.memory_space<vmem>>, vector<1x16xf32>,
      %swap3A_37 = arith.index_cast %scan3A_32 : i32 to index
      %swap3A_38 = arith.constant 16 : index
      %swap3A_39 = tpu.vector_load %arg15[%swap3A_37, %swap3A_38] {strides = array<i32>} : memref<100x144xf32, #tpu.memory_space<vmem>>, vector<1x16xf32>,
      %swap3A_40 = vector.shape_cast %swap3A_39 : vector<1x16xf32> to vector<16xf32>
      %swap3A_41 = vector.shape_cast %broadcast_in_dim3A_5 : vector<16xf32> to vector<1x16xf32>
      tpu.vector_store %arg15[%swap3A_37, %swap3A_38], %swap3A_41 {strides = array<i32>} : memref<100x144xf32, #tpu.memory_space<vmem>>, vector<1x16xf32>,
      %swap3A_42 = arith.index_cast %scan3A_32 : i32 to index
      %swap3A_43 = arith.constant 32 : index
      %swap3A_44 = tpu.vector_load %arg15[%swap3A_42, %swap3A_43] {strides = array<i32>} : memref<100x144xf32, #tpu.memory_space<vmem>>, vector<1x16xf32>,
      %swap3A_45 = vector.shape_cast %swap3A_44 : vector<1x16xf32> to vector<16xf32>
      %swap3A_46 = vector.shape_cast %broadcast_in_dim3A_5 : vector<16xf32> to vector<1x16xf32>
      tpu.vector_store %arg15[%swap3A_42, %swap3A_43], %swap3A_46 {strides = array<i32>} : memref<100x144xf32, #tpu.memory_space<vmem>>, vector<1x16xf32>,
      %swap3A_47 = arith.index_cast %scan3A_32 : i32 to index
      %swap3A_48 = arith.constant 48 : index
      %swap3A_49 = tpu.vector_load %arg15[%swap3A_47, %swap3A_48] {strides = array<i32>} : memref<100x144xf32, #tpu.memory_space<vmem>>, vector<1x16xf32>,
      %swap3A_50 = vector.shape_cast %swap3A_49 : vector<1x16xf32> to vector<16xf32>
      %swap3A_51 = vector.shape_cast %broadcast_in_dim3A_5 : vector<16xf32> to vector<1x16xf32>
      tpu.vector_store %arg15[%swap3A_47, %swap3A_48], %swap3A_51 {strides = array<i32>} : memref<100x144xf32, #tpu.memory_space<vmem>>, vector<1x16xf32>,
      %swap3A_52 = arith.index_cast %scan3A_32 : i32 to index
      %swap3A_53 = arith.constant 64 : index
      %swap3A_54 = tpu.vector_load %arg15[%swap3A_52, %swap3A_53] {strides = array<i32>} : memref<100x144xf32, #tpu.memory_space<vmem>>, vector<1x16xf32>,
      %swap3A_55 = vector.shape_cast %swap3A_54 : vector<1x16xf32> to vector<16xf32>
      %swap3A_56 = vector.shape_cast %broadcast_in_dim3A_5 : vector<16xf32> to vector<1x16xf32>
      tpu.vector_store %arg15[%swap3A_52, %swap3A_53], %swap3A_56 {strides = array<i32>} : memref<100x144xf32, #tpu.memory_space<vmem>>, vector<1x16xf32>,
      %swap3A_57 = arith.index_cast %scan3A_32 : i32 to index
      %swap3A_58 = arith.constant 80 : index
      %swap3A_59 = tpu.vector_load %arg15[%swap3A_57, %swap3A_58] {strides = array<i32>} : memref<100x144xf32, #tpu.memory_space<vmem>>, vector<1x16xf32>,
      %swap3A_60 = vector.shape_cast %swap3A_59 : vector<1x16xf32> to vector<16xf32>
      %swap3A_61 = vector.shape_cast %broadcast_in_dim3A_5 : vector<16xf32> to vector<1x16xf32>
      tpu.vector_store %arg15[%swap3A_57, %swap3A_58], %swap3A_61 {strides = array<i32>} : memref<100x144xf32, #tpu.memory_space<vmem>>, vector<1x16xf32>,
      %swap3A_62 = arith.index_cast %scan3A_32 : i32 to index
      %swap3A_63 = arith.constant 96 : index
      %swap3A_64 = tpu.vector_load %arg15[%swap3A_62, %swap3A_63] {strides = array<i32>} : memref<100x144xf32, #tpu.memory_space<vmem>>, vector<1x16xf32>,
      %swap3A_65 = vector.shape_cast %swap3A_64 : vector<1x16xf32> to vector<16xf32>
      %swap3A_66 = vector.shape_cast %broadcast_in_dim3A_5 : vector<16xf32> to vector<1x16xf32>
      tpu.vector_store %arg15[%swap3A_62, %swap3A_63], %swap3A_66 {strides = array<i32>} : memref<100x144xf32, #tpu.memory_space<vmem>>, vector<1x16xf32>,
      %swap3A_67 = arith.index_cast %scan3A_32 : i32 to index
      %swap3A_68 = arith.constant 112 : index
      %swap3A_69 = tpu.vector_load %arg15[%swap3A_67, %swap3A_68] {strides = array<i32>} : memref<100x144xf32, #tpu.memory_space<vmem>>, vector<1x16xf32>,
      %swap3A_70 = vector.shape_cast %swap3A_69 : vector<1x16xf32> to vector<16xf32>
      %swap3A_71 = vector.shape_cast %broadcast_in_dim3A_5 : vector<16xf32> to vector<1x16xf32>
      tpu.vector_store %arg15[%swap3A_67, %swap3A_68], %swap3A_71 {strides = array<i32>} : memref<100x144xf32, #tpu.memory_space<vmem>>, vector<1x16xf32>,
      %swap3A_72 = arith.index_cast %scan3A_32 : i32 to index
      %swap3A_73 = arith.constant 128 : index
      %swap3A_74 = tpu.vector_load %arg15[%swap3A_72, %swap3A_73] {strides = array<i32>} : memref<100x144xf32, #tpu.memory_space<vmem>>, vector<1x16xf32>,
      %swap3A_75 = vector.shape_cast %swap3A_74 : vector<1x16xf32> to vector<16xf32>
      %swap3A_76 = vector.shape_cast %broadcast_in_dim3A_5 : vector<16xf32> to vector<1x16xf32>
      tpu.vector_store %arg15[%swap3A_72, %swap3A_73], %swap3A_76 {strides = array<i32>} : memref<100x144xf32, #tpu.memory_space<vmem>>, vector<1x16xf32>,
    }
    %scan3A_10 = arith.constant 100 : i32
    %scan3A_11 = arith.constant 0 : i32
    %scan3A_12 = arith.constant 0 : i32
    %scan3A_13 = arith.constant 7 : i32
    %scan3A_14 = arith.addi %scan3A_12, %scan3A_13 : i32
    %scan3A_15 = arith.constant 1 : i32
    scf.for %scan3A_32 = %scan3A_12 to %scan3A_14 step %scan3A_15  : i32 {
      %mul3A_33 = arith.constant 16 : i32
      %mul3A_34 = arith.muli %scan3A_32, %mul3A_33 : i32
      %add3A_35 = arith.addi %arg1, %mul3A_34 : i32
      %lt3A_36 = arith.constant 100 : i32
      %lt3A_37 = arith.cmpi slt, %add3A_35, %lt3A_36 : i32
      %convert_element_type3A = arith.extui %lt3A_37 : i1 to i32
      %cond3A = arith.constant 0 : i32
      %cond3A_38 = arith.cmpi ne, %convert_element_type3A, %cond3A : i32
      scf.if %cond3A_38 {
        %mul3A_39 = arith.constant 100 : i32
        %mul3A_40 = arith.muli %add3A_35, %mul3A_39 : i32
        "tpu.region"() ({
          %run_scoped3A = tpu.sem_alloc : memref<!tpu.dma_semaphore, #tpu.memory_space<semaphore_mem>>
          %dma_start3A = arith.constant 0 : i32
          %dma_start3A_41 = tpu.memref_slice %arg16[%mul3A_40, %dma_start3A] : memref<10000x144xf32, #tpu.memory_space<vmem_shared>> -> memref<100x144xf32, #tpu.memory_space<vmem_shared>>
          %dma_start3A_42 = arith.constant 0 : i32
          %dma_start3A_43 = tpu.memref_slice %arg16[%mul3A_40, %dma_start3A_42] : memref<10000x144xf32, #tpu.memory_space<vmem_shared>> -> memref<100x144xf32, #tpu.memory_space<vmem_shared>>
          tpu.enqueue_dma source(%arg15 : memref<100x144xf32, #tpu.memory_space<vmem>>) target(%dma_start3A_43 : memref<100x144xf32, #tpu.memory_space<vmem_shared>>) target_semaphore(%run_scoped3A : memref<!tpu.dma_semaphore, #tpu.memory_space<semaphore_mem>>)
          %dma_wait3A = arith.constant 0 : i32
          %dma_wait3A_44 = tpu.memref_slice %arg16[%mul3A_40, %dma_wait3A] : memref<10000x144xf32, #tpu.memory_space<vmem_shared>> -> memref<100x144xf32, #tpu.memory_space<vmem_shared>>
          %dma_wait3A_45 = arith.constant 0 : i32
          %dma_wait3A_46 = tpu.memref_slice %arg16[%mul3A_40, %dma_wait3A_45] : memref<10000x144xf32, #tpu.memory_space<vmem_shared>> -> memref<100x144xf32, #tpu.memory_space<vmem_shared>>
          tpu.wait_dma2 semaphore(%run_scoped3A : memref<!tpu.dma_semaphore, #tpu.memory_space<semaphore_mem>>) src(%arg15 : memref<100x144xf32, #tpu.memory_space<vmem>>) dst(%dma_wait3A_46 : memref<100x144xf32, #tpu.memory_space<vmem_shared>>)
          tpu.yield
        }) : () -> ()
      } else {
      }
    }
    %scan3A_16 = arith.constant 7 : i32
    %barrier3A = arith.constant 0 : index
    tpu.barrier barrier_id(%barrier3A)
    %get3A = arith.constant 0 : index
    %get3A_17 = tpu.vector_load %arg14[%get3A] {strides = array<i32>} : memref<16xf32, #tpu.memory_space<vmem>>, vector<16xf32>,
    %get3A_18 = vector.shape_cast %get3A_17 : vector<16xf32> to vector<16xf32>
    %scan3A_19 = arith.constant 0 : i32
    %scan3A_20 = arith.constant 0 : i32
    %scan3A_21 = arith.constant 125 : i32
    %scan3A_22 = arith.addi %scan3A_20, %scan3A_21 : i32
    %scan3A_23 = arith.constant 1 : i32
    scf.for %scan3A_32 = %scan3A_20 to %scan3A_22 step %scan3A_23  : i32 {
      "tpu.region"() ({
        %run_scoped3A = tpu.sem_alloc : memref<!tpu.dma_semaphore, #tpu.memory_space<semaphore_mem>>
        %dma_start3A = arith.constant 0 : i32
        %dma_start3A_35 = tpu.memref_slice %arg6[%add3A, %scan3A_32, %dma_start3A] : memref<32x125x80xi32, #tpu.memory_space<hbm>> -> memref<1x1x80xi32, #tpu.memory_space<hbm>>
        %dma_start3A_36 = tpu.memref_squeeze %dma_start3A_35 : memref<1x1x80xi32, #tpu.memory_space<hbm>> -> memref<80xi32, #tpu.memory_space<hbm>>
        %dma_start3A_37 = arith.constant 0 : i32
        %dma_start3A_38 = tpu.memref_slice %arg6[%add3A, %scan3A_32, %dma_start3A_37] : memref<32x125x80xi32, #tpu.memory_space<hbm>> -> memref<1x1x80xi32, #tpu.memory_space<hbm>>
        %dma_start3A_39 = tpu.memref_squeeze %dma_start3A_38 : memref<1x1x80xi32, #tpu.memory_space<hbm>> -> memref<80xi32, #tpu.memory_space<hbm>>
        tpu.enqueue_dma source(%dma_start3A_39 : memref<80xi32, #tpu.memory_space<hbm>>) target(%arg12 : memref<80xi32, #tpu.memory_space<vmem>>) target_semaphore(%run_scoped3A : memref<!tpu.dma_semaphore, #tpu.memory_space<semaphore_mem>>)
        %dma_wait3A = arith.constant 0 : i32
        %dma_wait3A_40 = tpu.memref_slice %arg6[%add3A, %scan3A_32, %dma_wait3A] : memref<32x125x80xi32, #tpu.memory_space<hbm>> -> memref<1x1x80xi32, #tpu.memory_space<hbm>>
        %dma_wait3A_41 = tpu.memref_squeeze %dma_wait3A_40 : memref<1x1x80xi32, #tpu.memory_space<hbm>> -> memref<80xi32, #tpu.memory_space<hbm>>
        %dma_wait3A_42 = arith.constant 0 : i32
        %dma_wait3A_43 = tpu.memref_slice %arg6[%add3A, %scan3A_32, %dma_wait3A_42] : memref<32x125x80xi32, #tpu.memory_space<hbm>> -> memref<1x1x80xi32, #tpu.memory_space<hbm>>
        %dma_wait3A_44 = tpu.memref_squeeze %dma_wait3A_43 : memref<1x1x80xi32, #tpu.memory_space<hbm>> -> memref<80xi32, #tpu.memory_space<hbm>>
        tpu.wait_dma2 semaphore(%run_scoped3A : memref<!tpu.dma_semaphore, #tpu.memory_space<semaphore_mem>>) src(%dma_wait3A_44 : memref<80xi32, #tpu.memory_space<hbm>>) dst(%arg12 : memref<80xi32, #tpu.memory_space<vmem>>)
        tpu.yield
      }) : () -> ()
      "tpu.region"() ({
        %run_scoped3A = tpu.sem_alloc : memref<!tpu.dma_semaphore, #tpu.memory_space<semaphore_mem>>
        %dma_start3A = arith.constant 0 : i32
        %dma_start3A_35 = tpu.memref_slice %arg7[%add3A, %scan3A_32, %dma_start3A] : memref<32x125x80xi32, #tpu.memory_space<hbm>> -> memref<1x1x80xi32, #tpu.memory_space<hbm>>
        %dma_start3A_36 = tpu.memref_squeeze %dma_start3A_35 : memref<1x1x80xi32, #tpu.memory_space<hbm>> -> memref<80xi32, #tpu.memory_space<hbm>>
        %dma_start3A_37 = arith.constant 0 : i32
        %dma_start3A_38 = tpu.memref_slice %arg7[%add3A, %scan3A_32, %dma_start3A_37] : memref<32x125x80xi32, #tpu.memory_space<hbm>> -> memref<1x1x80xi32, #tpu.memory_space<hbm>>
        %dma_start3A_39 = tpu.memref_squeeze %dma_start3A_38 : memref<1x1x80xi32, #tpu.memory_space<hbm>> -> memref<80xi32, #tpu.memory_space<hbm>>
        tpu.enqueue_dma source(%dma_start3A_39 : memref<80xi32, #tpu.memory_space<hbm>>) target(%arg13 : memref<80xi32, #tpu.memory_space<vmem>>) target_semaphore(%run_scoped3A : memref<!tpu.dma_semaphore, #tpu.memory_space<semaphore_mem>>)
        %dma_wait3A = arith.constant 0 : i32
        %dma_wait3A_40 = tpu.memref_slice %arg7[%add3A, %scan3A_32, %dma_wait3A] : memref<32x125x80xi32, #tpu.memory_space<hbm>> -> memref<1x1x80xi32, #tpu.memory_space<hbm>>
        %dma_wait3A_41 = tpu.memref_squeeze %dma_wait3A_40 : memref<1x1x80xi32, #tpu.memory_space<hbm>> -> memref<80xi32, #tpu.memory_space<hbm>>
        %dma_wait3A_42 = arith.constant 0 : i32
        %dma_wait3A_43 = tpu.memref_slice %arg7[%add3A, %scan3A_32, %dma_wait3A_42] : memref<32x125x80xi32, #tpu.memory_space<hbm>> -> memref<1x1x80xi32, #tpu.memory_space<hbm>>
        %dma_wait3A_44 = tpu.memref_squeeze %dma_wait3A_43 : memref<1x1x80xi32, #tpu.memory_space<hbm>> -> memref<80xi32, #tpu.memory_space<hbm>>
        tpu.wait_dma2 semaphore(%run_scoped3A : memref<!tpu.dma_semaphore, #tpu.memory_space<semaphore_mem>>) src(%dma_wait3A_44 : memref<80xi32, #tpu.memory_space<hbm>>) dst(%arg13 : memref<80xi32, #tpu.memory_space<vmem>>)
        tpu.yield
      }) : () -> ()
      "tpu.region"() ({
        %run_scoped3A = tpu.sem_alloc : memref<!tpu.dma_semaphore, #tpu.memory_space<semaphore_mem>>
        %dma_start3A = arith.constant 0 : i32
        %dma_start3A_35 = arith.constant 0 : i32
        %dma_start3A_36 = tpu.memref_slice %arg2[%dma_start3A, %dma_start3A_35] : memref<10000x16xf32, #tpu.memory_space<hbm>> -> memref<10000x16xf32, #tpu.memory_space<hbm>>
        tpu.enqueue_indirect_dma source(%dma_start3A_36 : memref<10000x16xf32, #tpu.memory_space<hbm>>) target(%arg10 : memref<80x16xf32, #tpu.memory_space<vmem>>) offsets(%arg12 : memref<80xi32, #tpu.memory_space<vmem>>) semaphore(%run_scoped3A : memref<!tpu.dma_semaphore, #tpu.memory_space<semaphore_mem>>)
        %dma_wait3A = arith.constant 0 : i32
        %dma_wait3A_37 = arith.constant 0 : i32
        %dma_wait3A_38 = tpu.memref_slice %arg2[%dma_wait3A, %dma_wait3A_37] : memref<10000x16xf32, #tpu.memory_space<hbm>> -> memref<10000x16xf32, #tpu.memory_space<hbm>>
        tpu.wait_indirect_dma semaphore(%run_scoped3A : memref<!tpu.dma_semaphore, #tpu.memory_space<semaphore_mem>>) src(%dma_wait3A_38 : memref<10000x16xf32, #tpu.memory_space<hbm>>) dst(%arg10 : memref<80x16xf32, #tpu.memory_space<vmem>>)
        tpu.yield
      }) : () -> ()
      "tpu.region"() ({
        %run_scoped3A = tpu.sem_alloc : memref<!tpu.dma_semaphore, #tpu.memory_space<semaphore_mem>>
        %dma_start3A = arith.constant 0 : i32
        %dma_start3A_35 = arith.constant 0 : i32
        %dma_start3A_36 = tpu.memref_slice %arg3[%dma_start3A, %dma_start3A_35] : memref<10000x16xf32, #tpu.memory_space<hbm>> -> memref<10000x16xf32, #tpu.memory_space<hbm>>
        tpu.enqueue_indirect_dma source(%dma_start3A_36 : memref<10000x16xf32, #tpu.memory_space<hbm>>) target(%arg11 : memref<80x16xf32, #tpu.memory_space<vmem>>) offsets(%arg13 : memref<80xi32, #tpu.memory_space<vmem>>) semaphore(%run_scoped3A : memref<!tpu.dma_semaphore, #tpu.memory_space<semaphore_mem>>)
        %dma_wait3A = arith.constant 0 : i32
        %dma_wait3A_37 = arith.constant 0 : i32
        %dma_wait3A_38 = tpu.memref_slice %arg3[%dma_wait3A, %dma_wait3A_37] : memref<10000x16xf32, #tpu.memory_space<hbm>> -> memref<10000x16xf32, #tpu.memory_space<hbm>>
        tpu.wait_indirect_dma semaphore(%run_scoped3A : memref<!tpu.dma_semaphore, #tpu.memory_space<semaphore_mem>>) src(%dma_wait3A_38 : memref<10000x16xf32, #tpu.memory_space<hbm>>) dst(%arg11 : memref<80x16xf32, #tpu.memory_space<vmem>>)
        tpu.yield
      }) : () -> ()
      "tpu.region"() ({
        %run_scoped3A = tpu.sem_alloc : memref<!tpu.dma_semaphore, #tpu.memory_space<semaphore_mem>>
        %dma_start3A = arith.constant 0 : i32
        %dma_start3A_35 = arith.constant 0 : i32
        %dma_start3A_36 = tpu.memref_slice %arg5[%dma_start3A, %dma_start3A_35] : memref<10000x144xf32, #tpu.memory_space<hbm>> -> memref<10000x144xf32, #tpu.memory_space<hbm>>
        tpu.enqueue_indirect_dma source(%dma_start3A_36 : memref<10000x144xf32, #tpu.memory_space<hbm>>) target(%arg9 : memref<80x144xf32, #tpu.memory_space<vmem>>) offsets(%arg12 : memref<80xi32, #tpu.memory_space<vmem>>) semaphore(%run_scoped3A : memref<!tpu.dma_semaphore, #tpu.memory_space<semaphore_mem>>)
        %dma_wait3A = arith.constant 0 : i32
        %dma_wait3A_37 = arith.constant 0 : i32
        %dma_wait3A_38 = tpu.memref_slice %arg5[%dma_wait3A, %dma_wait3A_37] : memref<10000x144xf32, #tpu.memory_space<hbm>> -> memref<10000x144xf32, #tpu.memory_space<hbm>>
        tpu.wait_indirect_dma semaphore(%run_scoped3A : memref<!tpu.dma_semaphore, #tpu.memory_space<semaphore_mem>>) src(%dma_wait3A_38 : memref<10000x144xf32, #tpu.memory_space<hbm>>) dst(%arg9 : memref<80x144xf32, #tpu.memory_space<vmem>>)
        tpu.yield
      }) : () -> ()
      %parallel_loop3A = arith.constant 0 : i32
      %parallel_loop3A_33 = arith.constant 80 : i32
      %parallel_loop3A_34 = arith.constant 1 : i32
      scf.for %parallel_loop3A_35 = %parallel_loop3A to %parallel_loop3A_33 step %parallel_loop3A_34  : i32 {
        %parallel_loop3A_36 = arith.index_cast %parallel_loop3A_35 : i32 to index
        %parallel_loop3A_37 = arith.constant 0 : index
        %parallel_loop3A_38 = tpu.vector_load %arg10[%parallel_loop3A_36, %parallel_loop3A_37] {strides = array<i32>} : memref<80x16xf32, #tpu.memory_space<vmem>>, vector<1x16xf32>,
        %parallel_loop3A_39 = vector.shape_cast %parallel_loop3A_38 : vector<1x16xf32> to vector<16xf32>
        %parallel_loop3A_40 = arith.index_cast %parallel_loop3A_35 : i32 to index
        %parallel_loop3A_41 = arith.constant 0 : index
        %parallel_loop3A_42 = tpu.vector_load %arg11[%parallel_loop3A_40, %parallel_loop3A_41] {strides = array<i32>} : memref<80x16xf32, #tpu.memory_space<vmem>>, vector<1x16xf32>,
        %parallel_loop3A_43 = vector.shape_cast %parallel_loop3A_42 : vector<1x16xf32> to vector<16xf32>
        %parallel_loop3A_44 = arith.addf %parallel_loop3A_39, %parallel_loop3A_43 : vector<16xf32>
        %parallel_loop3A_45 = arith.constant 0.00999999977 : f32
        %parallel_loop3A_46 = vector.broadcast %parallel_loop3A_45 : f32 to vector<16xf32>
        %parallel_loop3A_47 = arith.mulf %parallel_loop3A_44, %parallel_loop3A_46 : vector<16xf32>
        %parallel_loop3A_48 = arith.maximumf %parallel_loop3A_44, %parallel_loop3A_47 : vector<16xf32>
        %parallel_loop3A_49 = arith.addf %parallel_loop3A_43, %get3A_18 : vector<16xf32>
        %parallel_loop3A_50 = arith.constant 0.00999999977 : f32
        %parallel_loop3A_51 = vector.broadcast %parallel_loop3A_50 : f32 to vector<16xf32>
        %parallel_loop3A_52 = arith.mulf %parallel_loop3A_49, %parallel_loop3A_51 : vector<16xf32>
        %parallel_loop3A_53 = arith.maximumf %parallel_loop3A_49, %parallel_loop3A_52 : vector<16xf32>
        %parallel_loop3A_54 = arith.subf %parallel_loop3A_48, %parallel_loop3A_53 : vector<16xf32>
        %parallel_loop3A_55 = math.exp %parallel_loop3A_54 : vector<16xf32>
        %parallel_loop3A_56 = arith.constant 0.000000e+00 : f32
        %parallel_loop3A_57 = vector.broadcast %parallel_loop3A_56 : f32 to vector<16xf32>
        %parallel_loop3A_58 = arith.select %lt3A_2, %parallel_loop3A_55, %parallel_loop3A_57 : vector<16xi1>, vector<16xf32>
        %parallel_loop3A_59 = vector.shape_cast %select_n3A : vector<16xi32> to vector<16x1xi32>
        %parallel_loop3A_60 = vector.shape_cast %parallel_loop3A_59 : vector<16x1xi32> to vector<16xi32>
        %parallel_loop3A_61 = tpu.dynamic_gather %parallel_loop3A_58[%parallel_loop3A_60] in [0] : vector<16xf32>, vector<16xi32> -> vector<16xf32>
        %parallel_loop3A_62 = arith.index_cast %parallel_loop3A_35 : i32 to index
        %parallel_loop3A_63 = arith.constant 0 : index
        %parallel_loop3A_64 = tpu.vector_load %arg9[%parallel_loop3A_62, %parallel_loop3A_63] {strides = array<i32>} : memref<80x144xf32, #tpu.memory_space<vmem>>, vector<1x16xf32>,
        %parallel_loop3A_65 = vector.shape_cast %parallel_loop3A_64 : vector<1x16xf32> to vector<16xf32>
        %parallel_loop3A_66 = arith.mulf %parallel_loop3A_65, %parallel_loop3A_61 : vector<16xf32>
        %parallel_loop3A_67 = arith.index_cast %parallel_loop3A_35 : i32 to index
        %parallel_loop3A_68 = arith.constant 0 : index
        %parallel_loop3A_69 = tpu.vector_load %arg9[%parallel_loop3A_67, %parallel_loop3A_68] {strides = array<i32>} : memref<80x144xf32, #tpu.memory_space<vmem>>, vector<1x16xf32>,
        %parallel_loop3A_70 = vector.shape_cast %parallel_loop3A_69 : vector<1x16xf32> to vector<16xf32>
        %parallel_loop3A_71 = vector.shape_cast %parallel_loop3A_66 : vector<16xf32> to vector<1x16xf32>
        tpu.vector_store %arg9[%parallel_loop3A_67, %parallel_loop3A_68], %parallel_loop3A_71 {strides = array<i32>} : memref<80x144xf32, #tpu.memory_space<vmem>>, vector<1x16xf32>,
        %parallel_loop3A_72 = arith.index_cast %parallel_loop3A_35 : i32 to index
        %parallel_loop3A_73 = arith.constant 16 : index
        %parallel_loop3A_74 = tpu.vector_load %arg9[%parallel_loop3A_72, %parallel_loop3A_73] {strides = array<i32>} : memref<80x144xf32, #tpu.memory_space<vmem>>, vector<1x16xf32>,
        %parallel_loop3A_75 = vector.shape_cast %parallel_loop3A_74 : vector<1x16xf32> to vector<16xf32>
        %parallel_loop3A_76 = arith.mulf %parallel_loop3A_75, %parallel_loop3A_61 : vector<16xf32>
        %parallel_loop3A_77 = arith.index_cast %parallel_loop3A_35 : i32 to index
        %parallel_loop3A_78 = arith.constant 16 : index
        %parallel_loop3A_79 = tpu.vector_load %arg9[%parallel_loop3A_77, %parallel_loop3A_78] {strides = array<i32>} : memref<80x144xf32, #tpu.memory_space<vmem>>, vector<1x16xf32>,
        %parallel_loop3A_80 = vector.shape_cast %parallel_loop3A_79 : vector<1x16xf32> to vector<16xf32>
        %parallel_loop3A_81 = vector.shape_cast %parallel_loop3A_76 : vector<16xf32> to vector<1x16xf32>
        tpu.vector_store %arg9[%parallel_loop3A_77, %parallel_loop3A_78], %parallel_loop3A_81 {strides = array<i32>} : memref<80x144xf32, #tpu.memory_space<vmem>>, vector<1x16xf32>,
        %parallel_loop3A_82 = arith.index_cast %parallel_loop3A_35 : i32 to index
        %parallel_loop3A_83 = arith.constant 32 : index
        %parallel_loop3A_84 = tpu.vector_load %arg9[%parallel_loop3A_82, %parallel_loop3A_83] {strides = array<i32>} : memref<80x144xf32, #tpu.memory_space<vmem>>, vector<1x16xf32>,
        %parallel_loop3A_85 = vector.shape_cast %parallel_loop3A_84 : vector<1x16xf32> to vector<16xf32>
        %parallel_loop3A_86 = arith.mulf %parallel_loop3A_85, %parallel_loop3A_61 : vector<16xf32>
        %parallel_loop3A_87 = arith.index_cast %parallel_loop3A_35 : i32 to index
        %parallel_loop3A_88 = arith.constant 32 : index
        %parallel_loop3A_89 = tpu.vector_load %arg9[%parallel_loop3A_87, %parallel_loop3A_88] {strides = array<i32>} : memref<80x144xf32, #tpu.memory_space<vmem>>, vector<1x16xf32>,
        %parallel_loop3A_90 = vector.shape_cast %parallel_loop3A_89 : vector<1x16xf32> to vector<16xf32>
        %parallel_loop3A_91 = vector.shape_cast %parallel_loop3A_86 : vector<16xf32> to vector<1x16xf32>
        tpu.vector_store %arg9[%parallel_loop3A_87, %parallel_loop3A_88], %parallel_loop3A_91 {strides = array<i32>} : memref<80x144xf32, #tpu.memory_space<vmem>>, vector<1x16xf32>,
        %parallel_loop3A_92 = arith.index_cast %parallel_loop3A_35 : i32 to index
        %parallel_loop3A_93 = arith.constant 48 : index
        %parallel_loop3A_94 = tpu.vector_load %arg9[%parallel_loop3A_92, %parallel_loop3A_93] {strides = array<i32>} : memref<80x144xf32, #tpu.memory_space<vmem>>, vector<1x16xf32>,
        %parallel_loop3A_95 = vector.shape_cast %parallel_loop3A_94 : vector<1x16xf32> to vector<16xf32>
        %parallel_loop3A_96 = arith.mulf %parallel_loop3A_95, %parallel_loop3A_61 : vector<16xf32>
        %parallel_loop3A_97 = arith.index_cast %parallel_loop3A_35 : i32 to index
        %parallel_loop3A_98 = arith.constant 48 : index
        %parallel_loop3A_99 = tpu.vector_load %arg9[%parallel_loop3A_97, %parallel_loop3A_98] {strides = array<i32>} : memref<80x144xf32, #tpu.memory_space<vmem>>, vector<1x16xf32>,
        %parallel_loop3A_100 = vector.shape_cast %parallel_loop3A_99 : vector<1x16xf32> to vector<16xf32>
        %parallel_loop3A_101 = vector.shape_cast %parallel_loop3A_96 : vector<16xf32> to vector<1x16xf32>
        tpu.vector_store %arg9[%parallel_loop3A_97, %parallel_loop3A_98], %parallel_loop3A_101 {strides = array<i32>} : memref<80x144xf32, #tpu.memory_space<vmem>>, vector<1x16xf32>,
        %parallel_loop3A_102 = arith.index_cast %parallel_loop3A_35 : i32 to index
        %parallel_loop3A_103 = arith.constant 64 : index
        %parallel_loop3A_104 = tpu.vector_load %arg9[%parallel_loop3A_102, %parallel_loop3A_103] {strides = array<i32>} : memref<80x144xf32, #tpu.memory_space<vmem>>, vector<1x16xf32>,
        %parallel_loop3A_105 = vector.shape_cast %parallel_loop3A_104 : vector<1x16xf32> to vector<16xf32>
        %parallel_loop3A_106 = arith.mulf %parallel_loop3A_105, %parallel_loop3A_61 : vector<16xf32>
        %parallel_loop3A_107 = arith.index_cast %parallel_loop3A_35 : i32 to index
        %parallel_loop3A_108 = arith.constant 64 : index
        %parallel_loop3A_109 = tpu.vector_load %arg9[%parallel_loop3A_107, %parallel_loop3A_108] {strides = array<i32>} : memref<80x144xf32, #tpu.memory_space<vmem>>, vector<1x16xf32>,
        %parallel_loop3A_110 = vector.shape_cast %parallel_loop3A_109 : vector<1x16xf32> to vector<16xf32>
        %parallel_loop3A_111 = vector.shape_cast %parallel_loop3A_106 : vector<16xf32> to vector<1x16xf32>
        tpu.vector_store %arg9[%parallel_loop3A_107, %parallel_loop3A_108], %parallel_loop3A_111 {strides = array<i32>} : memref<80x144xf32, #tpu.memory_space<vmem>>, vector<1x16xf32>,
        %parallel_loop3A_112 = arith.index_cast %parallel_loop3A_35 : i32 to index
        %parallel_loop3A_113 = arith.constant 80 : index
        %parallel_loop3A_114 = tpu.vector_load %arg9[%parallel_loop3A_112, %parallel_loop3A_113] {strides = array<i32>} : memref<80x144xf32, #tpu.memory_space<vmem>>, vector<1x16xf32>,
        %parallel_loop3A_115 = vector.shape_cast %parallel_loop3A_114 : vector<1x16xf32> to vector<16xf32>
        %parallel_loop3A_116 = arith.mulf %parallel_loop3A_115, %parallel_loop3A_61 : vector<16xf32>
        %parallel_loop3A_117 = arith.index_cast %parallel_loop3A_35 : i32 to index
        %parallel_loop3A_118 = arith.constant 80 : index
        %parallel_loop3A_119 = tpu.vector_load %arg9[%parallel_loop3A_117, %parallel_loop3A_118] {strides = array<i32>} : memref<80x144xf32, #tpu.memory_space<vmem>>, vector<1x16xf32>,
        %parallel_loop3A_120 = vector.shape_cast %parallel_loop3A_119 : vector<1x16xf32> to vector<16xf32>
        %parallel_loop3A_121 = vector.shape_cast %parallel_loop3A_116 : vector<16xf32> to vector<1x16xf32>
        tpu.vector_store %arg9[%parallel_loop3A_117, %parallel_loop3A_118], %parallel_loop3A_121 {strides = array<i32>} : memref<80x144xf32, #tpu.memory_space<vmem>>, vector<1x16xf32>,
        %parallel_loop3A_122 = arith.index_cast %parallel_loop3A_35 : i32 to index
        %parallel_loop3A_123 = arith.constant 96 : index
        %parallel_loop3A_124 = tpu.vector_load %arg9[%parallel_loop3A_122, %parallel_loop3A_123] {strides = array<i32>} : memref<80x144xf32, #tpu.memory_space<vmem>>, vector<1x16xf32>,
        %parallel_loop3A_125 = vector.shape_cast %parallel_loop3A_124 : vector<1x16xf32> to vector<16xf32>
        %parallel_loop3A_126 = arith.mulf %parallel_loop3A_125, %parallel_loop3A_61 : vector<16xf32>
        %parallel_loop3A_127 = arith.index_cast %parallel_loop3A_35 : i32 to index
        %parallel_loop3A_128 = arith.constant 96 : index
        %parallel_loop3A_129 = tpu.vector_load %arg9[%parallel_loop3A_127, %parallel_loop3A_128] {strides = array<i32>} : memref<80x144xf32, #tpu.memory_space<vmem>>, vector<1x16xf32>,
        %parallel_loop3A_130 = vector.shape_cast %parallel_loop3A_129 : vector<1x16xf32> to vector<16xf32>
        %parallel_loop3A_131 = vector.shape_cast %parallel_loop3A_126 : vector<16xf32> to vector<1x16xf32>
        tpu.vector_store %arg9[%parallel_loop3A_127, %parallel_loop3A_128], %parallel_loop3A_131 {strides = array<i32>} : memref<80x144xf32, #tpu.memory_space<vmem>>, vector<1x16xf32>,
        %parallel_loop3A_132 = arith.index_cast %parallel_loop3A_35 : i32 to index
        %parallel_loop3A_133 = arith.constant 112 : index
        %parallel_loop3A_134 = tpu.vector_load %arg9[%parallel_loop3A_132, %parallel_loop3A_133] {strides = array<i32>} : memref<80x144xf32, #tpu.memory_space<vmem>>, vector<1x16xf32>,
        %parallel_loop3A_135 = vector.shape_cast %parallel_loop3A_134 : vector<1x16xf32> to vector<16xf32>
        %parallel_loop3A_136 = arith.mulf %parallel_loop3A_135, %parallel_loop3A_61 : vector<16xf32>
        %parallel_loop3A_137 = arith.index_cast %parallel_loop3A_35 : i32 to index
        %parallel_loop3A_138 = arith.constant 112 : index
        %parallel_loop3A_139 = tpu.vector_load %arg9[%parallel_loop3A_137, %parallel_loop3A_138] {strides = array<i32>} : memref<80x144xf32, #tpu.memory_space<vmem>>, vector<1x16xf32>,
        %parallel_loop3A_140 = vector.shape_cast %parallel_loop3A_139 : vector<1x16xf32> to vector<16xf32>
        %parallel_loop3A_141 = vector.shape_cast %parallel_loop3A_136 : vector<16xf32> to vector<1x16xf32>
        tpu.vector_store %arg9[%parallel_loop3A_137, %parallel_loop3A_138], %parallel_loop3A_141 {strides = array<i32>} : memref<80x144xf32, #tpu.memory_space<vmem>>, vector<1x16xf32>,
        %parallel_loop3A_142 = arith.index_cast %parallel_loop3A_35 : i32 to index
        %parallel_loop3A_143 = arith.constant 128 : index
        %parallel_loop3A_144 = tpu.vector_load %arg9[%parallel_loop3A_142, %parallel_loop3A_143] {strides = array<i32>} : memref<80x144xf32, #tpu.memory_space<vmem>>, vector<1x16xf32>,
        %parallel_loop3A_145 = vector.shape_cast %parallel_loop3A_144 : vector<1x16xf32> to vector<16xf32>
        %parallel_loop3A_146 = vector.shape_cast %parallel_loop3A_58 : vector<16xf32> to vector<1x16xf32>
        tpu.vector_store %arg9[%parallel_loop3A_142, %parallel_loop3A_143], %parallel_loop3A_146 {strides = array<i32>} : memref<80x144xf32, #tpu.memory_space<vmem>>, vector<1x16xf32>,
      } {sc.loop_unroll_factor = 4 : i64, sc.parallel_access}
      "tpu.region"() ({
        %run_scoped3A = tpu.sem_alloc : memref<!tpu.dma_semaphore, #tpu.memory_space<semaphore_mem>>
        %dma_start3A = arith.constant 0 : i32
        %dma_start3A_35 = arith.constant 0 : i32
        %dma_start3A_36 = tpu.memref_slice %arg16[%dma_start3A, %dma_start3A_35] : memref<10000x144xf32, #tpu.memory_space<vmem_shared>> -> memref<10000x144xf32, #tpu.memory_space<vmem_shared>>
        tpu.enqueue_indirect_dma source(%arg9 : memref<80x144xf32, #tpu.memory_space<vmem>>) target(%dma_start3A_36 : memref<10000x144xf32, #tpu.memory_space<vmem_shared>>) offsets(%arg13 : memref<80xi32, #tpu.memory_space<vmem>>) semaphore(%run_scoped3A : memref<!tpu.dma_semaphore, #tpu.memory_space<semaphore_mem>>) {add = true}
        %dma_wait3A = arith.constant 0 : i32
        %dma_wait3A_37 = arith.constant 0 : i32
        %dma_wait3A_38 = tpu.memref_slice %arg16[%dma_wait3A, %dma_wait3A_37] : memref<10000x144xf32, #tpu.memory_space<vmem_shared>> -> memref<10000x144xf32, #tpu.memory_space<vmem_shared>>
        tpu.wait_indirect_dma semaphore(%run_scoped3A : memref<!tpu.dma_semaphore, #tpu.memory_space<semaphore_mem>>) src(%arg9 : memref<80x144xf32, #tpu.memory_space<vmem>>) dst(%dma_wait3A_38 : memref<10000x144xf32, #tpu.memory_space<vmem_shared>>)
        tpu.yield
      }) : () -> ()
    }
    %scan3A_24 = arith.constant 125 : i32
    %barrier3A_25 = arith.constant 0 : index
    tpu.barrier barrier_id(%barrier3A_25)
    %scan3A_26 = arith.constant 0 : i32
    %scan3A_27 = arith.constant 0 : i32
    %scan3A_28 = arith.constant 7 : i32
    %scan3A_29 = arith.addi %scan3A_27, %scan3A_28 : i32
    %scan3A_30 = arith.constant 1 : i32
    scf.for %scan3A_32 = %scan3A_27 to %scan3A_29 step %scan3A_30  : i32 {
      %mul3A_33 = arith.constant 16 : i32
      %mul3A_34 = arith.muli %scan3A_32, %mul3A_33 : i32
      %add3A_35 = arith.addi %arg1, %mul3A_34 : i32
      %lt3A_36 = arith.constant 100 : i32
      %lt3A_37 = arith.cmpi slt, %add3A_35, %lt3A_36 : i32
      %convert_element_type3A = arith.extui %lt3A_37 : i1 to i32
      %cond3A = arith.constant 0 : i32
      %cond3A_38 = arith.cmpi ne, %convert_element_type3A, %cond3A : i32
      scf.if %cond3A_38 {
        %mul3A_39 = arith.constant 100 : i32
        %mul3A_40 = arith.muli %add3A_35, %mul3A_39 : i32
        "tpu.region"() ({
          %run_scoped3A = tpu.sem_alloc : memref<!tpu.dma_semaphore, #tpu.memory_space<semaphore_mem>>
          %dma_start3A = arith.constant 0 : i32
          %dma_start3A_41 = tpu.memref_slice %arg16[%mul3A_40, %dma_start3A] : memref<10000x144xf32, #tpu.memory_space<vmem_shared>> -> memref<100x144xf32, #tpu.memory_space<vmem_shared>>
          %dma_start3A_42 = arith.constant 0 : i32
          %dma_start3A_43 = tpu.memref_slice %arg16[%mul3A_40, %dma_start3A_42] : memref<10000x144xf32, #tpu.memory_space<vmem_shared>> -> memref<100x144xf32, #tpu.memory_space<vmem_shared>>
          tpu.enqueue_dma source(%dma_start3A_43 : memref<100x144xf32, #tpu.memory_space<vmem_shared>>) target(%arg15 : memref<100x144xf32, #tpu.memory_space<vmem>>) target_semaphore(%run_scoped3A : memref<!tpu.dma_semaphore, #tpu.memory_space<semaphore_mem>>)
          %dma_wait3A = arith.constant 0 : i32
          %dma_wait3A_44 = tpu.memref_slice %arg16[%mul3A_40, %dma_wait3A] : memref<10000x144xf32, #tpu.memory_space<vmem_shared>> -> memref<100x144xf32, #tpu.memory_space<vmem_shared>>
          %dma_wait3A_45 = arith.constant 0 : i32
          %dma_wait3A_46 = tpu.memref_slice %arg16[%mul3A_40, %dma_wait3A_45] : memref<10000x144xf32, #tpu.memory_space<vmem_shared>> -> memref<100x144xf32, #tpu.memory_space<vmem_shared>>
          tpu.wait_dma2 semaphore(%run_scoped3A : memref<!tpu.dma_semaphore, #tpu.memory_space<semaphore_mem>>) src(%dma_wait3A_46 : memref<100x144xf32, #tpu.memory_space<vmem_shared>>) dst(%arg15 : memref<100x144xf32, #tpu.memory_space<vmem>>)
          tpu.yield
        }) : () -> ()
        "tpu.region"() ({
          %run_scoped3A = tpu.sem_alloc : memref<!tpu.dma_semaphore, #tpu.memory_space<semaphore_mem>>
          %dma_start3A = arith.constant 0 : i32
          %dma_start3A_41 = tpu.memref_slice %arg8[%arg0, %mul3A_40, %dma_start3A] : memref<2x10000x144xf32, #tpu.memory_space<hbm>> -> memref<1x100x144xf32, #tpu.memory_space<hbm>>
          %dma_start3A_42 = tpu.memref_squeeze %dma_start3A_41 : memref<1x100x144xf32, #tpu.memory_space<hbm>> -> memref<100x144xf32, #tpu.memory_space<hbm>>
          %dma_start3A_43 = arith.constant 0 : i32
          %dma_start3A_44 = tpu.memref_slice %arg8[%arg0, %mul3A_40, %dma_start3A_43] : memref<2x10000x144xf32, #tpu.memory_space<hbm>> -> memref<1x100x144xf32, #tpu.memory_space<hbm>>
          %dma_start3A_45 = tpu.memref_squeeze %dma_start3A_44 : memref<1x100x144xf32, #tpu.memory_space<hbm>> -> memref<100x144xf32, #tpu.memory_space<hbm>>
          tpu.enqueue_dma source(%arg15 : memref<100x144xf32, #tpu.memory_space<vmem>>) target(%dma_start3A_45 : memref<100x144xf32, #tpu.memory_space<hbm>>) target_semaphore(%run_scoped3A : memref<!tpu.dma_semaphore, #tpu.memory_space<semaphore_mem>>)
          %dma_wait3A = arith.constant 0 : i32
          %dma_wait3A_46 = tpu.memref_slice %arg8[%arg0, %mul3A_40, %dma_wait3A] : memref<2x10000x144xf32, #tpu.memory_space<hbm>> -> memref<1x100x144xf32, #tpu.memory_space<hbm>>
          %dma_wait3A_47 = tpu.memref_squeeze %dma_wait3A_46 : memref<1x100x144xf32, #tpu.memory_space<hbm>> -> memref<100x144xf32, #tpu.memory_space<hbm>>
          %dma_wait3A_48 = arith.constant 0 : i32
          %dma_wait3A_49 = tpu.memref_slice %arg8[%arg0, %mul3A_40, %dma_wait3A_48] : memref<2x10000x144xf32, #tpu.memory_space<hbm>> -> memref<1x100x144xf32, #tpu.memory_space<hbm>>
          %dma_wait3A_50 = tpu.memref_squeeze %dma_wait3A_49 : memref<1x100x144xf32, #tpu.memory_space<hbm>> -> memref<100x144xf32, #tpu.memory_space<hbm>>
          tpu.wait_dma2 semaphore(%run_scoped3A : memref<!tpu.dma_semaphore, #tpu.memory_space<semaphore_mem>>) src(%arg15 : memref<100x144xf32, #tpu.memory_space<vmem>>) dst(%dma_wait3A_50 : memref<100x144xf32, #tpu.memory_space<hbm>>)
          tpu.yield
        }) : () -> ()
      } else {
      }
    }
    %scan3A_31 = arith.constant 7 : i32
    return
  }
}

#map = affine_map<(d0, d1) -> (0, 0)>
#map1 = affine_map<(d0, d1) -> (0)>
#map2 = affine_map<(d0, d1) -> (0, 0, 0)>
module attributes {stable_mosaic.version = 14 : i64} {
  func.func @_edge_body(%arg0: i32, %arg1: i32, %arg2: memref<10000x16xf32, #tpu.memory_space<hbm>>, %arg3: memref<10000x16xf32, #tpu.memory_space<hbm>>, %arg4: memref<16xf32, #tpu.memory_space<hbm>>, %arg5: memref<10000x144xf32, #tpu.memory_space<hbm>>, %arg6: memref<32x125x80xi32, #tpu.memory_space<hbm>>, %arg7: memref<32x125x80xi32, #tpu.memory_space<hbm>>, %arg8: memref<2x10000x144xf32, #tpu.memory_space<hbm>>, %arg9: memref<80x144xf32, #tpu.memory_space<vmem>>, %arg10: memref<80x16xf32, #tpu.memory_space<vmem>>, %arg11: memref<80x16xf32, #tpu.memory_space<vmem>>, %arg12: memref<80xi32, #tpu.memory_space<vmem>>, %arg13: memref<80xi32, #tpu.memory_space<vmem>>, %arg14: memref<16xf32, #tpu.memory_space<vmem>>, %arg15: memref<100x144xf32, #tpu.memory_space<vmem>>, %arg16: memref<10000x144xf32, #tpu.memory_space<vmem_shared>>) attributes {dimension_semantics = [#tpu.dimension_semantics<core_parallel>, #tpu.dimension_semantics<subcore_parallel>], iteration_bounds = array<i64: 2, 16>, scalar_prefetch = 0 : i64, scratch_operands = 8 : i64, tpu.core_type = #tpu.core_type<sc_vector_subcore>, window_params = [{transform_indices = #map}, {transform_indices = #map}, {transform_indices = #map1}, {transform_indices = #map}, {transform_indices = #map2}, {transform_indices = #map2}, {transform_indices = #map2}]} {
    %mul3A = arith.constant 2 : i32
    %mul3A_0 = arith.muli %arg1, %mul3A : i32
    %add3A = arith.addi %mul3A_0, %arg0 : i32
    %iota3A = tpu.iota {dimensions = array<i32: 0>} : vector<16xi32>
    %lt3A = arith.constant 8 : i32
    %lt3A_1 = vector.broadcast %lt3A : i32 to vector<16xi32>
    %lt3A_2 = arith.cmpi slt, %iota3A, %lt3A_1 : vector<16xi32>
    %sub3A = arith.constant 8 : i32
    %sub3A_3 = vector.broadcast %sub3A : i32 to vector<16xi32>
    %sub3A_4 = arith.subi %iota3A, %sub3A_3 : vector<16xi32>
    %select_n3A = arith.select %lt3A_2, %iota3A, %sub3A_4 : vector<16xi1>, vector<16xi32>
    %broadcast_in_dim3A = arith.constant 0.000000e+00 : f32
    %broadcast_in_dim3A_5 = vector.broadcast %broadcast_in_dim3A : f32 to vector<16xf32>
    "tpu.region"() ({
      %run_scoped3A = tpu.sem_alloc : memref<!tpu.dma_semaphore, #tpu.memory_space<semaphore_mem>>
      tpu.enqueue_dma source(%arg4 : memref<16xf32, #tpu.memory_space<hbm>>) target(%arg14 : memref<16xf32, #tpu.memory_space<vmem>>) target_semaphore(%run_scoped3A : memref<!tpu.dma_semaphore, #tpu.memory_space<semaphore_mem>>)
      tpu.wait_dma2 semaphore(%run_scoped3A : memref<!tpu.dma_semaphore, #tpu.memory_space<semaphore_mem>>) src(%arg4 : memref<16xf32, #tpu.memory_space<hbm>>) dst(%arg14 : memref<16xf32, #tpu.memory_space<vmem>>)
      tpu.yield
    }) : () -> ()
    %scan3A = arith.constant 0 : i32
    %scan3A_6 = arith.constant 0 : i32
    %scan3A_7 = arith.constant 100 : i32
    %scan3A_8 = arith.addi %scan3A_6, %scan3A_7 : i32
    %scan3A_9 = arith.constant 1 : i32
    scf.for %scan3A_32 = %scan3A_6 to %scan3A_8 step %scan3A_9  : i32 {
      %swap3A = arith.index_cast %scan3A_32 : i32 to index
      %swap3A_33 = arith.constant 0 : index
      %swap3A_34 = tpu.vector_load %arg15[%swap3A, %swap3A_33] {strides = array<i32>} : memref<100x144xf32, #tpu.memory_space<vmem>>, vector<1x16xf32>,
      %swap3A_35 = vector.shape_cast %swap3A_34 : vector<1x16xf32> to vector<16xf32>
      %swap3A_36 = vector.shape_cast %broadcast_in_dim3A_5 : vector<16xf32> to vector<1x16xf32>
      tpu.vector_store %arg15[%swap3A, %swap3A_33], %swap3A_36 {strides = array<i32>} : memref<100x144xf32, #tpu.memory_space<vmem>>, vector<1x16xf32>,
      %swap3A_37 = arith.index_cast %scan3A_32 : i32 to index
      %swap3A_38 = arith.constant 16 : index
      %swap3A_39 = tpu.vector_load %arg15[%swap3A_37, %swap3A_38] {strides = array<i32>} : memref<100x144xf32, #tpu.memory_space<vmem>>, vector<1x16xf32>,
      %swap3A_40 = vector.shape_cast %swap3A_39 : vector<1x16xf32> to vector<16xf32>
      %swap3A_41 = vector.shape_cast %broadcast_in_dim3A_5 : vector<16xf32> to vector<1x16xf32>
      tpu.vector_store %arg15[%swap3A_37, %swap3A_38], %swap3A_41 {strides = array<i32>} : memref<100x144xf32, #tpu.memory_space<vmem>>, vector<1x16xf32>,
      %swap3A_42 = arith.index_cast %scan3A_32 : i32 to index
      %swap3A_43 = arith.constant 32 : index
      %swap3A_44 = tpu.vector_load %arg15[%swap3A_42, %swap3A_43] {strides = array<i32>} : memref<100x144xf32, #tpu.memory_space<vmem>>, vector<1x16xf32>,
      %swap3A_45 = vector.shape_cast %swap3A_44 : vector<1x16xf32> to vector<16xf32>
      %swap3A_46 = vector.shape_cast %broadcast_in_dim3A_5 : vector<16xf32> to vector<1x16xf32>
      tpu.vector_store %arg15[%swap3A_42, %swap3A_43], %swap3A_46 {strides = array<i32>} : memref<100x144xf32, #tpu.memory_space<vmem>>, vector<1x16xf32>,
      %swap3A_47 = arith.index_cast %scan3A_32 : i32 to index
      %swap3A_48 = arith.constant 48 : index
      %swap3A_49 = tpu.vector_load %arg15[%swap3A_47, %swap3A_48] {strides = array<i32>} : memref<100x144xf32, #tpu.memory_space<vmem>>, vector<1x16xf32>,
      %swap3A_50 = vector.shape_cast %swap3A_49 : vector<1x16xf32> to vector<16xf32>
      %swap3A_51 = vector.shape_cast %broadcast_in_dim3A_5 : vector<16xf32> to vector<1x16xf32>
      tpu.vector_store %arg15[%swap3A_47, %swap3A_48], %swap3A_51 {strides = array<i32>} : memref<100x144xf32, #tpu.memory_space<vmem>>, vector<1x16xf32>,
      %swap3A_52 = arith.index_cast %scan3A_32 : i32 to index
      %swap3A_53 = arith.constant 64 : index
      %swap3A_54 = tpu.vector_load %arg15[%swap3A_52, %swap3A_53] {strides = array<i32>} : memref<100x144xf32, #tpu.memory_space<vmem>>, vector<1x16xf32>,
      %swap3A_55 = vector.shape_cast %swap3A_54 : vector<1x16xf32> to vector<16xf32>
      %swap3A_56 = vector.shape_cast %broadcast_in_dim3A_5 : vector<16xf32> to vector<1x16xf32>
      tpu.vector_store %arg15[%swap3A_52, %swap3A_53], %swap3A_56 {strides = array<i32>} : memref<100x144xf32, #tpu.memory_space<vmem>>, vector<1x16xf32>,
      %swap3A_57 = arith.index_cast %scan3A_32 : i32 to index
      %swap3A_58 = arith.constant 80 : index
      %swap3A_59 = tpu.vector_load %arg15[%swap3A_57, %swap3A_58] {strides = array<i32>} : memref<100x144xf32, #tpu.memory_space<vmem>>, vector<1x16xf32>,
      %swap3A_60 = vector.shape_cast %swap3A_59 : vector<1x16xf32> to vector<16xf32>
      %swap3A_61 = vector.shape_cast %broadcast_in_dim3A_5 : vector<16xf32> to vector<1x16xf32>
      tpu.vector_store %arg15[%swap3A_57, %swap3A_58], %swap3A_61 {strides = array<i32>} : memref<100x144xf32, #tpu.memory_space<vmem>>, vector<1x16xf32>,
      %swap3A_62 = arith.index_cast %scan3A_32 : i32 to index
      %swap3A_63 = arith.constant 96 : index
      %swap3A_64 = tpu.vector_load %arg15[%swap3A_62, %swap3A_63] {strides = array<i32>} : memref<100x144xf32, #tpu.memory_space<vmem>>, vector<1x16xf32>,
      %swap3A_65 = vector.shape_cast %swap3A_64 : vector<1x16xf32> to vector<16xf32>
      %swap3A_66 = vector.shape_cast %broadcast_in_dim3A_5 : vector<16xf32> to vector<1x16xf32>
      tpu.vector_store %arg15[%swap3A_62, %swap3A_63], %swap3A_66 {strides = array<i32>} : memref<100x144xf32, #tpu.memory_space<vmem>>, vector<1x16xf32>,
      %swap3A_67 = arith.index_cast %scan3A_32 : i32 to index
      %swap3A_68 = arith.constant 112 : index
      %swap3A_69 = tpu.vector_load %arg15[%swap3A_67, %swap3A_68] {strides = array<i32>} : memref<100x144xf32, #tpu.memory_space<vmem>>, vector<1x16xf32>,
      %swap3A_70 = vector.shape_cast %swap3A_69 : vector<1x16xf32> to vector<16xf32>
      %swap3A_71 = vector.shape_cast %broadcast_in_dim3A_5 : vector<16xf32> to vector<1x16xf32>
      tpu.vector_store %arg15[%swap3A_67, %swap3A_68], %swap3A_71 {strides = array<i32>} : memref<100x144xf32, #tpu.memory_space<vmem>>, vector<1x16xf32>,
      %swap3A_72 = arith.index_cast %scan3A_32 : i32 to index
      %swap3A_73 = arith.constant 128 : index
      %swap3A_74 = tpu.vector_load %arg15[%swap3A_72, %swap3A_73] {strides = array<i32>} : memref<100x144xf32, #tpu.memory_space<vmem>>, vector<1x16xf32>,
      %swap3A_75 = vector.shape_cast %swap3A_74 : vector<1x16xf32> to vector<16xf32>
      %swap3A_76 = vector.shape_cast %broadcast_in_dim3A_5 : vector<16xf32> to vector<1x16xf32>
      tpu.vector_store %arg15[%swap3A_72, %swap3A_73], %swap3A_76 {strides = array<i32>} : memref<100x144xf32, #tpu.memory_space<vmem>>, vector<1x16xf32>,
    }
    %scan3A_10 = arith.constant 100 : i32
    %scan3A_11 = arith.constant 0 : i32
    %scan3A_12 = arith.constant 0 : i32
    %scan3A_13 = arith.constant 7 : i32
    %scan3A_14 = arith.addi %scan3A_12, %scan3A_13 : i32
    %scan3A_15 = arith.constant 1 : i32
    scf.for %scan3A_32 = %scan3A_12 to %scan3A_14 step %scan3A_15  : i32 {
      %mul3A_33 = arith.constant 16 : i32
      %mul3A_34 = arith.muli %scan3A_32, %mul3A_33 : i32
      %add3A_35 = arith.addi %arg1, %mul3A_34 : i32
      %lt3A_36 = arith.constant 100 : i32
      %lt3A_37 = arith.cmpi slt, %add3A_35, %lt3A_36 : i32
      %convert_element_type3A = arith.extui %lt3A_37 : i1 to i32
      %cond3A = arith.constant 0 : i32
      %cond3A_38 = arith.cmpi ne, %convert_element_type3A, %cond3A : i32
      scf.if %cond3A_38 {
        %mul3A_39 = arith.constant 100 : i32
        %mul3A_40 = arith.muli %add3A_35, %mul3A_39 : i32
        "tpu.region"() ({
          %run_scoped3A = tpu.sem_alloc : memref<!tpu.dma_semaphore, #tpu.memory_space<semaphore_mem>>
          %dma_start3A = arith.constant 0 : i32
          %dma_start3A_41 = tpu.memref_slice %arg16[%mul3A_40, %dma_start3A] : memref<10000x144xf32, #tpu.memory_space<vmem_shared>> -> memref<100x144xf32, #tpu.memory_space<vmem_shared>>
          %dma_start3A_42 = arith.constant 0 : i32
          %dma_start3A_43 = tpu.memref_slice %arg16[%mul3A_40, %dma_start3A_42] : memref<10000x144xf32, #tpu.memory_space<vmem_shared>> -> memref<100x144xf32, #tpu.memory_space<vmem_shared>>
          tpu.enqueue_dma source(%arg15 : memref<100x144xf32, #tpu.memory_space<vmem>>) target(%dma_start3A_43 : memref<100x144xf32, #tpu.memory_space<vmem_shared>>) target_semaphore(%run_scoped3A : memref<!tpu.dma_semaphore, #tpu.memory_space<semaphore_mem>>)
          %dma_wait3A = arith.constant 0 : i32
          %dma_wait3A_44 = tpu.memref_slice %arg16[%mul3A_40, %dma_wait3A] : memref<10000x144xf32, #tpu.memory_space<vmem_shared>> -> memref<100x144xf32, #tpu.memory_space<vmem_shared>>
          %dma_wait3A_45 = arith.constant 0 : i32
          %dma_wait3A_46 = tpu.memref_slice %arg16[%mul3A_40, %dma_wait3A_45] : memref<10000x144xf32, #tpu.memory_space<vmem_shared>> -> memref<100x144xf32, #tpu.memory_space<vmem_shared>>
          tpu.wait_dma2 semaphore(%run_scoped3A : memref<!tpu.dma_semaphore, #tpu.memory_space<semaphore_mem>>) src(%arg15 : memref<100x144xf32, #tpu.memory_space<vmem>>) dst(%dma_wait3A_46 : memref<100x144xf32, #tpu.memory_space<vmem_shared>>)
          tpu.yield
        }) : () -> ()
      } else {
      }
    }
    %scan3A_16 = arith.constant 7 : i32
    %barrier3A = arith.constant 0 : index
    tpu.barrier barrier_id(%barrier3A)
    %get3A = arith.constant 0 : index
    %get3A_17 = tpu.vector_load %arg14[%get3A] {strides = array<i32>} : memref<16xf32, #tpu.memory_space<vmem>>, vector<16xf32>,
    %get3A_18 = vector.shape_cast %get3A_17 : vector<16xf32> to vector<16xf32>
    %scan3A_19 = arith.constant 0 : i32
    %scan3A_20 = arith.constant 0 : i32
    %scan3A_21 = arith.constant 125 : i32
    %scan3A_22 = arith.addi %scan3A_20, %scan3A_21 : i32
    %scan3A_23 = arith.constant 1 : i32
    scf.for %scan3A_32 = %scan3A_20 to %scan3A_22 step %scan3A_23  : i32 {
      "tpu.region"() ({
        %run_scoped3A = tpu.sem_alloc : memref<!tpu.dma_semaphore, #tpu.memory_space<semaphore_mem>>
        %dma_start3A = arith.constant 0 : i32
        %dma_start3A_35 = tpu.memref_slice %arg6[%add3A, %scan3A_32, %dma_start3A] : memref<32x125x80xi32, #tpu.memory_space<hbm>> -> memref<1x1x80xi32, #tpu.memory_space<hbm>>
        %dma_start3A_36 = tpu.memref_squeeze %dma_start3A_35 : memref<1x1x80xi32, #tpu.memory_space<hbm>> -> memref<80xi32, #tpu.memory_space<hbm>>
        %dma_start3A_37 = arith.constant 0 : i32
        %dma_start3A_38 = tpu.memref_slice %arg6[%add3A, %scan3A_32, %dma_start3A_37] : memref<32x125x80xi32, #tpu.memory_space<hbm>> -> memref<1x1x80xi32, #tpu.memory_space<hbm>>
        %dma_start3A_39 = tpu.memref_squeeze %dma_start3A_38 : memref<1x1x80xi32, #tpu.memory_space<hbm>> -> memref<80xi32, #tpu.memory_space<hbm>>
        tpu.enqueue_dma source(%dma_start3A_39 : memref<80xi32, #tpu.memory_space<hbm>>) target(%arg12 : memref<80xi32, #tpu.memory_space<vmem>>) target_semaphore(%run_scoped3A : memref<!tpu.dma_semaphore, #tpu.memory_space<semaphore_mem>>)
        %dma_wait3A = arith.constant 0 : i32
        %dma_wait3A_40 = tpu.memref_slice %arg6[%add3A, %scan3A_32, %dma_wait3A] : memref<32x125x80xi32, #tpu.memory_space<hbm>> -> memref<1x1x80xi32, #tpu.memory_space<hbm>>
        %dma_wait3A_41 = tpu.memref_squeeze %dma_wait3A_40 : memref<1x1x80xi32, #tpu.memory_space<hbm>> -> memref<80xi32, #tpu.memory_space<hbm>>
        %dma_wait3A_42 = arith.constant 0 : i32
        %dma_wait3A_43 = tpu.memref_slice %arg6[%add3A, %scan3A_32, %dma_wait3A_42] : memref<32x125x80xi32, #tpu.memory_space<hbm>> -> memref<1x1x80xi32, #tpu.memory_space<hbm>>
        %dma_wait3A_44 = tpu.memref_squeeze %dma_wait3A_43 : memref<1x1x80xi32, #tpu.memory_space<hbm>> -> memref<80xi32, #tpu.memory_space<hbm>>
        tpu.wait_dma2 semaphore(%run_scoped3A : memref<!tpu.dma_semaphore, #tpu.memory_space<semaphore_mem>>) src(%dma_wait3A_44 : memref<80xi32, #tpu.memory_space<hbm>>) dst(%arg12 : memref<80xi32, #tpu.memory_space<vmem>>)
        tpu.yield
      }) : () -> ()
      "tpu.region"() ({
        %run_scoped3A = tpu.sem_alloc : memref<!tpu.dma_semaphore, #tpu.memory_space<semaphore_mem>>
        %dma_start3A = arith.constant 0 : i32
        %dma_start3A_35 = tpu.memref_slice %arg7[%add3A, %scan3A_32, %dma_start3A] : memref<32x125x80xi32, #tpu.memory_space<hbm>> -> memref<1x1x80xi32, #tpu.memory_space<hbm>>
        %dma_start3A_36 = tpu.memref_squeeze %dma_start3A_35 : memref<1x1x80xi32, #tpu.memory_space<hbm>> -> memref<80xi32, #tpu.memory_space<hbm>>
        %dma_start3A_37 = arith.constant 0 : i32
        %dma_start3A_38 = tpu.memref_slice %arg7[%add3A, %scan3A_32, %dma_start3A_37] : memref<32x125x80xi32, #tpu.memory_space<hbm>> -> memref<1x1x80xi32, #tpu.memory_space<hbm>>
        %dma_start3A_39 = tpu.memref_squeeze %dma_start3A_38 : memref<1x1x80xi32, #tpu.memory_space<hbm>> -> memref<80xi32, #tpu.memory_space<hbm>>
        tpu.enqueue_dma source(%dma_start3A_39 : memref<80xi32, #tpu.memory_space<hbm>>) target(%arg13 : memref<80xi32, #tpu.memory_space<vmem>>) target_semaphore(%run_scoped3A : memref<!tpu.dma_semaphore, #tpu.memory_space<semaphore_mem>>)
        %dma_wait3A = arith.constant 0 : i32
        %dma_wait3A_40 = tpu.memref_slice %arg7[%add3A, %scan3A_32, %dma_wait3A] : memref<32x125x80xi32, #tpu.memory_space<hbm>> -> memref<1x1x80xi32, #tpu.memory_space<hbm>>
        %dma_wait3A_41 = tpu.memref_squeeze %dma_wait3A_40 : memref<1x1x80xi32, #tpu.memory_space<hbm>> -> memref<80xi32, #tpu.memory_space<hbm>>
        %dma_wait3A_42 = arith.constant 0 : i32
        %dma_wait3A_43 = tpu.memref_slice %arg7[%add3A, %scan3A_32, %dma_wait3A_42] : memref<32x125x80xi32, #tpu.memory_space<hbm>> -> memref<1x1x80xi32, #tpu.memory_space<hbm>>
        %dma_wait3A_44 = tpu.memref_squeeze %dma_wait3A_43 : memref<1x1x80xi32, #tpu.memory_space<hbm>> -> memref<80xi32, #tpu.memory_space<hbm>>
        tpu.wait_dma2 semaphore(%run_scoped3A : memref<!tpu.dma_semaphore, #tpu.memory_space<semaphore_mem>>) src(%dma_wait3A_44 : memref<80xi32, #tpu.memory_space<hbm>>) dst(%arg13 : memref<80xi32, #tpu.memory_space<vmem>>)
        tpu.yield
      }) : () -> ()
      "tpu.region"() ({
        %run_scoped3A = tpu.sem_alloc : memref<!tpu.dma_semaphore, #tpu.memory_space<semaphore_mem>>
        %dma_start3A = arith.constant 0 : i32
        %dma_start3A_35 = arith.constant 0 : i32
        %dma_start3A_36 = tpu.memref_slice %arg2[%dma_start3A, %dma_start3A_35] : memref<10000x16xf32, #tpu.memory_space<hbm>> -> memref<10000x16xf32, #tpu.memory_space<hbm>>
        tpu.enqueue_indirect_dma source(%dma_start3A_36 : memref<10000x16xf32, #tpu.memory_space<hbm>>) target(%arg10 : memref<80x16xf32, #tpu.memory_space<vmem>>) offsets(%arg12 : memref<80xi32, #tpu.memory_space<vmem>>) semaphore(%run_scoped3A : memref<!tpu.dma_semaphore, #tpu.memory_space<semaphore_mem>>)
        %dma_wait3A = arith.constant 0 : i32
        %dma_wait3A_37 = arith.constant 0 : i32
        %dma_wait3A_38 = tpu.memref_slice %arg2[%dma_wait3A, %dma_wait3A_37] : memref<10000x16xf32, #tpu.memory_space<hbm>> -> memref<10000x16xf32, #tpu.memory_space<hbm>>
        tpu.wait_indirect_dma semaphore(%run_scoped3A : memref<!tpu.dma_semaphore, #tpu.memory_space<semaphore_mem>>) src(%dma_wait3A_38 : memref<10000x16xf32, #tpu.memory_space<hbm>>) dst(%arg10 : memref<80x16xf32, #tpu.memory_space<vmem>>)
        tpu.yield
      }) : () -> ()
      "tpu.region"() ({
        %run_scoped3A = tpu.sem_alloc : memref<!tpu.dma_semaphore, #tpu.memory_space<semaphore_mem>>
        %dma_start3A = arith.constant 0 : i32
        %dma_start3A_35 = arith.constant 0 : i32
        %dma_start3A_36 = tpu.memref_slice %arg3[%dma_start3A, %dma_start3A_35] : memref<10000x16xf32, #tpu.memory_space<hbm>> -> memref<10000x16xf32, #tpu.memory_space<hbm>>
        tpu.enqueue_indirect_dma source(%dma_start3A_36 : memref<10000x16xf32, #tpu.memory_space<hbm>>) target(%arg11 : memref<80x16xf32, #tpu.memory_space<vmem>>) offsets(%arg13 : memref<80xi32, #tpu.memory_space<vmem>>) semaphore(%run_scoped3A : memref<!tpu.dma_semaphore, #tpu.memory_space<semaphore_mem>>)
        %dma_wait3A = arith.constant 0 : i32
        %dma_wait3A_37 = arith.constant 0 : i32
        %dma_wait3A_38 = tpu.memref_slice %arg3[%dma_wait3A, %dma_wait3A_37] : memref<10000x16xf32, #tpu.memory_space<hbm>> -> memref<10000x16xf32, #tpu.memory_space<hbm>>
        tpu.wait_indirect_dma semaphore(%run_scoped3A : memref<!tpu.dma_semaphore, #tpu.memory_space<semaphore_mem>>) src(%dma_wait3A_38 : memref<10000x16xf32, #tpu.memory_space<hbm>>) dst(%arg11 : memref<80x16xf32, #tpu.memory_space<vmem>>)
        tpu.yield
      }) : () -> ()
      "tpu.region"() ({
        %run_scoped3A = tpu.sem_alloc : memref<!tpu.dma_semaphore, #tpu.memory_space<semaphore_mem>>
        %dma_start3A = arith.constant 0 : i32
        %dma_start3A_35 = arith.constant 0 : i32
        %dma_start3A_36 = tpu.memref_slice %arg5[%dma_start3A, %dma_start3A_35] : memref<10000x144xf32, #tpu.memory_space<hbm>> -> memref<10000x144xf32, #tpu.memory_space<hbm>>
        tpu.enqueue_indirect_dma source(%dma_start3A_36 : memref<10000x144xf32, #tpu.memory_space<hbm>>) target(%arg9 : memref<80x144xf32, #tpu.memory_space<vmem>>) offsets(%arg12 : memref<80xi32, #tpu.memory_space<vmem>>) semaphore(%run_scoped3A : memref<!tpu.dma_semaphore, #tpu.memory_space<semaphore_mem>>)
        %dma_wait3A = arith.constant 0 : i32
        %dma_wait3A_37 = arith.constant 0 : i32
        %dma_wait3A_38 = tpu.memref_slice %arg5[%dma_wait3A, %dma_wait3A_37] : memref<10000x144xf32, #tpu.memory_space<hbm>> -> memref<10000x144xf32, #tpu.memory_space<hbm>>
        tpu.wait_indirect_dma semaphore(%run_scoped3A : memref<!tpu.dma_semaphore, #tpu.memory_space<semaphore_mem>>) src(%dma_wait3A_38 : memref<10000x144xf32, #tpu.memory_space<hbm>>) dst(%arg9 : memref<80x144xf32, #tpu.memory_space<vmem>>)
        tpu.yield
      }) : () -> ()
      %parallel_loop3A = arith.constant 0 : i32
      %parallel_loop3A_33 = arith.constant 80 : i32
      %parallel_loop3A_34 = arith.constant 1 : i32
      scf.for %parallel_loop3A_35 = %parallel_loop3A to %parallel_loop3A_33 step %parallel_loop3A_34  : i32 {
        %parallel_loop3A_36 = arith.index_cast %parallel_loop3A_35 : i32 to index
        %parallel_loop3A_37 = arith.constant 0 : index
        %parallel_loop3A_38 = tpu.vector_load %arg10[%parallel_loop3A_36, %parallel_loop3A_37] {strides = array<i32>} : memref<80x16xf32, #tpu.memory_space<vmem>>, vector<1x16xf32>,
        %parallel_loop3A_39 = vector.shape_cast %parallel_loop3A_38 : vector<1x16xf32> to vector<16xf32>
        %parallel_loop3A_40 = arith.index_cast %parallel_loop3A_35 : i32 to index
        %parallel_loop3A_41 = arith.constant 0 : index
        %parallel_loop3A_42 = tpu.vector_load %arg11[%parallel_loop3A_40, %parallel_loop3A_41] {strides = array<i32>} : memref<80x16xf32, #tpu.memory_space<vmem>>, vector<1x16xf32>,
        %parallel_loop3A_43 = vector.shape_cast %parallel_loop3A_42 : vector<1x16xf32> to vector<16xf32>
        %parallel_loop3A_44 = arith.addf %parallel_loop3A_39, %parallel_loop3A_43 : vector<16xf32>
        %parallel_loop3A_45 = arith.constant 0.00999999977 : f32
        %parallel_loop3A_46 = vector.broadcast %parallel_loop3A_45 : f32 to vector<16xf32>
        %parallel_loop3A_47 = arith.mulf %parallel_loop3A_44, %parallel_loop3A_46 : vector<16xf32>
        %parallel_loop3A_48 = arith.maximumf %parallel_loop3A_44, %parallel_loop3A_47 : vector<16xf32>
        %parallel_loop3A_49 = arith.addf %parallel_loop3A_43, %get3A_18 : vector<16xf32>
        %parallel_loop3A_50 = arith.constant 0.00999999977 : f32
        %parallel_loop3A_51 = vector.broadcast %parallel_loop3A_50 : f32 to vector<16xf32>
        %parallel_loop3A_52 = arith.mulf %parallel_loop3A_49, %parallel_loop3A_51 : vector<16xf32>
        %parallel_loop3A_53 = arith.maximumf %parallel_loop3A_49, %parallel_loop3A_52 : vector<16xf32>
        %parallel_loop3A_54 = arith.subf %parallel_loop3A_48, %parallel_loop3A_53 : vector<16xf32>
        %parallel_loop3A_55 = math.exp %parallel_loop3A_54 : vector<16xf32>
        %parallel_loop3A_56 = arith.constant 0.000000e+00 : f32
        %parallel_loop3A_57 = vector.broadcast %parallel_loop3A_56 : f32 to vector<16xf32>
        %parallel_loop3A_58 = arith.select %lt3A_2, %parallel_loop3A_55, %parallel_loop3A_57 : vector<16xi1>, vector<16xf32>
        %parallel_loop3A_59 = vector.shape_cast %select_n3A : vector<16xi32> to vector<16x1xi32>
        %parallel_loop3A_60 = vector.shape_cast %parallel_loop3A_59 : vector<16x1xi32> to vector<16xi32>
        %parallel_loop3A_61 = tpu.dynamic_gather %parallel_loop3A_58[%parallel_loop3A_60] in [0] : vector<16xf32>, vector<16xi32> -> vector<16xf32>
        %parallel_loop3A_62 = arith.index_cast %parallel_loop3A_35 : i32 to index
        %parallel_loop3A_63 = arith.constant 0 : index
        %parallel_loop3A_64 = tpu.vector_load %arg9[%parallel_loop3A_62, %parallel_loop3A_63] {strides = array<i32>} : memref<80x144xf32, #tpu.memory_space<vmem>>, vector<1x16xf32>,
        %parallel_loop3A_65 = vector.shape_cast %parallel_loop3A_64 : vector<1x16xf32> to vector<16xf32>
        %parallel_loop3A_66 = arith.mulf %parallel_loop3A_65, %parallel_loop3A_61 : vector<16xf32>
        %parallel_loop3A_67 = arith.index_cast %parallel_loop3A_35 : i32 to index
        %parallel_loop3A_68 = arith.constant 0 : index
        %parallel_loop3A_69 = tpu.vector_load %arg9[%parallel_loop3A_67, %parallel_loop3A_68] {strides = array<i32>} : memref<80x144xf32, #tpu.memory_space<vmem>>, vector<1x16xf32>,
        %parallel_loop3A_70 = vector.shape_cast %parallel_loop3A_69 : vector<1x16xf32> to vector<16xf32>
        %parallel_loop3A_71 = vector.shape_cast %parallel_loop3A_66 : vector<16xf32> to vector<1x16xf32>
        tpu.vector_store %arg9[%parallel_loop3A_67, %parallel_loop3A_68], %parallel_loop3A_71 {strides = array<i32>} : memref<80x144xf32, #tpu.memory_space<vmem>>, vector<1x16xf32>,
        %parallel_loop3A_72 = arith.index_cast %parallel_loop3A_35 : i32 to index
        %parallel_loop3A_73 = arith.constant 16 : index
        %parallel_loop3A_74 = tpu.vector_load %arg9[%parallel_loop3A_72, %parallel_loop3A_73] {strides = array<i32>} : memref<80x144xf32, #tpu.memory_space<vmem>>, vector<1x16xf32>,
        %parallel_loop3A_75 = vector.shape_cast %parallel_loop3A_74 : vector<1x16xf32> to vector<16xf32>
        %parallel_loop3A_76 = arith.mulf %parallel_loop3A_75, %parallel_loop3A_61 : vector<16xf32>
        %parallel_loop3A_77 = arith.index_cast %parallel_loop3A_35 : i32 to index
        %parallel_loop3A_78 = arith.constant 16 : index
        %parallel_loop3A_79 = tpu.vector_load %arg9[%parallel_loop3A_77, %parallel_loop3A_78] {strides = array<i32>} : memref<80x144xf32, #tpu.memory_space<vmem>>, vector<1x16xf32>,
        %parallel_loop3A_80 = vector.shape_cast %parallel_loop3A_79 : vector<1x16xf32> to vector<16xf32>
        %parallel_loop3A_81 = vector.shape_cast %parallel_loop3A_76 : vector<16xf32> to vector<1x16xf32>
        tpu.vector_store %arg9[%parallel_loop3A_77, %parallel_loop3A_78], %parallel_loop3A_81 {strides = array<i32>} : memref<80x144xf32, #tpu.memory_space<vmem>>, vector<1x16xf32>,
        %parallel_loop3A_82 = arith.index_cast %parallel_loop3A_35 : i32 to index
        %parallel_loop3A_83 = arith.constant 32 : index
        %parallel_loop3A_84 = tpu.vector_load %arg9[%parallel_loop3A_82, %parallel_loop3A_83] {strides = array<i32>} : memref<80x144xf32, #tpu.memory_space<vmem>>, vector<1x16xf32>,
        %parallel_loop3A_85 = vector.shape_cast %parallel_loop3A_84 : vector<1x16xf32> to vector<16xf32>
        %parallel_loop3A_86 = arith.mulf %parallel_loop3A_85, %parallel_loop3A_61 : vector<16xf32>
        %parallel_loop3A_87 = arith.index_cast %parallel_loop3A_35 : i32 to index
        %parallel_loop3A_88 = arith.constant 32 : index
        %parallel_loop3A_89 = tpu.vector_load %arg9[%parallel_loop3A_87, %parallel_loop3A_88] {strides = array<i32>} : memref<80x144xf32, #tpu.memory_space<vmem>>, vector<1x16xf32>,
        %parallel_loop3A_90 = vector.shape_cast %parallel_loop3A_89 : vector<1x16xf32> to vector<16xf32>
        %parallel_loop3A_91 = vector.shape_cast %parallel_loop3A_86 : vector<16xf32> to vector<1x16xf32>
        tpu.vector_store %arg9[%parallel_loop3A_87, %parallel_loop3A_88], %parallel_loop3A_91 {strides = array<i32>} : memref<80x144xf32, #tpu.memory_space<vmem>>, vector<1x16xf32>,
        %parallel_loop3A_92 = arith.index_cast %parallel_loop3A_35 : i32 to index
        %parallel_loop3A_93 = arith.constant 48 : index
        %parallel_loop3A_94 = tpu.vector_load %arg9[%parallel_loop3A_92, %parallel_loop3A_93] {strides = array<i32>} : memref<80x144xf32, #tpu.memory_space<vmem>>, vector<1x16xf32>,
        %parallel_loop3A_95 = vector.shape_cast %parallel_loop3A_94 : vector<1x16xf32> to vector<16xf32>
        %parallel_loop3A_96 = arith.mulf %parallel_loop3A_95, %parallel_loop3A_61 : vector<16xf32>
        %parallel_loop3A_97 = arith.index_cast %parallel_loop3A_35 : i32 to index
        %parallel_loop3A_98 = arith.constant 48 : index
        %parallel_loop3A_99 = tpu.vector_load %arg9[%parallel_loop3A_97, %parallel_loop3A_98] {strides = array<i32>} : memref<80x144xf32, #tpu.memory_space<vmem>>, vector<1x16xf32>,
        %parallel_loop3A_100 = vector.shape_cast %parallel_loop3A_99 : vector<1x16xf32> to vector<16xf32>
        %parallel_loop3A_101 = vector.shape_cast %parallel_loop3A_96 : vector<16xf32> to vector<1x16xf32>
        tpu.vector_store %arg9[%parallel_loop3A_97, %parallel_loop3A_98], %parallel_loop3A_101 {strides = array<i32>} : memref<80x144xf32, #tpu.memory_space<vmem>>, vector<1x16xf32>,
        %parallel_loop3A_102 = arith.index_cast %parallel_loop3A_35 : i32 to index
        %parallel_loop3A_103 = arith.constant 64 : index
        %parallel_loop3A_104 = tpu.vector_load %arg9[%parallel_loop3A_102, %parallel_loop3A_103] {strides = array<i32>} : memref<80x144xf32, #tpu.memory_space<vmem>>, vector<1x16xf32>,
        %parallel_loop3A_105 = vector.shape_cast %parallel_loop3A_104 : vector<1x16xf32> to vector<16xf32>
        %parallel_loop3A_106 = arith.mulf %parallel_loop3A_105, %parallel_loop3A_61 : vector<16xf32>
        %parallel_loop3A_107 = arith.index_cast %parallel_loop3A_35 : i32 to index
        %parallel_loop3A_108 = arith.constant 64 : index
        %parallel_loop3A_109 = tpu.vector_load %arg9[%parallel_loop3A_107, %parallel_loop3A_108] {strides = array<i32>} : memref<80x144xf32, #tpu.memory_space<vmem>>, vector<1x16xf32>,
        %parallel_loop3A_110 = vector.shape_cast %parallel_loop3A_109 : vector<1x16xf32> to vector<16xf32>
        %parallel_loop3A_111 = vector.shape_cast %parallel_loop3A_106 : vector<16xf32> to vector<1x16xf32>
        tpu.vector_store %arg9[%parallel_loop3A_107, %parallel_loop3A_108], %parallel_loop3A_111 {strides = array<i32>} : memref<80x144xf32, #tpu.memory_space<vmem>>, vector<1x16xf32>,
        %parallel_loop3A_112 = arith.index_cast %parallel_loop3A_35 : i32 to index
        %parallel_loop3A_113 = arith.constant 80 : index
        %parallel_loop3A_114 = tpu.vector_load %arg9[%parallel_loop3A_112, %parallel_loop3A_113] {strides = array<i32>} : memref<80x144xf32, #tpu.memory_space<vmem>>, vector<1x16xf32>,
        %parallel_loop3A_115 = vector.shape_cast %parallel_loop3A_114 : vector<1x16xf32> to vector<16xf32>
        %parallel_loop3A_116 = arith.mulf %parallel_loop3A_115, %parallel_loop3A_61 : vector<16xf32>
        %parallel_loop3A_117 = arith.index_cast %parallel_loop3A_35 : i32 to index
        %parallel_loop3A_118 = arith.constant 80 : index
        %parallel_loop3A_119 = tpu.vector_load %arg9[%parallel_loop3A_117, %parallel_loop3A_118] {strides = array<i32>} : memref<80x144xf32, #tpu.memory_space<vmem>>, vector<1x16xf32>,
        %parallel_loop3A_120 = vector.shape_cast %parallel_loop3A_119 : vector<1x16xf32> to vector<16xf32>
        %parallel_loop3A_121 = vector.shape_cast %parallel_loop3A_116 : vector<16xf32> to vector<1x16xf32>
        tpu.vector_store %arg9[%parallel_loop3A_117, %parallel_loop3A_118], %parallel_loop3A_121 {strides = array<i32>} : memref<80x144xf32, #tpu.memory_space<vmem>>, vector<1x16xf32>,
        %parallel_loop3A_122 = arith.index_cast %parallel_loop3A_35 : i32 to index
        %parallel_loop3A_123 = arith.constant 96 : index
        %parallel_loop3A_124 = tpu.vector_load %arg9[%parallel_loop3A_122, %parallel_loop3A_123] {strides = array<i32>} : memref<80x144xf32, #tpu.memory_space<vmem>>, vector<1x16xf32>,
        %parallel_loop3A_125 = vector.shape_cast %parallel_loop3A_124 : vector<1x16xf32> to vector<16xf32>
        %parallel_loop3A_126 = arith.mulf %parallel_loop3A_125, %parallel_loop3A_61 : vector<16xf32>
        %parallel_loop3A_127 = arith.index_cast %parallel_loop3A_35 : i32 to index
        %parallel_loop3A_128 = arith.constant 96 : index
        %parallel_loop3A_129 = tpu.vector_load %arg9[%parallel_loop3A_127, %parallel_loop3A_128] {strides = array<i32>} : memref<80x144xf32, #tpu.memory_space<vmem>>, vector<1x16xf32>,
        %parallel_loop3A_130 = vector.shape_cast %parallel_loop3A_129 : vector<1x16xf32> to vector<16xf32>
        %parallel_loop3A_131 = vector.shape_cast %parallel_loop3A_126 : vector<16xf32> to vector<1x16xf32>
        tpu.vector_store %arg9[%parallel_loop3A_127, %parallel_loop3A_128], %parallel_loop3A_131 {strides = array<i32>} : memref<80x144xf32, #tpu.memory_space<vmem>>, vector<1x16xf32>,
        %parallel_loop3A_132 = arith.index_cast %parallel_loop3A_35 : i32 to index
        %parallel_loop3A_133 = arith.constant 112 : index
        %parallel_loop3A_134 = tpu.vector_load %arg9[%parallel_loop3A_132, %parallel_loop3A_133] {strides = array<i32>} : memref<80x144xf32, #tpu.memory_space<vmem>>, vector<1x16xf32>,
        %parallel_loop3A_135 = vector.shape_cast %parallel_loop3A_134 : vector<1x16xf32> to vector<16xf32>
        %parallel_loop3A_136 = arith.mulf %parallel_loop3A_135, %parallel_loop3A_61 : vector<16xf32>
        %parallel_loop3A_137 = arith.index_cast %parallel_loop3A_35 : i32 to index
        %parallel_loop3A_138 = arith.constant 112 : index
        %parallel_loop3A_139 = tpu.vector_load %arg9[%parallel_loop3A_137, %parallel_loop3A_138] {strides = array<i32>} : memref<80x144xf32, #tpu.memory_space<vmem>>, vector<1x16xf32>,
        %parallel_loop3A_140 = vector.shape_cast %parallel_loop3A_139 : vector<1x16xf32> to vector<16xf32>
        %parallel_loop3A_141 = vector.shape_cast %parallel_loop3A_136 : vector<16xf32> to vector<1x16xf32>
        tpu.vector_store %arg9[%parallel_loop3A_137, %parallel_loop3A_138], %parallel_loop3A_141 {strides = array<i32>} : memref<80x144xf32, #tpu.memory_space<vmem>>, vector<1x16xf32>,
        %parallel_loop3A_142 = arith.index_cast %parallel_loop3A_35 : i32 to index
        %parallel_loop3A_143 = arith.constant 128 : index
        %parallel_loop3A_144 = tpu.vector_load %arg9[%parallel_loop3A_142, %parallel_loop3A_143] {strides = array<i32>} : memref<80x144xf32, #tpu.memory_space<vmem>>, vector<1x16xf32>,
        %parallel_loop3A_145 = vector.shape_cast %parallel_loop3A_144 : vector<1x16xf32> to vector<16xf32>
        %parallel_loop3A_146 = vector.shape_cast %parallel_loop3A_58 : vector<16xf32> to vector<1x16xf32>
        tpu.vector_store %arg9[%parallel_loop3A_142, %parallel_loop3A_143], %parallel_loop3A_146 {strides = array<i32>} : memref<80x144xf32, #tpu.memory_space<vmem>>, vector<1x16xf32>,
      } {sc.loop_unroll_factor = 4 : i64, sc.parallel_access}
      "tpu.region"() ({
        %run_scoped3A = tpu.sem_alloc : memref<!tpu.dma_semaphore, #tpu.memory_space<semaphore_mem>>
        %dma_start3A = arith.constant 0 : i32
        %dma_start3A_35 = arith.constant 0 : i32
        %dma_start3A_36 = tpu.memref_slice %arg16[%dma_start3A, %dma_start3A_35] : memref<10000x144xf32, #tpu.memory_space<vmem_shared>> -> memref<10000x144xf32, #tpu.memory_space<vmem_shared>>
        tpu.enqueue_indirect_dma source(%arg9 : memref<80x144xf32, #tpu.memory_space<vmem>>) target(%dma_start3A_36 : memref<10000x144xf32, #tpu.memory_space<vmem_shared>>) offsets(%arg13 : memref<80xi32, #tpu.memory_space<vmem>>) semaphore(%run_scoped3A : memref<!tpu.dma_semaphore, #tpu.memory_space<semaphore_mem>>) {add = true}
        %dma_wait3A = arith.constant 0 : i32
        %dma_wait3A_37 = arith.constant 0 : i32
        %dma_wait3A_38 = tpu.memref_slice %arg16[%dma_wait3A, %dma_wait3A_37] : memref<10000x144xf32, #tpu.memory_space<vmem_shared>> -> memref<10000x144xf32, #tpu.memory_space<vmem_shared>>
        tpu.wait_indirect_dma semaphore(%run_scoped3A : memref<!tpu.dma_semaphore, #tpu.memory_space<semaphore_mem>>) src(%arg9 : memref<80x144xf32, #tpu.memory_space<vmem>>) dst(%dma_wait3A_38 : memref<10000x144xf32, #tpu.memory_space<vmem_shared>>)
        tpu.yield
      }) : () -> ()
    }
    %scan3A_24 = arith.constant 125 : i32
    %barrier3A_25 = arith.constant 0 : index
    tpu.barrier barrier_id(%barrier3A_25)
    %scan3A_26 = arith.constant 0 : i32
    %scan3A_27 = arith.constant 0 : i32
    %scan3A_28 = arith.constant 7 : i32
    %scan3A_29 = arith.addi %scan3A_27, %scan3A_28 : i32
    %scan3A_30 = arith.constant 1 : i32
    scf.for %scan3A_32 = %scan3A_27 to %scan3A_29 step %scan3A_30  : i32 {
      %mul3A_33 = arith.constant 16 : i32
      %mul3A_34 = arith.muli %scan3A_32, %mul3A_33 : i32
      %add3A_35 = arith.addi %arg1, %mul3A_34 : i32
      %lt3A_36 = arith.constant 100 : i32
      %lt3A_37 = arith.cmpi slt, %add3A_35, %lt3A_36 : i32
      %convert_element_type3A = arith.extui %lt3A_37 : i1 to i32
      %cond3A = arith.constant 0 : i32
      %cond3A_38 = arith.cmpi ne, %convert_element_type3A, %cond3A : i32
      scf.if %cond3A_38 {
        %mul3A_39 = arith.constant 100 : i32
        %mul3A_40 = arith.muli %add3A_35, %mul3A_39 : i32
        "tpu.region"() ({
          %run_scoped3A = tpu.sem_alloc : memref<!tpu.dma_semaphore, #tpu.memory_space<semaphore_mem>>
          %dma_start3A = arith.constant 0 : i32
          %dma_start3A_41 = tpu.memref_slice %arg16[%mul3A_40, %dma_start3A] : memref<10000x144xf32, #tpu.memory_space<vmem_shared>> -> memref<100x144xf32, #tpu.memory_space<vmem_shared>>
          %dma_start3A_42 = arith.constant 0 : i32
          %dma_start3A_43 = tpu.memref_slice %arg16[%mul3A_40, %dma_start3A_42] : memref<10000x144xf32, #tpu.memory_space<vmem_shared>> -> memref<100x144xf32, #tpu.memory_space<vmem_shared>>
          tpu.enqueue_dma source(%dma_start3A_43 : memref<100x144xf32, #tpu.memory_space<vmem_shared>>) target(%arg15 : memref<100x144xf32, #tpu.memory_space<vmem>>) target_semaphore(%run_scoped3A : memref<!tpu.dma_semaphore, #tpu.memory_space<semaphore_mem>>)
          %dma_wait3A = arith.constant 0 : i32
          %dma_wait3A_44 = tpu.memref_slice %arg16[%mul3A_40, %dma_wait3A] : memref<10000x144xf32, #tpu.memory_space<vmem_shared>> -> memref<100x144xf32, #tpu.memory_space<vmem_shared>>
          %dma_wait3A_45 = arith.constant 0 : i32
          %dma_wait3A_46 = tpu.memref_slice %arg16[%mul3A_40, %dma_wait3A_45] : memref<10000x144xf32, #tpu.memory_space<vmem_shared>> -> memref<100x144xf32, #tpu.memory_space<vmem_shared>>
          tpu.wait_dma2 semaphore(%run_scoped3A : memref<!tpu.dma_semaphore, #tpu.memory_space<semaphore_mem>>) src(%dma_wait3A_46 : memref<100x144xf32, #tpu.memory_space<vmem_shared>>) dst(%arg15 : memref<100x144xf32, #tpu.memory_space<vmem>>)
          tpu.yield
        }) : () -> ()
        "tpu.region"() ({
          %run_scoped3A = tpu.sem_alloc : memref<!tpu.dma_semaphore, #tpu.memory_space<semaphore_mem>>
          %dma_start3A = arith.constant 0 : i32
          %dma_start3A_41 = tpu.memref_slice %arg8[%arg0, %mul3A_40, %dma_start3A] : memref<2x10000x144xf32, #tpu.memory_space<hbm>> -> memref<1x100x144xf32, #tpu.memory_space<hbm>>
          %dma_start3A_42 = tpu.memref_squeeze %dma_start3A_41 : memref<1x100x144xf32, #tpu.memory_space<hbm>> -> memref<100x144xf32, #tpu.memory_space<hbm>>
          %dma_start3A_43 = arith.constant 0 : i32
          %dma_start3A_44 = tpu.memref_slice %arg8[%arg0, %mul3A_40, %dma_start3A_43] : memref<2x10000x144xf32, #tpu.memory_space<hbm>> -> memref<1x100x144xf32, #tpu.memory_space<hbm>>
          %dma_start3A_45 = tpu.memref_squeeze %dma_start3A_44 : memref<1x100x144xf32, #tpu.memory_space<hbm>> -> memref<100x144xf32, #tpu.memory_space<hbm>>
          tpu.enqueue_dma source(%arg15 : memref<100x144xf32, #tpu.memory_space<vmem>>) target(%dma_start3A_45 : memref<100x144xf32, #tpu.memory_space<hbm>>) target_semaphore(%run_scoped3A : memref<!tpu.dma_semaphore, #tpu.memory_space<semaphore_mem>>)
          %dma_wait3A = arith.constant 0 : i32
          %dma_wait3A_46 = tpu.memref_slice %arg8[%arg0, %mul3A_40, %dma_wait3A] : memref<2x10000x144xf32, #tpu.memory_space<hbm>> -> memref<1x100x144xf32, #tpu.memory_space<hbm>>
          %dma_wait3A_47 = tpu.memref_squeeze %dma_wait3A_46 : memref<1x100x144xf32, #tpu.memory_space<hbm>> -> memref<100x144xf32, #tpu.memory_space<hbm>>
          %dma_wait3A_48 = arith.constant 0 : i32
          %dma_wait3A_49 = tpu.memref_slice %arg8[%arg0, %mul3A_40, %dma_wait3A_48] : memref<2x10000x144xf32, #tpu.memory_space<hbm>> -> memref<1x100x144xf32, #tpu.memory_space<hbm>>
          %dma_wait3A_50 = tpu.memref_squeeze %dma_wait3A_49 : memref<1x100x144xf32, #tpu.memory_space<hbm>> -> memref<100x144xf32, #tpu.memory_space<hbm>>
          tpu.wait_dma2 semaphore(%run_scoped3A : memref<!tpu.dma_semaphore, #tpu.memory_space<semaphore_mem>>) src(%arg15 : memref<100x144xf32, #tpu.memory_space<vmem>>) dst(%dma_wait3A_50 : memref<100x144xf32, #tpu.memory_space<hbm>>)
          tpu.yield
        }) : () -> ()
      } else {
      }
    }
    %scan3A_31 = arith.constant 7 : i32
    return
  }
}

#map = affine_map<(d0, d1) -> (0, 0)>
#map1 = affine_map<(d0, d1) -> (0)>
#map2 = affine_map<(d0, d1) -> (0, 0, 0)>
module attributes {stable_mosaic.version = 14 : i64} {
  func.func @_edge_body(%arg0: i32, %arg1: i32, %arg2: memref<10000x16xf32, #tpu.memory_space<hbm>>, %arg3: memref<10000x16xf32, #tpu.memory_space<hbm>>, %arg4: memref<16xf32, #tpu.memory_space<hbm>>, %arg5: memref<10000x144xf32, #tpu.memory_space<hbm>>, %arg6: memref<32x125x80xi32, #tpu.memory_space<hbm>>, %arg7: memref<32x125x80xi32, #tpu.memory_space<hbm>>, %arg8: memref<2x10000x144xf32, #tpu.memory_space<hbm>>, %arg9: memref<80x144xf32, #tpu.memory_space<vmem>>, %arg10: memref<80x16xf32, #tpu.memory_space<vmem>>, %arg11: memref<80x16xf32, #tpu.memory_space<vmem>>, %arg12: memref<80xi32, #tpu.memory_space<vmem>>, %arg13: memref<80xi32, #tpu.memory_space<vmem>>, %arg14: memref<16xf32, #tpu.memory_space<vmem>>, %arg15: memref<100x144xf32, #tpu.memory_space<vmem>>, %arg16: memref<10000x144xf32, #tpu.memory_space<vmem_shared>>) attributes {dimension_semantics = [#tpu.dimension_semantics<core_parallel>, #tpu.dimension_semantics<subcore_parallel>], iteration_bounds = array<i64: 2, 16>, scalar_prefetch = 0 : i64, scratch_operands = 8 : i64, tpu.core_type = #tpu.core_type<sc_vector_subcore>, window_params = [{transform_indices = #map}, {transform_indices = #map}, {transform_indices = #map1}, {transform_indices = #map}, {transform_indices = #map2}, {transform_indices = #map2}, {transform_indices = #map2}]} {
    %mul3A = arith.constant 2 : i32
    %mul3A_0 = arith.muli %arg1, %mul3A : i32
    %add3A = arith.addi %mul3A_0, %arg0 : i32
    %iota3A = tpu.iota {dimensions = array<i32: 0>} : vector<16xi32>
    %lt3A = arith.constant 8 : i32
    %lt3A_1 = vector.broadcast %lt3A : i32 to vector<16xi32>
    %lt3A_2 = arith.cmpi slt, %iota3A, %lt3A_1 : vector<16xi32>
    %sub3A = arith.constant 8 : i32
    %sub3A_3 = vector.broadcast %sub3A : i32 to vector<16xi32>
    %sub3A_4 = arith.subi %iota3A, %sub3A_3 : vector<16xi32>
    %select_n3A = arith.select %lt3A_2, %iota3A, %sub3A_4 : vector<16xi1>, vector<16xi32>
    %broadcast_in_dim3A = arith.constant 0.000000e+00 : f32
    %broadcast_in_dim3A_5 = vector.broadcast %broadcast_in_dim3A : f32 to vector<16xf32>
    "tpu.region"() ({
      %run_scoped3A = tpu.sem_alloc : memref<!tpu.dma_semaphore, #tpu.memory_space<semaphore_mem>>
      tpu.enqueue_dma source(%arg4 : memref<16xf32, #tpu.memory_space<hbm>>) target(%arg14 : memref<16xf32, #tpu.memory_space<vmem>>) target_semaphore(%run_scoped3A : memref<!tpu.dma_semaphore, #tpu.memory_space<semaphore_mem>>)
      tpu.wait_dma2 semaphore(%run_scoped3A : memref<!tpu.dma_semaphore, #tpu.memory_space<semaphore_mem>>) src(%arg4 : memref<16xf32, #tpu.memory_space<hbm>>) dst(%arg14 : memref<16xf32, #tpu.memory_space<vmem>>)
      tpu.yield
    }) : () -> ()
    %scan3A = arith.constant 0 : i32
    %scan3A_6 = arith.constant 0 : i32
    %scan3A_7 = arith.constant 100 : i32
    %scan3A_8 = arith.addi %scan3A_6, %scan3A_7 : i32
    %scan3A_9 = arith.constant 1 : i32
    scf.for %scan3A_32 = %scan3A_6 to %scan3A_8 step %scan3A_9  : i32 {
      %swap3A = arith.index_cast %scan3A_32 : i32 to index
      %swap3A_33 = arith.constant 0 : index
      %swap3A_34 = tpu.vector_load %arg15[%swap3A, %swap3A_33] {strides = array<i32>} : memref<100x144xf32, #tpu.memory_space<vmem>>, vector<1x16xf32>,
      %swap3A_35 = vector.shape_cast %swap3A_34 : vector<1x16xf32> to vector<16xf32>
      %swap3A_36 = vector.shape_cast %broadcast_in_dim3A_5 : vector<16xf32> to vector<1x16xf32>
      tpu.vector_store %arg15[%swap3A, %swap3A_33], %swap3A_36 {strides = array<i32>} : memref<100x144xf32, #tpu.memory_space<vmem>>, vector<1x16xf32>,
      %swap3A_37 = arith.index_cast %scan3A_32 : i32 to index
      %swap3A_38 = arith.constant 16 : index
      %swap3A_39 = tpu.vector_load %arg15[%swap3A_37, %swap3A_38] {strides = array<i32>} : memref<100x144xf32, #tpu.memory_space<vmem>>, vector<1x16xf32>,
      %swap3A_40 = vector.shape_cast %swap3A_39 : vector<1x16xf32> to vector<16xf32>
      %swap3A_41 = vector.shape_cast %broadcast_in_dim3A_5 : vector<16xf32> to vector<1x16xf32>
      tpu.vector_store %arg15[%swap3A_37, %swap3A_38], %swap3A_41 {strides = array<i32>} : memref<100x144xf32, #tpu.memory_space<vmem>>, vector<1x16xf32>,
      %swap3A_42 = arith.index_cast %scan3A_32 : i32 to index
      %swap3A_43 = arith.constant 32 : index
      %swap3A_44 = tpu.vector_load %arg15[%swap3A_42, %swap3A_43] {strides = array<i32>} : memref<100x144xf32, #tpu.memory_space<vmem>>, vector<1x16xf32>,
      %swap3A_45 = vector.shape_cast %swap3A_44 : vector<1x16xf32> to vector<16xf32>
      %swap3A_46 = vector.shape_cast %broadcast_in_dim3A_5 : vector<16xf32> to vector<1x16xf32>
      tpu.vector_store %arg15[%swap3A_42, %swap3A_43], %swap3A_46 {strides = array<i32>} : memref<100x144xf32, #tpu.memory_space<vmem>>, vector<1x16xf32>,
      %swap3A_47 = arith.index_cast %scan3A_32 : i32 to index
      %swap3A_48 = arith.constant 48 : index
      %swap3A_49 = tpu.vector_load %arg15[%swap3A_47, %swap3A_48] {strides = array<i32>} : memref<100x144xf32, #tpu.memory_space<vmem>>, vector<1x16xf32>,
      %swap3A_50 = vector.shape_cast %swap3A_49 : vector<1x16xf32> to vector<16xf32>
      %swap3A_51 = vector.shape_cast %broadcast_in_dim3A_5 : vector<16xf32> to vector<1x16xf32>
      tpu.vector_store %arg15[%swap3A_47, %swap3A_48], %swap3A_51 {strides = array<i32>} : memref<100x144xf32, #tpu.memory_space<vmem>>, vector<1x16xf32>,
      %swap3A_52 = arith.index_cast %scan3A_32 : i32 to index
      %swap3A_53 = arith.constant 64 : index
      %swap3A_54 = tpu.vector_load %arg15[%swap3A_52, %swap3A_53] {strides = array<i32>} : memref<100x144xf32, #tpu.memory_space<vmem>>, vector<1x16xf32>,
      %swap3A_55 = vector.shape_cast %swap3A_54 : vector<1x16xf32> to vector<16xf32>
      %swap3A_56 = vector.shape_cast %broadcast_in_dim3A_5 : vector<16xf32> to vector<1x16xf32>
      tpu.vector_store %arg15[%swap3A_52, %swap3A_53], %swap3A_56 {strides = array<i32>} : memref<100x144xf32, #tpu.memory_space<vmem>>, vector<1x16xf32>,
      %swap3A_57 = arith.index_cast %scan3A_32 : i32 to index
      %swap3A_58 = arith.constant 80 : index
      %swap3A_59 = tpu.vector_load %arg15[%swap3A_57, %swap3A_58] {strides = array<i32>} : memref<100x144xf32, #tpu.memory_space<vmem>>, vector<1x16xf32>,
      %swap3A_60 = vector.shape_cast %swap3A_59 : vector<1x16xf32> to vector<16xf32>
      %swap3A_61 = vector.shape_cast %broadcast_in_dim3A_5 : vector<16xf32> to vector<1x16xf32>
      tpu.vector_store %arg15[%swap3A_57, %swap3A_58], %swap3A_61 {strides = array<i32>} : memref<100x144xf32, #tpu.memory_space<vmem>>, vector<1x16xf32>,
      %swap3A_62 = arith.index_cast %scan3A_32 : i32 to index
      %swap3A_63 = arith.constant 96 : index
      %swap3A_64 = tpu.vector_load %arg15[%swap3A_62, %swap3A_63] {strides = array<i32>} : memref<100x144xf32, #tpu.memory_space<vmem>>, vector<1x16xf32>,
      %swap3A_65 = vector.shape_cast %swap3A_64 : vector<1x16xf32> to vector<16xf32>
      %swap3A_66 = vector.shape_cast %broadcast_in_dim3A_5 : vector<16xf32> to vector<1x16xf32>
      tpu.vector_store %arg15[%swap3A_62, %swap3A_63], %swap3A_66 {strides = array<i32>} : memref<100x144xf32, #tpu.memory_space<vmem>>, vector<1x16xf32>,
      %swap3A_67 = arith.index_cast %scan3A_32 : i32 to index
      %swap3A_68 = arith.constant 112 : index
      %swap3A_69 = tpu.vector_load %arg15[%swap3A_67, %swap3A_68] {strides = array<i32>} : memref<100x144xf32, #tpu.memory_space<vmem>>, vector<1x16xf32>,
      %swap3A_70 = vector.shape_cast %swap3A_69 : vector<1x16xf32> to vector<16xf32>
      %swap3A_71 = vector.shape_cast %broadcast_in_dim3A_5 : vector<16xf32> to vector<1x16xf32>
      tpu.vector_store %arg15[%swap3A_67, %swap3A_68], %swap3A_71 {strides = array<i32>} : memref<100x144xf32, #tpu.memory_space<vmem>>, vector<1x16xf32>,
      %swap3A_72 = arith.index_cast %scan3A_32 : i32 to index
      %swap3A_73 = arith.constant 128 : index
      %swap3A_74 = tpu.vector_load %arg15[%swap3A_72, %swap3A_73] {strides = array<i32>} : memref<100x144xf32, #tpu.memory_space<vmem>>, vector<1x16xf32>,
      %swap3A_75 = vector.shape_cast %swap3A_74 : vector<1x16xf32> to vector<16xf32>
      %swap3A_76 = vector.shape_cast %broadcast_in_dim3A_5 : vector<16xf32> to vector<1x16xf32>
      tpu.vector_store %arg15[%swap3A_72, %swap3A_73], %swap3A_76 {strides = array<i32>} : memref<100x144xf32, #tpu.memory_space<vmem>>, vector<1x16xf32>,
    }
    %scan3A_10 = arith.constant 100 : i32
    %scan3A_11 = arith.constant 0 : i32
    %scan3A_12 = arith.constant 0 : i32
    %scan3A_13 = arith.constant 7 : i32
    %scan3A_14 = arith.addi %scan3A_12, %scan3A_13 : i32
    %scan3A_15 = arith.constant 1 : i32
    scf.for %scan3A_32 = %scan3A_12 to %scan3A_14 step %scan3A_15  : i32 {
      %mul3A_33 = arith.constant 16 : i32
      %mul3A_34 = arith.muli %scan3A_32, %mul3A_33 : i32
      %add3A_35 = arith.addi %arg1, %mul3A_34 : i32
      %lt3A_36 = arith.constant 100 : i32
      %lt3A_37 = arith.cmpi slt, %add3A_35, %lt3A_36 : i32
      %convert_element_type3A = arith.extui %lt3A_37 : i1 to i32
      %cond3A = arith.constant 0 : i32
      %cond3A_38 = arith.cmpi ne, %convert_element_type3A, %cond3A : i32
      scf.if %cond3A_38 {
        %mul3A_39 = arith.constant 100 : i32
        %mul3A_40 = arith.muli %add3A_35, %mul3A_39 : i32
        "tpu.region"() ({
          %run_scoped3A = tpu.sem_alloc : memref<!tpu.dma_semaphore, #tpu.memory_space<semaphore_mem>>
          %dma_start3A = arith.constant 0 : i32
          %dma_start3A_41 = tpu.memref_slice %arg16[%mul3A_40, %dma_start3A] : memref<10000x144xf32, #tpu.memory_space<vmem_shared>> -> memref<100x144xf32, #tpu.memory_space<vmem_shared>>
          %dma_start3A_42 = arith.constant 0 : i32
          %dma_start3A_43 = tpu.memref_slice %arg16[%mul3A_40, %dma_start3A_42] : memref<10000x144xf32, #tpu.memory_space<vmem_shared>> -> memref<100x144xf32, #tpu.memory_space<vmem_shared>>
          tpu.enqueue_dma source(%arg15 : memref<100x144xf32, #tpu.memory_space<vmem>>) target(%dma_start3A_43 : memref<100x144xf32, #tpu.memory_space<vmem_shared>>) target_semaphore(%run_scoped3A : memref<!tpu.dma_semaphore, #tpu.memory_space<semaphore_mem>>)
          %dma_wait3A = arith.constant 0 : i32
          %dma_wait3A_44 = tpu.memref_slice %arg16[%mul3A_40, %dma_wait3A] : memref<10000x144xf32, #tpu.memory_space<vmem_shared>> -> memref<100x144xf32, #tpu.memory_space<vmem_shared>>
          %dma_wait3A_45 = arith.constant 0 : i32
          %dma_wait3A_46 = tpu.memref_slice %arg16[%mul3A_40, %dma_wait3A_45] : memref<10000x144xf32, #tpu.memory_space<vmem_shared>> -> memref<100x144xf32, #tpu.memory_space<vmem_shared>>
          tpu.wait_dma2 semaphore(%run_scoped3A : memref<!tpu.dma_semaphore, #tpu.memory_space<semaphore_mem>>) src(%arg15 : memref<100x144xf32, #tpu.memory_space<vmem>>) dst(%dma_wait3A_46 : memref<100x144xf32, #tpu.memory_space<vmem_shared>>)
          tpu.yield
        }) : () -> ()
      } else {
      }
    }
    %scan3A_16 = arith.constant 7 : i32
    %barrier3A = arith.constant 0 : index
    tpu.barrier barrier_id(%barrier3A)
    %get3A = arith.constant 0 : index
    %get3A_17 = tpu.vector_load %arg14[%get3A] {strides = array<i32>} : memref<16xf32, #tpu.memory_space<vmem>>, vector<16xf32>,
    %get3A_18 = vector.shape_cast %get3A_17 : vector<16xf32> to vector<16xf32>
    %scan3A_19 = arith.constant 0 : i32
    %scan3A_20 = arith.constant 0 : i32
    %scan3A_21 = arith.constant 125 : i32
    %scan3A_22 = arith.addi %scan3A_20, %scan3A_21 : i32
    %scan3A_23 = arith.constant 1 : i32
    scf.for %scan3A_32 = %scan3A_20 to %scan3A_22 step %scan3A_23  : i32 {
      "tpu.region"() ({
        %run_scoped3A = tpu.sem_alloc : memref<!tpu.dma_semaphore, #tpu.memory_space<semaphore_mem>>
        %dma_start3A = arith.constant 0 : i32
        %dma_start3A_35 = tpu.memref_slice %arg6[%add3A, %scan3A_32, %dma_start3A] : memref<32x125x80xi32, #tpu.memory_space<hbm>> -> memref<1x1x80xi32, #tpu.memory_space<hbm>>
        %dma_start3A_36 = tpu.memref_squeeze %dma_start3A_35 : memref<1x1x80xi32, #tpu.memory_space<hbm>> -> memref<80xi32, #tpu.memory_space<hbm>>
        %dma_start3A_37 = arith.constant 0 : i32
        %dma_start3A_38 = tpu.memref_slice %arg6[%add3A, %scan3A_32, %dma_start3A_37] : memref<32x125x80xi32, #tpu.memory_space<hbm>> -> memref<1x1x80xi32, #tpu.memory_space<hbm>>
        %dma_start3A_39 = tpu.memref_squeeze %dma_start3A_38 : memref<1x1x80xi32, #tpu.memory_space<hbm>> -> memref<80xi32, #tpu.memory_space<hbm>>
        tpu.enqueue_dma source(%dma_start3A_39 : memref<80xi32, #tpu.memory_space<hbm>>) target(%arg12 : memref<80xi32, #tpu.memory_space<vmem>>) target_semaphore(%run_scoped3A : memref<!tpu.dma_semaphore, #tpu.memory_space<semaphore_mem>>)
        %dma_wait3A = arith.constant 0 : i32
        %dma_wait3A_40 = tpu.memref_slice %arg6[%add3A, %scan3A_32, %dma_wait3A] : memref<32x125x80xi32, #tpu.memory_space<hbm>> -> memref<1x1x80xi32, #tpu.memory_space<hbm>>
        %dma_wait3A_41 = tpu.memref_squeeze %dma_wait3A_40 : memref<1x1x80xi32, #tpu.memory_space<hbm>> -> memref<80xi32, #tpu.memory_space<hbm>>
        %dma_wait3A_42 = arith.constant 0 : i32
        %dma_wait3A_43 = tpu.memref_slice %arg6[%add3A, %scan3A_32, %dma_wait3A_42] : memref<32x125x80xi32, #tpu.memory_space<hbm>> -> memref<1x1x80xi32, #tpu.memory_space<hbm>>
        %dma_wait3A_44 = tpu.memref_squeeze %dma_wait3A_43 : memref<1x1x80xi32, #tpu.memory_space<hbm>> -> memref<80xi32, #tpu.memory_space<hbm>>
        tpu.wait_dma2 semaphore(%run_scoped3A : memref<!tpu.dma_semaphore, #tpu.memory_space<semaphore_mem>>) src(%dma_wait3A_44 : memref<80xi32, #tpu.memory_space<hbm>>) dst(%arg12 : memref<80xi32, #tpu.memory_space<vmem>>)
        tpu.yield
      }) : () -> ()
      "tpu.region"() ({
        %run_scoped3A = tpu.sem_alloc : memref<!tpu.dma_semaphore, #tpu.memory_space<semaphore_mem>>
        %dma_start3A = arith.constant 0 : i32
        %dma_start3A_35 = tpu.memref_slice %arg7[%add3A, %scan3A_32, %dma_start3A] : memref<32x125x80xi32, #tpu.memory_space<hbm>> -> memref<1x1x80xi32, #tpu.memory_space<hbm>>
        %dma_start3A_36 = tpu.memref_squeeze %dma_start3A_35 : memref<1x1x80xi32, #tpu.memory_space<hbm>> -> memref<80xi32, #tpu.memory_space<hbm>>
        %dma_start3A_37 = arith.constant 0 : i32
        %dma_start3A_38 = tpu.memref_slice %arg7[%add3A, %scan3A_32, %dma_start3A_37] : memref<32x125x80xi32, #tpu.memory_space<hbm>> -> memref<1x1x80xi32, #tpu.memory_space<hbm>>
        %dma_start3A_39 = tpu.memref_squeeze %dma_start3A_38 : memref<1x1x80xi32, #tpu.memory_space<hbm>> -> memref<80xi32, #tpu.memory_space<hbm>>
        tpu.enqueue_dma source(%dma_start3A_39 : memref<80xi32, #tpu.memory_space<hbm>>) target(%arg13 : memref<80xi32, #tpu.memory_space<vmem>>) target_semaphore(%run_scoped3A : memref<!tpu.dma_semaphore, #tpu.memory_space<semaphore_mem>>)
        %dma_wait3A = arith.constant 0 : i32
        %dma_wait3A_40 = tpu.memref_slice %arg7[%add3A, %scan3A_32, %dma_wait3A] : memref<32x125x80xi32, #tpu.memory_space<hbm>> -> memref<1x1x80xi32, #tpu.memory_space<hbm>>
        %dma_wait3A_41 = tpu.memref_squeeze %dma_wait3A_40 : memref<1x1x80xi32, #tpu.memory_space<hbm>> -> memref<80xi32, #tpu.memory_space<hbm>>
        %dma_wait3A_42 = arith.constant 0 : i32
        %dma_wait3A_43 = tpu.memref_slice %arg7[%add3A, %scan3A_32, %dma_wait3A_42] : memref<32x125x80xi32, #tpu.memory_space<hbm>> -> memref<1x1x80xi32, #tpu.memory_space<hbm>>
        %dma_wait3A_44 = tpu.memref_squeeze %dma_wait3A_43 : memref<1x1x80xi32, #tpu.memory_space<hbm>> -> memref<80xi32, #tpu.memory_space<hbm>>
        tpu.wait_dma2 semaphore(%run_scoped3A : memref<!tpu.dma_semaphore, #tpu.memory_space<semaphore_mem>>) src(%dma_wait3A_44 : memref<80xi32, #tpu.memory_space<hbm>>) dst(%arg13 : memref<80xi32, #tpu.memory_space<vmem>>)
        tpu.yield
      }) : () -> ()
      "tpu.region"() ({
        %run_scoped3A = tpu.sem_alloc : memref<!tpu.dma_semaphore, #tpu.memory_space<semaphore_mem>>
        %dma_start3A = arith.constant 0 : i32
        %dma_start3A_35 = arith.constant 0 : i32
        %dma_start3A_36 = tpu.memref_slice %arg2[%dma_start3A, %dma_start3A_35] : memref<10000x16xf32, #tpu.memory_space<hbm>> -> memref<10000x16xf32, #tpu.memory_space<hbm>>
        tpu.enqueue_indirect_dma source(%dma_start3A_36 : memref<10000x16xf32, #tpu.memory_space<hbm>>) target(%arg10 : memref<80x16xf32, #tpu.memory_space<vmem>>) offsets(%arg12 : memref<80xi32, #tpu.memory_space<vmem>>) semaphore(%run_scoped3A : memref<!tpu.dma_semaphore, #tpu.memory_space<semaphore_mem>>)
        %dma_wait3A = arith.constant 0 : i32
        %dma_wait3A_37 = arith.constant 0 : i32
        %dma_wait3A_38 = tpu.memref_slice %arg2[%dma_wait3A, %dma_wait3A_37] : memref<10000x16xf32, #tpu.memory_space<hbm>> -> memref<10000x16xf32, #tpu.memory_space<hbm>>
        tpu.wait_indirect_dma semaphore(%run_scoped3A : memref<!tpu.dma_semaphore, #tpu.memory_space<semaphore_mem>>) src(%dma_wait3A_38 : memref<10000x16xf32, #tpu.memory_space<hbm>>) dst(%arg10 : memref<80x16xf32, #tpu.memory_space<vmem>>)
        tpu.yield
      }) : () -> ()
      "tpu.region"() ({
        %run_scoped3A = tpu.sem_alloc : memref<!tpu.dma_semaphore, #tpu.memory_space<semaphore_mem>>
        %dma_start3A = arith.constant 0 : i32
        %dma_start3A_35 = arith.constant 0 : i32
        %dma_start3A_36 = tpu.memref_slice %arg3[%dma_start3A, %dma_start3A_35] : memref<10000x16xf32, #tpu.memory_space<hbm>> -> memref<10000x16xf32, #tpu.memory_space<hbm>>
        tpu.enqueue_indirect_dma source(%dma_start3A_36 : memref<10000x16xf32, #tpu.memory_space<hbm>>) target(%arg11 : memref<80x16xf32, #tpu.memory_space<vmem>>) offsets(%arg13 : memref<80xi32, #tpu.memory_space<vmem>>) semaphore(%run_scoped3A : memref<!tpu.dma_semaphore, #tpu.memory_space<semaphore_mem>>)
        %dma_wait3A = arith.constant 0 : i32
        %dma_wait3A_37 = arith.constant 0 : i32
        %dma_wait3A_38 = tpu.memref_slice %arg3[%dma_wait3A, %dma_wait3A_37] : memref<10000x16xf32, #tpu.memory_space<hbm>> -> memref<10000x16xf32, #tpu.memory_space<hbm>>
        tpu.wait_indirect_dma semaphore(%run_scoped3A : memref<!tpu.dma_semaphore, #tpu.memory_space<semaphore_mem>>) src(%dma_wait3A_38 : memref<10000x16xf32, #tpu.memory_space<hbm>>) dst(%arg11 : memref<80x16xf32, #tpu.memory_space<vmem>>)
        tpu.yield
      }) : () -> ()
      "tpu.region"() ({
        %run_scoped3A = tpu.sem_alloc : memref<!tpu.dma_semaphore, #tpu.memory_space<semaphore_mem>>
        %dma_start3A = arith.constant 0 : i32
        %dma_start3A_35 = arith.constant 0 : i32
        %dma_start3A_36 = tpu.memref_slice %arg5[%dma_start3A, %dma_start3A_35] : memref<10000x144xf32, #tpu.memory_space<hbm>> -> memref<10000x144xf32, #tpu.memory_space<hbm>>
        tpu.enqueue_indirect_dma source(%dma_start3A_36 : memref<10000x144xf32, #tpu.memory_space<hbm>>) target(%arg9 : memref<80x144xf32, #tpu.memory_space<vmem>>) offsets(%arg12 : memref<80xi32, #tpu.memory_space<vmem>>) semaphore(%run_scoped3A : memref<!tpu.dma_semaphore, #tpu.memory_space<semaphore_mem>>)
        %dma_wait3A = arith.constant 0 : i32
        %dma_wait3A_37 = arith.constant 0 : i32
        %dma_wait3A_38 = tpu.memref_slice %arg5[%dma_wait3A, %dma_wait3A_37] : memref<10000x144xf32, #tpu.memory_space<hbm>> -> memref<10000x144xf32, #tpu.memory_space<hbm>>
        tpu.wait_indirect_dma semaphore(%run_scoped3A : memref<!tpu.dma_semaphore, #tpu.memory_space<semaphore_mem>>) src(%dma_wait3A_38 : memref<10000x144xf32, #tpu.memory_space<hbm>>) dst(%arg9 : memref<80x144xf32, #tpu.memory_space<vmem>>)
        tpu.yield
      }) : () -> ()
      %parallel_loop3A = arith.constant 0 : i32
      %parallel_loop3A_33 = arith.constant 80 : i32
      %parallel_loop3A_34 = arith.constant 1 : i32
      scf.for %parallel_loop3A_35 = %parallel_loop3A to %parallel_loop3A_33 step %parallel_loop3A_34  : i32 {
        %parallel_loop3A_36 = arith.index_cast %parallel_loop3A_35 : i32 to index
        %parallel_loop3A_37 = arith.constant 0 : index
        %parallel_loop3A_38 = tpu.vector_load %arg10[%parallel_loop3A_36, %parallel_loop3A_37] {strides = array<i32>} : memref<80x16xf32, #tpu.memory_space<vmem>>, vector<1x16xf32>,
        %parallel_loop3A_39 = vector.shape_cast %parallel_loop3A_38 : vector<1x16xf32> to vector<16xf32>
        %parallel_loop3A_40 = arith.index_cast %parallel_loop3A_35 : i32 to index
        %parallel_loop3A_41 = arith.constant 0 : index
        %parallel_loop3A_42 = tpu.vector_load %arg11[%parallel_loop3A_40, %parallel_loop3A_41] {strides = array<i32>} : memref<80x16xf32, #tpu.memory_space<vmem>>, vector<1x16xf32>,
        %parallel_loop3A_43 = vector.shape_cast %parallel_loop3A_42 : vector<1x16xf32> to vector<16xf32>
        %parallel_loop3A_44 = arith.addf %parallel_loop3A_39, %parallel_loop3A_43 : vector<16xf32>
        %parallel_loop3A_45 = arith.constant 0.00999999977 : f32
        %parallel_loop3A_46 = vector.broadcast %parallel_loop3A_45 : f32 to vector<16xf32>
        %parallel_loop3A_47 = arith.mulf %parallel_loop3A_44, %parallel_loop3A_46 : vector<16xf32>
        %parallel_loop3A_48 = arith.maximumf %parallel_loop3A_44, %parallel_loop3A_47 : vector<16xf32>
        %parallel_loop3A_49 = arith.addf %parallel_loop3A_43, %get3A_18 : vector<16xf32>
        %parallel_loop3A_50 = arith.constant 0.00999999977 : f32
        %parallel_loop3A_51 = vector.broadcast %parallel_loop3A_50 : f32 to vector<16xf32>
        %parallel_loop3A_52 = arith.mulf %parallel_loop3A_49, %parallel_loop3A_51 : vector<16xf32>
        %parallel_loop3A_53 = arith.maximumf %parallel_loop3A_49, %parallel_loop3A_52 : vector<16xf32>
        %parallel_loop3A_54 = arith.subf %parallel_loop3A_48, %parallel_loop3A_53 : vector<16xf32>
        %parallel_loop3A_55 = math.exp %parallel_loop3A_54 : vector<16xf32>
        %parallel_loop3A_56 = arith.constant 0.000000e+00 : f32
        %parallel_loop3A_57 = vector.broadcast %parallel_loop3A_56 : f32 to vector<16xf32>
        %parallel_loop3A_58 = arith.select %lt3A_2, %parallel_loop3A_55, %parallel_loop3A_57 : vector<16xi1>, vector<16xf32>
        %parallel_loop3A_59 = vector.shape_cast %select_n3A : vector<16xi32> to vector<16x1xi32>
        %parallel_loop3A_60 = vector.shape_cast %parallel_loop3A_59 : vector<16x1xi32> to vector<16xi32>
        %parallel_loop3A_61 = tpu.dynamic_gather %parallel_loop3A_58[%parallel_loop3A_60] in [0] : vector<16xf32>, vector<16xi32> -> vector<16xf32>
        %parallel_loop3A_62 = arith.index_cast %parallel_loop3A_35 : i32 to index
        %parallel_loop3A_63 = arith.constant 0 : index
        %parallel_loop3A_64 = tpu.vector_load %arg9[%parallel_loop3A_62, %parallel_loop3A_63] {strides = array<i32>} : memref<80x144xf32, #tpu.memory_space<vmem>>, vector<1x16xf32>,
        %parallel_loop3A_65 = vector.shape_cast %parallel_loop3A_64 : vector<1x16xf32> to vector<16xf32>
        %parallel_loop3A_66 = arith.mulf %parallel_loop3A_65, %parallel_loop3A_61 : vector<16xf32>
        %parallel_loop3A_67 = arith.index_cast %parallel_loop3A_35 : i32 to index
        %parallel_loop3A_68 = arith.constant 0 : index
        %parallel_loop3A_69 = tpu.vector_load %arg9[%parallel_loop3A_67, %parallel_loop3A_68] {strides = array<i32>} : memref<80x144xf32, #tpu.memory_space<vmem>>, vector<1x16xf32>,
        %parallel_loop3A_70 = vector.shape_cast %parallel_loop3A_69 : vector<1x16xf32> to vector<16xf32>
        %parallel_loop3A_71 = vector.shape_cast %parallel_loop3A_66 : vector<16xf32> to vector<1x16xf32>
        tpu.vector_store %arg9[%parallel_loop3A_67, %parallel_loop3A_68], %parallel_loop3A_71 {strides = array<i32>} : memref<80x144xf32, #tpu.memory_space<vmem>>, vector<1x16xf32>,
        %parallel_loop3A_72 = arith.index_cast %parallel_loop3A_35 : i32 to index
        %parallel_loop3A_73 = arith.constant 16 : index
        %parallel_loop3A_74 = tpu.vector_load %arg9[%parallel_loop3A_72, %parallel_loop3A_73] {strides = array<i32>} : memref<80x144xf32, #tpu.memory_space<vmem>>, vector<1x16xf32>,
        %parallel_loop3A_75 = vector.shape_cast %parallel_loop3A_74 : vector<1x16xf32> to vector<16xf32>
        %parallel_loop3A_76 = arith.mulf %parallel_loop3A_75, %parallel_loop3A_61 : vector<16xf32>
        %parallel_loop3A_77 = arith.index_cast %parallel_loop3A_35 : i32 to index
        %parallel_loop3A_78 = arith.constant 16 : index
        %parallel_loop3A_79 = tpu.vector_load %arg9[%parallel_loop3A_77, %parallel_loop3A_78] {strides = array<i32>} : memref<80x144xf32, #tpu.memory_space<vmem>>, vector<1x16xf32>,
        %parallel_loop3A_80 = vector.shape_cast %parallel_loop3A_79 : vector<1x16xf32> to vector<16xf32>
        %parallel_loop3A_81 = vector.shape_cast %parallel_loop3A_76 : vector<16xf32> to vector<1x16xf32>
        tpu.vector_store %arg9[%parallel_loop3A_77, %parallel_loop3A_78], %parallel_loop3A_81 {strides = array<i32>} : memref<80x144xf32, #tpu.memory_space<vmem>>, vector<1x16xf32>,
        %parallel_loop3A_82 = arith.index_cast %parallel_loop3A_35 : i32 to index
        %parallel_loop3A_83 = arith.constant 32 : index
        %parallel_loop3A_84 = tpu.vector_load %arg9[%parallel_loop3A_82, %parallel_loop3A_83] {strides = array<i32>} : memref<80x144xf32, #tpu.memory_space<vmem>>, vector<1x16xf32>,
        %parallel_loop3A_85 = vector.shape_cast %parallel_loop3A_84 : vector<1x16xf32> to vector<16xf32>
        %parallel_loop3A_86 = arith.mulf %parallel_loop3A_85, %parallel_loop3A_61 : vector<16xf32>
        %parallel_loop3A_87 = arith.index_cast %parallel_loop3A_35 : i32 to index
        %parallel_loop3A_88 = arith.constant 32 : index
        %parallel_loop3A_89 = tpu.vector_load %arg9[%parallel_loop3A_87, %parallel_loop3A_88] {strides = array<i32>} : memref<80x144xf32, #tpu.memory_space<vmem>>, vector<1x16xf32>,
        %parallel_loop3A_90 = vector.shape_cast %parallel_loop3A_89 : vector<1x16xf32> to vector<16xf32>
        %parallel_loop3A_91 = vector.shape_cast %parallel_loop3A_86 : vector<16xf32> to vector<1x16xf32>
        tpu.vector_store %arg9[%parallel_loop3A_87, %parallel_loop3A_88], %parallel_loop3A_91 {strides = array<i32>} : memref<80x144xf32, #tpu.memory_space<vmem>>, vector<1x16xf32>,
        %parallel_loop3A_92 = arith.index_cast %parallel_loop3A_35 : i32 to index
        %parallel_loop3A_93 = arith.constant 48 : index
        %parallel_loop3A_94 = tpu.vector_load %arg9[%parallel_loop3A_92, %parallel_loop3A_93] {strides = array<i32>} : memref<80x144xf32, #tpu.memory_space<vmem>>, vector<1x16xf32>,
        %parallel_loop3A_95 = vector.shape_cast %parallel_loop3A_94 : vector<1x16xf32> to vector<16xf32>
        %parallel_loop3A_96 = arith.mulf %parallel_loop3A_95, %parallel_loop3A_61 : vector<16xf32>
        %parallel_loop3A_97 = arith.index_cast %parallel_loop3A_35 : i32 to index
        %parallel_loop3A_98 = arith.constant 48 : index
        %parallel_loop3A_99 = tpu.vector_load %arg9[%parallel_loop3A_97, %parallel_loop3A_98] {strides = array<i32>} : memref<80x144xf32, #tpu.memory_space<vmem>>, vector<1x16xf32>,
        %parallel_loop3A_100 = vector.shape_cast %parallel_loop3A_99 : vector<1x16xf32> to vector<16xf32>
        %parallel_loop3A_101 = vector.shape_cast %parallel_loop3A_96 : vector<16xf32> to vector<1x16xf32>
        tpu.vector_store %arg9[%parallel_loop3A_97, %parallel_loop3A_98], %parallel_loop3A_101 {strides = array<i32>} : memref<80x144xf32, #tpu.memory_space<vmem>>, vector<1x16xf32>,
        %parallel_loop3A_102 = arith.index_cast %parallel_loop3A_35 : i32 to index
        %parallel_loop3A_103 = arith.constant 64 : index
        %parallel_loop3A_104 = tpu.vector_load %arg9[%parallel_loop3A_102, %parallel_loop3A_103] {strides = array<i32>} : memref<80x144xf32, #tpu.memory_space<vmem>>, vector<1x16xf32>,
        %parallel_loop3A_105 = vector.shape_cast %parallel_loop3A_104 : vector<1x16xf32> to vector<16xf32>
        %parallel_loop3A_106 = arith.mulf %parallel_loop3A_105, %parallel_loop3A_61 : vector<16xf32>
        %parallel_loop3A_107 = arith.index_cast %parallel_loop3A_35 : i32 to index
        %parallel_loop3A_108 = arith.constant 64 : index
        %parallel_loop3A_109 = tpu.vector_load %arg9[%parallel_loop3A_107, %parallel_loop3A_108] {strides = array<i32>} : memref<80x144xf32, #tpu.memory_space<vmem>>, vector<1x16xf32>,
        %parallel_loop3A_110 = vector.shape_cast %parallel_loop3A_109 : vector<1x16xf32> to vector<16xf32>
        %parallel_loop3A_111 = vector.shape_cast %parallel_loop3A_106 : vector<16xf32> to vector<1x16xf32>
        tpu.vector_store %arg9[%parallel_loop3A_107, %parallel_loop3A_108], %parallel_loop3A_111 {strides = array<i32>} : memref<80x144xf32, #tpu.memory_space<vmem>>, vector<1x16xf32>,
        %parallel_loop3A_112 = arith.index_cast %parallel_loop3A_35 : i32 to index
        %parallel_loop3A_113 = arith.constant 80 : index
        %parallel_loop3A_114 = tpu.vector_load %arg9[%parallel_loop3A_112, %parallel_loop3A_113] {strides = array<i32>} : memref<80x144xf32, #tpu.memory_space<vmem>>, vector<1x16xf32>,
        %parallel_loop3A_115 = vector.shape_cast %parallel_loop3A_114 : vector<1x16xf32> to vector<16xf32>
        %parallel_loop3A_116 = arith.mulf %parallel_loop3A_115, %parallel_loop3A_61 : vector<16xf32>
        %parallel_loop3A_117 = arith.index_cast %parallel_loop3A_35 : i32 to index
        %parallel_loop3A_118 = arith.constant 80 : index
        %parallel_loop3A_119 = tpu.vector_load %arg9[%parallel_loop3A_117, %parallel_loop3A_118] {strides = array<i32>} : memref<80x144xf32, #tpu.memory_space<vmem>>, vector<1x16xf32>,
        %parallel_loop3A_120 = vector.shape_cast %parallel_loop3A_119 : vector<1x16xf32> to vector<16xf32>
        %parallel_loop3A_121 = vector.shape_cast %parallel_loop3A_116 : vector<16xf32> to vector<1x16xf32>
        tpu.vector_store %arg9[%parallel_loop3A_117, %parallel_loop3A_118], %parallel_loop3A_121 {strides = array<i32>} : memref<80x144xf32, #tpu.memory_space<vmem>>, vector<1x16xf32>,
        %parallel_loop3A_122 = arith.index_cast %parallel_loop3A_35 : i32 to index
        %parallel_loop3A_123 = arith.constant 96 : index
        %parallel_loop3A_124 = tpu.vector_load %arg9[%parallel_loop3A_122, %parallel_loop3A_123] {strides = array<i32>} : memref<80x144xf32, #tpu.memory_space<vmem>>, vector<1x16xf32>,
        %parallel_loop3A_125 = vector.shape_cast %parallel_loop3A_124 : vector<1x16xf32> to vector<16xf32>
        %parallel_loop3A_126 = arith.mulf %parallel_loop3A_125, %parallel_loop3A_61 : vector<16xf32>
        %parallel_loop3A_127 = arith.index_cast %parallel_loop3A_35 : i32 to index
        %parallel_loop3A_128 = arith.constant 96 : index
        %parallel_loop3A_129 = tpu.vector_load %arg9[%parallel_loop3A_127, %parallel_loop3A_128] {strides = array<i32>} : memref<80x144xf32, #tpu.memory_space<vmem>>, vector<1x16xf32>,
        %parallel_loop3A_130 = vector.shape_cast %parallel_loop3A_129 : vector<1x16xf32> to vector<16xf32>
        %parallel_loop3A_131 = vector.shape_cast %parallel_loop3A_126 : vector<16xf32> to vector<1x16xf32>
        tpu.vector_store %arg9[%parallel_loop3A_127, %parallel_loop3A_128], %parallel_loop3A_131 {strides = array<i32>} : memref<80x144xf32, #tpu.memory_space<vmem>>, vector<1x16xf32>,
        %parallel_loop3A_132 = arith.index_cast %parallel_loop3A_35 : i32 to index
        %parallel_loop3A_133 = arith.constant 112 : index
        %parallel_loop3A_134 = tpu.vector_load %arg9[%parallel_loop3A_132, %parallel_loop3A_133] {strides = array<i32>} : memref<80x144xf32, #tpu.memory_space<vmem>>, vector<1x16xf32>,
        %parallel_loop3A_135 = vector.shape_cast %parallel_loop3A_134 : vector<1x16xf32> to vector<16xf32>
        %parallel_loop3A_136 = arith.mulf %parallel_loop3A_135, %parallel_loop3A_61 : vector<16xf32>
        %parallel_loop3A_137 = arith.index_cast %parallel_loop3A_35 : i32 to index
        %parallel_loop3A_138 = arith.constant 112 : index
        %parallel_loop3A_139 = tpu.vector_load %arg9[%parallel_loop3A_137, %parallel_loop3A_138] {strides = array<i32>} : memref<80x144xf32, #tpu.memory_space<vmem>>, vector<1x16xf32>,
        %parallel_loop3A_140 = vector.shape_cast %parallel_loop3A_139 : vector<1x16xf32> to vector<16xf32>
        %parallel_loop3A_141 = vector.shape_cast %parallel_loop3A_136 : vector<16xf32> to vector<1x16xf32>
        tpu.vector_store %arg9[%parallel_loop3A_137, %parallel_loop3A_138], %parallel_loop3A_141 {strides = array<i32>} : memref<80x144xf32, #tpu.memory_space<vmem>>, vector<1x16xf32>,
        %parallel_loop3A_142 = arith.index_cast %parallel_loop3A_35 : i32 to index
        %parallel_loop3A_143 = arith.constant 128 : index
        %parallel_loop3A_144 = tpu.vector_load %arg9[%parallel_loop3A_142, %parallel_loop3A_143] {strides = array<i32>} : memref<80x144xf32, #tpu.memory_space<vmem>>, vector<1x16xf32>,
        %parallel_loop3A_145 = vector.shape_cast %parallel_loop3A_144 : vector<1x16xf32> to vector<16xf32>
        %parallel_loop3A_146 = vector.shape_cast %parallel_loop3A_58 : vector<16xf32> to vector<1x16xf32>
        tpu.vector_store %arg9[%parallel_loop3A_142, %parallel_loop3A_143], %parallel_loop3A_146 {strides = array<i32>} : memref<80x144xf32, #tpu.memory_space<vmem>>, vector<1x16xf32>,
      } {sc.loop_unroll_factor = 4 : i64, sc.parallel_access}
      "tpu.region"() ({
        %run_scoped3A = tpu.sem_alloc : memref<!tpu.dma_semaphore, #tpu.memory_space<semaphore_mem>>
        %dma_start3A = arith.constant 0 : i32
        %dma_start3A_35 = arith.constant 0 : i32
        %dma_start3A_36 = tpu.memref_slice %arg16[%dma_start3A, %dma_start3A_35] : memref<10000x144xf32, #tpu.memory_space<vmem_shared>> -> memref<10000x144xf32, #tpu.memory_space<vmem_shared>>
        tpu.enqueue_indirect_dma source(%arg9 : memref<80x144xf32, #tpu.memory_space<vmem>>) target(%dma_start3A_36 : memref<10000x144xf32, #tpu.memory_space<vmem_shared>>) offsets(%arg13 : memref<80xi32, #tpu.memory_space<vmem>>) semaphore(%run_scoped3A : memref<!tpu.dma_semaphore, #tpu.memory_space<semaphore_mem>>) {add = true}
        %dma_wait3A = arith.constant 0 : i32
        %dma_wait3A_37 = arith.constant 0 : i32
        %dma_wait3A_38 = tpu.memref_slice %arg16[%dma_wait3A, %dma_wait3A_37] : memref<10000x144xf32, #tpu.memory_space<vmem_shared>> -> memref<10000x144xf32, #tpu.memory_space<vmem_shared>>
        tpu.wait_indirect_dma semaphore(%run_scoped3A : memref<!tpu.dma_semaphore, #tpu.memory_space<semaphore_mem>>) src(%arg9 : memref<80x144xf32, #tpu.memory_space<vmem>>) dst(%dma_wait3A_38 : memref<10000x144xf32, #tpu.memory_space<vmem_shared>>)
        tpu.yield
      }) : () -> ()
    }
    %scan3A_24 = arith.constant 125 : i32
    %barrier3A_25 = arith.constant 0 : index
    tpu.barrier barrier_id(%barrier3A_25)
    %scan3A_26 = arith.constant 0 : i32
    %scan3A_27 = arith.constant 0 : i32
    %scan3A_28 = arith.constant 7 : i32
    %scan3A_29 = arith.addi %scan3A_27, %scan3A_28 : i32
    %scan3A_30 = arith.constant 1 : i32
    scf.for %scan3A_32 = %scan3A_27 to %scan3A_29 step %scan3A_30  : i32 {
      %mul3A_33 = arith.constant 16 : i32
      %mul3A_34 = arith.muli %scan3A_32, %mul3A_33 : i32
      %add3A_35 = arith.addi %arg1, %mul3A_34 : i32
      %lt3A_36 = arith.constant 100 : i32
      %lt3A_37 = arith.cmpi slt, %add3A_35, %lt3A_36 : i32
      %convert_element_type3A = arith.extui %lt3A_37 : i1 to i32
      %cond3A = arith.constant 0 : i32
      %cond3A_38 = arith.cmpi ne, %convert_element_type3A, %cond3A : i32
      scf.if %cond3A_38 {
        %mul3A_39 = arith.constant 100 : i32
        %mul3A_40 = arith.muli %add3A_35, %mul3A_39 : i32
        "tpu.region"() ({
          %run_scoped3A = tpu.sem_alloc : memref<!tpu.dma_semaphore, #tpu.memory_space<semaphore_mem>>
          %dma_start3A = arith.constant 0 : i32
          %dma_start3A_41 = tpu.memref_slice %arg16[%mul3A_40, %dma_start3A] : memref<10000x144xf32, #tpu.memory_space<vmem_shared>> -> memref<100x144xf32, #tpu.memory_space<vmem_shared>>
          %dma_start3A_42 = arith.constant 0 : i32
          %dma_start3A_43 = tpu.memref_slice %arg16[%mul3A_40, %dma_start3A_42] : memref<10000x144xf32, #tpu.memory_space<vmem_shared>> -> memref<100x144xf32, #tpu.memory_space<vmem_shared>>
          tpu.enqueue_dma source(%dma_start3A_43 : memref<100x144xf32, #tpu.memory_space<vmem_shared>>) target(%arg15 : memref<100x144xf32, #tpu.memory_space<vmem>>) target_semaphore(%run_scoped3A : memref<!tpu.dma_semaphore, #tpu.memory_space<semaphore_mem>>)
          %dma_wait3A = arith.constant 0 : i32
          %dma_wait3A_44 = tpu.memref_slice %arg16[%mul3A_40, %dma_wait3A] : memref<10000x144xf32, #tpu.memory_space<vmem_shared>> -> memref<100x144xf32, #tpu.memory_space<vmem_shared>>
          %dma_wait3A_45 = arith.constant 0 : i32
          %dma_wait3A_46 = tpu.memref_slice %arg16[%mul3A_40, %dma_wait3A_45] : memref<10000x144xf32, #tpu.memory_space<vmem_shared>> -> memref<100x144xf32, #tpu.memory_space<vmem_shared>>
          tpu.wait_dma2 semaphore(%run_scoped3A : memref<!tpu.dma_semaphore, #tpu.memory_space<semaphore_mem>>) src(%dma_wait3A_46 : memref<100x144xf32, #tpu.memory_space<vmem_shared>>) dst(%arg15 : memref<100x144xf32, #tpu.memory_space<vmem>>)
          tpu.yield
        }) : () -> ()
        "tpu.region"() ({
          %run_scoped3A = tpu.sem_alloc : memref<!tpu.dma_semaphore, #tpu.memory_space<semaphore_mem>>
          %dma_start3A = arith.constant 0 : i32
          %dma_start3A_41 = tpu.memref_slice %arg8[%arg0, %mul3A_40, %dma_start3A] : memref<2x10000x144xf32, #tpu.memory_space<hbm>> -> memref<1x100x144xf32, #tpu.memory_space<hbm>>
          %dma_start3A_42 = tpu.memref_squeeze %dma_start3A_41 : memref<1x100x144xf32, #tpu.memory_space<hbm>> -> memref<100x144xf32, #tpu.memory_space<hbm>>
          %dma_start3A_43 = arith.constant 0 : i32
          %dma_start3A_44 = tpu.memref_slice %arg8[%arg0, %mul3A_40, %dma_start3A_43] : memref<2x10000x144xf32, #tpu.memory_space<hbm>> -> memref<1x100x144xf32, #tpu.memory_space<hbm>>
          %dma_start3A_45 = tpu.memref_squeeze %dma_start3A_44 : memref<1x100x144xf32, #tpu.memory_space<hbm>> -> memref<100x144xf32, #tpu.memory_space<hbm>>
          tpu.enqueue_dma source(%arg15 : memref<100x144xf32, #tpu.memory_space<vmem>>) target(%dma_start3A_45 : memref<100x144xf32, #tpu.memory_space<hbm>>) target_semaphore(%run_scoped3A : memref<!tpu.dma_semaphore, #tpu.memory_space<semaphore_mem>>)
          %dma_wait3A = arith.constant 0 : i32
          %dma_wait3A_46 = tpu.memref_slice %arg8[%arg0, %mul3A_40, %dma_wait3A] : memref<2x10000x144xf32, #tpu.memory_space<hbm>> -> memref<1x100x144xf32, #tpu.memory_space<hbm>>
          %dma_wait3A_47 = tpu.memref_squeeze %dma_wait3A_46 : memref<1x100x144xf32, #tpu.memory_space<hbm>> -> memref<100x144xf32, #tpu.memory_space<hbm>>
          %dma_wait3A_48 = arith.constant 0 : i32
          %dma_wait3A_49 = tpu.memref_slice %arg8[%arg0, %mul3A_40, %dma_wait3A_48] : memref<2x10000x144xf32, #tpu.memory_space<hbm>> -> memref<1x100x144xf32, #tpu.memory_space<hbm>>
          %dma_wait3A_50 = tpu.memref_squeeze %dma_wait3A_49 : memref<1x100x144xf32, #tpu.memory_space<hbm>> -> memref<100x144xf32, #tpu.memory_space<hbm>>
          tpu.wait_dma2 semaphore(%run_scoped3A : memref<!tpu.dma_semaphore, #tpu.memory_space<semaphore_mem>>) src(%arg15 : memref<100x144xf32, #tpu.memory_space<vmem>>) dst(%dma_wait3A_50 : memref<100x144xf32, #tpu.memory_space<hbm>>)
          tpu.yield
        }) : () -> ()
      } else {
      }
    }
    %scan3A_31 = arith.constant 7 : i32
    return
  }
}

#map = affine_map<(d0, d1) -> (0, 0)>
#map1 = affine_map<(d0, d1) -> (0)>
#map2 = affine_map<(d0, d1) -> (0, 0, 0)>
module attributes {stable_mosaic.version = 14 : i64} {
  func.func @_edge_body(%arg0: i32, %arg1: i32, %arg2: memref<10000x16xf32, #tpu.memory_space<hbm>>, %arg3: memref<10000x16xf32, #tpu.memory_space<hbm>>, %arg4: memref<16xf32, #tpu.memory_space<hbm>>, %arg5: memref<10000x144xf32, #tpu.memory_space<hbm>>, %arg6: memref<32x125x80xi32, #tpu.memory_space<hbm>>, %arg7: memref<32x125x80xi32, #tpu.memory_space<hbm>>, %arg8: memref<2x10000x144xf32, #tpu.memory_space<hbm>>, %arg9: memref<80x144xf32, #tpu.memory_space<vmem>>, %arg10: memref<80x16xf32, #tpu.memory_space<vmem>>, %arg11: memref<80x16xf32, #tpu.memory_space<vmem>>, %arg12: memref<80xi32, #tpu.memory_space<vmem>>, %arg13: memref<80xi32, #tpu.memory_space<vmem>>, %arg14: memref<16xf32, #tpu.memory_space<vmem>>, %arg15: memref<100x144xf32, #tpu.memory_space<vmem>>, %arg16: memref<10000x144xf32, #tpu.memory_space<vmem_shared>>) attributes {dimension_semantics = [#tpu.dimension_semantics<core_parallel>, #tpu.dimension_semantics<subcore_parallel>], iteration_bounds = array<i64: 2, 16>, scalar_prefetch = 0 : i64, scratch_operands = 8 : i64, tpu.core_type = #tpu.core_type<sc_vector_subcore>, window_params = [{transform_indices = #map}, {transform_indices = #map}, {transform_indices = #map1}, {transform_indices = #map}, {transform_indices = #map2}, {transform_indices = #map2}, {transform_indices = #map2}]} {
    %mul3A = arith.constant 2 : i32
    %mul3A_0 = arith.muli %arg1, %mul3A : i32
    %add3A = arith.addi %mul3A_0, %arg0 : i32
    %iota3A = tpu.iota {dimensions = array<i32: 0>} : vector<16xi32>
    %lt3A = arith.constant 8 : i32
    %lt3A_1 = vector.broadcast %lt3A : i32 to vector<16xi32>
    %lt3A_2 = arith.cmpi slt, %iota3A, %lt3A_1 : vector<16xi32>
    %sub3A = arith.constant 8 : i32
    %sub3A_3 = vector.broadcast %sub3A : i32 to vector<16xi32>
    %sub3A_4 = arith.subi %iota3A, %sub3A_3 : vector<16xi32>
    %select_n3A = arith.select %lt3A_2, %iota3A, %sub3A_4 : vector<16xi1>, vector<16xi32>
    %broadcast_in_dim3A = arith.constant 0.000000e+00 : f32
    %broadcast_in_dim3A_5 = vector.broadcast %broadcast_in_dim3A : f32 to vector<16xf32>
    "tpu.region"() ({
      %run_scoped3A = tpu.sem_alloc : memref<!tpu.dma_semaphore, #tpu.memory_space<semaphore_mem>>
      tpu.enqueue_dma source(%arg4 : memref<16xf32, #tpu.memory_space<hbm>>) target(%arg14 : memref<16xf32, #tpu.memory_space<vmem>>) target_semaphore(%run_scoped3A : memref<!tpu.dma_semaphore, #tpu.memory_space<semaphore_mem>>)
      tpu.wait_dma2 semaphore(%run_scoped3A : memref<!tpu.dma_semaphore, #tpu.memory_space<semaphore_mem>>) src(%arg4 : memref<16xf32, #tpu.memory_space<hbm>>) dst(%arg14 : memref<16xf32, #tpu.memory_space<vmem>>)
      tpu.yield
    }) : () -> ()
    %scan3A = arith.constant 0 : i32
    %scan3A_6 = arith.constant 0 : i32
    %scan3A_7 = arith.constant 100 : i32
    %scan3A_8 = arith.addi %scan3A_6, %scan3A_7 : i32
    %scan3A_9 = arith.constant 1 : i32
    scf.for %scan3A_32 = %scan3A_6 to %scan3A_8 step %scan3A_9  : i32 {
      %swap3A = arith.index_cast %scan3A_32 : i32 to index
      %swap3A_33 = arith.constant 0 : index
      %swap3A_34 = tpu.vector_load %arg15[%swap3A, %swap3A_33] {strides = array<i32>} : memref<100x144xf32, #tpu.memory_space<vmem>>, vector<1x16xf32>,
      %swap3A_35 = vector.shape_cast %swap3A_34 : vector<1x16xf32> to vector<16xf32>
      %swap3A_36 = vector.shape_cast %broadcast_in_dim3A_5 : vector<16xf32> to vector<1x16xf32>
      tpu.vector_store %arg15[%swap3A, %swap3A_33], %swap3A_36 {strides = array<i32>} : memref<100x144xf32, #tpu.memory_space<vmem>>, vector<1x16xf32>,
      %swap3A_37 = arith.index_cast %scan3A_32 : i32 to index
      %swap3A_38 = arith.constant 16 : index
      %swap3A_39 = tpu.vector_load %arg15[%swap3A_37, %swap3A_38] {strides = array<i32>} : memref<100x144xf32, #tpu.memory_space<vmem>>, vector<1x16xf32>,
      %swap3A_40 = vector.shape_cast %swap3A_39 : vector<1x16xf32> to vector<16xf32>
      %swap3A_41 = vector.shape_cast %broadcast_in_dim3A_5 : vector<16xf32> to vector<1x16xf32>
      tpu.vector_store %arg15[%swap3A_37, %swap3A_38], %swap3A_41 {strides = array<i32>} : memref<100x144xf32, #tpu.memory_space<vmem>>, vector<1x16xf32>,
      %swap3A_42 = arith.index_cast %scan3A_32 : i32 to index
      %swap3A_43 = arith.constant 32 : index
      %swap3A_44 = tpu.vector_load %arg15[%swap3A_42, %swap3A_43] {strides = array<i32>} : memref<100x144xf32, #tpu.memory_space<vmem>>, vector<1x16xf32>,
      %swap3A_45 = vector.shape_cast %swap3A_44 : vector<1x16xf32> to vector<16xf32>
      %swap3A_46 = vector.shape_cast %broadcast_in_dim3A_5 : vector<16xf32> to vector<1x16xf32>
      tpu.vector_store %arg15[%swap3A_42, %swap3A_43], %swap3A_46 {strides = array<i32>} : memref<100x144xf32, #tpu.memory_space<vmem>>, vector<1x16xf32>,
      %swap3A_47 = arith.index_cast %scan3A_32 : i32 to index
      %swap3A_48 = arith.constant 48 : index
      %swap3A_49 = tpu.vector_load %arg15[%swap3A_47, %swap3A_48] {strides = array<i32>} : memref<100x144xf32, #tpu.memory_space<vmem>>, vector<1x16xf32>,
      %swap3A_50 = vector.shape_cast %swap3A_49 : vector<1x16xf32> to vector<16xf32>
      %swap3A_51 = vector.shape_cast %broadcast_in_dim3A_5 : vector<16xf32> to vector<1x16xf32>
      tpu.vector_store %arg15[%swap3A_47, %swap3A_48], %swap3A_51 {strides = array<i32>} : memref<100x144xf32, #tpu.memory_space<vmem>>, vector<1x16xf32>,
      %swap3A_52 = arith.index_cast %scan3A_32 : i32 to index
      %swap3A_53 = arith.constant 64 : index
      %swap3A_54 = tpu.vector_load %arg15[%swap3A_52, %swap3A_53] {strides = array<i32>} : memref<100x144xf32, #tpu.memory_space<vmem>>, vector<1x16xf32>,
      %swap3A_55 = vector.shape_cast %swap3A_54 : vector<1x16xf32> to vector<16xf32>
      %swap3A_56 = vector.shape_cast %broadcast_in_dim3A_5 : vector<16xf32> to vector<1x16xf32>
      tpu.vector_store %arg15[%swap3A_52, %swap3A_53], %swap3A_56 {strides = array<i32>} : memref<100x144xf32, #tpu.memory_space<vmem>>, vector<1x16xf32>,
      %swap3A_57 = arith.index_cast %scan3A_32 : i32 to index
      %swap3A_58 = arith.constant 80 : index
      %swap3A_59 = tpu.vector_load %arg15[%swap3A_57, %swap3A_58] {strides = array<i32>} : memref<100x144xf32, #tpu.memory_space<vmem>>, vector<1x16xf32>,
      %swap3A_60 = vector.shape_cast %swap3A_59 : vector<1x16xf32> to vector<16xf32>
      %swap3A_61 = vector.shape_cast %broadcast_in_dim3A_5 : vector<16xf32> to vector<1x16xf32>
      tpu.vector_store %arg15[%swap3A_57, %swap3A_58], %swap3A_61 {strides = array<i32>} : memref<100x144xf32, #tpu.memory_space<vmem>>, vector<1x16xf32>,
      %swap3A_62 = arith.index_cast %scan3A_32 : i32 to index
      %swap3A_63 = arith.constant 96 : index
      %swap3A_64 = tpu.vector_load %arg15[%swap3A_62, %swap3A_63] {strides = array<i32>} : memref<100x144xf32, #tpu.memory_space<vmem>>, vector<1x16xf32>,
      %swap3A_65 = vector.shape_cast %swap3A_64 : vector<1x16xf32> to vector<16xf32>
      %swap3A_66 = vector.shape_cast %broadcast_in_dim3A_5 : vector<16xf32> to vector<1x16xf32>
      tpu.vector_store %arg15[%swap3A_62, %swap3A_63], %swap3A_66 {strides = array<i32>} : memref<100x144xf32, #tpu.memory_space<vmem>>, vector<1x16xf32>,
      %swap3A_67 = arith.index_cast %scan3A_32 : i32 to index
      %swap3A_68 = arith.constant 112 : index
      %swap3A_69 = tpu.vector_load %arg15[%swap3A_67, %swap3A_68] {strides = array<i32>} : memref<100x144xf32, #tpu.memory_space<vmem>>, vector<1x16xf32>,
      %swap3A_70 = vector.shape_cast %swap3A_69 : vector<1x16xf32> to vector<16xf32>
      %swap3A_71 = vector.shape_cast %broadcast_in_dim3A_5 : vector<16xf32> to vector<1x16xf32>
      tpu.vector_store %arg15[%swap3A_67, %swap3A_68], %swap3A_71 {strides = array<i32>} : memref<100x144xf32, #tpu.memory_space<vmem>>, vector<1x16xf32>,
      %swap3A_72 = arith.index_cast %scan3A_32 : i32 to index
      %swap3A_73 = arith.constant 128 : index
      %swap3A_74 = tpu.vector_load %arg15[%swap3A_72, %swap3A_73] {strides = array<i32>} : memref<100x144xf32, #tpu.memory_space<vmem>>, vector<1x16xf32>,
      %swap3A_75 = vector.shape_cast %swap3A_74 : vector<1x16xf32> to vector<16xf32>
      %swap3A_76 = vector.shape_cast %broadcast_in_dim3A_5 : vector<16xf32> to vector<1x16xf32>
      tpu.vector_store %arg15[%swap3A_72, %swap3A_73], %swap3A_76 {strides = array<i32>} : memref<100x144xf32, #tpu.memory_space<vmem>>, vector<1x16xf32>,
    }
    %scan3A_10 = arith.constant 100 : i32
    %scan3A_11 = arith.constant 0 : i32
    %scan3A_12 = arith.constant 0 : i32
    %scan3A_13 = arith.constant 7 : i32
    %scan3A_14 = arith.addi %scan3A_12, %scan3A_13 : i32
    %scan3A_15 = arith.constant 1 : i32
    scf.for %scan3A_32 = %scan3A_12 to %scan3A_14 step %scan3A_15  : i32 {
      %mul3A_33 = arith.constant 16 : i32
      %mul3A_34 = arith.muli %scan3A_32, %mul3A_33 : i32
      %add3A_35 = arith.addi %arg1, %mul3A_34 : i32
      %lt3A_36 = arith.constant 100 : i32
      %lt3A_37 = arith.cmpi slt, %add3A_35, %lt3A_36 : i32
      %convert_element_type3A = arith.extui %lt3A_37 : i1 to i32
      %cond3A = arith.constant 0 : i32
      %cond3A_38 = arith.cmpi ne, %convert_element_type3A, %cond3A : i32
      scf.if %cond3A_38 {
        %mul3A_39 = arith.constant 100 : i32
        %mul3A_40 = arith.muli %add3A_35, %mul3A_39 : i32
        "tpu.region"() ({
          %run_scoped3A = tpu.sem_alloc : memref<!tpu.dma_semaphore, #tpu.memory_space<semaphore_mem>>
          %dma_start3A = arith.constant 0 : i32
          %dma_start3A_41 = tpu.memref_slice %arg16[%mul3A_40, %dma_start3A] : memref<10000x144xf32, #tpu.memory_space<vmem_shared>> -> memref<100x144xf32, #tpu.memory_space<vmem_shared>>
          %dma_start3A_42 = arith.constant 0 : i32
          %dma_start3A_43 = tpu.memref_slice %arg16[%mul3A_40, %dma_start3A_42] : memref<10000x144xf32, #tpu.memory_space<vmem_shared>> -> memref<100x144xf32, #tpu.memory_space<vmem_shared>>
          tpu.enqueue_dma source(%arg15 : memref<100x144xf32, #tpu.memory_space<vmem>>) target(%dma_start3A_43 : memref<100x144xf32, #tpu.memory_space<vmem_shared>>) target_semaphore(%run_scoped3A : memref<!tpu.dma_semaphore, #tpu.memory_space<semaphore_mem>>)
          %dma_wait3A = arith.constant 0 : i32
          %dma_wait3A_44 = tpu.memref_slice %arg16[%mul3A_40, %dma_wait3A] : memref<10000x144xf32, #tpu.memory_space<vmem_shared>> -> memref<100x144xf32, #tpu.memory_space<vmem_shared>>
          %dma_wait3A_45 = arith.constant 0 : i32
          %dma_wait3A_46 = tpu.memref_slice %arg16[%mul3A_40, %dma_wait3A_45] : memref<10000x144xf32, #tpu.memory_space<vmem_shared>> -> memref<100x144xf32, #tpu.memory_space<vmem_shared>>
          tpu.wait_dma2 semaphore(%run_scoped3A : memref<!tpu.dma_semaphore, #tpu.memory_space<semaphore_mem>>) src(%arg15 : memref<100x144xf32, #tpu.memory_space<vmem>>) dst(%dma_wait3A_46 : memref<100x144xf32, #tpu.memory_space<vmem_shared>>)
          tpu.yield
        }) : () -> ()
      } else {
      }
    }
    %scan3A_16 = arith.constant 7 : i32
    %barrier3A = arith.constant 0 : index
    tpu.barrier barrier_id(%barrier3A)
    %get3A = arith.constant 0 : index
    %get3A_17 = tpu.vector_load %arg14[%get3A] {strides = array<i32>} : memref<16xf32, #tpu.memory_space<vmem>>, vector<16xf32>,
    %get3A_18 = vector.shape_cast %get3A_17 : vector<16xf32> to vector<16xf32>
    %scan3A_19 = arith.constant 0 : i32
    %scan3A_20 = arith.constant 0 : i32
    %scan3A_21 = arith.constant 125 : i32
    %scan3A_22 = arith.addi %scan3A_20, %scan3A_21 : i32
    %scan3A_23 = arith.constant 1 : i32
    scf.for %scan3A_32 = %scan3A_20 to %scan3A_22 step %scan3A_23  : i32 {
      "tpu.region"() ({
        %run_scoped3A = tpu.sem_alloc : memref<!tpu.dma_semaphore, #tpu.memory_space<semaphore_mem>>
        %dma_start3A = arith.constant 0 : i32
        %dma_start3A_35 = tpu.memref_slice %arg6[%add3A, %scan3A_32, %dma_start3A] : memref<32x125x80xi32, #tpu.memory_space<hbm>> -> memref<1x1x80xi32, #tpu.memory_space<hbm>>
        %dma_start3A_36 = tpu.memref_squeeze %dma_start3A_35 : memref<1x1x80xi32, #tpu.memory_space<hbm>> -> memref<80xi32, #tpu.memory_space<hbm>>
        %dma_start3A_37 = arith.constant 0 : i32
        %dma_start3A_38 = tpu.memref_slice %arg6[%add3A, %scan3A_32, %dma_start3A_37] : memref<32x125x80xi32, #tpu.memory_space<hbm>> -> memref<1x1x80xi32, #tpu.memory_space<hbm>>
        %dma_start3A_39 = tpu.memref_squeeze %dma_start3A_38 : memref<1x1x80xi32, #tpu.memory_space<hbm>> -> memref<80xi32, #tpu.memory_space<hbm>>
        tpu.enqueue_dma source(%dma_start3A_39 : memref<80xi32, #tpu.memory_space<hbm>>) target(%arg12 : memref<80xi32, #tpu.memory_space<vmem>>) target_semaphore(%run_scoped3A : memref<!tpu.dma_semaphore, #tpu.memory_space<semaphore_mem>>)
        %dma_wait3A = arith.constant 0 : i32
        %dma_wait3A_40 = tpu.memref_slice %arg6[%add3A, %scan3A_32, %dma_wait3A] : memref<32x125x80xi32, #tpu.memory_space<hbm>> -> memref<1x1x80xi32, #tpu.memory_space<hbm>>
        %dma_wait3A_41 = tpu.memref_squeeze %dma_wait3A_40 : memref<1x1x80xi32, #tpu.memory_space<hbm>> -> memref<80xi32, #tpu.memory_space<hbm>>
        %dma_wait3A_42 = arith.constant 0 : i32
        %dma_wait3A_43 = tpu.memref_slice %arg6[%add3A, %scan3A_32, %dma_wait3A_42] : memref<32x125x80xi32, #tpu.memory_space<hbm>> -> memref<1x1x80xi32, #tpu.memory_space<hbm>>
        %dma_wait3A_44 = tpu.memref_squeeze %dma_wait3A_43 : memref<1x1x80xi32, #tpu.memory_space<hbm>> -> memref<80xi32, #tpu.memory_space<hbm>>
        tpu.wait_dma2 semaphore(%run_scoped3A : memref<!tpu.dma_semaphore, #tpu.memory_space<semaphore_mem>>) src(%dma_wait3A_44 : memref<80xi32, #tpu.memory_space<hbm>>) dst(%arg12 : memref<80xi32, #tpu.memory_space<vmem>>)
        tpu.yield
      }) : () -> ()
      "tpu.region"() ({
        %run_scoped3A = tpu.sem_alloc : memref<!tpu.dma_semaphore, #tpu.memory_space<semaphore_mem>>
        %dma_start3A = arith.constant 0 : i32
        %dma_start3A_35 = tpu.memref_slice %arg7[%add3A, %scan3A_32, %dma_start3A] : memref<32x125x80xi32, #tpu.memory_space<hbm>> -> memref<1x1x80xi32, #tpu.memory_space<hbm>>
        %dma_start3A_36 = tpu.memref_squeeze %dma_start3A_35 : memref<1x1x80xi32, #tpu.memory_space<hbm>> -> memref<80xi32, #tpu.memory_space<hbm>>
        %dma_start3A_37 = arith.constant 0 : i32
        %dma_start3A_38 = tpu.memref_slice %arg7[%add3A, %scan3A_32, %dma_start3A_37] : memref<32x125x80xi32, #tpu.memory_space<hbm>> -> memref<1x1x80xi32, #tpu.memory_space<hbm>>
        %dma_start3A_39 = tpu.memref_squeeze %dma_start3A_38 : memref<1x1x80xi32, #tpu.memory_space<hbm>> -> memref<80xi32, #tpu.memory_space<hbm>>
        tpu.enqueue_dma source(%dma_start3A_39 : memref<80xi32, #tpu.memory_space<hbm>>) target(%arg13 : memref<80xi32, #tpu.memory_space<vmem>>) target_semaphore(%run_scoped3A : memref<!tpu.dma_semaphore, #tpu.memory_space<semaphore_mem>>)
        %dma_wait3A = arith.constant 0 : i32
        %dma_wait3A_40 = tpu.memref_slice %arg7[%add3A, %scan3A_32, %dma_wait3A] : memref<32x125x80xi32, #tpu.memory_space<hbm>> -> memref<1x1x80xi32, #tpu.memory_space<hbm>>
        %dma_wait3A_41 = tpu.memref_squeeze %dma_wait3A_40 : memref<1x1x80xi32, #tpu.memory_space<hbm>> -> memref<80xi32, #tpu.memory_space<hbm>>
        %dma_wait3A_42 = arith.constant 0 : i32
        %dma_wait3A_43 = tpu.memref_slice %arg7[%add3A, %scan3A_32, %dma_wait3A_42] : memref<32x125x80xi32, #tpu.memory_space<hbm>> -> memref<1x1x80xi32, #tpu.memory_space<hbm>>
        %dma_wait3A_44 = tpu.memref_squeeze %dma_wait3A_43 : memref<1x1x80xi32, #tpu.memory_space<hbm>> -> memref<80xi32, #tpu.memory_space<hbm>>
        tpu.wait_dma2 semaphore(%run_scoped3A : memref<!tpu.dma_semaphore, #tpu.memory_space<semaphore_mem>>) src(%dma_wait3A_44 : memref<80xi32, #tpu.memory_space<hbm>>) dst(%arg13 : memref<80xi32, #tpu.memory_space<vmem>>)
        tpu.yield
      }) : () -> ()
      "tpu.region"() ({
        %run_scoped3A = tpu.sem_alloc : memref<!tpu.dma_semaphore, #tpu.memory_space<semaphore_mem>>
        %dma_start3A = arith.constant 0 : i32
        %dma_start3A_35 = arith.constant 0 : i32
        %dma_start3A_36 = tpu.memref_slice %arg2[%dma_start3A, %dma_start3A_35] : memref<10000x16xf32, #tpu.memory_space<hbm>> -> memref<10000x16xf32, #tpu.memory_space<hbm>>
        tpu.enqueue_indirect_dma source(%dma_start3A_36 : memref<10000x16xf32, #tpu.memory_space<hbm>>) target(%arg10 : memref<80x16xf32, #tpu.memory_space<vmem>>) offsets(%arg12 : memref<80xi32, #tpu.memory_space<vmem>>) semaphore(%run_scoped3A : memref<!tpu.dma_semaphore, #tpu.memory_space<semaphore_mem>>)
        %dma_wait3A = arith.constant 0 : i32
        %dma_wait3A_37 = arith.constant 0 : i32
        %dma_wait3A_38 = tpu.memref_slice %arg2[%dma_wait3A, %dma_wait3A_37] : memref<10000x16xf32, #tpu.memory_space<hbm>> -> memref<10000x16xf32, #tpu.memory_space<hbm>>
        tpu.wait_indirect_dma semaphore(%run_scoped3A : memref<!tpu.dma_semaphore, #tpu.memory_space<semaphore_mem>>) src(%dma_wait3A_38 : memref<10000x16xf32, #tpu.memory_space<hbm>>) dst(%arg10 : memref<80x16xf32, #tpu.memory_space<vmem>>)
        tpu.yield
      }) : () -> ()
      "tpu.region"() ({
        %run_scoped3A = tpu.sem_alloc : memref<!tpu.dma_semaphore, #tpu.memory_space<semaphore_mem>>
        %dma_start3A = arith.constant 0 : i32
        %dma_start3A_35 = arith.constant 0 : i32
        %dma_start3A_36 = tpu.memref_slice %arg3[%dma_start3A, %dma_start3A_35] : memref<10000x16xf32, #tpu.memory_space<hbm>> -> memref<10000x16xf32, #tpu.memory_space<hbm>>
        tpu.enqueue_indirect_dma source(%dma_start3A_36 : memref<10000x16xf32, #tpu.memory_space<hbm>>) target(%arg11 : memref<80x16xf32, #tpu.memory_space<vmem>>) offsets(%arg13 : memref<80xi32, #tpu.memory_space<vmem>>) semaphore(%run_scoped3A : memref<!tpu.dma_semaphore, #tpu.memory_space<semaphore_mem>>)
        %dma_wait3A = arith.constant 0 : i32
        %dma_wait3A_37 = arith.constant 0 : i32
        %dma_wait3A_38 = tpu.memref_slice %arg3[%dma_wait3A, %dma_wait3A_37] : memref<10000x16xf32, #tpu.memory_space<hbm>> -> memref<10000x16xf32, #tpu.memory_space<hbm>>
        tpu.wait_indirect_dma semaphore(%run_scoped3A : memref<!tpu.dma_semaphore, #tpu.memory_space<semaphore_mem>>) src(%dma_wait3A_38 : memref<10000x16xf32, #tpu.memory_space<hbm>>) dst(%arg11 : memref<80x16xf32, #tpu.memory_space<vmem>>)
        tpu.yield
      }) : () -> ()
      "tpu.region"() ({
        %run_scoped3A = tpu.sem_alloc : memref<!tpu.dma_semaphore, #tpu.memory_space<semaphore_mem>>
        %dma_start3A = arith.constant 0 : i32
        %dma_start3A_35 = arith.constant 0 : i32
        %dma_start3A_36 = tpu.memref_slice %arg5[%dma_start3A, %dma_start3A_35] : memref<10000x144xf32, #tpu.memory_space<hbm>> -> memref<10000x144xf32, #tpu.memory_space<hbm>>
        tpu.enqueue_indirect_dma source(%dma_start3A_36 : memref<10000x144xf32, #tpu.memory_space<hbm>>) target(%arg9 : memref<80x144xf32, #tpu.memory_space<vmem>>) offsets(%arg12 : memref<80xi32, #tpu.memory_space<vmem>>) semaphore(%run_scoped3A : memref<!tpu.dma_semaphore, #tpu.memory_space<semaphore_mem>>)
        %dma_wait3A = arith.constant 0 : i32
        %dma_wait3A_37 = arith.constant 0 : i32
        %dma_wait3A_38 = tpu.memref_slice %arg5[%dma_wait3A, %dma_wait3A_37] : memref<10000x144xf32, #tpu.memory_space<hbm>> -> memref<10000x144xf32, #tpu.memory_space<hbm>>
        tpu.wait_indirect_dma semaphore(%run_scoped3A : memref<!tpu.dma_semaphore, #tpu.memory_space<semaphore_mem>>) src(%dma_wait3A_38 : memref<10000x144xf32, #tpu.memory_space<hbm>>) dst(%arg9 : memref<80x144xf32, #tpu.memory_space<vmem>>)
        tpu.yield
      }) : () -> ()
      %parallel_loop3A = arith.constant 0 : i32
      %parallel_loop3A_33 = arith.constant 80 : i32
      %parallel_loop3A_34 = arith.constant 1 : i32
      scf.for %parallel_loop3A_35 = %parallel_loop3A to %parallel_loop3A_33 step %parallel_loop3A_34  : i32 {
        %parallel_loop3A_36 = arith.index_cast %parallel_loop3A_35 : i32 to index
        %parallel_loop3A_37 = arith.constant 0 : index
        %parallel_loop3A_38 = tpu.vector_load %arg10[%parallel_loop3A_36, %parallel_loop3A_37] {strides = array<i32>} : memref<80x16xf32, #tpu.memory_space<vmem>>, vector<1x16xf32>,
        %parallel_loop3A_39 = vector.shape_cast %parallel_loop3A_38 : vector<1x16xf32> to vector<16xf32>
        %parallel_loop3A_40 = arith.index_cast %parallel_loop3A_35 : i32 to index
        %parallel_loop3A_41 = arith.constant 0 : index
        %parallel_loop3A_42 = tpu.vector_load %arg11[%parallel_loop3A_40, %parallel_loop3A_41] {strides = array<i32>} : memref<80x16xf32, #tpu.memory_space<vmem>>, vector<1x16xf32>,
        %parallel_loop3A_43 = vector.shape_cast %parallel_loop3A_42 : vector<1x16xf32> to vector<16xf32>
        %parallel_loop3A_44 = arith.addf %parallel_loop3A_39, %parallel_loop3A_43 : vector<16xf32>
        %parallel_loop3A_45 = arith.constant 0.00999999977 : f32
        %parallel_loop3A_46 = vector.broadcast %parallel_loop3A_45 : f32 to vector<16xf32>
        %parallel_loop3A_47 = arith.mulf %parallel_loop3A_44, %parallel_loop3A_46 : vector<16xf32>
        %parallel_loop3A_48 = arith.maximumf %parallel_loop3A_44, %parallel_loop3A_47 : vector<16xf32>
        %parallel_loop3A_49 = arith.addf %parallel_loop3A_43, %get3A_18 : vector<16xf32>
        %parallel_loop3A_50 = arith.constant 0.00999999977 : f32
        %parallel_loop3A_51 = vector.broadcast %parallel_loop3A_50 : f32 to vector<16xf32>
        %parallel_loop3A_52 = arith.mulf %parallel_loop3A_49, %parallel_loop3A_51 : vector<16xf32>
        %parallel_loop3A_53 = arith.maximumf %parallel_loop3A_49, %parallel_loop3A_52 : vector<16xf32>
        %parallel_loop3A_54 = arith.subf %parallel_loop3A_48, %parallel_loop3A_53 : vector<16xf32>
        %parallel_loop3A_55 = math.exp %parallel_loop3A_54 : vector<16xf32>
        %parallel_loop3A_56 = arith.constant 0.000000e+00 : f32
        %parallel_loop3A_57 = vector.broadcast %parallel_loop3A_56 : f32 to vector<16xf32>
        %parallel_loop3A_58 = arith.select %lt3A_2, %parallel_loop3A_55, %parallel_loop3A_57 : vector<16xi1>, vector<16xf32>
        %parallel_loop3A_59 = vector.shape_cast %select_n3A : vector<16xi32> to vector<16x1xi32>
        %parallel_loop3A_60 = vector.shape_cast %parallel_loop3A_59 : vector<16x1xi32> to vector<16xi32>
        %parallel_loop3A_61 = tpu.dynamic_gather %parallel_loop3A_58[%parallel_loop3A_60] in [0] : vector<16xf32>, vector<16xi32> -> vector<16xf32>
        %parallel_loop3A_62 = arith.index_cast %parallel_loop3A_35 : i32 to index
        %parallel_loop3A_63 = arith.constant 0 : index
        %parallel_loop3A_64 = tpu.vector_load %arg9[%parallel_loop3A_62, %parallel_loop3A_63] {strides = array<i32>} : memref<80x144xf32, #tpu.memory_space<vmem>>, vector<1x16xf32>,
        %parallel_loop3A_65 = vector.shape_cast %parallel_loop3A_64 : vector<1x16xf32> to vector<16xf32>
        %parallel_loop3A_66 = arith.mulf %parallel_loop3A_65, %parallel_loop3A_61 : vector<16xf32>
        %parallel_loop3A_67 = arith.index_cast %parallel_loop3A_35 : i32 to index
        %parallel_loop3A_68 = arith.constant 0 : index
        %parallel_loop3A_69 = tpu.vector_load %arg9[%parallel_loop3A_67, %parallel_loop3A_68] {strides = array<i32>} : memref<80x144xf32, #tpu.memory_space<vmem>>, vector<1x16xf32>,
        %parallel_loop3A_70 = vector.shape_cast %parallel_loop3A_69 : vector<1x16xf32> to vector<16xf32>
        %parallel_loop3A_71 = vector.shape_cast %parallel_loop3A_66 : vector<16xf32> to vector<1x16xf32>
        tpu.vector_store %arg9[%parallel_loop3A_67, %parallel_loop3A_68], %parallel_loop3A_71 {strides = array<i32>} : memref<80x144xf32, #tpu.memory_space<vmem>>, vector<1x16xf32>,
        %parallel_loop3A_72 = arith.index_cast %parallel_loop3A_35 : i32 to index
        %parallel_loop3A_73 = arith.constant 16 : index
        %parallel_loop3A_74 = tpu.vector_load %arg9[%parallel_loop3A_72, %parallel_loop3A_73] {strides = array<i32>} : memref<80x144xf32, #tpu.memory_space<vmem>>, vector<1x16xf32>,
        %parallel_loop3A_75 = vector.shape_cast %parallel_loop3A_74 : vector<1x16xf32> to vector<16xf32>
        %parallel_loop3A_76 = arith.mulf %parallel_loop3A_75, %parallel_loop3A_61 : vector<16xf32>
        %parallel_loop3A_77 = arith.index_cast %parallel_loop3A_35 : i32 to index
        %parallel_loop3A_78 = arith.constant 16 : index
        %parallel_loop3A_79 = tpu.vector_load %arg9[%parallel_loop3A_77, %parallel_loop3A_78] {strides = array<i32>} : memref<80x144xf32, #tpu.memory_space<vmem>>, vector<1x16xf32>,
        %parallel_loop3A_80 = vector.shape_cast %parallel_loop3A_79 : vector<1x16xf32> to vector<16xf32>
        %parallel_loop3A_81 = vector.shape_cast %parallel_loop3A_76 : vector<16xf32> to vector<1x16xf32>
        tpu.vector_store %arg9[%parallel_loop3A_77, %parallel_loop3A_78], %parallel_loop3A_81 {strides = array<i32>} : memref<80x144xf32, #tpu.memory_space<vmem>>, vector<1x16xf32>,
        %parallel_loop3A_82 = arith.index_cast %parallel_loop3A_35 : i32 to index
        %parallel_loop3A_83 = arith.constant 32 : index
        %parallel_loop3A_84 = tpu.vector_load %arg9[%parallel_loop3A_82, %parallel_loop3A_83] {strides = array<i32>} : memref<80x144xf32, #tpu.memory_space<vmem>>, vector<1x16xf32>,
        %parallel_loop3A_85 = vector.shape_cast %parallel_loop3A_84 : vector<1x16xf32> to vector<16xf32>
        %parallel_loop3A_86 = arith.mulf %parallel_loop3A_85, %parallel_loop3A_61 : vector<16xf32>
        %parallel_loop3A_87 = arith.index_cast %parallel_loop3A_35 : i32 to index
        %parallel_loop3A_88 = arith.constant 32 : index
        %parallel_loop3A_89 = tpu.vector_load %arg9[%parallel_loop3A_87, %parallel_loop3A_88] {strides = array<i32>} : memref<80x144xf32, #tpu.memory_space<vmem>>, vector<1x16xf32>,
        %parallel_loop3A_90 = vector.shape_cast %parallel_loop3A_89 : vector<1x16xf32> to vector<16xf32>
        %parallel_loop3A_91 = vector.shape_cast %parallel_loop3A_86 : vector<16xf32> to vector<1x16xf32>
        tpu.vector_store %arg9[%parallel_loop3A_87, %parallel_loop3A_88], %parallel_loop3A_91 {strides = array<i32>} : memref<80x144xf32, #tpu.memory_space<vmem>>, vector<1x16xf32>,
        %parallel_loop3A_92 = arith.index_cast %parallel_loop3A_35 : i32 to index
        %parallel_loop3A_93 = arith.constant 48 : index
        %parallel_loop3A_94 = tpu.vector_load %arg9[%parallel_loop3A_92, %parallel_loop3A_93] {strides = array<i32>} : memref<80x144xf32, #tpu.memory_space<vmem>>, vector<1x16xf32>,
        %parallel_loop3A_95 = vector.shape_cast %parallel_loop3A_94 : vector<1x16xf32> to vector<16xf32>
        %parallel_loop3A_96 = arith.mulf %parallel_loop3A_95, %parallel_loop3A_61 : vector<16xf32>
        %parallel_loop3A_97 = arith.index_cast %parallel_loop3A_35 : i32 to index
        %parallel_loop3A_98 = arith.constant 48 : index
        %parallel_loop3A_99 = tpu.vector_load %arg9[%parallel_loop3A_97, %parallel_loop3A_98] {strides = array<i32>} : memref<80x144xf32, #tpu.memory_space<vmem>>, vector<1x16xf32>,
        %parallel_loop3A_100 = vector.shape_cast %parallel_loop3A_99 : vector<1x16xf32> to vector<16xf32>
        %parallel_loop3A_101 = vector.shape_cast %parallel_loop3A_96 : vector<16xf32> to vector<1x16xf32>
        tpu.vector_store %arg9[%parallel_loop3A_97, %parallel_loop3A_98], %parallel_loop3A_101 {strides = array<i32>} : memref<80x144xf32, #tpu.memory_space<vmem>>, vector<1x16xf32>,
        %parallel_loop3A_102 = arith.index_cast %parallel_loop3A_35 : i32 to index
        %parallel_loop3A_103 = arith.constant 64 : index
        %parallel_loop3A_104 = tpu.vector_load %arg9[%parallel_loop3A_102, %parallel_loop3A_103] {strides = array<i32>} : memref<80x144xf32, #tpu.memory_space<vmem>>, vector<1x16xf32>,
        %parallel_loop3A_105 = vector.shape_cast %parallel_loop3A_104 : vector<1x16xf32> to vector<16xf32>
        %parallel_loop3A_106 = arith.mulf %parallel_loop3A_105, %parallel_loop3A_61 : vector<16xf32>
        %parallel_loop3A_107 = arith.index_cast %parallel_loop3A_35 : i32 to index
        %parallel_loop3A_108 = arith.constant 64 : index
        %parallel_loop3A_109 = tpu.vector_load %arg9[%parallel_loop3A_107, %parallel_loop3A_108] {strides = array<i32>} : memref<80x144xf32, #tpu.memory_space<vmem>>, vector<1x16xf32>,
        %parallel_loop3A_110 = vector.shape_cast %parallel_loop3A_109 : vector<1x16xf32> to vector<16xf32>
        %parallel_loop3A_111 = vector.shape_cast %parallel_loop3A_106 : vector<16xf32> to vector<1x16xf32>
        tpu.vector_store %arg9[%parallel_loop3A_107, %parallel_loop3A_108], %parallel_loop3A_111 {strides = array<i32>} : memref<80x144xf32, #tpu.memory_space<vmem>>, vector<1x16xf32>,
        %parallel_loop3A_112 = arith.index_cast %parallel_loop3A_35 : i32 to index
        %parallel_loop3A_113 = arith.constant 80 : index
        %parallel_loop3A_114 = tpu.vector_load %arg9[%parallel_loop3A_112, %parallel_loop3A_113] {strides = array<i32>} : memref<80x144xf32, #tpu.memory_space<vmem>>, vector<1x16xf32>,
        %parallel_loop3A_115 = vector.shape_cast %parallel_loop3A_114 : vector<1x16xf32> to vector<16xf32>
        %parallel_loop3A_116 = arith.mulf %parallel_loop3A_115, %parallel_loop3A_61 : vector<16xf32>
        %parallel_loop3A_117 = arith.index_cast %parallel_loop3A_35 : i32 to index
        %parallel_loop3A_118 = arith.constant 80 : index
        %parallel_loop3A_119 = tpu.vector_load %arg9[%parallel_loop3A_117, %parallel_loop3A_118] {strides = array<i32>} : memref<80x144xf32, #tpu.memory_space<vmem>>, vector<1x16xf32>,
        %parallel_loop3A_120 = vector.shape_cast %parallel_loop3A_119 : vector<1x16xf32> to vector<16xf32>
        %parallel_loop3A_121 = vector.shape_cast %parallel_loop3A_116 : vector<16xf32> to vector<1x16xf32>
        tpu.vector_store %arg9[%parallel_loop3A_117, %parallel_loop3A_118], %parallel_loop3A_121 {strides = array<i32>} : memref<80x144xf32, #tpu.memory_space<vmem>>, vector<1x16xf32>,
        %parallel_loop3A_122 = arith.index_cast %parallel_loop3A_35 : i32 to index
        %parallel_loop3A_123 = arith.constant 96 : index
        %parallel_loop3A_124 = tpu.vector_load %arg9[%parallel_loop3A_122, %parallel_loop3A_123] {strides = array<i32>} : memref<80x144xf32, #tpu.memory_space<vmem>>, vector<1x16xf32>,
        %parallel_loop3A_125 = vector.shape_cast %parallel_loop3A_124 : vector<1x16xf32> to vector<16xf32>
        %parallel_loop3A_126 = arith.mulf %parallel_loop3A_125, %parallel_loop3A_61 : vector<16xf32>
        %parallel_loop3A_127 = arith.index_cast %parallel_loop3A_35 : i32 to index
        %parallel_loop3A_128 = arith.constant 96 : index
        %parallel_loop3A_129 = tpu.vector_load %arg9[%parallel_loop3A_127, %parallel_loop3A_128] {strides = array<i32>} : memref<80x144xf32, #tpu.memory_space<vmem>>, vector<1x16xf32>,
        %parallel_loop3A_130 = vector.shape_cast %parallel_loop3A_129 : vector<1x16xf32> to vector<16xf32>
        %parallel_loop3A_131 = vector.shape_cast %parallel_loop3A_126 : vector<16xf32> to vector<1x16xf32>
        tpu.vector_store %arg9[%parallel_loop3A_127, %parallel_loop3A_128], %parallel_loop3A_131 {strides = array<i32>} : memref<80x144xf32, #tpu.memory_space<vmem>>, vector<1x16xf32>,
        %parallel_loop3A_132 = arith.index_cast %parallel_loop3A_35 : i32 to index
        %parallel_loop3A_133 = arith.constant 112 : index
        %parallel_loop3A_134 = tpu.vector_load %arg9[%parallel_loop3A_132, %parallel_loop3A_133] {strides = array<i32>} : memref<80x144xf32, #tpu.memory_space<vmem>>, vector<1x16xf32>,
        %parallel_loop3A_135 = vector.shape_cast %parallel_loop3A_134 : vector<1x16xf32> to vector<16xf32>
        %parallel_loop3A_136 = arith.mulf %parallel_loop3A_135, %parallel_loop3A_61 : vector<16xf32>
        %parallel_loop3A_137 = arith.index_cast %parallel_loop3A_35 : i32 to index
        %parallel_loop3A_138 = arith.constant 112 : index
        %parallel_loop3A_139 = tpu.vector_load %arg9[%parallel_loop3A_137, %parallel_loop3A_138] {strides = array<i32>} : memref<80x144xf32, #tpu.memory_space<vmem>>, vector<1x16xf32>,
        %parallel_loop3A_140 = vector.shape_cast %parallel_loop3A_139 : vector<1x16xf32> to vector<16xf32>
        %parallel_loop3A_141 = vector.shape_cast %parallel_loop3A_136 : vector<16xf32> to vector<1x16xf32>
        tpu.vector_store %arg9[%parallel_loop3A_137, %parallel_loop3A_138], %parallel_loop3A_141 {strides = array<i32>} : memref<80x144xf32, #tpu.memory_space<vmem>>, vector<1x16xf32>,
        %parallel_loop3A_142 = arith.index_cast %parallel_loop3A_35 : i32 to index
        %parallel_loop3A_143 = arith.constant 128 : index
        %parallel_loop3A_144 = tpu.vector_load %arg9[%parallel_loop3A_142, %parallel_loop3A_143] {strides = array<i32>} : memref<80x144xf32, #tpu.memory_space<vmem>>, vector<1x16xf32>,
        %parallel_loop3A_145 = vector.shape_cast %parallel_loop3A_144 : vector<1x16xf32> to vector<16xf32>
        %parallel_loop3A_146 = vector.shape_cast %parallel_loop3A_58 : vector<16xf32> to vector<1x16xf32>
        tpu.vector_store %arg9[%parallel_loop3A_142, %parallel_loop3A_143], %parallel_loop3A_146 {strides = array<i32>} : memref<80x144xf32, #tpu.memory_space<vmem>>, vector<1x16xf32>,
      } {sc.loop_unroll_factor = 4 : i64, sc.parallel_access}
      "tpu.region"() ({
        %run_scoped3A = tpu.sem_alloc : memref<!tpu.dma_semaphore, #tpu.memory_space<semaphore_mem>>
        %dma_start3A = arith.constant 0 : i32
        %dma_start3A_35 = arith.constant 0 : i32
        %dma_start3A_36 = tpu.memref_slice %arg16[%dma_start3A, %dma_start3A_35] : memref<10000x144xf32, #tpu.memory_space<vmem_shared>> -> memref<10000x144xf32, #tpu.memory_space<vmem_shared>>
        tpu.enqueue_indirect_dma source(%arg9 : memref<80x144xf32, #tpu.memory_space<vmem>>) target(%dma_start3A_36 : memref<10000x144xf32, #tpu.memory_space<vmem_shared>>) offsets(%arg13 : memref<80xi32, #tpu.memory_space<vmem>>) semaphore(%run_scoped3A : memref<!tpu.dma_semaphore, #tpu.memory_space<semaphore_mem>>) {add = true}
        %dma_wait3A = arith.constant 0 : i32
        %dma_wait3A_37 = arith.constant 0 : i32
        %dma_wait3A_38 = tpu.memref_slice %arg16[%dma_wait3A, %dma_wait3A_37] : memref<10000x144xf32, #tpu.memory_space<vmem_shared>> -> memref<10000x144xf32, #tpu.memory_space<vmem_shared>>
        tpu.wait_indirect_dma semaphore(%run_scoped3A : memref<!tpu.dma_semaphore, #tpu.memory_space<semaphore_mem>>) src(%arg9 : memref<80x144xf32, #tpu.memory_space<vmem>>) dst(%dma_wait3A_38 : memref<10000x144xf32, #tpu.memory_space<vmem_shared>>)
        tpu.yield
      }) : () -> ()
    }
    %scan3A_24 = arith.constant 125 : i32
    %barrier3A_25 = arith.constant 0 : index
    tpu.barrier barrier_id(%barrier3A_25)
    %scan3A_26 = arith.constant 0 : i32
    %scan3A_27 = arith.constant 0 : i32
    %scan3A_28 = arith.constant 7 : i32
    %scan3A_29 = arith.addi %scan3A_27, %scan3A_28 : i32
    %scan3A_30 = arith.constant 1 : i32
    scf.for %scan3A_32 = %scan3A_27 to %scan3A_29 step %scan3A_30  : i32 {
      %mul3A_33 = arith.constant 16 : i32
      %mul3A_34 = arith.muli %scan3A_32, %mul3A_33 : i32
      %add3A_35 = arith.addi %arg1, %mul3A_34 : i32
      %lt3A_36 = arith.constant 100 : i32
      %lt3A_37 = arith.cmpi slt, %add3A_35, %lt3A_36 : i32
      %convert_element_type3A = arith.extui %lt3A_37 : i1 to i32
      %cond3A = arith.constant 0 : i32
      %cond3A_38 = arith.cmpi ne, %convert_element_type3A, %cond3A : i32
      scf.if %cond3A_38 {
        %mul3A_39 = arith.constant 100 : i32
        %mul3A_40 = arith.muli %add3A_35, %mul3A_39 : i32
        "tpu.region"() ({
          %run_scoped3A = tpu.sem_alloc : memref<!tpu.dma_semaphore, #tpu.memory_space<semaphore_mem>>
          %dma_start3A = arith.constant 0 : i32
          %dma_start3A_41 = tpu.memref_slice %arg16[%mul3A_40, %dma_start3A] : memref<10000x144xf32, #tpu.memory_space<vmem_shared>> -> memref<100x144xf32, #tpu.memory_space<vmem_shared>>
          %dma_start3A_42 = arith.constant 0 : i32
          %dma_start3A_43 = tpu.memref_slice %arg16[%mul3A_40, %dma_start3A_42] : memref<10000x144xf32, #tpu.memory_space<vmem_shared>> -> memref<100x144xf32, #tpu.memory_space<vmem_shared>>
          tpu.enqueue_dma source(%dma_start3A_43 : memref<100x144xf32, #tpu.memory_space<vmem_shared>>) target(%arg15 : memref<100x144xf32, #tpu.memory_space<vmem>>) target_semaphore(%run_scoped3A : memref<!tpu.dma_semaphore, #tpu.memory_space<semaphore_mem>>)
          %dma_wait3A = arith.constant 0 : i32
          %dma_wait3A_44 = tpu.memref_slice %arg16[%mul3A_40, %dma_wait3A] : memref<10000x144xf32, #tpu.memory_space<vmem_shared>> -> memref<100x144xf32, #tpu.memory_space<vmem_shared>>
          %dma_wait3A_45 = arith.constant 0 : i32
          %dma_wait3A_46 = tpu.memref_slice %arg16[%mul3A_40, %dma_wait3A_45] : memref<10000x144xf32, #tpu.memory_space<vmem_shared>> -> memref<100x144xf32, #tpu.memory_space<vmem_shared>>
          tpu.wait_dma2 semaphore(%run_scoped3A : memref<!tpu.dma_semaphore, #tpu.memory_space<semaphore_mem>>) src(%dma_wait3A_46 : memref<100x144xf32, #tpu.memory_space<vmem_shared>>) dst(%arg15 : memref<100x144xf32, #tpu.memory_space<vmem>>)
          tpu.yield
        }) : () -> ()
        "tpu.region"() ({
          %run_scoped3A = tpu.sem_alloc : memref<!tpu.dma_semaphore, #tpu.memory_space<semaphore_mem>>
          %dma_start3A = arith.constant 0 : i32
          %dma_start3A_41 = tpu.memref_slice %arg8[%arg0, %mul3A_40, %dma_start3A] : memref<2x10000x144xf32, #tpu.memory_space<hbm>> -> memref<1x100x144xf32, #tpu.memory_space<hbm>>
          %dma_start3A_42 = tpu.memref_squeeze %dma_start3A_41 : memref<1x100x144xf32, #tpu.memory_space<hbm>> -> memref<100x144xf32, #tpu.memory_space<hbm>>
          %dma_start3A_43 = arith.constant 0 : i32
          %dma_start3A_44 = tpu.memref_slice %arg8[%arg0, %mul3A_40, %dma_start3A_43] : memref<2x10000x144xf32, #tpu.memory_space<hbm>> -> memref<1x100x144xf32, #tpu.memory_space<hbm>>
          %dma_start3A_45 = tpu.memref_squeeze %dma_start3A_44 : memref<1x100x144xf32, #tpu.memory_space<hbm>> -> memref<100x144xf32, #tpu.memory_space<hbm>>
          tpu.enqueue_dma source(%arg15 : memref<100x144xf32, #tpu.memory_space<vmem>>) target(%dma_start3A_45 : memref<100x144xf32, #tpu.memory_space<hbm>>) target_semaphore(%run_scoped3A : memref<!tpu.dma_semaphore, #tpu.memory_space<semaphore_mem>>)
          %dma_wait3A = arith.constant 0 : i32
          %dma_wait3A_46 = tpu.memref_slice %arg8[%arg0, %mul3A_40, %dma_wait3A] : memref<2x10000x144xf32, #tpu.memory_space<hbm>> -> memref<1x100x144xf32, #tpu.memory_space<hbm>>
          %dma_wait3A_47 = tpu.memref_squeeze %dma_wait3A_46 : memref<1x100x144xf32, #tpu.memory_space<hbm>> -> memref<100x144xf32, #tpu.memory_space<hbm>>
          %dma_wait3A_48 = arith.constant 0 : i32
          %dma_wait3A_49 = tpu.memref_slice %arg8[%arg0, %mul3A_40, %dma_wait3A_48] : memref<2x10000x144xf32, #tpu.memory_space<hbm>> -> memref<1x100x144xf32, #tpu.memory_space<hbm>>
          %dma_wait3A_50 = tpu.memref_squeeze %dma_wait3A_49 : memref<1x100x144xf32, #tpu.memory_space<hbm>> -> memref<100x144xf32, #tpu.memory_space<hbm>>
          tpu.wait_dma2 semaphore(%run_scoped3A : memref<!tpu.dma_semaphore, #tpu.memory_space<semaphore_mem>>) src(%arg15 : memref<100x144xf32, #tpu.memory_space<vmem>>) dst(%dma_wait3A_50 : memref<100x144xf32, #tpu.memory_space<hbm>>)
          tpu.yield
        }) : () -> ()
      } else {
      }
    }
    %scan3A_31 = arith.constant 7 : i32
    return
  }
}

module attributes {stable_mosaic.version = 14 : i64} {
  func.func @_dense0_body(%arg0: i32, %arg1: memref<1000x128xf32, #tpu.memory_space<vmem>>, %arg2: memref<128x128xf32, #tpu.memory_space<vmem>>, %arg3: memref<1x128xf32, #tpu.memory_space<vmem>>, %arg4: memref<128x128xf32, #tpu.memory_space<vmem>>, %arg5: memref<128x32xf32, #tpu.memory_space<vmem>>, %arg6: memref<1000x128xf32, #tpu.memory_space<vmem>>, %arg7: memref<1000x144xf32, #tpu.memory_space<vmem>>, %arg8: memref<1000x16xf32, #tpu.memory_space<vmem>>, %arg9: memref<1000x16xf32, #tpu.memory_space<vmem>>, %arg10: memref<1x16xf32, #tpu.memory_space<vmem>>) attributes {dimension_semantics = [#tpu.dimension_semantics<arbitrary>], iteration_bounds = array<i64: 10>, scalar_prefetch = 0 : i64, scratch_operands = 0 : i64, tpu.core_type = #tpu.core_type<tc>, window_params = [{transform_indices = @transform_0, window_bounds = array<i64: 1000, 128>}, {pipeline_mode = #tpu.pipeline_mode<synchronous>, transform_indices = @transform_1, window_bounds = array<i64: 128, 128>}, {pipeline_mode = #tpu.pipeline_mode<synchronous>, transform_indices = @transform_2, window_bounds = array<i64: 1, 128>}, {pipeline_mode = #tpu.pipeline_mode<synchronous>, transform_indices = @transform_3, window_bounds = array<i64: 128, 128>}, {pipeline_mode = #tpu.pipeline_mode<synchronous>, transform_indices = @transform_4, window_bounds = array<i64: 128, 32>}, {transform_indices = @transform_5, window_bounds = array<i64: 1000, 128>}, {transform_indices = @transform_6, window_bounds = array<i64: 1000, 144>}, {transform_indices = @transform_7, window_bounds = array<i64: 1000, 16>}, {transform_indices = @transform_8, window_bounds = array<i64: 1000, 16>}, {pipeline_mode = #tpu.pipeline_mode<synchronous>, transform_indices = @transform_9, window_bounds = array<i64: 1, 16>}]} {
    %get3A = arith.constant 0 : index
    %get3A_0 = arith.constant 0 : index
    %get3A_1 = vector.load %arg1[%get3A, %get3A_0] : memref<1000x128xf32, #tpu.memory_space<vmem>>, vector<1000x128xf32>
    %get3A_2 = arith.constant 0 : index
    %get3A_3 = arith.constant 0 : index
    %get3A_4 = vector.load %arg2[%get3A_2, %get3A_3] : memref<128x128xf32, #tpu.memory_space<vmem>>, vector<128x128xf32>
    %dot_general3A = arith.constant dense<0.000000e+00> : vector<1000x128xf32>
    %dot_general3A_5 = tpu.matmul %get3A_1, %get3A_4, %dot_general3A {dimension_numbers = #tpu.dot_dimension_numbers<[1], [0], [0], [1], [0, 0, 1, 1], [], []>, transpose_lhs_hint = false} : vector<1000x128xf32>, vector<128x128xf32>, vector<1000x128xf32> -> vector<1000x128xf32>
    %get3A_6 = arith.constant 0 : index
    %get3A_7 = arith.constant 0 : index
    %get3A_8 = vector.load %arg3[%get3A_6, %get3A_7] : memref<1x128xf32, #tpu.memory_space<vmem>>, vector<1x128xf32>
    %add3A = vector.broadcast %get3A_8 : vector<1x128xf32> to vector<1000x128xf32>
    %add3A_9 = arith.addf %dot_general3A_5, %add3A : vector<1000x128xf32>
    %swap3A = arith.constant 0 : index
    %swap3A_10 = arith.constant 0 : index
    %swap3A_11 = vector.load %arg6[%swap3A, %swap3A_10] : memref<1000x128xf32, #tpu.memory_space<vmem>>, vector<1000x128xf32>
    tpu.vector_store %arg6[%swap3A, %swap3A_10], %add3A_9 {strides = array<i32>} : memref<1000x128xf32, #tpu.memory_space<vmem>>, vector<1000x128xf32>,
    %get3A_12 = arith.constant 0 : index
    %get3A_13 = arith.constant 0 : index
    %get3A_14 = vector.load %arg4[%get3A_12, %get3A_13] : memref<128x128xf32, #tpu.memory_space<vmem>>, vector<128x128xf32>
    %dot_general3A_15 = arith.constant dense<0.000000e+00> : vector<1000x128xf32>
    %dot_general3A_16 = tpu.matmul %add3A_9, %get3A_14, %dot_general3A_15 {dimension_numbers = #tpu.dot_dimension_numbers<[1], [0], [0], [1], [0, 0, 1, 1], [], []>, transpose_lhs_hint = false} : vector<1000x128xf32>, vector<128x128xf32>, vector<1000x128xf32> -> vector<1000x128xf32>
    %get3A_17 = arith.constant 0 : index
    %get3A_18 = arith.constant 0 : index
    %get3A_19 = vector.load %arg5[%get3A_17, %get3A_18] : memref<128x32xf32, #tpu.memory_space<vmem>>, vector<128x32xf32>
    %dot_general3A_20 = arith.constant dense<0.000000e+00> : vector<1000x32xf32>
    %dot_general3A_21 = tpu.matmul %dot_general3A_16, %get3A_19, %dot_general3A_20 {dimension_numbers = #tpu.dot_dimension_numbers<[1], [0], [0], [1], [0, 0, 1, 1], [], []>, transpose_lhs_hint = false} : vector<1000x128xf32>, vector<128x32xf32>, vector<1000x32xf32> -> vector<1000x32xf32>
    %slice3A = vector.extract_strided_slice %dot_general3A_21 {offsets = [0, 0], sizes = [1000, 16], strides = [1, 1]} : vector<1000x32xf32> to vector<1000x16xf32>
    %swap3A_22 = arith.constant 0 : index
    %swap3A_23 = arith.constant 0 : index
    %swap3A_24 = vector.load %arg8[%swap3A_22, %swap3A_23] : memref<1000x16xf32, #tpu.memory_space<vmem>>, vector<1000x16xf32>
    tpu.vector_store %arg8[%swap3A_22, %swap3A_23], %slice3A {strides = array<i32>} : memref<1000x16xf32, #tpu.memory_space<vmem>>, vector<1000x16xf32>,
    %slice3A_25 = vector.extract_strided_slice %dot_general3A_21 {offsets = [0, 16], sizes = [1000, 16], strides = [1, 1]} : vector<1000x32xf32> to vector<1000x16xf32>
    %swap3A_26 = arith.constant 0 : index
    %swap3A_27 = arith.constant 0 : index
    %swap3A_28 = vector.load %arg9[%swap3A_26, %swap3A_27] : memref<1000x16xf32, #tpu.memory_space<vmem>>, vector<1000x16xf32>
    tpu.vector_store %arg9[%swap3A_26, %swap3A_27], %slice3A_25 {strides = array<i32>} : memref<1000x16xf32, #tpu.memory_space<vmem>>, vector<1000x16xf32>,
    %broadcast_in_dim3A = arith.constant 1.000000e+00 : f32
    %broadcast_in_dim3A_29 = vector.broadcast %broadcast_in_dim3A : f32 to vector<1000x8xf32>
    %broadcast_in_dim3A_30 = arith.constant 0.000000e+00 : f32
    %broadcast_in_dim3A_31 = vector.broadcast %broadcast_in_dim3A_30 : f32 to vector<1000x8xf32>
    %concatenate3A = tpu.concatenate %dot_general3A_16, %broadcast_in_dim3A_29, %broadcast_in_dim3A_31 in 1 : vector<1000x128xf32>, vector<1000x8xf32>, vector<1000x8xf32> -> vector<1000x144xf32>
    %swap3A_32 = arith.constant 0 : index
    %swap3A_33 = arith.constant 0 : index
    %swap3A_34 = vector.load %arg7[%swap3A_32, %swap3A_33] : memref<1000x144xf32, #tpu.memory_space<vmem>>, vector<1000x144xf32>
    tpu.vector_store %arg7[%swap3A_32, %swap3A_33], %concatenate3A {strides = array<i32>} : memref<1000x144xf32, #tpu.memory_space<vmem>>, vector<1000x144xf32>,
    %slice3A_35 = vector.extract_strided_slice %dot_general3A_21 {offsets = [0, 0], sizes = [1000, 16], strides = [1, 1]} : vector<1000x32xf32> to vector<1000x16xf32>
    %reduce_max3A = arith.constant dense<0xFF800000> : vector<16xf32>
    %reduce_max3A_36 = vector.multi_reduction <maximumf>, %slice3A_35, %reduce_max3A [0] : vector<1000x16xf32> to vector<16xf32>
    %broadcast_in_dim3A_37 = vector.shape_cast %reduce_max3A_36 : vector<16xf32> to vector<1x16xf32>
    %eq3A = arith.constant 0 : i32
    %eq3A_38 = arith.cmpi eq, %arg0, %eq3A : i32
    %convert_element_type3A = arith.extui %eq3A_38 : i1 to i32
    %cond3A = arith.constant 0 : i32
    %cond3A_39 = arith.cmpi ne, %convert_element_type3A, %cond3A : i32
    scf.if %cond3A_39 {
      %broadcast_in_dim3A_46 = arith.constant -1.000000e+30 : f32
      %broadcast_in_dim3A_47 = vector.broadcast %broadcast_in_dim3A_46 : f32 to vector<1x16xf32>
      %swap3A_48 = arith.constant 0 : index
      %swap3A_49 = arith.constant 0 : index
      %swap3A_50 = vector.load %arg10[%swap3A_48, %swap3A_49] : memref<1x16xf32, #tpu.memory_space<vmem>>, vector<1x16xf32>
      tpu.vector_store %arg10[%swap3A_48, %swap3A_49], %broadcast_in_dim3A_47 {strides = array<i32>} : memref<1x16xf32, #tpu.memory_space<vmem>>, vector<1x16xf32>,
    } else {
    }
    %get3A_40 = arith.constant 0 : index
    %get3A_41 = arith.constant 0 : index
    %get3A_42 = vector.load %arg10[%get3A_40, %get3A_41] : memref<1x16xf32, #tpu.memory_space<vmem>>, vector<1x16xf32>
    %max3A = arith.maximumf %get3A_42, %broadcast_in_dim3A_37 : vector<1x16xf32>
    %swap3A_43 = arith.constant 0 : index
    %swap3A_44 = arith.constant 0 : index
    %swap3A_45 = vector.load %arg10[%swap3A_43, %swap3A_44] : memref<1x16xf32, #tpu.memory_space<vmem>>, vector<1x16xf32>
    tpu.vector_store %arg10[%swap3A_43, %swap3A_44], %max3A {strides = array<i32>} : memref<1x16xf32, #tpu.memory_space<vmem>>, vector<1x16xf32>,
    return
  }
  func.func @transform_0(%arg0: i32) -> (i32, i32) {
    %c0_i32 = arith.constant 0 : i32
    %c0_i32_0 = arith.constant 0 : i32
    return %arg0, %c0_i32 : i32, i32
  }
  func.func @transform_1(%arg0: i32) -> (i32, i32) {
    %c0_i32 = arith.constant 0 : i32
    %c0_i32_0 = arith.constant 0 : i32
    %c0_i32_1 = arith.constant 0 : i32
    return %c0_i32, %c0_i32_0 : i32, i32
  }
  func.func @transform_2(%arg0: i32) -> (i32, i32) {
    %c0_i32 = arith.constant 0 : i32
    %c0_i32_0 = arith.constant 0 : i32
    %c0_i32_1 = arith.constant 0 : i32
    return %c0_i32, %c0_i32_0 : i32, i32
  }
  func.func @transform_3(%arg0: i32) -> (i32, i32) {
    %c0_i32 = arith.constant 0 : i32
    %c0_i32_0 = arith.constant 0 : i32
    %c0_i32_1 = arith.constant 0 : i32
    return %c0_i32, %c0_i32_0 : i32, i32
  }
  func.func @transform_4(%arg0: i32) -> (i32, i32) {
    %c0_i32 = arith.constant 0 : i32
    %c0_i32_0 = arith.constant 0 : i32
    %c0_i32_1 = arith.constant 0 : i32
    return %c0_i32, %c0_i32_0 : i32, i32
  }
  func.func @transform_5(%arg0: i32) -> (i32, i32) {
    %c0_i32 = arith.constant 0 : i32
    %c0_i32_0 = arith.constant 0 : i32
    return %arg0, %c0_i32 : i32, i32
  }
  func.func @transform_6(%arg0: i32) -> (i32, i32) {
    %c0_i32 = arith.constant 0 : i32
    %c0_i32_0 = arith.constant 0 : i32
    return %arg0, %c0_i32 : i32, i32
  }
  func.func @transform_7(%arg0: i32) -> (i32, i32) {
    %c0_i32 = arith.constant 0 : i32
    %c0_i32_0 = arith.constant 0 : i32
    return %arg0, %c0_i32 : i32, i32
  }
  func.func @transform_8(%arg0: i32) -> (i32, i32) {
    %c0_i32 = arith.constant 0 : i32
    %c0_i32_0 = arith.constant 0 : i32
    return %arg0, %c0_i32 : i32, i32
  }
  func.func @transform_9(%arg0: i32) -> (i32, i32) {
    %c0_i32 = arith.constant 0 : i32
    %c0_i32_0 = arith.constant 0 : i32
    %c0_i32_1 = arith.constant 0 : i32
    return %c0_i32, %c0_i32_0 : i32, i32
  }
}

module attributes {stable_mosaic.version = 14 : i64} {
  func.func @_post_body(%arg0: i32, %arg1: memref<1000x128xf32, #tpu.memory_space<vmem>>, %arg2: memref<1000x144xf32, #tpu.memory_space<vmem>>, %arg3: memref<1000x144xf32, #tpu.memory_space<vmem>>, %arg4: memref<1x128xf32, #tpu.memory_space<vmem>>, %arg5: memref<1x128xf32, #tpu.memory_space<vmem>>, %arg6: memref<8x128xf32, #tpu.memory_space<vmem>>, %arg7: memref<128x128xf32, #tpu.memory_space<vmem>>, %arg8: memref<128x32xf32, #tpu.memory_space<vmem>>, %arg9: memref<1000x128xf32, #tpu.memory_space<vmem>>, %arg10: memref<1000x144xf32, #tpu.memory_space<vmem>>, %arg11: memref<1000x16xf32, #tpu.memory_space<vmem>>, %arg12: memref<1000x16xf32, #tpu.memory_space<vmem>>, %arg13: memref<1x16xf32, #tpu.memory_space<vmem>>) attributes {dimension_semantics = [#tpu.dimension_semantics<arbitrary>], iteration_bounds = array<i64: 10>, scalar_prefetch = 0 : i64, scratch_operands = 0 : i64, tpu.core_type = #tpu.core_type<tc>, window_params = [{transform_indices = @transform_0, window_bounds = array<i64: 1000, 128>}, {transform_indices = @transform_1, window_bounds = array<i64: 1000, 144>}, {transform_indices = @transform_2, window_bounds = array<i64: 1000, 144>}, {pipeline_mode = #tpu.pipeline_mode<synchronous>, transform_indices = @transform_3, window_bounds = array<i64: 1, 128>}, {pipeline_mode = #tpu.pipeline_mode<synchronous>, transform_indices = @transform_4, window_bounds = array<i64: 1, 128>}, {pipeline_mode = #tpu.pipeline_mode<synchronous>, transform_indices = @transform_5, window_bounds = array<i64: 8, 128>}, {pipeline_mode = #tpu.pipeline_mode<synchronous>, transform_indices = @transform_6, window_bounds = array<i64: 128, 128>}, {pipeline_mode = #tpu.pipeline_mode<synchronous>, transform_indices = @transform_7, window_bounds = array<i64: 128, 32>}, {transform_indices = @transform_8, window_bounds = array<i64: 1000, 128>}, {transform_indices = @transform_9, window_bounds = array<i64: 1000, 144>}, {transform_indices = @transform_10, window_bounds = array<i64: 1000, 16>}, {transform_indices = @transform_11, window_bounds = array<i64: 1000, 16>}, {pipeline_mode = #tpu.pipeline_mode<synchronous>, transform_indices = @transform_12, window_bounds = array<i64: 1, 16>}]} {
    %get3A = arith.constant 0 : index
    %get3A_0 = arith.constant 0 : index
    %get3A_1 = vector.load %arg2[%get3A, %get3A_0] : memref<1000x144xf32, #tpu.memory_space<vmem>>, vector<1000x144xf32>
    %get3A_2 = arith.constant 0 : index
    %get3A_3 = arith.constant 0 : index
    %get3A_4 = vector.load %arg3[%get3A_2, %get3A_3] : memref<1000x144xf32, #tpu.memory_space<vmem>>, vector<1000x144xf32>
    %add3A = arith.addf %get3A_1, %get3A_4 : vector<1000x144xf32>
    %slice3A = vector.extract_strided_slice %add3A {offsets = [0, 128], sizes = [1000, 8], strides = [1, 1]} : vector<1000x144xf32> to vector<1000x8xf32>
    %get3A_5 = arith.constant 0 : index
    %get3A_6 = arith.constant 0 : index
    %get3A_7 = vector.load %arg6[%get3A_5, %get3A_6] : memref<8x128xf32, #tpu.memory_space<vmem>>, vector<8x128xf32>
    %dot_general3A = arith.constant dense<0.000000e+00> : vector<1000x128xf32>
    %dot_general3A_8 = tpu.matmul %slice3A, %get3A_7, %dot_general3A {dimension_numbers = #tpu.dot_dimension_numbers<[1], [0], [0], [1], [0, 0, 1, 1], [], []>, transpose_lhs_hint = false} : vector<1000x8xf32>, vector<8x128xf32>, vector<1000x128xf32> -> vector<1000x128xf32>
    %gt3A = arith.constant 0.000000e+00 : f32
    %gt3A_9 = vector.broadcast %gt3A : f32 to vector<1000x128xf32>
    %gt3A_10 = arith.cmpf ogt, %dot_general3A_8, %gt3A_9 : vector<1000x128xf32>
    %slice3A_11 = vector.extract_strided_slice %add3A {offsets = [0, 0], sizes = [1000, 128], strides = [1, 1]} : vector<1000x144xf32> to vector<1000x128xf32>
    %div3A = arith.divf %slice3A_11, %dot_general3A_8 : vector<1000x128xf32>
    %jit3A = arith.constant 0.000000e+00 : f32
    %broadcast_in_dim3A = vector.broadcast %jit3A : f32 to vector<1000x128xf32>
    %select_n3A = arith.select %gt3A_10, %div3A, %broadcast_in_dim3A : vector<1000x128xi1>, vector<1000x128xf32>
    %get3A_12 = arith.constant 0 : index
    %get3A_13 = arith.constant 0 : index
    %get3A_14 = vector.load %arg4[%get3A_12, %get3A_13] : memref<1x128xf32, #tpu.memory_space<vmem>>, vector<1x128xf32>
    %mul3A = vector.broadcast %get3A_14 : vector<1x128xf32> to vector<1000x128xf32>
    %mul3A_15 = arith.mulf %select_n3A, %mul3A : vector<1000x128xf32>
    %get3A_16 = arith.constant 0 : index
    %get3A_17 = arith.constant 0 : index
    %get3A_18 = vector.load %arg5[%get3A_16, %get3A_17] : memref<1x128xf32, #tpu.memory_space<vmem>>, vector<1x128xf32>
    %add3A_19 = vector.broadcast %get3A_18 : vector<1x128xf32> to vector<1000x128xf32>
    %add3A_20 = arith.addf %mul3A_15, %add3A_19 : vector<1000x128xf32>
    %gt3A_21 = arith.constant 0.000000e+00 : f32
    %gt3A_22 = vector.broadcast %gt3A_21 : f32 to vector<1000x128xf32>
    %gt3A_23 = arith.cmpf ogt, %add3A_20, %gt3A_22 : vector<1000x128xf32>
    %min3A = arith.constant 0.000000e+00 : f32
    %min3A_24 = vector.broadcast %min3A : f32 to vector<1000x128xf32>
    %min3A_25 = arith.minimumf %add3A_20, %min3A_24 : vector<1000x128xf32>
    %exp3A = math.exp %min3A_25 : vector<1000x128xf32>
    %sub3A = arith.constant 1.000000e+00 : f32
    %sub3A_26 = vector.broadcast %sub3A : f32 to vector<1000x128xf32>
    %sub3A_27 = arith.subf %exp3A, %sub3A_26 : vector<1000x128xf32>
    %select_n3A_28 = arith.select %gt3A_23, %add3A_20, %sub3A_27 : vector<1000x128xi1>, vector<1000x128xf32>
    %get3A_29 = arith.constant 0 : index
    %get3A_30 = arith.constant 0 : index
    %get3A_31 = vector.load %arg1[%get3A_29, %get3A_30] : memref<1000x128xf32, #tpu.memory_space<vmem>>, vector<1000x128xf32>
    %add3A_32 = arith.addf %get3A_31, %select_n3A_28 : vector<1000x128xf32>
    %swap3A = arith.constant 0 : index
    %swap3A_33 = arith.constant 0 : index
    %swap3A_34 = vector.load %arg9[%swap3A, %swap3A_33] : memref<1000x128xf32, #tpu.memory_space<vmem>>, vector<1000x128xf32>
    tpu.vector_store %arg9[%swap3A, %swap3A_33], %add3A_32 {strides = array<i32>} : memref<1000x128xf32, #tpu.memory_space<vmem>>, vector<1000x128xf32>,
    %get3A_35 = arith.constant 0 : index
    %get3A_36 = arith.constant 0 : index
    %get3A_37 = vector.load %arg7[%get3A_35, %get3A_36] : memref<128x128xf32, #tpu.memory_space<vmem>>, vector<128x128xf32>
    %dot_general3A_38 = arith.constant dense<0.000000e+00> : vector<1000x128xf32>
    %dot_general3A_39 = tpu.matmul %add3A_32, %get3A_37, %dot_general3A_38 {dimension_numbers = #tpu.dot_dimension_numbers<[1], [0], [0], [1], [0, 0, 1, 1], [], []>, transpose_lhs_hint = false} : vector<1000x128xf32>, vector<128x128xf32>, vector<1000x128xf32> -> vector<1000x128xf32>
    %get3A_40 = arith.constant 0 : index
    %get3A_41 = arith.constant 0 : index
    %get3A_42 = vector.load %arg8[%get3A_40, %get3A_41] : memref<128x32xf32, #tpu.memory_space<vmem>>, vector<128x32xf32>
    %dot_general3A_43 = arith.constant dense<0.000000e+00> : vector<1000x32xf32>
    %dot_general3A_44 = tpu.matmul %dot_general3A_39, %get3A_42, %dot_general3A_43 {dimension_numbers = #tpu.dot_dimension_numbers<[1], [0], [0], [1], [0, 0, 1, 1], [], []>, transpose_lhs_hint = false} : vector<1000x128xf32>, vector<128x32xf32>, vector<1000x32xf32> -> vector<1000x32xf32>
    %slice3A_45 = vector.extract_strided_slice %dot_general3A_44 {offsets = [0, 0], sizes = [1000, 16], strides = [1, 1]} : vector<1000x32xf32> to vector<1000x16xf32>
    %swap3A_46 = arith.constant 0 : index
    %swap3A_47 = arith.constant 0 : index
    %swap3A_48 = vector.load %arg11[%swap3A_46, %swap3A_47] : memref<1000x16xf32, #tpu.memory_space<vmem>>, vector<1000x16xf32>
    tpu.vector_store %arg11[%swap3A_46, %swap3A_47], %slice3A_45 {strides = array<i32>} : memref<1000x16xf32, #tpu.memory_space<vmem>>, vector<1000x16xf32>,
    %slice3A_49 = vector.extract_strided_slice %dot_general3A_44 {offsets = [0, 16], sizes = [1000, 16], strides = [1, 1]} : vector<1000x32xf32> to vector<1000x16xf32>
    %swap3A_50 = arith.constant 0 : index
    %swap3A_51 = arith.constant 0 : index
    %swap3A_52 = vector.load %arg12[%swap3A_50, %swap3A_51] : memref<1000x16xf32, #tpu.memory_space<vmem>>, vector<1000x16xf32>
    tpu.vector_store %arg12[%swap3A_50, %swap3A_51], %slice3A_49 {strides = array<i32>} : memref<1000x16xf32, #tpu.memory_space<vmem>>, vector<1000x16xf32>,
    %broadcast_in_dim3A_53 = arith.constant 1.000000e+00 : f32
    %broadcast_in_dim3A_54 = vector.broadcast %broadcast_in_dim3A_53 : f32 to vector<1000x8xf32>
    %broadcast_in_dim3A_55 = arith.constant 0.000000e+00 : f32
    %broadcast_in_dim3A_56 = vector.broadcast %broadcast_in_dim3A_55 : f32 to vector<1000x8xf32>
    %concatenate3A = tpu.concatenate %dot_general3A_39, %broadcast_in_dim3A_54, %broadcast_in_dim3A_56 in 1 : vector<1000x128xf32>, vector<1000x8xf32>, vector<1000x8xf32> -> vector<1000x144xf32>
    %swap3A_57 = arith.constant 0 : index
    %swap3A_58 = arith.constant 0 : index
    %swap3A_59 = vector.load %arg10[%swap3A_57, %swap3A_58] : memref<1000x144xf32, #tpu.memory_space<vmem>>, vector<1000x144xf32>
    tpu.vector_store %arg10[%swap3A_57, %swap3A_58], %concatenate3A {strides = array<i32>} : memref<1000x144xf32, #tpu.memory_space<vmem>>, vector<1000x144xf32>,
    %slice3A_60 = vector.extract_strided_slice %dot_general3A_44 {offsets = [0, 0], sizes = [1000, 16], strides = [1, 1]} : vector<1000x32xf32> to vector<1000x16xf32>
    %reduce_max3A = arith.constant dense<0xFF800000> : vector<16xf32>
    %reduce_max3A_61 = vector.multi_reduction <maximumf>, %slice3A_60, %reduce_max3A [0] : vector<1000x16xf32> to vector<16xf32>
    %broadcast_in_dim3A_62 = vector.shape_cast %reduce_max3A_61 : vector<16xf32> to vector<1x16xf32>
    %eq3A = arith.constant 0 : i32
    %eq3A_63 = arith.cmpi eq, %arg0, %eq3A : i32
    %convert_element_type3A = arith.extui %eq3A_63 : i1 to i32
    %cond3A = arith.constant 0 : i32
    %cond3A_64 = arith.cmpi ne, %convert_element_type3A, %cond3A : i32
    scf.if %cond3A_64 {
      %broadcast_in_dim3A_71 = arith.constant -1.000000e+30 : f32
      %broadcast_in_dim3A_72 = vector.broadcast %broadcast_in_dim3A_71 : f32 to vector<1x16xf32>
      %swap3A_73 = arith.constant 0 : index
      %swap3A_74 = arith.constant 0 : index
      %swap3A_75 = vector.load %arg13[%swap3A_73, %swap3A_74] : memref<1x16xf32, #tpu.memory_space<vmem>>, vector<1x16xf32>
      tpu.vector_store %arg13[%swap3A_73, %swap3A_74], %broadcast_in_dim3A_72 {strides = array<i32>} : memref<1x16xf32, #tpu.memory_space<vmem>>, vector<1x16xf32>,
    } else {
    }
    %get3A_65 = arith.constant 0 : index
    %get3A_66 = arith.constant 0 : index
    %get3A_67 = vector.load %arg13[%get3A_65, %get3A_66] : memref<1x16xf32, #tpu.memory_space<vmem>>, vector<1x16xf32>
    %max3A = arith.maximumf %get3A_67, %broadcast_in_dim3A_62 : vector<1x16xf32>
    %swap3A_68 = arith.constant 0 : index
    %swap3A_69 = arith.constant 0 : index
    %swap3A_70 = vector.load %arg13[%swap3A_68, %swap3A_69] : memref<1x16xf32, #tpu.memory_space<vmem>>, vector<1x16xf32>
    tpu.vector_store %arg13[%swap3A_68, %swap3A_69], %max3A {strides = array<i32>} : memref<1x16xf32, #tpu.memory_space<vmem>>, vector<1x16xf32>,
    return
  }
  func.func @transform_0(%arg0: i32) -> (i32, i32) {
    %c0_i32 = arith.constant 0 : i32
    %c0_i32_0 = arith.constant 0 : i32
    return %arg0, %c0_i32 : i32, i32
  }
  func.func @transform_1(%arg0: i32) -> (i32, i32) {
    %c0_i32 = arith.constant 0 : i32
    %c0_i32_0 = arith.constant 0 : i32
    return %arg0, %c0_i32 : i32, i32
  }
  func.func @transform_2(%arg0: i32) -> (i32, i32) {
    %c0_i32 = arith.constant 0 : i32
    %c0_i32_0 = arith.constant 0 : i32
    return %arg0, %c0_i32 : i32, i32
  }
  func.func @transform_3(%arg0: i32) -> (i32, i32) {
    %c0_i32 = arith.constant 0 : i32
    %c0_i32_0 = arith.constant 0 : i32
    %c0_i32_1 = arith.constant 0 : i32
    return %c0_i32, %c0_i32_0 : i32, i32
  }
  func.func @transform_4(%arg0: i32) -> (i32, i32) {
    %c0_i32 = arith.constant 0 : i32
    %c0_i32_0 = arith.constant 0 : i32
    %c0_i32_1 = arith.constant 0 : i32
    return %c0_i32, %c0_i32_0 : i32, i32
  }
  func.func @transform_5(%arg0: i32) -> (i32, i32) {
    %c0_i32 = arith.constant 0 : i32
    %c0_i32_0 = arith.constant 0 : i32
    %c0_i32_1 = arith.constant 0 : i32
    return %c0_i32, %c0_i32_0 : i32, i32
  }
  func.func @transform_6(%arg0: i32) -> (i32, i32) {
    %c0_i32 = arith.constant 0 : i32
    %c0_i32_0 = arith.constant 0 : i32
    %c0_i32_1 = arith.constant 0 : i32
    return %c0_i32, %c0_i32_0 : i32, i32
  }
  func.func @transform_7(%arg0: i32) -> (i32, i32) {
    %c0_i32 = arith.constant 0 : i32
    %c0_i32_0 = arith.constant 0 : i32
    %c0_i32_1 = arith.constant 0 : i32
    return %c0_i32, %c0_i32_0 : i32, i32
  }
  func.func @transform_8(%arg0: i32) -> (i32, i32) {
    %c0_i32 = arith.constant 0 : i32
    %c0_i32_0 = arith.constant 0 : i32
    return %arg0, %c0_i32 : i32, i32
  }
  func.func @transform_9(%arg0: i32) -> (i32, i32) {
    %c0_i32 = arith.constant 0 : i32
    %c0_i32_0 = arith.constant 0 : i32
    return %arg0, %c0_i32 : i32, i32
  }
  func.func @transform_10(%arg0: i32) -> (i32, i32) {
    %c0_i32 = arith.constant 0 : i32
    %c0_i32_0 = arith.constant 0 : i32
    return %arg0, %c0_i32 : i32, i32
  }
  func.func @transform_11(%arg0: i32) -> (i32, i32) {
    %c0_i32 = arith.constant 0 : i32
    %c0_i32_0 = arith.constant 0 : i32
    return %arg0, %c0_i32 : i32, i32
  }
  func.func @transform_12(%arg0: i32) -> (i32, i32) {
    %c0_i32 = arith.constant 0 : i32
    %c0_i32_0 = arith.constant 0 : i32
    %c0_i32_1 = arith.constant 0 : i32
    return %c0_i32, %c0_i32_0 : i32, i32
  }
}

module attributes {stable_mosaic.version = 14 : i64} {
  func.func @_final_body(%arg0: i32, %arg1: memref<1000x128xf32, #tpu.memory_space<vmem>>, %arg2: memref<1000x144xf32, #tpu.memory_space<vmem>>, %arg3: memref<1000x144xf32, #tpu.memory_space<vmem>>, %arg4: memref<1x128xf32, #tpu.memory_space<vmem>>, %arg5: memref<1x128xf32, #tpu.memory_space<vmem>>, %arg6: memref<8x128xf32, #tpu.memory_space<vmem>>, %arg7: memref<128x64xf32, #tpu.memory_space<vmem>>, %arg8: memref<1x64xf32, #tpu.memory_space<vmem>>, %arg9: memref<64x32xf32, #tpu.memory_space<vmem>>, %arg10: memref<1x32xf32, #tpu.memory_space<vmem>>, %arg11: memref<32x10xf32, #tpu.memory_space<vmem>>, %arg12: memref<1x10xf32, #tpu.memory_space<vmem>>, %arg13: memref<1x10xf32, #tpu.memory_space<vmem>>, %arg14: memref<1x128xf32, #tpu.memory_space<vmem>>) attributes {dimension_semantics = [#tpu.dimension_semantics<arbitrary>], iteration_bounds = array<i64: 10>, scalar_prefetch = 0 : i64, scratch_operands = 1 : i64, tpu.core_type = #tpu.core_type<tc>, window_params = [{transform_indices = @transform_0, window_bounds = array<i64: 1000, 128>}, {transform_indices = @transform_1, window_bounds = array<i64: 1000, 144>}, {transform_indices = @transform_2, window_bounds = array<i64: 1000, 144>}, {pipeline_mode = #tpu.pipeline_mode<synchronous>, transform_indices = @transform_3, window_bounds = array<i64: 1, 128>}, {pipeline_mode = #tpu.pipeline_mode<synchronous>, transform_indices = @transform_4, window_bounds = array<i64: 1, 128>}, {pipeline_mode = #tpu.pipeline_mode<synchronous>, transform_indices = @transform_5, window_bounds = array<i64: 8, 128>}, {pipeline_mode = #tpu.pipeline_mode<synchronous>, transform_indices = @transform_6, window_bounds = array<i64: 128, 64>}, {pipeline_mode = #tpu.pipeline_mode<synchronous>, transform_indices = @transform_7, window_bounds = array<i64: 1, 64>}, {pipeline_mode = #tpu.pipeline_mode<synchronous>, transform_indices = @transform_8, window_bounds = array<i64: 64, 32>}, {pipeline_mode = #tpu.pipeline_mode<synchronous>, transform_indices = @transform_9, window_bounds = array<i64: 1, 32>}, {pipeline_mode = #tpu.pipeline_mode<synchronous>, transform_indices = @transform_10, window_bounds = array<i64: 32, 10>}, {pipeline_mode = #tpu.pipeline_mode<synchronous>, transform_indices = @transform_11, window_bounds = array<i64: 1, 10>}, {pipeline_mode = #tpu.pipeline_mode<synchronous>, transform_indices = @transform_12, window_bounds = array<i64: 1, 10>}]} {
    %get3A = arith.constant 0 : index
    %get3A_0 = arith.constant 0 : index
    %get3A_1 = vector.load %arg2[%get3A, %get3A_0] : memref<1000x144xf32, #tpu.memory_space<vmem>>, vector<1000x144xf32>
    %get3A_2 = arith.constant 0 : index
    %get3A_3 = arith.constant 0 : index
    %get3A_4 = vector.load %arg3[%get3A_2, %get3A_3] : memref<1000x144xf32, #tpu.memory_space<vmem>>, vector<1000x144xf32>
    %add3A = arith.addf %get3A_1, %get3A_4 : vector<1000x144xf32>
    %slice3A = vector.extract_strided_slice %add3A {offsets = [0, 128], sizes = [1000, 8], strides = [1, 1]} : vector<1000x144xf32> to vector<1000x8xf32>
    %get3A_5 = arith.constant 0 : index
    %get3A_6 = arith.constant 0 : index
    %get3A_7 = vector.load %arg6[%get3A_5, %get3A_6] : memref<8x128xf32, #tpu.memory_space<vmem>>, vector<8x128xf32>
    %dot_general3A = arith.constant dense<0.000000e+00> : vector<1000x128xf32>
    %dot_general3A_8 = tpu.matmul %slice3A, %get3A_7, %dot_general3A {dimension_numbers = #tpu.dot_dimension_numbers<[1], [0], [0], [1], [0, 0, 1, 1], [], []>, transpose_lhs_hint = false} : vector<1000x8xf32>, vector<8x128xf32>, vector<1000x128xf32> -> vector<1000x128xf32>
    %gt3A = arith.constant 0.000000e+00 : f32
    %gt3A_9 = vector.broadcast %gt3A : f32 to vector<1000x128xf32>
    %gt3A_10 = arith.cmpf ogt, %dot_general3A_8, %gt3A_9 : vector<1000x128xf32>
    %slice3A_11 = vector.extract_strided_slice %add3A {offsets = [0, 0], sizes = [1000, 128], strides = [1, 1]} : vector<1000x144xf32> to vector<1000x128xf32>
    %div3A = arith.divf %slice3A_11, %dot_general3A_8 : vector<1000x128xf32>
    %jit3A = arith.constant 0.000000e+00 : f32
    %broadcast_in_dim3A = vector.broadcast %jit3A : f32 to vector<1000x128xf32>
    %select_n3A = arith.select %gt3A_10, %div3A, %broadcast_in_dim3A : vector<1000x128xi1>, vector<1000x128xf32>
    %get3A_12 = arith.constant 0 : index
    %get3A_13 = arith.constant 0 : index
    %get3A_14 = vector.load %arg4[%get3A_12, %get3A_13] : memref<1x128xf32, #tpu.memory_space<vmem>>, vector<1x128xf32>
    %mul3A = vector.broadcast %get3A_14 : vector<1x128xf32> to vector<1000x128xf32>
    %mul3A_15 = arith.mulf %select_n3A, %mul3A : vector<1000x128xf32>
    %get3A_16 = arith.constant 0 : index
    %get3A_17 = arith.constant 0 : index
    %get3A_18 = vector.load %arg5[%get3A_16, %get3A_17] : memref<1x128xf32, #tpu.memory_space<vmem>>, vector<1x128xf32>
    %add3A_19 = vector.broadcast %get3A_18 : vector<1x128xf32> to vector<1000x128xf32>
    %add3A_20 = arith.addf %mul3A_15, %add3A_19 : vector<1000x128xf32>
    %gt3A_21 = arith.constant 0.000000e+00 : f32
    %gt3A_22 = vector.broadcast %gt3A_21 : f32 to vector<1000x128xf32>
    %gt3A_23 = arith.cmpf ogt, %add3A_20, %gt3A_22 : vector<1000x128xf32>
    %min3A = arith.constant 0.000000e+00 : f32
    %min3A_24 = vector.broadcast %min3A : f32 to vector<1000x128xf32>
    %min3A_25 = arith.minimumf %add3A_20, %min3A_24 : vector<1000x128xf32>
    %exp3A = math.exp %min3A_25 : vector<1000x128xf32>
    %sub3A = arith.constant 1.000000e+00 : f32
    %sub3A_26 = vector.broadcast %sub3A : f32 to vector<1000x128xf32>
    %sub3A_27 = arith.subf %exp3A, %sub3A_26 : vector<1000x128xf32>
    %select_n3A_28 = arith.select %gt3A_23, %add3A_20, %sub3A_27 : vector<1000x128xi1>, vector<1000x128xf32>
    %get3A_29 = arith.constant 0 : index
    %get3A_30 = arith.constant 0 : index
    %get3A_31 = vector.load %arg1[%get3A_29, %get3A_30] : memref<1000x128xf32, #tpu.memory_space<vmem>>, vector<1000x128xf32>
    %add3A_32 = arith.addf %get3A_31, %select_n3A_28 : vector<1000x128xf32>
    %reduce_sum3A = arith.constant dense<0.000000e+00> : vector<128xf32>
    %reduce_sum3A_33 = vector.multi_reduction <add>, %add3A_32, %reduce_sum3A [0] : vector<1000x128xf32> to vector<128xf32>
    %broadcast_in_dim3A_34 = vector.shape_cast %reduce_sum3A_33 : vector<128xf32> to vector<1x128xf32>
    %eq3A = arith.constant 0 : i32
    %eq3A_35 = arith.cmpi eq, %arg0, %eq3A : i32
    %convert_element_type3A = arith.extui %eq3A_35 : i1 to i32
    %cond3A = arith.constant 0 : i32
    %cond3A_36 = arith.cmpi ne, %convert_element_type3A, %cond3A : i32
    scf.if %cond3A_36 {
      %broadcast_in_dim3A_48 = arith.constant 0.000000e+00 : f32
      %broadcast_in_dim3A_49 = vector.broadcast %broadcast_in_dim3A_48 : f32 to vector<1x128xf32>
      %swap3A_50 = arith.constant 0 : index
      %swap3A_51 = arith.constant 0 : index
      %swap3A_52 = vector.load %arg14[%swap3A_50, %swap3A_51] : memref<1x128xf32, #tpu.memory_space<vmem>>, vector<1x128xf32>
      tpu.vector_store %arg14[%swap3A_50, %swap3A_51], %broadcast_in_dim3A_49 {strides = array<i32>} : memref<1x128xf32, #tpu.memory_space<vmem>>, vector<1x128xf32>,
    } else {
    }
    %get3A_37 = arith.constant 0 : index
    %get3A_38 = arith.constant 0 : index
    %get3A_39 = vector.load %arg14[%get3A_37, %get3A_38] : memref<1x128xf32, #tpu.memory_space<vmem>>, vector<1x128xf32>
    %add3A_40 = arith.addf %get3A_39, %broadcast_in_dim3A_34 : vector<1x128xf32>
    %swap3A = arith.constant 0 : index
    %swap3A_41 = arith.constant 0 : index
    %swap3A_42 = vector.load %arg14[%swap3A, %swap3A_41] : memref<1x128xf32, #tpu.memory_space<vmem>>, vector<1x128xf32>
    tpu.vector_store %arg14[%swap3A, %swap3A_41], %add3A_40 {strides = array<i32>} : memref<1x128xf32, #tpu.memory_space<vmem>>, vector<1x128xf32>,
    %eq3A_43 = arith.constant 9 : i32
    %eq3A_44 = arith.cmpi eq, %arg0, %eq3A_43 : i32
    %convert_element_type3A_45 = arith.extui %eq3A_44 : i1 to i32
    %cond3A_46 = arith.constant 0 : i32
    %cond3A_47 = arith.cmpi ne, %convert_element_type3A_45, %cond3A_46 : i32
    scf.if %cond3A_47 {
      %get3A_48 = arith.constant 0 : index
      %get3A_49 = arith.constant 0 : index
      %get3A_50 = vector.load %arg14[%get3A_48, %get3A_49] : memref<1x128xf32, #tpu.memory_space<vmem>>, vector<1x128xf32>
      %mul3A_51 = arith.constant 9.99999974E-5 : f32
      %mul3A_52 = vector.broadcast %mul3A_51 : f32 to vector<1x128xf32>
      %mul3A_53 = arith.mulf %get3A_50, %mul3A_52 : vector<1x128xf32>
      %get3A_54 = arith.constant 0 : index
      %get3A_55 = arith.constant 0 : index
      %get3A_56 = vector.load %arg7[%get3A_54, %get3A_55] : memref<128x64xf32, #tpu.memory_space<vmem>>, vector<128x64xf32>
      %dot_general3A_57 = arith.constant dense<0.000000e+00> : vector<1x64xf32>
      %dot_general3A_58 = tpu.matmul %mul3A_53, %get3A_56, %dot_general3A_57 {dimension_numbers = #tpu.dot_dimension_numbers<[1], [0], [0], [1], [0, 0, 1, 1], [], []>, transpose_lhs_hint = false} : vector<1x128xf32>, vector<128x64xf32>, vector<1x64xf32> -> vector<1x64xf32>
      %get3A_59 = arith.constant 0 : index
      %get3A_60 = arith.constant 0 : index
      %get3A_61 = vector.load %arg8[%get3A_59, %get3A_60] : memref<1x64xf32, #tpu.memory_space<vmem>>, vector<1x64xf32>
      %add3A_62 = arith.addf %dot_general3A_58, %get3A_61 : vector<1x64xf32>
      %max3A = arith.constant 0.000000e+00 : f32
      %max3A_63 = vector.broadcast %max3A : f32 to vector<1x64xf32>
      %max3A_64 = arith.maximumf %add3A_62, %max3A_63 : vector<1x64xf32>
      %get3A_65 = arith.constant 0 : index
      %get3A_66 = arith.constant 0 : index
      %get3A_67 = vector.load %arg9[%get3A_65, %get3A_66] : memref<64x32xf32, #tpu.memory_space<vmem>>, vector<64x32xf32>
      %dot_general3A_68 = arith.constant dense<0.000000e+00> : vector<1x32xf32>
      %dot_general3A_69 = tpu.matmul %max3A_64, %get3A_67, %dot_general3A_68 {dimension_numbers = #tpu.dot_dimension_numbers<[1], [0], [0], [1], [0, 0, 1, 1], [], []>, transpose_lhs_hint = false} : vector<1x64xf32>, vector<64x32xf32>, vector<1x32xf32> -> vector<1x32xf32>
      %get3A_70 = arith.constant 0 : index
      %get3A_71 = arith.constant 0 : index
      %get3A_72 = vector.load %arg10[%get3A_70, %get3A_71] : memref<1x32xf32, #tpu.memory_space<vmem>>, vector<1x32xf32>
      %add3A_73 = arith.addf %dot_general3A_69, %get3A_72 : vector<1x32xf32>
      %max3A_74 = arith.constant 0.000000e+00 : f32
      %max3A_75 = vector.broadcast %max3A_74 : f32 to vector<1x32xf32>
      %max3A_76 = arith.maximumf %add3A_73, %max3A_75 : vector<1x32xf32>
      %get3A_77 = arith.constant 0 : index
      %get3A_78 = arith.constant 0 : index
      %get3A_79 = vector.load %arg11[%get3A_77, %get3A_78] : memref<32x10xf32, #tpu.memory_space<vmem>>, vector<32x10xf32>
      %dot_general3A_80 = arith.constant dense<0.000000e+00> : vector<1x10xf32>
      %dot_general3A_81 = tpu.matmul %max3A_76, %get3A_79, %dot_general3A_80 {dimension_numbers = #tpu.dot_dimension_numbers<[1], [0], [0], [1], [0, 0, 1, 1], [], []>, transpose_lhs_hint = false} : vector<1x32xf32>, vector<32x10xf32>, vector<1x10xf32> -> vector<1x10xf32>
      %get3A_82 = arith.constant 0 : index
      %get3A_83 = arith.constant 0 : index
      %get3A_84 = vector.load %arg12[%get3A_82, %get3A_83] : memref<1x10xf32, #tpu.memory_space<vmem>>, vector<1x10xf32>
      %add3A_85 = arith.addf %dot_general3A_81, %get3A_84 : vector<1x10xf32>
      %swap3A_86 = arith.constant 0 : index
      %swap3A_87 = arith.constant 0 : index
      %swap3A_88 = vector.load %arg13[%swap3A_86, %swap3A_87] : memref<1x10xf32, #tpu.memory_space<vmem>>, vector<1x10xf32>
      tpu.vector_store %arg13[%swap3A_86, %swap3A_87], %add3A_85 {strides = array<i32>} : memref<1x10xf32, #tpu.memory_space<vmem>>, vector<1x10xf32>,
    } else {
    }
    return
  }
  func.func @transform_0(%arg0: i32) -> (i32, i32) {
    %c0_i32 = arith.constant 0 : i32
    %c0_i32_0 = arith.constant 0 : i32
    return %arg0, %c0_i32 : i32, i32
  }
  func.func @transform_1(%arg0: i32) -> (i32, i32) {
    %c0_i32 = arith.constant 0 : i32
    %c0_i32_0 = arith.constant 0 : i32
    return %arg0, %c0_i32 : i32, i32
  }
  func.func @transform_2(%arg0: i32) -> (i32, i32) {
    %c0_i32 = arith.constant 0 : i32
    %c0_i32_0 = arith.constant 0 : i32
    return %arg0, %c0_i32 : i32, i32
  }
  func.func @transform_3(%arg0: i32) -> (i32, i32) {
    %c0_i32 = arith.constant 0 : i32
    %c0_i32_0 = arith.constant 0 : i32
    %c0_i32_1 = arith.constant 0 : i32
    return %c0_i32, %c0_i32_0 : i32, i32
  }
  func.func @transform_4(%arg0: i32) -> (i32, i32) {
    %c0_i32 = arith.constant 0 : i32
    %c0_i32_0 = arith.constant 0 : i32
    %c0_i32_1 = arith.constant 0 : i32
    return %c0_i32, %c0_i32_0 : i32, i32
  }
  func.func @transform_5(%arg0: i32) -> (i32, i32) {
    %c0_i32 = arith.constant 0 : i32
    %c0_i32_0 = arith.constant 0 : i32
    %c0_i32_1 = arith.constant 0 : i32
    return %c0_i32, %c0_i32_0 : i32, i32
  }
  func.func @transform_6(%arg0: i32) -> (i32, i32) {
    %c0_i32 = arith.constant 0 : i32
    %c0_i32_0 = arith.constant 0 : i32
    %c0_i32_1 = arith.constant 0 : i32
    return %c0_i32, %c0_i32_0 : i32, i32
  }
  func.func @transform_7(%arg0: i32) -> (i32, i32) {
    %c0_i32 = arith.constant 0 : i32
    %c0_i32_0 = arith.constant 0 : i32
    %c0_i32_1 = arith.constant 0 : i32
    return %c0_i32, %c0_i32_0 : i32, i32
  }
  func.func @transform_8(%arg0: i32) -> (i32, i32) {
    %c0_i32 = arith.constant 0 : i32
    %c0_i32_0 = arith.constant 0 : i32
    %c0_i32_1 = arith.constant 0 : i32
    return %c0_i32, %c0_i32_0 : i32, i32
  }
  func.func @transform_9(%arg0: i32) -> (i32, i32) {
    %c0_i32 = arith.constant 0 : i32
    %c0_i32_0 = arith.constant 0 : i32
    %c0_i32_1 = arith.constant 0 : i32
    return %c0_i32, %c0_i32_0 : i32, i32
  }
  func.func @transform_10(%arg0: i32) -> (i32, i32) {
    %c0_i32 = arith.constant 0 : i32
    %c0_i32_0 = arith.constant 0 : i32
    %c0_i32_1 = arith.constant 0 : i32
    return %c0_i32, %c0_i32_0 : i32, i32
  }
  func.func @transform_11(%arg0: i32) -> (i32, i32) {
    %c0_i32 = arith.constant 0 : i32
    %c0_i32_0 = arith.constant 0 : i32
    %c0_i32_1 = arith.constant 0 : i32
    return %c0_i32, %c0_i32_0 : i32, i32
  }
  func.func @transform_12(%arg0: i32) -> (i32, i32) {
    %c0_i32 = arith.constant 0 : i32
    %c0_i32_0 = arith.constant 0 : i32
    %c0_i32_1 = arith.constant 0 : i32
    return %c0_i32, %c0_i32_0 : i32, i32
  }
}

</mosaic_0001>

<sc_bundles>
// kernel: kernel.11.cloned.1.call-start
scs
__scs_entry_jumppad:
0x0: {  	(pc) =	sbr.rel $0x88, $3  }
0x1: {  	(tag) =	ssettag $0x0;
	lr =	simm.s32 $0x1  }
0x2: {  	[smem:$0x3F93] =	sst lr;
	_ =	strace $0xD0000000  }
0x3: {  	_ = 	snop  }
0x4: {  	_ = 	snop  }
0x5: {  	_ = 	snop  }
0x6: {  	_ = 	snop  }
0x7: {  	_ = 	snop  }
__scs_overlays_trampoline_lowered:
0x8: {  	[smem:$0x3FA2] =	sst s0  }
0x9: {  	[smem:$0x3FA3] =	sst s1  }
0xa: {  	[smem:$0x3FA4] =	sst s2  }
0xb: {  	[smem:$0x3FA5] =	sst s3  }
0xc: {  	[smem:$0x3FA6] =	sst s4  }
0xd: {  	[smem:$0x3FA7] =	sst s5  }
0xe: {  	[smem:$0x3FA8] =	sst s6  }
0xf: {  	[smem:$0x3FA9] =	sst s7  }
0x10: {  	[smem:$0x3FAA] =	sst s8  }
0x11: {  	[smem:$0x3FAB] =	sst s9;
	s0 =	simm.s32 @!p0 $0x0  }
0x12: {  	s1 =	sld [smem:$0x3F91];
	s0 =	simm.s32 @p0 $0x1  }
0x13: {  	[smem:$0x3FAC] =	sst s0;
	s0 =	simm.s32 @!p1 $0x0  }
0x14: {  	s2 =	sld [smem:$0x3F90];
	s0 =	simm.s32 @p1 $0x1  }
0x15: {  	[smem:$0x3FAD] =	sst s0;
	s0 =	simm.s32 @!p2 $0x0  }
0x16: {  	s3 =	sld [smem:$0x3FDB];
	s0 =	simm.s32 @p2 $0x1  }
0x17: {  	s4 =	simm.s32 $0x1BF5;
	[smem:$0x3FAF] =	sst s0  }
0x18: {  	s0 =	sld [smem:$0x3F92];
	_ =	swait.ge [sflag:s4], $0x0  }
0x19: {  	s7 =	sld [smem:$0x3F93]  }
0x1a: {  	s8 =	sadd.s32 $0xFFFFE003, lr  }
0x1b: {  	s9 =	sadd.s32 $0xFFFFFEF7, lr;
	s5 =	simm.s32 $0xFFFFFFFF;
	p2 =	slt.u32 s8, $0xFFFFF086  }
0x1c: {  	p1 =	slt.u32 s9, $0xF7A;
	s5 =	simm.s32 @!p2 $0x0  }
0x1d: {  	s5 =	simm.s32 @p1 $0x1;
	p0 =	seq.s32 s7, s2  }
0x1e: {  	s7 =	smul.u32 @!p0 $0xF7A, s2;
	p2 =	seq.s32 @!p0 s5, $0x0  }
0x1f: {  	s9 =	smul.u32 $0xF7A, s1;
	s8 =	simm.s32 @!p0 $0x1BF5;
	p2 =	por !p2, p0  }
0x20: {  	[sflag:s8] =	ssyncset.s32 @!p0 $0xFFFFF086;
	s6 =	sadd.s32 @!p0 s3, s7;
	s7 =	simm.s32 @!p0 $0x108  }
0x21: {  	s3 =	sadd.s32 s3, s9;
	s6 =	sadd.s32 @!p0 $0x88, s6;
	s7 =	simm.s32 @p2 $0x1082  }
0x22: {  	[simem:s7], [sflag:s8] =	dma.local @!p0 [hbm:s6], $0xF7A  }
0x23: {  	s9 =	sor.u32 $0xD0000000, s2;
	s6 =	simm.s32 $0x108;
	_ =	swait.ge @!p0 [sflag:s8], $0x0  }
0x24: {  	s3 =	sadd.s32 $0x88, s3;
	s6 =	simm.s32 @!p1 $0x1082;
	[sflag:s4] =	ssyncset.s32 $0xFFFFF086  }
0x25: {  	[simem:s6], [sflag:s4] =	dma.local [hbm:s3], $0xF7A  }
0x26: {  	[smem:$0x3F93] =	sst s1;
	(tag) =	ssettag s2;
	_ =	strace s9  }
0x27: {  	s1 =	sld [smem:$0x3FA3]  }
0x28: {  	s2 =	sld [smem:$0x3FA4]  }
0x29: {  	s4 =	sld [smem:$0x3FA6]  }
0x2a: {  	p0 =	seq.s32 s5, $0x0;
	s5 =	sld [smem:$0x3FA7]  }
0x2b: {  	s6 =	sld [smem:$0x3FA8]  }
0x2c: {  	s7 =	sld [smem:$0x3FA9]  }
0x2d: {  	s3 =	simm.s32 $0x108;
	s8 =	sld [smem:$0x3FAA]  }
0x2e: {  	s3 =	simm.s32 @!p0 $0x1082;
	s9 =	sld [smem:$0x3FAB]  }
0x2f: {  	lr =	sadd.s32 s0, s3;
	s0 =	sld [smem:$0x3FA2]  }
0x30: {  	s3 =	sld [smem:$0x3FA5]  }
0x31: {  	[smem:$0x3FAE] =	sst s10  }
0x32: {  	s10 =	sld [smem:$0x3FAC];
	_ =	sdelay $0x3  }
0x33: {  	p0 =	seq.s32 s10, $0x1;
	s10 =	sld [smem:$0x3FAE];
	_ =	sdelay $0x3  }
0x34: {  	[smem:$0x3FAE] =	sst s10  }
0x35: {  	s10 =	sld [smem:$0x3FAD];
	_ =	sdelay $0x3  }
0x36: {  	p1 =	seq.s32 s10, $0x1;
	s10 =	sld [smem:$0x3FAE];
	_ =	sdelay $0x3  }
0x37: {  	[smem:$0x3FAE] =	sst s10  }
0x38: {  	s10 =	sld [smem:$0x3FAF]  }
0x39: {  	_ = 	snop;
	(pc) =	sbr.ind lr, $3  }
0x3a: {  	_ = 	snop  }
0x3b: {  	_ = 	snop  }
0x3c: {  	p2 =	seq.s32 s10, $0x1;
	s10 =	sld [smem:$0x3FAE]  }
0x3d: {  	_ =	shalt  }
0x3e: {  	_ =	shalt  }
0x3f: {  	_ =	shalt  }
0x40: {  	_ =	shalt  }
0x41: {  	_ =	shalt  }
0x42: {  	_ =	shalt  }
0x43: {  	_ =	shalt  }
0x44: {  	_ =	shalt  }
0x45: {  	_ =	shalt  }
0x46: {  	_ =	shalt  }
0x47: {  	_ =	shalt  }
0x48: {  	_ =	shalt  }
0x49: {  	_ =	shalt  }
0x4a: {  	_ =	shalt  }
0x4b: {  	_ =	shalt  }
0x4c: {  	_ =	shalt  }
0x4d: {  	_ =	shalt  }
0x4e: {  	_ =	shalt  }
0x4f: {  	_ =	shalt  }
0x50: {  	_ =	shalt  }
0x51: {  	_ =	shalt  }
0x52: {  	_ =	shalt  }
0x53: {  	_ =	shalt  }
0x54: {  	_ =	shalt  }
0x55: {  	_ =	shalt  }
0x56: {  	_ =	shalt  }
0x57: {  	_ =	shalt  }
0x58: {  	_ =	shalt  }
0x59: {  	_ =	shalt  }
0x5a: {  	_ =	shalt  }
0x5b: {  	_ =	shalt  }
0x5c: {  	_ =	shalt  }
0x5d: {  	_ =	shalt  }
0x5e: {  	_ =	shalt  }
0x5f: {  	_ =	shalt  }
0x60: {  	_ =	shalt  }
0x61: {  	_ =	shalt  }
0x62: {  	_ =	shalt  }
0x63: {  	_ =	shalt  }
0x64: {  	_ =	shalt  }
0x65: {  	_ =	shalt  }
0x66: {  	_ =	shalt  }
0x67: {  	_ =	shalt  }
0x68: {  	_ =	shalt  }
0x69: {  	_ =	shalt  }
0x6a: {  	_ =	shalt  }
0x6b: {  	_ =	shalt  }
0x6c: {  	_ =	shalt  }
0x6d: {  	_ =	shalt  }
0x6e: {  	_ =	shalt  }
0x6f: {  	_ =	shalt  }
0x70: {  	_ =	shalt  }
0x71: {  	_ =	shalt  }
0x72: {  	_ =	shalt  }
0x73: {  	_ =	shalt  }
0x74: {  	_ =	shalt  }
0x75: {  	_ =	shalt  }
0x76: {  	_ =	shalt  }
0x77: {  	_ =	shalt  }
0x78: {  	_ =	shalt  }
0x79: {  	_ =	shalt  }
0x7a: {  	_ =	shalt  }
0x7b: {  	_ =	shalt  }
0x7c: {  	_ =	shalt  }
0x7d: {  	_ =	shalt  }
0x7e: {  	_ =	shalt  }
0x7f: {  	_ =	shalt  }
0x80: {  	_ =	shalt  }
0x81: {  	_ =	shalt  }
0x82: {  	_ =	shalt  }
0x83: {  	_ =	shalt  }
0x84: {  	_ =	shalt  }
0x85: {  	_ =	shalt  }
0x86: {  	_ =	shalt  }
0x87: {  	_ =	shalt  }
.Lfunc_end0:
.L_simem_size_0:
called_computation_lowered:
.L_overlay_start_0:
0x88: {  	s2 =	sld [smem:$0x3FD9]  }
0x89: {  	s3 =	sld [smem:$0x3FFE];
	_ =	sdelay $0x1  }
0x8a: {  	s1 =	srdreg.scid  }
0x8b: {  	s0 =	sand.u32 $0x1, s1  }
0x8c: {  	s17 =	sshll.u32 s0, $0xA;
	s2 =	sadd.s32 s3, s2  }
0x8d: {  	s2 =	sadd.s32 s2, s17  }
0x8e: {  	[smem:$0x3FBA] =	sst s2  }
0x8f: {  	_ = 	snop  }
0x90: {  	s2 =	sld [smem:$0x3FD0];
	(tm) =	ssettm $0x1  }
0x91: {  	s18 =	sld [smem:$0x3FFB];
	_ =	sdelay $0x3  }
0x92: {  	_ =	strace s18  }
0x93: {  	s3 =	sld [smem:$0x3FFC];
	_ =	sdelay $0x3  }
0x94: {  	_ =	strace s3  }
0x95: {  	s3 =	sld [smem:$0x3FFD];
	_ =	sdelay $0x3  }
0x96: {  	_ =	strace s3  }
0x97: {  	_ =	strace $0x8FFFFFFF  }
0x98: {  	s19 =	sld [smem:$0x3FDB];
	_ =	sdelay $0x1  }
0x99: {  	s4 =	simm.s32 $_scs_section_size  }
0x9a: {  	s5 =	simm.s32 $_size__tile_overlayer_lowered;
	s6 =	simm.s32 $_tile_overlayer_lowered  }
0x9b: {  	s22 =	simm.s32 $0x1BFF;
	s21 =	sshll.u32 s6, $0x1;
	s3 =	sadd.s32 s4, s19  }
0x9c: {  	s7 =	simm.s32 $0x0;
	s20 =	sshll.u32 s5, $0x1;
	s5 =	sadd.s32 s21, s3  }
0x9d: {  	[timem:s7], [sflag:s22] =	dma.local [hbm:s5], s20  }
0x9e: {  	_ =	swait.ge [sflag:s22], s20  }
0x9f: {  	s4 =	ssub.s32 $0x0, s20;
	[sflag:s22] =	ssyncset.done $0x0  }
0xa0: {  	[sflag:s22] =	ssyncadd.s32 s4;
	_ =	sdelay $0x1  }
0xa1: {  	s23 =	simm.s32 $0x1B8B  }
0xa2: {  	_ =	swait.ge [sflag:s23], $0x1  }
0xa3: {  	[sflag:s23] =	ssyncset.done $0x0  }
0xa4: {  	s25 =	simm.s32 $0x1B8E;
	s24 =	sld [smem:$0x3FFE];
	[sflag:s23] =	ssyncadd.s32 $0xFFFFFFFF  }
0xa5: {  	s26 =	simm.s32 $execute0_lowered;
	[smem:$0x3FD2] =	sst s25  }
0xa6: {  	s5 =	sshll.u32 s26, $0x1;
	_ =	strace $0x80000046;
	[dreg:$0x1] =	wrdreg $0xFFFFFFFF  }
0xa7: {  	s28 =	simm.s32 $_size_execute0_lowered;
	s3 =	sadd.s32 s3, s5;
	[dreg:$0x0] =	wrdreg $0x0  }
0xa8: {  	s5 =	sshll.u32 s28, $0x1;
	[dreg:$0x2] =	wrdreg s3  }
0xa9: {  	[dreg:$0x3] =	wrdreg s5  }
0xaa: {  	[dreg:$0x4] =	wrdreg $0xC0  }
0xab: {  	_ =	task [dreg:s7], $0x5FFFF  }
0xac: {  	[dreg:$0x1] =	wrdreg $0xFFFFFFFF  }
0xad: {  	[dreg:$0x0] =	wrdreg $0x60  }
0xae: {  	[dreg:$0x2] =	wrdreg s24  }
0xaf: {  	[dreg:$0x3] =	wrdreg s2  }
0xb0: {  	[dreg:$0x4] =	wrdreg $0x6FF00  }
0xb1: {  	[dreg:$0x5] =	wrdreg $0x9  }
0xb2: {  	_ =	task.clear_ibuf [dreg:s7], $0x6FFFF;
	_ =	strace $0x90000046  }
0xb3: {  	s29 =	simm.s32 $0x9;
	_ =	strace $0x80000048  }
0xb4: {  	_ =	swait.ge [sflag:s29], $0x1  }
0xb5: {  	[sflag:s29] =	ssyncadd.s32 $0xFFFFFFFF  }
0xb6: {  	_ =	strace $0x90000048  }
0xb7: {  	_ =	sfence  }
0xb8: {  	s30 =	sld [smem:$0x0];
	_ =	sdelay $0x2  }
0xb9: {  	s31 =	sshll.u32 s1, $0xD;
	s1 =	sshrl.u32 s1, $0x2  }
0xba: {  	s3 =	sand.u32 $0x4000, s31;
	s1 =	sadd.s32 s1, s30  }
0xbb: {  	s0 =	sor.u32 s3, s0;
	s1 =	sshll.u32 s1, $0x11  }
0xbc: {  	s0 =	sor.u32 s1, s0  }
0xbd: {  	s0 =	sadd.s32 $0x8F2B, s0  }
0xbe: {  	[sflag:s0] =	ssyncadd.remote.s32 $0x1  }
0xbf: {  	_ =	sfence.sel $0xFFFF  }
0xc0: {  	[dreg:$0x0] =	wrdreg $0xFFFFFFFF;
	(pc) =	sbr.abs _section_cstart, $3  }
0xc1: {  	[dreg:$0x1] =	wrdreg $0xFFFFFFFF  }
0xc2: {  	_ =	task.clear_ibuf [dreg:s7], $0x2FFFF;
	_ =	strace $0x9FFFFFFF  }
0xc3: {  	(tm) =	ssettm $0x7FFFFFFF  }
tec
execute0_lowered:
.L_overlay_start_1:
0x0: {  	(tag) =	ssettag $0x1  }
0x1: {  	s0 =	srdreg.scid  }
0x2: {  	s15 =	stileid.u32;
	s0 =	sand.u32 $0x1, s0  }
0x3: {  	s2 =	sshll.u32 s15, $0x1;
	s9 =	sor.u32 $0x20, s15;
	s7 =	smul.u32 $0x15F900, s0  }
0x4: {  	s2 =	sor.u32 s0, s2;
	s3 =	ssub.s32 $0x2, s0;
	s0 =	smul.u32 $0x3840, s15  }
0x5: {  	s4 =	rddreg [dreg:$0x0];
	s10 =	sor.u32 $0x30, s15;
	s18 =	smul.u32 $0x3840, s9  }
0x6: {  	s1 =	simm.s32 $0x0;
	s12 =	sor.u32 $0x40, s15;
	s21 =	smul.u32 $0x3840, s10  }
0x7: {  	[smem:$0x7FF] =	sst s1;
	s19 =	sor.u32 $0x50, s15;
	s22 =	smul.u32 $0x3840, s12  }
0x8: {  	s5 =	sadd.s32 $0x90A00, s4;
	s20 =	sor.u32 $0x60, s15;
	s23 =	smul.u32 $0x3840, s19  }
0x9: {  	s8 =	sor.u32 $0x10, s15;
	s24 =	smul.u32 $0x3840, s20;
	s6 =	sshrl.u32 s3, $0x1  }
0xa: {  	p0 =	sgt.u32 s20, $0x63;
	s6 =	ssub.s32 s3, s6;
	s3 =	smul.u32 $0x3840, s8  }
0xb: {  	s2 =	smul.u32 $0x2710, s2;
	s11 =	sadd.s32 s7, s0;
	s14 =	sadd.s32 s7, s18  }
0xc: {  	s16 =	sadd.s32 s7, s22;
	s11 =	sshrl.u32 s11, $0x3;
	s13 =	sadd.s32 s7, s3  }
0xd: {  	s25 =	sadd.s32 s7, s23;
	s11 =	sadd.s32 s5, s11;
	s13 =	sshrl.u32 s13, $0x3  }
0xe: {  	s14 =	sshrl.u32 s14, $0x3;
	[dreg:$0x4] =	wrdreg s11;
	s26 =	sadd.s32 s5, s13  }
0xf: {  	s6 =	smax.u32 s6, $0x1;
	s13 =	sadd.s32 s5, s14;
	[dreg:$0x5] =	wrdreg s26  }
0x10: {  	s14 =	sadd.s32 s7, s21;
	s7 =	sadd.s32 s7, s24;
	[dreg:$0x6] =	wrdreg s13  }
0x11: {  	s11 =	sshrl.u32 s14, $0x3;
	s13 =	sshrl.u32 s16, $0x3;
	s7 =	sshrl.u32 s7, $0x3  }
0x12: {  	s26 =	smul.u32 $0xE100, s15;
	s14 =	sadd.s32 $0x8BA00, s4;
	s15 =	sadd.s32 $0x38800, s4  }
0x13: {  	s16 =	sadd.s32 $0xEA00, s4;
	s11 =	sadd.s32 s5, s11;
	s17 =	sadd.s32 s5, s13  }
0x14: {  	[dreg:$0x7] =	wrdreg s11;
	s11 =	sshrl.u32 s25, $0x3;
	s25 =	smul.u32 $0xE100, s9  }
0x15: {  	s13 =	sadd.s32 $0x86A00, s4;
	[dreg:$0x8] =	wrdreg s17;
	s9 =	smul.u32 $0xE100, s12  }
0x16: {  	s17 =	sadd.s32 $0x4C00, s4;
	s12 =	smul.u32 $0xE100, s19;
	s11 =	sadd.s32 s5, s11  }
0x17: {  	s19 =	smul.u32 $0xE100, s20;
	s5 =	sadd.s32 s5, s7;
	[dreg:$0x9] =	wrdreg s11  }
0x18: {  	s7 =	simm.s32 $0x2D00;
	[dreg:$0xa] =	wrdreg s5;
	s5 =	smul.u32 $0xE100, s8  }
0x19: {  	s11 =	rddreg [dreg:$0x2];
	s8 =	sshrl.u32 s26, $0x2;
	s26 =	smul.u32 $0xE100, s10  }
0x1a: {  	s20 =	sshrl.u32 s9, $0x2;
	s9 =	simm.s32 $0x1;
	_ =	strace $0x80000047  }
0x1b: {  	[dreg:$0xb] =	wrdreg s6;
	s4 =	sadd.s32 s8, s11;
	s8 =	sshrl.u32 s25, $0x2  }
0x1c: {  	s28 =	sadd.s32 s3, s11;
	s29 =	sadd.s32 s18, s11;
	s30 =	sadd.s32 s21, s11  }
0x1d: {  	s31 =	sadd.s32 s22, s11;
	s3 =	simm.s32 $0x37B0;
	s6 =	simm.s32 $0x50  }
0x1e: {  	s18 =	simm.s32 $0x0;
	[dreg:$0xc] =	wrdreg s4;
	s5 =	sshrl.u32 s5, $0x2  }
0x1f: {  	s10 =	sadd.s32 s8, s11;
	s4 =	sshrl.u32 s26, $0x2;
	s26 =	sshrl.u32 s19, $0x2  }
0x20: {  	s8 =	sadd.s32 s23, s11;
	s5 =	sadd.s32 s5, s11;
	[dreg:$0xe] =	wrdreg s10  }
0x21: {  	s4 =	sadd.s32 s4, s11;
	s10 =	simm.s32 $0x3200;
	[dreg:$0xd] =	wrdreg s5  }
0x22: {  	[dreg:$0xf] =	wrdreg s4;
	s5 =	sshrl.u32 s12, $0x2;
	s4 =	sadd.s32 s20, s11  }
0x23: {  	s12 =	simm.s32 $0x2;
	[dreg:$0x10] =	wrdreg s4;
	s25 =	sadd.s32 s5, s11  }
0x24: {  	v1 =	vlaneseq.u32;
	s4 =	simm.s32 $0x3700;
	s5 =	simm.s32 $0x3750;
	[dreg:$0x11] =	wrdreg s25  }
0x25: {  	v0 =	vimm.f32 $0.0e+00;
	vm0 =	vmmov $0xff;
	v1 =	vand.u32 $0x7, v1;
	s25 =	sadd.s32 s26, s11;
	s26 =	sadd.s32 s0, s11;
	s0 =	sadd.s32 s24, s11  }
.LBB2_1:
0x26: {  	s19 =	rddreg [dreg:$0x1];
	s20 =	simm.s32 $0x37A0  }
0x27: {  	[tilespmem:s20], [sflag:$0x1] =	stream.linear.gather [hbm4b:s19+s1], $0x10, $0x38;
	[tilespmem:$0x1CF80] =	vst v63  }
0x28: {  	_ =	swait.ge [sflag:s9], $0x10  }
0x29: {  	[sflag:s9] =	ssyncset.done $0x0  }
0x2a: {  	s19 =	simm.s32 $0x0;
	s20 =	simm.s32 $0x240;
	[sflag:s9] =	ssyncadd.s32 $0xFFFFFFF0  }
.LBB2_2:
0x2b: {  	p1 =	sne.s32 s20, $0xDEC0;
	[tilespmem:s19+$0x3830] =	vst v0  }
0x2c: {  	[tilespmem:s19+$0x37B0] =	vst v0  }
0x2d: {  	[tilespmem:s19+$0x37C0] =	vst v0  }
0x2e: {  	[tilespmem:s19+$0x37D0] =	vst v0  }
.Ltmp0:
0x2f: {  	[tilespmem:s19+$0x37E0] =	vst v0;
	(pc) =	sbr.rel @p1 .LBB2_2-.Ltmp0, $4  }
0x30: {  	[tilespmem:s19+$0x37F0] =	vst v0  }
0x31: {  	[tilespmem:s19+$0x3800] =	vst v0  }
0x32: {  	[tilespmem:s19+$0x3810] =	vst v0  }
0x33: {  	[tilespmem:s19+$0x3820] =	vst v0;
	s19 =	sshra.s32 s20, $0x2;
	s20 =	sadd.s32 $0x240, s20  }
0x34: {  	[tilespmem:s19+$0x3830] =	vst v0  }
0x35: {  	[tilespmem:s19+$0x37B0] =	vst v0  }
0x36: {  	[tilespmem:s19+$0x37C0] =	vst v0  }
0x37: {  	[tilespmem:s19+$0x37D0] =	vst v0  }
0x38: {  	[tilespmem:s19+$0x37E0] =	vst v0  }
0x39: {  	[tilespmem:s19+$0x37F0] =	vst v0  }
0x3a: {  	[tilespmem:s19+$0x3800] =	vst v0  }
0x3b: {  	[tilespmem:s19+$0x3810] =	vst v0  }
0x3c: {  	[tilespmem:s19+$0x3820] =	vst v0;
	s24 =	rddreg [dreg:$0xc]  }
0x3d: {  	[spmem:s24] =	stream.linear.scatter [tilespmem:s3], [sflag:$0x1], $0x3840, $0x38;
	[tilespmem:$0x1CF80] =	vst v63  }
0x3e: {  	_ =	swait.ge [sflag:s9], $0x3840  }
0x3f: {  	[sflag:s9] =	ssyncset.done $0x0  }
0x40: {  	s20 =	rddreg [dreg:$0xd];
	[sflag:s9] =	ssyncadd.s32 $0xFFFFC7C0  }
0x41: {  	[spmem:s20] =	stream.linear.scatter [tilespmem:s3], [sflag:$0x1], $0x3840, $0x38;
	[tilespmem:$0x1CF80] =	vst v63  }
0x42: {  	_ =	swait.ge [sflag:s9], $0x3840  }
0x43: {  	[sflag:s9] =	ssyncset.done $0x0  }
0x44: {  	s21 =	rddreg [dreg:$0xe];
	[sflag:s9] =	ssyncadd.s32 $0xFFFFC7C0  }
0x45: {  	[spmem:s21] =	stream.linear.scatter [tilespmem:s3], [sflag:$0x1], $0x3840, $0x38;
	[tilespmem:$0x1CF80] =	vst v63  }
0x46: {  	_ =	swait.ge [sflag:s9], $0x3840  }
0x47: {  	[sflag:s9] =	ssyncset.done $0x0  }
0x48: {  	s22 =	rddreg [dreg:$0xf];
	[sflag:s9] =	ssyncadd.s32 $0xFFFFC7C0  }
0x49: {  	[spmem:s22] =	stream.linear.scatter [tilespmem:s3], [sflag:$0x1], $0x3840, $0x38;
	[tilespmem:$0x1CF80] =	vst v63  }
0x4a: {  	_ =	swait.ge [sflag:s9], $0x3840  }
0x4b: {  	[sflag:s9] =	ssyncset.done $0x0  }
0x4c: {  	s23 =	rddreg [dreg:$0x10];
	[sflag:s9] =	ssyncadd.s32 $0xFFFFC7C0  }
0x4d: {  	[spmem:s23] =	stream.linear.scatter [tilespmem:s3], [sflag:$0x1], $0x3840, $0x38;
	[tilespmem:$0x1CF80] =	vst v63  }
0x4e: {  	_ =	swait.ge [sflag:s9], $0x3840  }
0x4f: {  	[sflag:s9] =	ssyncset.done $0x0  }
0x50: {  	s24 =	rddreg [dreg:$0x11];
	[sflag:s9] =	ssyncadd.s32 $0xFFFFC7C0  }
0x51: {  	[spmem:s24] =	stream.linear.scatter [tilespmem:s3], [sflag:$0x1], $0x3840, $0x38;
	[tilespmem:$0x1CF80] =	vst v63  }
0x52: {  	_ =	swait.ge [sflag:s9], $0x3840  }
0x53: {  	[sflag:s9] =	ssyncset.done $0x0  }
0x54: {  	s19 =	simm.s32 @!p0 $0x37B0;
	[sflag:s9] =	ssyncadd.s32 $0xFFFFC7C0  }
0x55: {  	[spmem:s25] =	stream.linear.scatter @!p0 [tilespmem:s19], [sflag:$0x1], $0x3840, $0x38;
	[tilespmem:$0x1CF80] =	vst v63  }
0x56: {  	s19 =	simm.s32 @!p0 $0x1  }
0x57: {  	_ =	swait.ge @!p0 [sflag:s19], $0x3840  }
0x58: {  	[sflag:s19] =	ssyncset.done @!p0 $0x0  }
0x59: {  	[sflag:s19] =	ssyncadd.s32 @!p0 $0xFFFFC7C0  }
0x5a: {  	[bflag:$0x0] =	sbarrier.arrive $0xFFFF  }
0x5b: {  	s19 =	simm.s32 $0x0;
	v2 =	vld [tilespmem:$0x37A0]  }
.LBB2_4:
0x5c: {  	s20 =	smul.u32 $0x50, s19;
	_ =	sdelay $0x1  }
0x5d: {  	s20 =	sadd.s32 s2, s20  }
0x5e: {  	s20 =	sshrl.u32 s20, $0x3  }
0x5f: {  	s21 =	sadd.s32 s16, s20  }
0x60: {  	[tilespmem:s4], [sflag:$0x1] =	stream.linear.gather [hbm4b:s21+s1], $0x50, $0x38;
	[tilespmem:$0x1CF80] =	vst v63  }
0x61: {  	_ =	swait.ge [sflag:s9], $0x50  }
0x62: {  	[sflag:s9] =	ssyncset.done $0x0  }
0x63: {  	s20 =	sadd.s32 s17, s20;
	[sflag:s9] =	ssyncadd.s32 $0xFFFFFFB0  }
0x64: {  	[tilespmem:s5], [sflag:$0x1] =	stream.linear.gather [hbm4b:s20+s1], $0x50, $0x38;
	[tilespmem:$0x1CF80] =	vst v63  }
0x65: {  	_ =	swait.ge [sflag:s9], $0x50  }
0x66: {  	[sflag:s9] =	ssyncset.done $0x0  }
0x67: {  	[sflag:s9] =	ssyncadd.s32 $0xFFFFFFB0  }
0x68: {  	[tilespmem:s7], [sflag:$0x1] =	stream.indirect.gather [hbm4b:s13+s6], $0x10, s4, s6, $0xb8;
	[tilespmem:$0x1CF80] =	vst v63  }
0x69: {  	_ =	swait.ge [sflag:s9], $0x500  }
0x6a: {  	[sflag:s9] =	ssyncset.done $0x0  }
0x6b: {  	[sflag:s9] =	ssyncadd.s32 $0xFFFFFB00  }
0x6c: {  	[tilespmem:s10], [sflag:$0x1] =	stream.indirect.gather [hbm4b:s14+s6], $0x10, s5, s6, $0xb8;
	[tilespmem:$0x1CF80] =	vst v63  }
0x6d: {  	_ =	swait.ge [sflag:s9], $0x500  }
0x6e: {  	[sflag:s9] =	ssyncset.done $0x0  }
0x6f: {  	[sflag:s9] =	ssyncadd.s32 $0xFFFFFB00  }
0x70: {  	[tilespmem:s1], [sflag:$0x1] =	stream.indirect.gather [hbm4b:s15+s6], $0x90, s4, s6, $0xb8;
	[tilespmem:$0x1CF80] =	vst v63  }
0x71: {  	_ =	swait.ge [sflag:s9], $0x2D00  }
0x72: {  	[sflag:s9] =	ssyncset.done $0x0  }
0x73: {  	s24 =	simm.s32 $0x2D20;
	[sflag:s9] =	ssyncadd.s32 $0xFFFFD300  }
0x74: {  	s21 =	simm.s32 $0x3220;
	v3 =	vld [tilespmem:s24+$0x10]  }
0x75: {  	v4 =	vld [tilespmem:s21+$0x10]  }
0x76: {  	v5 =	vld [tilespmem:s21+$0xFFFFFFE0]  }
0x77: {  	v6 =	vld [tilespmem:s24+$0xFFFFFFF0]  }
0x78: {  	v7 =	vld [tilespmem:s21+$0xFFFFFFF0]  }
0x79: {  	v8 =	vld [tilespmem:s24+$0x0]  }
0x7a: {  	v9 =	vld [tilespmem:s24+$0xFFFFFFE0]  }
0x7b: {  	v10 =	vld [tilespmem:s21+$0x0];
	_ =	sdelay $0x1  }
0x7c: {  	v3 =	vadd.f32 v4, v3;
	v4 =	vadd.f32 v4, v2  }
0x7d: {  	v11 =	vadd.f32 v5, v2;
	v6 =	vadd.f32 v7, v6  }
0x7e: {  	v7 =	vadd.f32 v7, v2;
	v12 =	vmul.f32 $9.999999770e-03, v3;
	v13 =	vmul.f32 $9.999999770e-03, v4  }
0x7f: {  	v5 =	vadd.f32 v5, v9;
	v8 =	vadd.f32 v10, v8  }
0x80: {  	v14 =	vmul.f32 $9.999999770e-03, v11;
	v3 =	vmax.f32 v3, v12;
	v4 =	vmax.f32 v4, v13  }
0x81: {  	v12 =	vmul.f32 $9.999999770e-03, v6;
	v3 =	vsub.f32 v3, v4;
	v4 =	vmul.f32 $9.999999770e-03, v7  }
0x82: {  	v9 =	vadd.f32 v10, v2;
	v10 =	vmax.f32 v11, v14;
	v11 =	vmul.f32 $9.999999770e-03, v5  }
0x83: {  	v13 =	vmul.f32 $9.999999770e-03, v8;
	v6 =	vmax.f32 v6, v12;
	v4 =	vmax.f32 v7, v4  }
0x84: {  	v5 =	vmax.f32 v5, v11;
	v7 =	vmul.f32 $9.999999770e-03, v9;
	v4 =	vsub.f32 v6, v4  }
0x85: {  	v3 =	vmul.f32 $1.442695020e+00, v3;
	v5 =	vsub.f32 v5, v10  }
0x86: {  	v6 =	vmax.f32 v8, v13;
	v7 =	vmax.f32 v9, v7;
	v4 =	vmul.f32 $1.442695020e+00, v4  }
0x87: {  	(erf) = vpow2.f32 v3;
	v5 =	vmul.f32 $1.442695020e+00, v5;
	v3 =	vsub.f32 v6, v7  }
0x88: {  	(erf) = vpow2.f32 v4  }
0x89: {  	v3 =	vmul.f32 $1.442695020e+00, v3;
	(erf) = vpow2.f32 v5  }
0x8a: {  	s20 =	simm.s32 $0x120  }
0x8b: {  	v15 =	vld [tilespmem:s20+$0xFFFFFF30];
	(erf) = vpow2.f32 v3  }
0x8c: {  	v16 =	vld [tilespmem:s20+$0xFFFFFF40]  }
0x8d: {  	v17 =	vld [tilespmem:s20+$0xFFFFFF50]  }
0x8e: {  	v14 =	vld [tilespmem:s20+$0xFFFFFF20]  }
0x8f: {  	v11 =	vld [tilespmem:s20+$0xFFFFFEF0]  }
0x90: {  	v4 =	vld [tilespmem:s20+$0x100];
	v3 =	vpop (erf)  }
0x91: {  	v10 =	vld [tilespmem:s20+$0xFFFFFEE0];
	v6 =	vpop (erf)  }
0x92: {  	v12 =	vld [tilespmem:s20+$0xFFFFFF00];
	v5 =	vnsel vm0, $0x0, v3;
	v7 =	vpop (erf)  }
0x93: {  	v13 =	vld [tilespmem:s20+$0xFFFFFF10];
	v3 =	vperm.xlane v5, v1;
	v8 =	vnsel vm0, $0x0, v7  }
0x94: {  	v23 =	vld [tilespmem:s20+$0xFFFFFF80];
	v6 =	vnsel vm0, $0x0, v6;
	v7 =	vpop (erf);
	v18 =	vperm.xlane v8, v1  }
0x95: {  	v22 =	vld [tilespmem:s20+$0xFFFFFF70];
	v19 =	vmul.f32 v4, v3;
	v9 =	vperm.xlane v6, v1;
	v7 =	vnsel vm0, $0x0, v7  }
0x96: {  	v24 =	vld [tilespmem:s20+$0xFFFFFF90];
	v4 =	vperm.xlane v7, v1;
	v20 =	vmul.f32 v10, v18  }
0x97: {  	[tilespmem:s20+$0x100] =	vst v19;
	v25 =	vmul.f32 v11, v18;
	v26 =	vmul.f32 v12, v18;
	v10 =	vld [tilespmem:s20+$0xFFFFFFA0]  }
0x98: {  	v13 =	vmul.f32 v13, v18;
	v21 =	vmul.f32 v14, v18;
	v11 =	vld [tilespmem:s20+$0xFFFFFFB0];
	[tilespmem:s20+$0xFFFFFEE0] =	vst v20  }
0x99: {  	v19 =	vmul.f32 v15, v18;
	v12 =	vld [tilespmem:s20+$0xFFFFFFC0];
	v15 =	vmul.f32 v23, v9;
	[tilespmem:s20+$0xFFFFFEF0] =	vst v25  }
0x9a: {  	v14 =	vld [tilespmem:s20+$0xFFFFFFD0];
	v20 =	vmul.f32 v16, v18;
	v16 =	vmul.f32 v17, v18;
	[tilespmem:s20+$0xFFFFFF00] =	vst v26  }
0x9b: {  	s23 =	simm.s32 $0x0;
	s22 =	simm.s32 $0x120;
	s24 =	simm.s32 $0x2D60;
	v17 =	vmul.f32 v22, v9;
	[tilespmem:s20+$0xFFFFFF10] =	vst v13;
	v13 =	vmul.f32 v24, v9;
	v18 =	vld [tilespmem:s20+$0xFFFFFFE0]  }
.LBB2_5:
0x9c: {  	v22 =	vld [tilespmem:s24+$0x10];
	[tilespmem:s20+$0xFFFFFF20] =	vst v21;
	v10 =	vmul.f32 v10, v9;
	s21 =	sadd.s32 $0x40, s21  }
0x9d: {  	s23 =	sadd.s32 $0x4, s23;
	v21 =	vld [tilespmem:s21+$0x10];
	[tilespmem:s20+$0xFFFFFF30] =	vst v19;
	v11 =	vmul.f32 v11, v9  }
0x9e: {  	p1 =	slt.u32 s23, $0x4C;
	v19 =	vld [tilespmem:s21+$0xFFFFFFE0];
	[tilespmem:s20+$0xFFFFFF40] =	vst v20;
	v12 =	vmul.f32 v12, v9  }
0x9f: {  	v20 =	vld [tilespmem:s24+$0xFFFFFFF0];
	[tilespmem:s20+$0xFFFFFF50] =	vst v16;
	v14 =	vmul.f32 v14, v9  }
0xa0: {  	v16 =	vld [tilespmem:s21+$0xFFFFFFF0];
	[tilespmem:s20+$0xFFFFFF70] =	vst v17;
	v9 =	vmul.f32 v18, v9  }
0xa1: {  	v17 =	vld [tilespmem:s24+$0x0];
	[tilespmem:s20+$0xFFFFFF80] =	vst v15  }
0xa2: {  	v15 =	vld [tilespmem:s21+$0x0];
	v18 =	vadd.f32 v21, v22;
	v21 =	vadd.f32 v21, v2;
	[tilespmem:s20+$0xFFFFFF90] =	vst v13  }
0xa3: {  	v13 =	vld [tilespmem:s24+$0xFFFFFFE0];
	v22 =	vadd.f32 v19, v2;
	[tilespmem:s20+$0xFFFFFFA0] =	vst v10  }
0xa4: {  	v10 =	vmul.f32 $9.999999770e-03, v18;
	v23 =	vmul.f32 $9.999999770e-03, v21;
	[tilespmem:s20+$0xFFFFFFB0] =	vst v11;
	v11 =	vld [tilespmem:s20+$0x0]  }
0xa5: {  	v24 =	vmul.f32 $9.999999770e-03, v22;
	v20 =	vadd.f32 v16, v20;
	v16 =	vadd.f32 v16, v2;
	[tilespmem:s20+$0xFFFFFFC0] =	vst v12;
	v12 =	vld [tilespmem:s20+$0x10]  }
0xa6: {  	v10 =	vmax.f32 v18, v10;
	v18 =	vmax.f32 v21, v23;
	[tilespmem:s20+$0xFFFFFFD0] =	vst v14;
	v14 =	vld [tilespmem:s20+$0x20]  }
0xa7: {  	v21 =	vmul.f32 $9.999999770e-03, v20;
	v17 =	vadd.f32 v15, v17;
	v10 =	vsub.f32 v10, v18;
	[tilespmem:s20+$0xFFFFFFE0] =	vst v9;
	v9 =	vld [tilespmem:s20+$0x30]  }
0xa8: {  	v18 =	vmul.f32 $9.999999770e-03, v16;
	v15 =	vadd.f32 v15, v2;
	v13 =	vadd.f32 v19, v13;
	[tilespmem:s20+$0xFFFFFF60] =	vst v8;
	v8 =	vld [tilespmem:s20+$0x40]  }
0xa9: {  	v19 =	vmax.f32 v22, v24;
	v22 =	vmul.f32 $9.999999770e-03, v17;
	v10 =	vmul.f32 $1.442695020e+00, v10;
	[tilespmem:s20+$0xFFFFFFF0] =	vst v6;
	v6 =	vld [tilespmem:s20+$0x50]  }
0xaa: {  	v20 =	vmax.f32 v20, v21;
	v21 =	vmul.f32 $9.999999770e-03, v15;
	v23 =	vmul.f32 $9.999999770e-03, v13;
	v24 =	vld [tilespmem:s20+$0x60];
	[tilespmem:s20+$0x80] =	vst v7  }
0xab: {  	v7 =	vmax.f32 v16, v18;
	v16 =	vmax.f32 v17, v22;
	(erf) = vpow2.f32 v10;
	v10 =	vld [tilespmem:s20+$0x70];
	[tilespmem:s20+$0x110] =	vst v5  }
0xac: {  	v7 =	vsub.f32 v20, v7;
	v5 =	vmax.f32 v13, v23;
	v13 =	vmax.f32 v15, v21;
	v15 =	vld [tilespmem:s20+$0x90]  }
0xad: {  	v11 =	vmul.f32 v11, v4;
	v5 =	vsub.f32 v5, v19;
	v13 =	vsub.f32 v16, v13;
	v16 =	vld [tilespmem:s20+$0xA0]  }
0xae: {  	v12 =	vmul.f32 v12, v4;
	v7 =	vmul.f32 $1.442695020e+00, v7;
	v17 =	vld [tilespmem:s20+$0xB0]  }
0xaf: {  	v5 =	vmul.f32 $1.442695020e+00, v5;
	v13 =	vmul.f32 $1.442695020e+00, v13;
	[tilespmem:s20+$0x0] =	vst v11;
	v11 =	vld [tilespmem:s20+$0xC0]  }
0xb0: {  	(erf) = vpow2.f32 v7;
	[tilespmem:s20+$0x10] =	vst v12;
	v7 =	vmul.f32 v14, v4;
	v12 =	vld [tilespmem:s20+$0xD0]  }
0xb1: {  	v19 =	vmul.f32 v9, v4;
	(erf) = vpow2.f32 v5;
	v9 =	vld [tilespmem:s20+$0xE0]  }
0xb2: {  	s20 =	sadd.s32 $0x240, s20;
	(erf) = vpow2.f32 v13;
	[tilespmem:s22+$0x20] =	vst v7;
	v7 =	vmul.f32 v8, v4;
	v8 =	vld [tilespmem:s22+$0xF0]  }
0xb3: {  	v6 =	vmul.f32 v6, v4;
	v14 =	vmul.f32 v24, v4;
	v13 =	vld [tilespmem:s20+$0x100];
	[tilespmem:s22+$0x30] =	vst v19  }
0xb4: {  	v4 =	vmul.f32 v10, v4;
	v18 =	vld [tilespmem:s20+$0xFFFFFEE0];
	v5 =	vpop (erf);
	[tilespmem:s22+$0x40] =	vst v7;
	v7 =	vmul.f32 v15, v3  }
0xb5: {  	v15 =	vmul.f32 v17, v3;
	v10 =	vld [tilespmem:s20+$0xFFFFFEF0];
	v5 =	vnsel vm0, $0x0, v5;
	[tilespmem:s22+$0x50] =	vst v6;
	v6 =	vmul.f32 v16, v3  }
0xb6: {  	v11 =	vmul.f32 v11, v3;
	v16 =	vld [tilespmem:s20+$0xFFFFFF00];
	v17 =	vperm.xlane v5, v1;
	[tilespmem:s22+$0x60] =	vst v14  }
0xb7: {  	v12 =	vmul.f32 v12, v3;
	v19 =	vmul.f32 v9, v3;
	v14 =	vld [tilespmem:s20+$0xFFFFFF10];
	[tilespmem:s22+$0x70] =	vst v4  }
0xb8: {  	v20 =	vld [tilespmem:s20+$0xFFFFFF20];
	v9 =	vmul.f32 v13, v17;
	[tilespmem:s22+$0x90] =	vst v7;
	v13 =	vmul.f32 v8, v3;
	v3 =	vmov v17  }
0xb9: {  	v17 =	vld [tilespmem:s20+$0xFFFFFF30];
	v7 =	vpop (erf);
	[tilespmem:s22+$0xA0] =	vst v6  }
0xba: {  	v22 =	vld [tilespmem:s20+$0xFFFFFF40];
	v6 =	vnsel vm0, $0x0, v7;
	[tilespmem:s20+$0x100] =	vst v9;
	v4 =	vpop (erf)  }
0xbb: {  	v8 =	vnsel vm0, $0x0, v4;
	v23 =	vld [tilespmem:s20+$0xFFFFFF50];
	v9 =	vperm.xlane v6, v1;
	v4 =	vpop (erf);
	[tilespmem:s22+$0xB0] =	vst v15  }
0xbc: {  	v15 =	vperm.xlane v8, v1;
	v24 =	vld [tilespmem:s20+$0xFFFFFF70];
	v7 =	vnsel vm0, $0x0, v4;
	[tilespmem:s22+$0xC0] =	vst v11  }
0xbd: {  	v25 =	vld [tilespmem:s20+$0xFFFFFF80];
	v4 =	vperm.xlane v7, v1;
	[tilespmem:s22+$0xD0] =	vst v12  }
0xbe: {  	v11 =	vmul.f32 v18, v15;
	v12 =	vmul.f32 v10, v15;
	v18 =	vld [tilespmem:s20+$0xFFFFFF90];
	[tilespmem:s22+$0xE0] =	vst v19  }
.Ltmp1:
0xbf: {  	v26 =	vmul.f32 v16, v15;
	v27 =	vmul.f32 v14, v15;
	v10 =	vld [tilespmem:s20+$0xFFFFFFA0];
	[tilespmem:s22+$0xF0] =	vst v13;
	s22 =	smov.u32 s20;
	(pc) =	sbr.rel @p1 .LBB2_5-.Ltmp1, $4  }
0xc0: {  	v21 =	vmul.f32 v20, v15;
	v19 =	vmul.f32 v17, v15;
	[tilespmem:s20+$0xFFFFFEE0] =	vst v11;
	v11 =	vld [tilespmem:s20+$0xFFFFFFB0]  }
0xc1: {  	v20 =	vmul.f32 v22, v15;
	v16 =	vmul.f32 v23, v15;
	[tilespmem:s20+$0xFFFFFEF0] =	vst v12;
	v12 =	vld [tilespmem:s20+$0xFFFFFFC0]  }
0xc2: {  	v17 =	vmul.f32 v24, v9;
	[tilespmem:s20+$0xFFFFFF00] =	vst v26;
	v15 =	vmul.f32 v25, v9;
	v14 =	vld [tilespmem:s20+$0xFFFFFFD0]  }
0xc3: {  	s24 =	sadd.s32 $0x40, s24;
	[tilespmem:s20+$0xFFFFFF10] =	vst v27;
	v13 =	vmul.f32 v18, v9;
	v18 =	vld [tilespmem:s20+$0xFFFFFFE0]  }
0xc4: {  	[tilespmem:s20+$0xFFFFFF20] =	vst v21  }
0xc5: {  	[tilespmem:s20+$0xFFFFFF30] =	vst v19  }
0xc6: {  	[tilespmem:s20+$0xFFFFFF40] =	vst v20  }
0xc7: {  	[tilespmem:s20+$0xFFFFFF50] =	vst v16  }
0xc8: {  	[tilespmem:s20+$0xFFFFFF70] =	vst v17  }
0xc9: {  	[tilespmem:s20+$0xFFFFFF80] =	vst v15  }
0xca: {  	[tilespmem:s20+$0xFFFFFF60] =	vst v8  }
0xcb: {  	[tilespmem:s20+$0xFFFFFFF0] =	vst v6  }
0xcc: {  	[tilespmem:s20+$0x80] =	vst v7  }
0xcd: {  	v10 =	vmul.f32 v10, v9;
	v36 =	vld [tilespmem:s20+$0x0];
	[tilespmem:s20+$0x110] =	vst v5  }
0xce: {  	v38 =	vld [tilespmem:s20+$0x10];
	v11 =	vmul.f32 v11, v9;
	[tilespmem:s20+$0xFFFFFF90] =	vst v13  }
0xcf: {  	v49 =	vld [tilespmem:s20+$0x90];
	v12 =	vmul.f32 v12, v9;
	[tilespmem:s20+$0xFFFFFFA0] =	vst v10  }
0xd0: {  	v51 =	vld [tilespmem:s20+$0xA0];
	v37 =	vmul.f32 v14, v9;
	[tilespmem:s20+$0xFFFFFFB0] =	vst v11  }
0xd1: {  	v53 =	vld [tilespmem:s20+$0xB0];
	v39 =	vmul.f32 v18, v9;
	[tilespmem:s20+$0xFFFFFFC0] =	vst v12  }
0xd2: {  	v55 =	vld [tilespmem:s20+$0xC0];
	[tilespmem:s20+$0xFFFFFFD0] =	vst v37;
	v45 =	vmul.f32 v36, v4  }
0xd3: {  	v56 =	vld [tilespmem:s20+$0xD0];
	v47 =	vmul.f32 v38, v4;
	[tilespmem:s20+$0xFFFFFFE0] =	vst v39  }
0xd4: {  	v58 =	vld [tilespmem:s20+$0xE0];
	v59 =	vmul.f32 v49, v3;
	[tilespmem:s20+$0x0] =	vst v45  }
0xd5: {  	v40 =	vld [tilespmem:s20+$0x20];
	v61 =	vmul.f32 v51, v3;
	[tilespmem:s20+$0x10] =	vst v47  }
0xd6: {  	v41 =	vld [tilespmem:s20+$0x30];
	v62 =	vmul.f32 v53, v3;
	[tilespmem:s22+$0x90] =	vst v59  }
0xd7: {  	v42 =	vld [tilespmem:s20+$0x40];
	v8 =	vmul.f32 v55, v3;
	[tilespmem:s22+$0xA0] =	vst v61  }
0xd8: {  	v43 =	vld [tilespmem:s20+$0x50];
	v7 =	vmul.f32 v56, v3;
	[tilespmem:s22+$0xB0] =	vst v62  }
0xd9: {  	v44 =	vld [tilespmem:s20+$0x60];
	v63 =	vmul.f32 v58, v3;
	[tilespmem:s22+$0xC0] =	vst v8  }
0xda: {  	v46 =	vld [tilespmem:s20+$0x70];
	v48 =	vmul.f32 v40, v4;
	[tilespmem:s22+$0xD0] =	vst v7  }
0xdb: {  	v60 =	vld [tilespmem:s22+$0xF0];
	v50 =	vmul.f32 v41, v4;
	[tilespmem:s22+$0xE0] =	vst v63  }
0xdc: {  	v52 =	vmul.f32 v42, v4;
	[tilespmem:s22+$0x20] =	vst v48  }
0xdd: {  	v54 =	vmul.f32 v43, v4;
	[tilespmem:s22+$0x30] =	vst v50  }
0xde: {  	v6 =	vmul.f32 v44, v4;
	[tilespmem:s22+$0x40] =	vst v52  }
0xdf: {  	v57 =	vmul.f32 v46, v4;
	[tilespmem:s22+$0x50] =	vst v54  }
0xe0: {  	s19 =	sadd.s32 $0x1, s19;
	v3 =	vmul.f32 v60, v3;
	[tilespmem:s22+$0x60] =	vst v6  }
0xe1: {  	p1 =	sne.s32 s19, $0x7D;
	[tilespmem:s22+$0x70] =	vst v57  }
.Ltmp2:
0xe2: {  	[tilespmem:s22+$0xF0] =	vst v3;
	(pc) =	sbr.rel @p1 .LBB2_4-.Ltmp2, $4  }
0xe3: {  	[spmem:s11] =	stream.indirect.scatter.add.f32 [tilespmem:s1], [sflag:$0x1], $0x90, s5, s6, $0xb8;
	[tilespmem:$0x1CF80] =	vst v63  }
0xe4: {  	_ =	swait.ge [sflag:s9], $0x2D00  }
0xe5: {  	[sflag:s9] =	ssyncset.done $0x0  }
0xe6: {  	[sflag:s9] =	ssyncadd.s32 $0xFFFFD300  }
0xe7: {  	[bflag:$0x0] =	sbarrier.arrive $0xFFFF  }
0xe8: {  	[tilespmem:s3], [sflag:$0x2] =	stream.linear.gather [spmem:s26], $0x3840, $0x38;
	[tilespmem:$0x1CF80] =	vst v63  }
0xe9: {  	_ =	swait.ge [sflag:s12], $0x3840  }
0xea: {  	[sflag:s12] =	ssyncset.done $0x0  }
0xeb: {  	s19 =	rddreg [dreg:$0x4];
	[sflag:s12] =	ssyncadd.s32 $0xFFFFC7C0  }
0xec: {  	[hbm4b:s19+s1] =	stream.linear.scatter [tilespmem:s3], [sflag:$0x1], $0x3840, $0x38;
	[tilespmem:$0x1CF80] =	vst v63  }
0xed: {  	_ =	swait.ge [sflag:s9], $0x3840  }
0xee: {  	[sflag:s9] =	ssyncset.done $0x0  }
0xef: {  	[sflag:s9] =	ssyncadd.s32 $0xFFFFC7C0  }
0xf0: {  	[tilespmem:s3], [sflag:$0x2] =	stream.linear.gather [spmem:s28], $0x3840, $0x38;
	[tilespmem:$0x1CF80] =	vst v63  }
0xf1: {  	_ =	swait.ge [sflag:s12], $0x3840  }
0xf2: {  	[sflag:s12] =	ssyncset.done $0x0  }
0xf3: {  	s24 =	rddreg [dreg:$0x5];
	[sflag:s12] =	ssyncadd.s32 $0xFFFFC7C0  }
0xf4: {  	[hbm4b:s24+s1] =	stream.linear.scatter [tilespmem:s3], [sflag:$0x1], $0x3840, $0x38;
	[tilespmem:$0x1CF80] =	vst v63  }
0xf5: {  	_ =	swait.ge [sflag:s9], $0x3840  }
0xf6: {  	[sflag:s9] =	ssyncset.done $0x0  }
0xf7: {  	[sflag:s9] =	ssyncadd.s32 $0xFFFFC7C0  }
0xf8: {  	[tilespmem:s3], [sflag:$0x2] =	stream.linear.gather [spmem:s29], $0x3840, $0x38;
	[tilespmem:$0x1CF80] =	vst v63  }
0xf9: {  	_ =	swait.ge [sflag:s12], $0x3840  }
0xfa: {  	[sflag:s12] =	ssyncset.done $0x0  }
0xfb: {  	s20 =	rddreg [dreg:$0x6];
	[sflag:s12] =	ssyncadd.s32 $0xFFFFC7C0  }
0xfc: {  	[hbm4b:s20+s1] =	stream.linear.scatter [tilespmem:s3], [sflag:$0x1], $0x3840, $0x38;
	[tilespmem:$0x1CF80] =	vst v63  }
0xfd: {  	_ =	swait.ge [sflag:s9], $0x3840  }
0xfe: {  	[sflag:s9] =	ssyncset.done $0x0  }
0xff: {  	[sflag:s9] =	ssyncadd.s32 $0xFFFFC7C0  }
0x100: {  	[tilespmem:s3], [sflag:$0x2] =	stream.linear.gather [spmem:s30], $0x3840, $0x38;
	[tilespmem:$0x1CF80] =	vst v63  }
0x101: {  	_ =	swait.ge [sflag:s12], $0x3840  }
0x102: {  	[sflag:s12] =	ssyncset.done $0x0  }
0x103: {  	s21 =	rddreg [dreg:$0x7];
	[sflag:s12] =	ssyncadd.s32 $0xFFFFC7C0  }
0x104: {  	[hbm4b:s21+s1] =	stream.linear.scatter [tilespmem:s3], [sflag:$0x1], $0x3840, $0x38;
	[tilespmem:$0x1CF80] =	vst v63  }
0x105: {  	_ =	swait.ge [sflag:s9], $0x3840  }
0x106: {  	[sflag:s9] =	ssyncset.done $0x0  }
0x107: {  	[sflag:s9] =	ssyncadd.s32 $0xFFFFC7C0  }
0x108: {  	[tilespmem:s3], [sflag:$0x2] =	stream.linear.gather [spmem:s31], $0x3840, $0x38;
	[tilespmem:$0x1CF80] =	vst v63  }
0x109: {  	_ =	swait.ge [sflag:s12], $0x3840  }
0x10a: {  	[sflag:s12] =	ssyncset.done $0x0  }
0x10b: {  	s22 =	rddreg [dreg:$0x8];
	[sflag:s12] =	ssyncadd.s32 $0xFFFFC7C0  }
0x10c: {  	[hbm4b:s22+s1] =	stream.linear.scatter [tilespmem:s3], [sflag:$0x1], $0x3840, $0x38;
	[tilespmem:$0x1CF80] =	vst v63  }
0x10d: {  	_ =	swait.ge [sflag:s9], $0x3840  }
0x10e: {  	[sflag:s9] =	ssyncset.done $0x0  }
0x10f: {  	[sflag:s9] =	ssyncadd.s32 $0xFFFFC7C0  }
0x110: {  	[tilespmem:s3], [sflag:$0x2] =	stream.linear.gather [spmem:s8], $0x3840, $0x38;
	[tilespmem:$0x1CF80] =	vst v63  }
0x111: {  	_ =	swait.ge [sflag:s12], $0x3840  }
0x112: {  	[sflag:s12] =	ssyncset.done $0x0  }
0x113: {  	s23 =	rddreg [dreg:$0x9];
	[sflag:s12] =	ssyncadd.s32 $0xFFFFC7C0  }
0x114: {  	[hbm4b:s23+s1] =	stream.linear.scatter [tilespmem:s3], [sflag:$0x1], $0x3840, $0x38;
	[tilespmem:$0x1CF80] =	vst v63  }
0x115: {  	_ =	swait.ge [sflag:s9], $0x3840  }
0x116: {  	[sflag:s9] =	ssyncset.done $0x0  }
0x117: {  	s19 =	simm.s32 @!p0 $0x37B0;
	s20 =	simm.s32 @!p0 $0x2;
	[sflag:s9] =	ssyncadd.s32 $0xFFFFC7C0  }
0x118: {  	[tilespmem:s19], [sflag:$0x2] =	stream.linear.gather @!p0 [spmem:s0], $0x3840, $0x38;
	[tilespmem:$0x1CF80] =	vst v63  }
0x119: {  	_ =	swait.ge @!p0 [sflag:s20], $0x3840  }
0x11a: {  	[sflag:s20] =	ssyncset.done @!p0 $0x0  }
0x11b: {  	s21 =	rddreg [dreg:$0xa];
	[sflag:s20] =	ssyncadd.s32 @!p0 $0xFFFFC7C0;
	s20 =	simm.s32 @!p0 $0x0  }
0x11c: {  	[hbm4b:s21+s20] =	stream.linear.scatter @!p0 [tilespmem:s19], [sflag:$0x1], $0x3840, $0x38;
	[tilespmem:$0x1CF80] =	vst v63  }
0x11d: {  	s19 =	simm.s32 @!p0 $0x1  }
0x11e: {  	_ =	swait.ge @!p0 [sflag:s19], $0x3840  }
0x11f: {  	s18 =	sadd.s32 $0x1, s18;
	s24 =	rddreg [dreg:$0xb]  }
0x120: {  	p1 =	sne.s32 s18, s24  }
.Ltmp3:
0x121: {  	_ = 	snop;
	(pc) =	sbr.rel @p1 .LBB2_1-.Ltmp3, $3  }
0x122: {  	_ =	sdelay $0x1  }
0x123: {  	[sflag:s19] =	ssyncset.done @!p0 $0x0  }
0x124: {  	[sflag:s19] =	ssyncadd.s32 @!p0 $0xFFFFC7C0  }
0x125: {  	_ =	sfence.sel $0x180000  }
0x126: {  	[bflag:$0x0] =	sbarrier.arrive $0xFFFF  }
0x127: {  	_ =	strace $0x90000047  }
0x128: {  	s0 =	stileid.u32;
	[bflag:$0x2] =	sbarrier.arrive $0xFFFF  }
0x129: {  	p0 =	sne.s32 s0, $0x0;
	s0 =	rddreg [dreg:$0x3]  }
0x12a: {  	s0 =	sadd.s32 @!p0 $0x100000, s0  }
0x12b: {  	[sflag:s0] =	ssyncadd.tile.s32 @!p0 $0x1;
	_ =	shalt  }
.Lfunc_end2:
_tile_overlayer_lowered:
.L_overlay_start_2:
0x12c: {  	(tag) =	ssettag $0x2  }
0x12d: {  	s0 =	rddreg [dreg:$0x0];
	s2 =	stileid.u32  }
0x12e: {  	s1 =	rddreg [dreg:$0x1];
	p0 =	sne.s32 s2, $0x0  }
0x12f: {  	s3 =	rddreg [dreg:$0x2];
	[bflag:$0x3] =	sbarrier.arrive $0xFFFF;
	s2 =	simm.s32 @!p0 $0x1C01  }
0x130: {  	[timem:s3], [sflag:s2] =	dma.local @!p0 [hbm:s0], s1  }
0x131: {  	s0 =	simm.s32 @!p0 $0x1  }
0x132: {  	_ =	swait.ge @!p0 [sflag:s0], s1  }
0x133: {  	s1 =	ssub.s32 @!p0 $0x0, s1;
	[sflag:s0] =	ssyncset.done @!p0 $0x0  }
0x134: {  	[sflag:s0] =	ssyncadd.s32 @!p0 s1  }
0x135: {  	[bflag:$0x3] =	sbarrier.arrive $0xFFFF  }
0x136: {  	_ =	shalt  }

// kernel: kernel.14.cloned.1.call-start
scs
__scs_entry_jumppad:
0x0: {  	(pc) =	sbr.rel $0x88, $3  }
0x1: {  	(tag) =	ssettag $0x0;
	lr =	simm.s32 $0x1  }
0x2: {  	[smem:$0x3F93] =	sst lr;
	_ =	strace $0xD0000000  }
0x3: {  	_ = 	snop  }
0x4: {  	_ = 	snop  }
0x5: {  	_ = 	snop  }
0x6: {  	_ = 	snop  }
0x7: {  	_ = 	snop  }
__scs_overlays_trampoline_lowered:
0x8: {  	[smem:$0x3FA2] =	sst s0  }
0x9: {  	[smem:$0x3FA3] =	sst s1  }
0xa: {  	[smem:$0x3FA4] =	sst s2  }
0xb: {  	[smem:$0x3FA5] =	sst s3  }
0xc: {  	[smem:$0x3FA6] =	sst s4  }
0xd: {  	[smem:$0x3FA7] =	sst s5  }
0xe: {  	[smem:$0x3FA8] =	sst s6  }
0xf: {  	[smem:$0x3FA9] =	sst s7  }
0x10: {  	[smem:$0x3FAA] =	sst s8  }
0x11: {  	[smem:$0x3FAB] =	sst s9;
	s0 =	simm.s32 @!p0 $0x0  }
0x12: {  	s1 =	sld [smem:$0x3F91];
	s0 =	simm.s32 @p0 $0x1  }
0x13: {  	[smem:$0x3FAC] =	sst s0;
	s0 =	simm.s32 @!p1 $0x0  }
0x14: {  	s2 =	sld [smem:$0x3F90];
	s0 =	simm.s32 @p1 $0x1  }
0x15: {  	[smem:$0x3FAD] =	sst s0;
	s0 =	simm.s32 @!p2 $0x0  }
0x16: {  	s3 =	sld [smem:$0x3FDB];
	s0 =	simm.s32 @p2 $0x1  }
0x17: {  	s4 =	simm.s32 $0x1BF5;
	[smem:$0x3FAF] =	sst s0  }
0x18: {  	s0 =	sld [smem:$0x3F92];
	_ =	swait.ge [sflag:s4], $0x0  }
0x19: {  	s7 =	sld [smem:$0x3F93]  }
0x1a: {  	s8 =	sadd.s32 $0xFFFFE003, lr  }
0x1b: {  	s9 =	sadd.s32 $0xFFFFFEF7, lr;
	s5 =	simm.s32 $0xFFFFFFFF;
	p2 =	slt.u32 s8, $0xFFFFF086  }
0x1c: {  	p1 =	slt.u32 s9, $0xF7A;
	s5 =	simm.s32 @!p2 $0x0  }
0x1d: {  	s5 =	simm.s32 @p1 $0x1;
	p0 =	seq.s32 s7, s2  }
0x1e: {  	s7 =	smul.u32 @!p0 $0xF7A, s2;
	p2 =	seq.s32 @!p0 s5, $0x0  }
0x1f: {  	s9 =	smul.u32 $0xF7A, s1;
	s8 =	simm.s32 @!p0 $0x1BF5;
	p2 =	por !p2, p0  }
0x20: {  	[sflag:s8] =	ssyncset.s32 @!p0 $0xFFFFF086;
	s6 =	sadd.s32 @!p0 s3, s7;
	s7 =	simm.s32 @!p0 $0x108  }
0x21: {  	s3 =	sadd.s32 s3, s9;
	s6 =	sadd.s32 @!p0 $0x88, s6;
	s7 =	simm.s32 @p2 $0x1082  }
0x22: {  	[simem:s7], [sflag:s8] =	dma.local @!p0 [hbm:s6], $0xF7A  }
0x23: {  	s9 =	sor.u32 $0xD0000000, s2;
	s6 =	simm.s32 $0x108;
	_ =	swait.ge @!p0 [sflag:s8], $0x0  }
0x24: {  	s3 =	sadd.s32 $0x88, s3;
	s6 =	simm.s32 @!p1 $0x1082;
	[sflag:s4] =	ssyncset.s32 $0xFFFFF086  }
0x25: {  	[simem:s6], [sflag:s4] =	dma.local [hbm:s3], $0xF7A  }
0x26: {  	[smem:$0x3F93] =	sst s1;
	(tag) =	ssettag s2;
	_ =	strace s9  }
0x27: {  	s1 =	sld [smem:$0x3FA3]  }
0x28: {  	s2 =	sld [smem:$0x3FA4]  }
0x29: {  	s4 =	sld [smem:$0x3FA6]  }
0x2a: {  	p0 =	seq.s32 s5, $0x0;
	s5 =	sld [smem:$0x3FA7]  }
0x2b: {  	s6 =	sld [smem:$0x3FA8]  }
0x2c: {  	s7 =	sld [smem:$0x3FA9]  }
0x2d: {  	s3 =	simm.s32 $0x108;
	s8 =	sld [smem:$0x3FAA]  }
0x2e: {  	s3 =	simm.s32 @!p0 $0x1082;
	s9 =	sld [smem:$0x3FAB]  }
0x2f: {  	lr =	sadd.s32 s0, s3;
	s0 =	sld [smem:$0x3FA2]  }
0x30: {  	s3 =	sld [smem:$0x3FA5]  }
0x31: {  	[smem:$0x3FAE] =	sst s10  }
0x32: {  	s10 =	sld [smem:$0x3FAC];
	_ =	sdelay $0x3  }
0x33: {  	p0 =	seq.s32 s10, $0x1;
	s10 =	sld [smem:$0x3FAE];
	_ =	sdelay $0x3  }
0x34: {  	[smem:$0x3FAE] =	sst s10  }
0x35: {  	s10 =	sld [smem:$0x3FAD];
	_ =	sdelay $0x3  }
0x36: {  	p1 =	seq.s32 s10, $0x1;
	s10 =	sld [smem:$0x3FAE];
	_ =	sdelay $0x3  }
0x37: {  	[smem:$0x3FAE] =	sst s10  }
0x38: {  	s10 =	sld [smem:$0x3FAF]  }
0x39: {  	_ = 	snop;
	(pc) =	sbr.ind lr, $3  }
0x3a: {  	_ = 	snop  }
0x3b: {  	_ = 	snop  }
0x3c: {  	p2 =	seq.s32 s10, $0x1;
	s10 =	sld [smem:$0x3FAE]  }
0x3d: {  	_ =	shalt  }
0x3e: {  	_ =	shalt  }
0x3f: {  	_ =	shalt  }
0x40: {  	_ =	shalt  }
0x41: {  	_ =	shalt  }
0x42: {  	_ =	shalt  }
0x43: {  	_ =	shalt  }
0x44: {  	_ =	shalt  }
0x45: {  	_ =	shalt  }
0x46: {  	_ =	shalt  }
0x47: {  	_ =	shalt  }
0x48: {  	_ =	shalt  }
0x49: {  	_ =	shalt  }
0x4a: {  	_ =	shalt  }
0x4b: {  	_ =	shalt  }
0x4c: {  	_ =	shalt  }
0x4d: {  	_ =	shalt  }
0x4e: {  	_ =	shalt  }
0x4f: {  	_ =	shalt  }
0x50: {  	_ =	shalt  }
0x51: {  	_ =	shalt  }
0x52: {  	_ =	shalt  }
0x53: {  	_ =	shalt  }
0x54: {  	_ =	shalt  }
0x55: {  	_ =	shalt  }
0x56: {  	_ =	shalt  }
0x57: {  	_ =	shalt  }
0x58: {  	_ =	shalt  }
0x59: {  	_ =	shalt  }
0x5a: {  	_ =	shalt  }
0x5b: {  	_ =	shalt  }
0x5c: {  	_ =	shalt  }
0x5d: {  	_ =	shalt  }
0x5e: {  	_ =	shalt  }
0x5f: {  	_ =	shalt  }
0x60: {  	_ =	shalt  }
0x61: {  	_ =	shalt  }
0x62: {  	_ =	shalt  }
0x63: {  	_ =	shalt  }
0x64: {  	_ =	shalt  }
0x65: {  	_ =	shalt  }
0x66: {  	_ =	shalt  }
0x67: {  	_ =	shalt  }
0x68: {  	_ =	shalt  }
0x69: {  	_ =	shalt  }
0x6a: {  	_ =	shalt  }
0x6b: {  	_ =	shalt  }
0x6c: {  	_ =	shalt  }
0x6d: {  	_ =	shalt  }
0x6e: {  	_ =	shalt  }
0x6f: {  	_ =	shalt  }
0x70: {  	_ =	shalt  }
0x71: {  	_ =	shalt  }
0x72: {  	_ =	shalt  }
0x73: {  	_ =	shalt  }
0x74: {  	_ =	shalt  }
0x75: {  	_ =	shalt  }
0x76: {  	_ =	shalt  }
0x77: {  	_ =	shalt  }
0x78: {  	_ =	shalt  }
0x79: {  	_ =	shalt  }
0x7a: {  	_ =	shalt  }
0x7b: {  	_ =	shalt  }
0x7c: {  	_ =	shalt  }
0x7d: {  	_ =	shalt  }
0x7e: {  	_ =	shalt  }
0x7f: {  	_ =	shalt  }
0x80: {  	_ =	shalt  }
0x81: {  	_ =	shalt  }
0x82: {  	_ =	shalt  }
0x83: {  	_ =	shalt  }
0x84: {  	_ =	shalt  }
0x85: {  	_ =	shalt  }
0x86: {  	_ =	shalt  }
0x87: {  	_ =	shalt  }
.Lfunc_end0:
.L_simem_size_0:
called_computation.1_lowered:
.L_overlay_start_0:
0x88: {  	s2 =	sld [smem:$0x3FD9]  }
0x89: {  	s3 =	sld [smem:$0x3FFE];
	_ =	sdelay $0x1  }
0x8a: {  	s1 =	srdreg.scid  }
0x8b: {  	s0 =	sand.u32 $0x1, s1  }
0x8c: {  	s17 =	sshll.u32 s0, $0xA;
	s2 =	sadd.s32 s3, s2  }
0x8d: {  	s2 =	sadd.s32 s2, s17  }
0x8e: {  	[smem:$0x3FBA] =	sst s2  }
0x8f: {  	_ = 	snop  }
0x90: {  	s2 =	sld [smem:$0x3FD0];
	(tm) =	ssettm $0x1  }
0x91: {  	s18 =	sld [smem:$0x3FFB];
	_ =	sdelay $0x3  }
0x92: {  	_ =	strace s18  }
0x93: {  	s3 =	sld [smem:$0x3FFC];
	_ =	sdelay $0x3  }
0x94: {  	_ =	strace s3  }
0x95: {  	s3 =	sld [smem:$0x3FFD];
	_ =	sdelay $0x3  }
0x96: {  	_ =	strace s3  }
0x97: {  	_ =	strace $0x8FFFFFFF  }
0x98: {  	s19 =	sld [smem:$0x3FDB];
	_ =	sdelay $0x1  }
0x99: {  	s4 =	simm.s32 $_scs_section_size  }
0x9a: {  	s5 =	simm.s32 $_size__tile_overlayer_lowered;
	s6 =	simm.s32 $_tile_overlayer_lowered  }
0x9b: {  	s22 =	simm.s32 $0x1BFF;
	s21 =	sshll.u32 s6, $0x1;
	s3 =	sadd.s32 s4, s19  }
0x9c: {  	s7 =	simm.s32 $0x0;
	s20 =	sshll.u32 s5, $0x1;
	s5 =	sadd.s32 s21, s3  }
0x9d: {  	[timem:s7], [sflag:s22] =	dma.local [hbm:s5], s20  }
0x9e: {  	_ =	swait.ge [sflag:s22], s20  }
0x9f: {  	s4 =	ssub.s32 $0x0, s20;
	[sflag:s22] =	ssyncset.done $0x0  }
0xa0: {  	[sflag:s22] =	ssyncadd.s32 s4;
	_ =	sdelay $0x1  }
0xa1: {  	s23 =	simm.s32 $0x1B8B  }
0xa2: {  	_ =	swait.ge [sflag:s23], $0x1  }
0xa3: {  	[sflag:s23] =	ssyncset.done $0x0  }
0xa4: {  	s25 =	simm.s32 $0x1B8E;
	s24 =	sld [smem:$0x3FFE];
	[sflag:s23] =	ssyncadd.s32 $0xFFFFFFFF  }
0xa5: {  	s26 =	simm.s32 $execute0_lowered;
	[smem:$0x3FD2] =	sst s25  }
0xa6: {  	s5 =	sshll.u32 s26, $0x1;
	_ =	strace $0x80000049;
	[dreg:$0x1] =	wrdreg $0xFFFFFFFF  }
0xa7: {  	s28 =	simm.s32 $_size_execute0_lowered;
	s3 =	sadd.s32 s3, s5;
	[dreg:$0x0] =	wrdreg $0x0  }
0xa8: {  	s5 =	sshll.u32 s28, $0x1;
	[dreg:$0x2] =	wrdreg s3  }
0xa9: {  	[dreg:$0x3] =	wrdreg s5  }
0xaa: {  	[dreg:$0x4] =	wrdreg $0xC0  }
0xab: {  	_ =	task [dreg:s7], $0x5FFFF  }
0xac: {  	[dreg:$0x1] =	wrdreg $0xFFFFFFFF  }
0xad: {  	[dreg:$0x0] =	wrdreg $0x60  }
0xae: {  	[dreg:$0x2] =	wrdreg s24  }
0xaf: {  	[dreg:$0x3] =	wrdreg s2  }
0xb0: {  	[dreg:$0x4] =	wrdreg $0x6FF00  }
0xb1: {  	[dreg:$0x5] =	wrdreg $0x9  }
0xb2: {  	_ =	task.clear_ibuf [dreg:s7], $0x6FFFF;
	_ =	strace $0x90000049  }
0xb3: {  	s29 =	simm.s32 $0x9;
	_ =	strace $0x8000004B  }
0xb4: {  	_ =	swait.ge [sflag:s29], $0x1  }
0xb5: {  	[sflag:s29] =	ssyncadd.s32 $0xFFFFFFFF  }
0xb6: {  	_ =	strace $0x9000004B  }
0xb7: {  	_ =	sfence  }
0xb8: {  	s30 =	sld [smem:$0x0];
	_ =	sdelay $0x2  }
0xb9: {  	s31 =	sshll.u32 s1, $0xD;
	s1 =	sshrl.u32 s1, $0x2  }
0xba: {  	s3 =	sand.u32 $0x4000, s31;
	s1 =	sadd.s32 s1, s30  }
0xbb: {  	s0 =	sor.u32 s3, s0;
	s1 =	sshll.u32 s1, $0x11  }
0xbc: {  	s0 =	sor.u32 s1, s0  }
0xbd: {  	s0 =	sadd.s32 $0x8F2B, s0  }
0xbe: {  	[sflag:s0] =	ssyncadd.remote.s32 $0x1  }
0xbf: {  	_ =	sfence.sel $0xFFFF  }
0xc0: {  	[dreg:$0x0] =	wrdreg $0xFFFFFFFF;
	(pc) =	sbr.abs _section_cstart, $3  }
0xc1: {  	[dreg:$0x1] =	wrdreg $0xFFFFFFFF  }
0xc2: {  	_ =	task.clear_ibuf [dreg:s7], $0x2FFFF;
	_ =	strace $0x9FFFFFFF  }
0xc3: {  	(tm) =	ssettm $0x7FFFFFFF  }
tec
execute0_lowered:
.L_overlay_start_1:
0x0: {  	(tag) =	ssettag $0x1  }
0x1: {  	s0 =	srdreg.scid  }
0x2: {  	s15 =	stileid.u32;
	s0 =	sand.u32 $0x1, s0  }
0x3: {  	s2 =	sshll.u32 s15, $0x1;
	s9 =	sor.u32 $0x20, s15;
	s7 =	smul.u32 $0x15F900, s0  }
0x4: {  	s2 =	sor.u32 s0, s2;
	s3 =	ssub.s32 $0x2, s0;
	s0 =	smul.u32 $0x3840, s15  }
0x5: {  	s4 =	rddreg [dreg:$0x0];
	s10 =	sor.u32 $0x30, s15;
	s18 =	smul.u32 $0x3840, s9  }
0x6: {  	s1 =	simm.s32 $0x0;
	s12 =	sor.u32 $0x40, s15;
	s21 =	smul.u32 $0x3840, s10  }
0x7: {  	[smem:$0x7FF] =	sst s1;
	s19 =	sor.u32 $0x50, s15;
	s22 =	smul.u32 $0x3840, s12  }
0x8: {  	s5 =	sadd.s32 $0x64800, s4;
	s20 =	sor.u32 $0x60, s15;
	s23 =	smul.u32 $0x3840, s19  }
0x9: {  	s8 =	sor.u32 $0x10, s15;
	s24 =	smul.u32 $0x3840, s20;
	s6 =	sshrl.u32 s3, $0x1  }
0xa: {  	p0 =	sgt.u32 s20, $0x63;
	s6 =	ssub.s32 s3, s6;
	s3 =	smul.u32 $0x3840, s8  }
0xb: {  	s2 =	smul.u32 $0x2710, s2;
	s11 =	sadd.s32 s7, s0;
	s14 =	sadd.s32 s7, s18  }
0xc: {  	s16 =	sadd.s32 s7, s22;
	s11 =	sshrl.u32 s11, $0x3;
	s13 =	sadd.s32 s7, s3  }
0xd: {  	s25 =	sadd.s32 s7, s23;
	s11 =	sadd.s32 s5, s11;
	s13 =	sshrl.u32 s13, $0x3  }
0xe: {  	s14 =	sshrl.u32 s14, $0x3;
	[dreg:$0x4] =	wrdreg s11;
	s26 =	sadd.s32 s5, s13  }
0xf: {  	s6 =	smax.u32 s6, $0x1;
	s13 =	sadd.s32 s5, s14;
	[dreg:$0x5] =	wrdreg s26  }
0x10: {  	s14 =	sadd.s32 s7, s21;
	s7 =	sadd.s32 s7, s24;
	[dreg:$0x6] =	wrdreg s13  }
0x11: {  	s11 =	sshrl.u32 s14, $0x3;
	s13 =	sshrl.u32 s16, $0x3;
	s7 =	sshrl.u32 s7, $0x3  }
0x12: {  	s26 =	smul.u32 $0xE100, s15;
	s14 =	sadd.s32 $0x1D800, s4;
	s15 =	sadd.s32 $0x38800, s4  }
0x13: {  	s16 =	sadd.s32 $0xEA00, s4;
	s11 =	sadd.s32 s5, s11;
	s17 =	sadd.s32 s5, s13  }
0x14: {  	[dreg:$0x7] =	wrdreg s11;
	s11 =	sshrl.u32 s25, $0x3;
	s25 =	smul.u32 $0xE100, s9  }
0x15: {  	s13 =	sadd.s32 $0x18800, s4;
	[dreg:$0x8] =	wrdreg s17;
	s9 =	smul.u32 $0xE100, s12  }
0x16: {  	s17 =	sadd.s32 $0x4C00, s4;
	s12 =	smul.u32 $0xE100, s19;
	s11 =	sadd.s32 s5, s11  }
0x17: {  	s19 =	smul.u32 $0xE100, s20;
	s5 =	sadd.s32 s5, s7;
	[dreg:$0x9] =	wrdreg s11  }
0x18: {  	s7 =	simm.s32 $0x2D00;
	[dreg:$0xa] =	wrdreg s5;
	s5 =	smul.u32 $0xE100, s8  }
0x19: {  	s11 =	rddreg [dreg:$0x2];
	s8 =	sshrl.u32 s26, $0x2;
	s26 =	smul.u32 $0xE100, s10  }
0x1a: {  	s20 =	sshrl.u32 s9, $0x2;
	s9 =	simm.s32 $0x1;
	_ =	strace $0x8000004A  }
0x1b: {  	[dreg:$0xb] =	wrdreg s6;
	s4 =	sadd.s32 s8, s11;
	s8 =	sshrl.u32 s25, $0x2  }
0x1c: {  	s28 =	sadd.s32 s3, s11;
	s29 =	sadd.s32 s18, s11;
	s30 =	sadd.s32 s21, s11  }
0x1d: {  	s31 =	sadd.s32 s22, s11;
	s3 =	simm.s32 $0x37B0;
	s6 =	simm.s32 $0x50  }
0x1e: {  	s18 =	simm.s32 $0x0;
	[dreg:$0xc] =	wrdreg s4;
	s5 =	sshrl.u32 s5, $0x2  }
0x1f: {  	s10 =	sadd.s32 s8, s11;
	s4 =	sshrl.u32 s26, $0x2;
	s26 =	sshrl.u32 s19, $0x2  }
0x20: {  	s8 =	sadd.s32 s23, s11;
	s5 =	sadd.s32 s5, s11;
	[dreg:$0xe] =	wrdreg s10  }
0x21: {  	s4 =	sadd.s32 s4, s11;
	s10 =	simm.s32 $0x3200;
	[dreg:$0xd] =	wrdreg s5  }
0x22: {  	[dreg:$0xf] =	wrdreg s4;
	s5 =	sshrl.u32 s12, $0x2;
	s4 =	sadd.s32 s20, s11  }
0x23: {  	s12 =	simm.s32 $0x2;
	[dreg:$0x10] =	wrdreg s4;
	s25 =	sadd.s32 s5, s11  }
0x24: {  	v1 =	vlaneseq.u32;
	s4 =	simm.s32 $0x3700;
	s5 =	simm.s32 $0x3750;
	[dreg:$0x11] =	wrdreg s25  }
0x25: {  	v0 =	vimm.f32 $0.0e+00;
	vm0 =	vmmov $0xff;
	v1 =	vand.u32 $0x7, v1;
	s25 =	sadd.s32 s26, s11;
	s26 =	sadd.s32 s0, s11;
	s0 =	sadd.s32 s24, s11  }
.LBB2_1:
0x26: {  	s19 =	rddreg [dreg:$0x1];
	s20 =	simm.s32 $0x37A0  }
0x27: {  	[tilespmem:s20], [sflag:$0x1] =	stream.linear.gather [hbm4b:s19+s1], $0x10, $0x38;
	[tilespmem:$0x1CF80] =	vst v63  }
0x28: {  	_ =	swait.ge [sflag:s9], $0x10  }
0x29: {  	[sflag:s9] =	ssyncset.done $0x0  }
0x2a: {  	s19 =	simm.s32 $0x0;
	s20 =	simm.s32 $0x240;
	[sflag:s9] =	ssyncadd.s32 $0xFFFFFFF0  }
.LBB2_2:
0x2b: {  	p1 =	sne.s32 s20, $0xDEC0;
	[tilespmem:s19+$0x3830] =	vst v0  }
0x2c: {  	[tilespmem:s19+$0x37B0] =	vst v0  }
0x2d: {  	[tilespmem:s19+$0x37C0] =	vst v0  }
0x2e: {  	[tilespmem:s19+$0x37D0] =	vst v0  }
.Ltmp0:
0x2f: {  	[tilespmem:s19+$0x37E0] =	vst v0;
	(pc) =	sbr.rel @p1 .LBB2_2-.Ltmp0, $4  }
0x30: {  	[tilespmem:s19+$0x37F0] =	vst v0  }
0x31: {  	[tilespmem:s19+$0x3800] =	vst v0  }
0x32: {  	[tilespmem:s19+$0x3810] =	vst v0  }
0x33: {  	[tilespmem:s19+$0x3820] =	vst v0;
	s19 =	sshra.s32 s20, $0x2;
	s20 =	sadd.s32 $0x240, s20  }
0x34: {  	[tilespmem:s19+$0x3830] =	vst v0  }
0x35: {  	[tilespmem:s19+$0x37B0] =	vst v0  }
0x36: {  	[tilespmem:s19+$0x37C0] =	vst v0  }
0x37: {  	[tilespmem:s19+$0x37D0] =	vst v0  }
0x38: {  	[tilespmem:s19+$0x37E0] =	vst v0  }
0x39: {  	[tilespmem:s19+$0x37F0] =	vst v0  }
0x3a: {  	[tilespmem:s19+$0x3800] =	vst v0  }
0x3b: {  	[tilespmem:s19+$0x3810] =	vst v0  }
0x3c: {  	[tilespmem:s19+$0x3820] =	vst v0;
	s24 =	rddreg [dreg:$0xc]  }
0x3d: {  	[spmem:s24] =	stream.linear.scatter [tilespmem:s3], [sflag:$0x1], $0x3840, $0x38;
	[tilespmem:$0x1CF80] =	vst v63  }
0x3e: {  	_ =	swait.ge [sflag:s9], $0x3840  }
0x3f: {  	[sflag:s9] =	ssyncset.done $0x0  }
0x40: {  	s20 =	rddreg [dreg:$0xd];
	[sflag:s9] =	ssyncadd.s32 $0xFFFFC7C0  }
0x41: {  	[spmem:s20] =	stream.linear.scatter [tilespmem:s3], [sflag:$0x1], $0x3840, $0x38;
	[tilespmem:$0x1CF80] =	vst v63  }
0x42: {  	_ =	swait.ge [sflag:s9], $0x3840  }
0x43: {  	[sflag:s9] =	ssyncset.done $0x0  }
0x44: {  	s21 =	rddreg [dreg:$0xe];
	[sflag:s9] =	ssyncadd.s32 $0xFFFFC7C0  }
0x45: {  	[spmem:s21] =	stream.linear.scatter [tilespmem:s3], [sflag:$0x1], $0x3840, $0x38;
	[tilespmem:$0x1CF80] =	vst v63  }
0x46: {  	_ =	swait.ge [sflag:s9], $0x3840  }
0x47: {  	[sflag:s9] =	ssyncset.done $0x0  }
0x48: {  	s22 =	rddreg [dreg:$0xf];
	[sflag:s9] =	ssyncadd.s32 $0xFFFFC7C0  }
0x49: {  	[spmem:s22] =	stream.linear.scatter [tilespmem:s3], [sflag:$0x1], $0x3840, $0x38;
	[tilespmem:$0x1CF80] =	vst v63  }
0x4a: {  	_ =	swait.ge [sflag:s9], $0x3840  }
0x4b: {  	[sflag:s9] =	ssyncset.done $0x0  }
0x4c: {  	s23 =	rddreg [dreg:$0x10];
	[sflag:s9] =	ssyncadd.s32 $0xFFFFC7C0  }
0x4d: {  	[spmem:s23] =	stream.linear.scatter [tilespmem:s3], [sflag:$0x1], $0x3840, $0x38;
	[tilespmem:$0x1CF80] =	vst v63  }
0x4e: {  	_ =	swait.ge [sflag:s9], $0x3840  }
0x4f: {  	[sflag:s9] =	ssyncset.done $0x0  }
0x50: {  	s24 =	rddreg [dreg:$0x11];
	[sflag:s9] =	ssyncadd.s32 $0xFFFFC7C0  }
0x51: {  	[spmem:s24] =	stream.linear.scatter [tilespmem:s3], [sflag:$0x1], $0x3840, $0x38;
	[tilespmem:$0x1CF80] =	vst v63  }
0x52: {  	_ =	swait.ge [sflag:s9], $0x3840  }
0x53: {  	[sflag:s9] =	ssyncset.done $0x0  }
0x54: {  	s19 =	simm.s32 @!p0 $0x37B0;
	[sflag:s9] =	ssyncadd.s32 $0xFFFFC7C0  }
0x55: {  	[spmem:s25] =	stream.linear.scatter @!p0 [tilespmem:s19], [sflag:$0x1], $0x3840, $0x38;
	[tilespmem:$0x1CF80] =	vst v63  }
0x56: {  	s19 =	simm.s32 @!p0 $0x1  }
0x57: {  	_ =	swait.ge @!p0 [sflag:s19], $0x3840  }
0x58: {  	[sflag:s19] =	ssyncset.done @!p0 $0x0  }
0x59: {  	[sflag:s19] =	ssyncadd.s32 @!p0 $0xFFFFC7C0  }
0x5a: {  	[bflag:$0x0] =	sbarrier.arrive $0xFFFF  }
0x5b: {  	s19 =	simm.s32 $0x0;
	v2 =	vld [tilespmem:$0x37A0]  }
.LBB2_4:
0x5c: {  	s20 =	smul.u32 $0x50, s19;
	_ =	sdelay $0x1  }
0x5d: {  	s20 =	sadd.s32 s2, s20  }
0x5e: {  	s20 =	sshrl.u32 s20, $0x3  }
0x5f: {  	s21 =	sadd.s32 s16, s20  }
0x60: {  	[tilespmem:s4], [sflag:$0x1] =	stream.linear.gather [hbm4b:s21+s1], $0x50, $0x38;
	[tilespmem:$0x1CF80] =	vst v63  }
0x61: {  	_ =	swait.ge [sflag:s9], $0x50  }
0x62: {  	[sflag:s9] =	ssyncset.done $0x0  }
0x63: {  	s20 =	sadd.s32 s17, s20;
	[sflag:s9] =	ssyncadd.s32 $0xFFFFFFB0  }
0x64: {  	[tilespmem:s5], [sflag:$0x1] =	stream.linear.gather [hbm4b:s20+s1], $0x50, $0x38;
	[tilespmem:$0x1CF80] =	vst v63  }
0x65: {  	_ =	swait.ge [sflag:s9], $0x50  }
0x66: {  	[sflag:s9] =	ssyncset.done $0x0  }
0x67: {  	[sflag:s9] =	ssyncadd.s32 $0xFFFFFFB0  }
0x68: {  	[tilespmem:s7], [sflag:$0x1] =	stream.indirect.gather [hbm4b:s13+s6], $0x10, s4, s6, $0xb8;
	[tilespmem:$0x1CF80] =	vst v63  }
0x69: {  	_ =	swait.ge [sflag:s9], $0x500  }
0x6a: {  	[sflag:s9] =	ssyncset.done $0x0  }
0x6b: {  	[sflag:s9] =	ssyncadd.s32 $0xFFFFFB00  }
0x6c: {  	[tilespmem:s10], [sflag:$0x1] =	stream.indirect.gather [hbm4b:s14+s6], $0x10, s5, s6, $0xb8;
	[tilespmem:$0x1CF80] =	vst v63  }
0x6d: {  	_ =	swait.ge [sflag:s9], $0x500  }
0x6e: {  	[sflag:s9] =	ssyncset.done $0x0  }
0x6f: {  	[sflag:s9] =	ssyncadd.s32 $0xFFFFFB00  }
0x70: {  	[tilespmem:s1], [sflag:$0x1] =	stream.indirect.gather [hbm4b:s15+s6], $0x90, s4, s6, $0xb8;
	[tilespmem:$0x1CF80] =	vst v63  }
0x71: {  	_ =	swait.ge [sflag:s9], $0x2D00  }
0x72: {  	[sflag:s9] =	ssyncset.done $0x0  }
0x73: {  	s24 =	simm.s32 $0x2D20;
	[sflag:s9] =	ssyncadd.s32 $0xFFFFD300  }
0x74: {  	s21 =	simm.s32 $0x3220;
	v3 =	vld [tilespmem:s24+$0x10]  }
0x75: {  	v4 =	vld [tilespmem:s21+$0x10]  }
0x76: {  	v5 =	vld [tilespmem:s21+$0xFFFFFFE0]  }
0x77: {  	v6 =	vld [tilespmem:s24+$0xFFFFFFF0]  }
0x78: {  	v7 =	vld [tilespmem:s21+$0xFFFFFFF0]  }
0x79: {  	v8 =	vld [tilespmem:s24+$0x0]  }
0x7a: {  	v9 =	vld [tilespmem:s24+$0xFFFFFFE0]  }
0x7b: {  	v10 =	vld [tilespmem:s21+$0x0];
	_ =	sdelay $0x1  }
0x7c: {  	v3 =	vadd.f32 v4, v3;
	v4 =	vadd.f32 v4, v2  }
0x7d: {  	v11 =	vadd.f32 v5, v2;
	v6 =	vadd.f32 v7, v6  }
0x7e: {  	v7 =	vadd.f32 v7, v2;
	v12 =	vmul.f32 $9.999999770e-03, v3;
	v13 =	vmul.f32 $9.999999770e-03, v4  }
0x7f: {  	v5 =	vadd.f32 v5, v9;
	v8 =	vadd.f32 v10, v8  }
0x80: {  	v14 =	vmul.f32 $9.999999770e-03, v11;
	v3 =	vmax.f32 v3, v12;
	v4 =	vmax.f32 v4, v13  }
0x81: {  	v12 =	vmul.f32 $9.999999770e-03, v6;
	v3 =	vsub.f32 v3, v4;
	v4 =	vmul.f32 $9.999999770e-03, v7  }
0x82: {  	v9 =	vadd.f32 v10, v2;
	v10 =	vmax.f32 v11, v14;
	v11 =	vmul.f32 $9.999999770e-03, v5  }
0x83: {  	v13 =	vmul.f32 $9.999999770e-03, v8;
	v6 =	vmax.f32 v6, v12;
	v4 =	vmax.f32 v7, v4  }
0x84: {  	v5 =	vmax.f32 v5, v11;
	v7 =	vmul.f32 $9.999999770e-03, v9;
	v4 =	vsub.f32 v6, v4  }
0x85: {  	v3 =	vmul.f32 $1.442695020e+00, v3;
	v5 =	vsub.f32 v5, v10  }
0x86: {  	v6 =	vmax.f32 v8, v13;
	v7 =	vmax.f32 v9, v7;
	v4 =	vmul.f32 $1.442695020e+00, v4  }
0x87: {  	(erf) = vpow2.f32 v3;
	v5 =	vmul.f32 $1.442695020e+00, v5;
	v3 =	vsub.f32 v6, v7  }
0x88: {  	(erf) = vpow2.f32 v4  }
0x89: {  	v3 =	vmul.f32 $1.442695020e+00, v3;
	(erf) = vpow2.f32 v5  }
0x8a: {  	s20 =	simm.s32 $0x120  }
0x8b: {  	v15 =	vld [tilespmem:s20+$0xFFFFFF30];
	(erf) = vpow2.f32 v3  }
0x8c: {  	v16 =	vld [tilespmem:s20+$0xFFFFFF40]  }
0x8d: {  	v17 =	vld [tilespmem:s20+$0xFFFFFF50]  }
0x8e: {  	v14 =	vld [tilespmem:s20+$0xFFFFFF20]  }
0x8f: {  	v11 =	vld [tilespmem:s20+$0xFFFFFEF0]  }
0x90: {  	v4 =	vld [tilespmem:s20+$0x100];
	v3 =	vpop (erf)  }
0x91: {  	v10 =	vld [tilespmem:s20+$0xFFFFFEE0];
	v6 =	vpop (erf)  }
0x92: {  	v12 =	vld [tilespmem:s20+$0xFFFFFF00];
	v5 =	vnsel vm0, $0x0, v3;
	v7 =	vpop (erf)  }
0x93: {  	v13 =	vld [tilespmem:s20+$0xFFFFFF10];
	v3 =	vperm.xlane v5, v1;
	v8 =	vnsel vm0, $0x0, v7  }
0x94: {  	v23 =	vld [tilespmem:s20+$0xFFFFFF80];
	v6 =	vnsel vm0, $0x0, v6;
	v7 =	vpop (erf);
	v18 =	vperm.xlane v8, v1  }
0x95: {  	v22 =	vld [tilespmem:s20+$0xFFFFFF70];
	v19 =	vmul.f32 v4, v3;
	v9 =	vperm.xlane v6, v1;
	v7 =	vnsel vm0, $0x0, v7  }
0x96: {  	v24 =	vld [tilespmem:s20+$0xFFFFFF90];
	v4 =	vperm.xlane v7, v1;
	v20 =	vmul.f32 v10, v18  }
0x97: {  	[tilespmem:s20+$0x100] =	vst v19;
	v25 =	vmul.f32 v11, v18;
	v26 =	vmul.f32 v12, v18;
	v10 =	vld [tilespmem:s20+$0xFFFFFFA0]  }
0x98: {  	v13 =	vmul.f32 v13, v18;
	v21 =	vmul.f32 v14, v18;
	v11 =	vld [tilespmem:s20+$0xFFFFFFB0];
	[tilespmem:s20+$0xFFFFFEE0] =	vst v20  }
0x99: {  	v19 =	vmul.f32 v15, v18;
	v12 =	vld [tilespmem:s20+$0xFFFFFFC0];
	v15 =	vmul.f32 v23, v9;
	[tilespmem:s20+$0xFFFFFEF0] =	vst v25  }
0x9a: {  	v14 =	vld [tilespmem:s20+$0xFFFFFFD0];
	v20 =	vmul.f32 v16, v18;
	v16 =	vmul.f32 v17, v18;
	[tilespmem:s20+$0xFFFFFF00] =	vst v26  }
0x9b: {  	s23 =	simm.s32 $0x0;
	s22 =	simm.s32 $0x120;
	s24 =	simm.s32 $0x2D60;
	v17 =	vmul.f32 v22, v9;
	[tilespmem:s20+$0xFFFFFF10] =	vst v13;
	v13 =	vmul.f32 v24, v9;
	v18 =	vld [tilespmem:s20+$0xFFFFFFE0]  }
.LBB2_5:
0x9c: {  	v22 =	vld [tilespmem:s24+$0x10];
	[tilespmem:s20+$0xFFFFFF20] =	vst v21;
	v10 =	vmul.f32 v10, v9;
	s21 =	sadd.s32 $0x40, s21  }
0x9d: {  	s23 =	sadd.s32 $0x4, s23;
	v21 =	vld [tilespmem:s21+$0x10];
	[tilespmem:s20+$0xFFFFFF30] =	vst v19;
	v11 =	vmul.f32 v11, v9  }
0x9e: {  	p1 =	slt.u32 s23, $0x4C;
	v19 =	vld [tilespmem:s21+$0xFFFFFFE0];
	[tilespmem:s20+$0xFFFFFF40] =	vst v20;
	v12 =	vmul.f32 v12, v9  }
0x9f: {  	v20 =	vld [tilespmem:s24+$0xFFFFFFF0];
	[tilespmem:s20+$0xFFFFFF50] =	vst v16;
	v14 =	vmul.f32 v14, v9  }
0xa0: {  	v16 =	vld [tilespmem:s21+$0xFFFFFFF0];
	[tilespmem:s20+$0xFFFFFF70] =	vst v17;
	v9 =	vmul.f32 v18, v9  }
0xa1: {  	v17 =	vld [tilespmem:s24+$0x0];
	[tilespmem:s20+$0xFFFFFF80] =	vst v15  }
0xa2: {  	v15 =	vld [tilespmem:s21+$0x0];
	v18 =	vadd.f32 v21, v22;
	v21 =	vadd.f32 v21, v2;
	[tilespmem:s20+$0xFFFFFF90] =	vst v13  }
0xa3: {  	v13 =	vld [tilespmem:s24+$0xFFFFFFE0];
	v22 =	vadd.f32 v19, v2;
	[tilespmem:s20+$0xFFFFFFA0] =	vst v10  }
0xa4: {  	v10 =	vmul.f32 $9.999999770e-03, v18;
	v23 =	vmul.f32 $9.999999770e-03, v21;
	[tilespmem:s20+$0xFFFFFFB0] =	vst v11;
	v11 =	vld [tilespmem:s20+$0x0]  }
0xa5: {  	v24 =	vmul.f32 $9.999999770e-03, v22;
	v20 =	vadd.f32 v16, v20;
	v16 =	vadd.f32 v16, v2;
	[tilespmem:s20+$0xFFFFFFC0] =	vst v12;
	v12 =	vld [tilespmem:s20+$0x10]  }
0xa6: {  	v10 =	vmax.f32 v18, v10;
	v18 =	vmax.f32 v21, v23;
	[tilespmem:s20+$0xFFFFFFD0] =	vst v14;
	v14 =	vld [tilespmem:s20+$0x20]  }
0xa7: {  	v21 =	vmul.f32 $9.999999770e-03, v20;
	v17 =	vadd.f32 v15, v17;
	v10 =	vsub.f32 v10, v18;
	[tilespmem:s20+$0xFFFFFFE0] =	vst v9;
	v9 =	vld [tilespmem:s20+$0x30]  }
0xa8: {  	v18 =	vmul.f32 $9.999999770e-03, v16;
	v15 =	vadd.f32 v15, v2;
	v13 =	vadd.f32 v19, v13;
	[tilespmem:s20+$0xFFFFFF60] =	vst v8;
	v8 =	vld [tilespmem:s20+$0x40]  }
0xa9: {  	v19 =	vmax.f32 v22, v24;
	v22 =	vmul.f32 $9.999999770e-03, v17;
	v10 =	vmul.f32 $1.442695020e+00, v10;
	[tilespmem:s20+$0xFFFFFFF0] =	vst v6;
	v6 =	vld [tilespmem:s20+$0x50]  }
0xaa: {  	v20 =	vmax.f32 v20, v21;
	v21 =	vmul.f32 $9.999999770e-03, v15;
	v23 =	vmul.f32 $9.999999770e-03, v13;
	v24 =	vld [tilespmem:s20+$0x60];
	[tilespmem:s20+$0x80] =	vst v7  }
0xab: {  	v7 =	vmax.f32 v16, v18;
	v16 =	vmax.f32 v17, v22;
	(erf) = vpow2.f32 v10;
	v10 =	vld [tilespmem:s20+$0x70];
	[tilespmem:s20+$0x110] =	vst v5  }
0xac: {  	v7 =	vsub.f32 v20, v7;
	v5 =	vmax.f32 v13, v23;
	v13 =	vmax.f32 v15, v21;
	v15 =	vld [tilespmem:s20+$0x90]  }
0xad: {  	v11 =	vmul.f32 v11, v4;
	v5 =	vsub.f32 v5, v19;
	v13 =	vsub.f32 v16, v13;
	v16 =	vld [tilespmem:s20+$0xA0]  }
0xae: {  	v12 =	vmul.f32 v12, v4;
	v7 =	vmul.f32 $1.442695020e+00, v7;
	v17 =	vld [tilespmem:s20+$0xB0]  }
0xaf: {  	v5 =	vmul.f32 $1.442695020e+00, v5;
	v13 =	vmul.f32 $1.442695020e+00, v13;
	[tilespmem:s20+$0x0] =	vst v11;
	v11 =	vld [tilespmem:s20+$0xC0]  }
0xb0: {  	(erf) = vpow2.f32 v7;
	[tilespmem:s20+$0x10] =	vst v12;
	v7 =	vmul.f32 v14, v4;
	v12 =	vld [tilespmem:s20+$0xD0]  }
0xb1: {  	v19 =	vmul.f32 v9, v4;
	(erf) = vpow2.f32 v5;
	v9 =	vld [tilespmem:s20+$0xE0]  }
0xb2: {  	s20 =	sadd.s32 $0x240, s20;
	(erf) = vpow2.f32 v13;
	[tilespmem:s22+$0x20] =	vst v7;
	v7 =	vmul.f32 v8, v4;
	v8 =	vld [tilespmem:s22+$0xF0]  }
0xb3: {  	v6 =	vmul.f32 v6, v4;
	v14 =	vmul.f32 v24, v4;
	v13 =	vld [tilespmem:s20+$0x100];
	[tilespmem:s22+$0x30] =	vst v19  }
0xb4: {  	v4 =	vmul.f32 v10, v4;
	v18 =	vld [tilespmem:s20+$0xFFFFFEE0];
	v5 =	vpop (erf);
	[tilespmem:s22+$0x40] =	vst v7;
	v7 =	vmul.f32 v15, v3  }
0xb5: {  	v15 =	vmul.f32 v17, v3;
	v10 =	vld [tilespmem:s20+$0xFFFFFEF0];
	v5 =	vnsel vm0, $0x0, v5;
	[tilespmem:s22+$0x50] =	vst v6;
	v6 =	vmul.f32 v16, v3  }
0xb6: {  	v11 =	vmul.f32 v11, v3;
	v16 =	vld [tilespmem:s20+$0xFFFFFF00];
	v17 =	vperm.xlane v5, v1;
	[tilespmem:s22+$0x60] =	vst v14  }
0xb7: {  	v12 =	vmul.f32 v12, v3;
	v19 =	vmul.f32 v9, v3;
	v14 =	vld [tilespmem:s20+$0xFFFFFF10];
	[tilespmem:s22+$0x70] =	vst v4  }
0xb8: {  	v20 =	vld [tilespmem:s20+$0xFFFFFF20];
	v9 =	vmul.f32 v13, v17;
	[tilespmem:s22+$0x90] =	vst v7;
	v13 =	vmul.f32 v8, v3;
	v3 =	vmov v17  }
0xb9: {  	v17 =	vld [tilespmem:s20+$0xFFFFFF30];
	v7 =	vpop (erf);
	[tilespmem:s22+$0xA0] =	vst v6  }
0xba: {  	v22 =	vld [tilespmem:s20+$0xFFFFFF40];
	v6 =	vnsel vm0, $0x0, v7;
	[tilespmem:s20+$0x100] =	vst v9;
	v4 =	vpop (erf)  }
0xbb: {  	v8 =	vnsel vm0, $0x0, v4;
	v23 =	vld [tilespmem:s20+$0xFFFFFF50];
	v9 =	vperm.xlane v6, v1;
	v4 =	vpop (erf);
	[tilespmem:s22+$0xB0] =	vst v15  }
0xbc: {  	v15 =	vperm.xlane v8, v1;
	v24 =	vld [tilespmem:s20+$0xFFFFFF70];
	v7 =	vnsel vm0, $0x0, v4;
	[tilespmem:s22+$0xC0] =	vst v11  }
0xbd: {  	v25 =	vld [tilespmem:s20+$0xFFFFFF80];
	v4 =	vperm.xlane v7, v1;
	[tilespmem:s22+$0xD0] =	vst v12  }
0xbe: {  	v11 =	vmul.f32 v18, v15;
	v12 =	vmul.f32 v10, v15;
	v18 =	vld [tilespmem:s20+$0xFFFFFF90];
	[tilespmem:s22+$0xE0] =	vst v19  }
.Ltmp1:
0xbf: {  	v26 =	vmul.f32 v16, v15;
	v27 =	vmul.f32 v14, v15;
	v10 =	vld [tilespmem:s20+$0xFFFFFFA0];
	[tilespmem:s22+$0xF0] =	vst v13;
	s22 =	smov.u32 s20;
	(pc) =	sbr.rel @p1 .LBB2_5-.Ltmp1, $4  }
0xc0: {  	v21 =	vmul.f32 v20, v15;
	v19 =	vmul.f32 v17, v15;
	[tilespmem:s20+$0xFFFFFEE0] =	vst v11;
	v11 =	vld [tilespmem:s20+$0xFFFFFFB0]  }
0xc1: {  	v20 =	vmul.f32 v22, v15;
	v16 =	vmul.f32 v23, v15;
	[tilespmem:s20+$0xFFFFFEF0] =	vst v12;
	v12 =	vld [tilespmem:s20+$0xFFFFFFC0]  }
0xc2: {  	v17 =	vmul.f32 v24, v9;
	[tilespmem:s20+$0xFFFFFF00] =	vst v26;
	v15 =	vmul.f32 v25, v9;
	v14 =	vld [tilespmem:s20+$0xFFFFFFD0]  }
0xc3: {  	s24 =	sadd.s32 $0x40, s24;
	[tilespmem:s20+$0xFFFFFF10] =	vst v27;
	v13 =	vmul.f32 v18, v9;
	v18 =	vld [tilespmem:s20+$0xFFFFFFE0]  }
0xc4: {  	[tilespmem:s20+$0xFFFFFF20] =	vst v21  }
0xc5: {  	[tilespmem:s20+$0xFFFFFF30] =	vst v19  }
0xc6: {  	[tilespmem:s20+$0xFFFFFF40] =	vst v20  }
0xc7: {  	[tilespmem:s20+$0xFFFFFF50] =	vst v16  }
0xc8: {  	[tilespmem:s20+$0xFFFFFF70] =	vst v17  }
0xc9: {  	[tilespmem:s20+$0xFFFFFF80] =	vst v15  }
0xca: {  	[tilespmem:s20+$0xFFFFFF60] =	vst v8  }
0xcb: {  	[tilespmem:s20+$0xFFFFFFF0] =	vst v6  }
0xcc: {  	[tilespmem:s20+$0x80] =	vst v7  }
0xcd: {  	v10 =	vmul.f32 v10, v9;
	v36 =	vld [tilespmem:s20+$0x0];
	[tilespmem:s20+$0x110] =	vst v5  }
0xce: {  	v38 =	vld [tilespmem:s20+$0x10];
	v11 =	vmul.f32 v11, v9;
	[tilespmem:s20+$0xFFFFFF90] =	vst v13  }
0xcf: {  	v49 =	vld [tilespmem:s20+$0x90];
	v12 =	vmul.f32 v12, v9;
	[tilespmem:s20+$0xFFFFFFA0] =	vst v10  }
0xd0: {  	v51 =	vld [tilespmem:s20+$0xA0];
	v37 =	vmul.f32 v14, v9;
	[tilespmem:s20+$0xFFFFFFB0] =	vst v11  }
0xd1: {  	v53 =	vld [tilespmem:s20+$0xB0];
	v39 =	vmul.f32 v18, v9;
	[tilespmem:s20+$0xFFFFFFC0] =	vst v12  }
0xd2: {  	v55 =	vld [tilespmem:s20+$0xC0];
	[tilespmem:s20+$0xFFFFFFD0] =	vst v37;
	v45 =	vmul.f32 v36, v4  }
0xd3: {  	v56 =	vld [tilespmem:s20+$0xD0];
	v47 =	vmul.f32 v38, v4;
	[tilespmem:s20+$0xFFFFFFE0] =	vst v39  }
0xd4: {  	v58 =	vld [tilespmem:s20+$0xE0];
	v59 =	vmul.f32 v49, v3;
	[tilespmem:s20+$0x0] =	vst v45  }
0xd5: {  	v40 =	vld [tilespmem:s20+$0x20];
	v61 =	vmul.f32 v51, v3;
	[tilespmem:s20+$0x10] =	vst v47  }
0xd6: {  	v41 =	vld [tilespmem:s20+$0x30];
	v62 =	vmul.f32 v53, v3;
	[tilespmem:s22+$0x90] =	vst v59  }
0xd7: {  	v42 =	vld [tilespmem:s20+$0x40];
	v8 =	vmul.f32 v55, v3;
	[tilespmem:s22+$0xA0] =	vst v61  }
0xd8: {  	v43 =	vld [tilespmem:s20+$0x50];
	v7 =	vmul.f32 v56, v3;
	[tilespmem:s22+$0xB0] =	vst v62  }
0xd9: {  	v44 =	vld [tilespmem:s20+$0x60];
	v63 =	vmul.f32 v58, v3;
	[tilespmem:s22+$0xC0] =	vst v8  }
0xda: {  	v46 =	vld [tilespmem:s20+$0x70];
	v48 =	vmul.f32 v40, v4;
	[tilespmem:s22+$0xD0] =	vst v7  }
0xdb: {  	v60 =	vld [tilespmem:s22+$0xF0];
	v50 =	vmul.f32 v41, v4;
	[tilespmem:s22+$0xE0] =	vst v63  }
0xdc: {  	v52 =	vmul.f32 v42, v4;
	[tilespmem:s22+$0x20] =	vst v48  }
0xdd: {  	v54 =	vmul.f32 v43, v4;
	[tilespmem:s22+$0x30] =	vst v50  }
0xde: {  	v6 =	vmul.f32 v44, v4;
	[tilespmem:s22+$0x40] =	vst v52  }
0xdf: {  	v57 =	vmul.f32 v46, v4;
	[tilespmem:s22+$0x50] =	vst v54  }
0xe0: {  	s19 =	sadd.s32 $0x1, s19;
	v3 =	vmul.f32 v60, v3;
	[tilespmem:s22+$0x60] =	vst v6  }
0xe1: {  	p1 =	sne.s32 s19, $0x7D;
	[tilespmem:s22+$0x70] =	vst v57  }
.Ltmp2:
0xe2: {  	[tilespmem:s22+$0xF0] =	vst v3;
	(pc) =	sbr.rel @p1 .LBB2_4-.Ltmp2, $4  }
0xe3: {  	[spmem:s11] =	stream.indirect.scatter.add.f32 [tilespmem:s1], [sflag:$0x1], $0x90, s5, s6, $0xb8;
	[tilespmem:$0x1CF80] =	vst v63  }
0xe4: {  	_ =	swait.ge [sflag:s9], $0x2D00  }
0xe5: {  	[sflag:s9] =	ssyncset.done $0x0  }
0xe6: {  	[sflag:s9] =	ssyncadd.s32 $0xFFFFD300  }
0xe7: {  	[bflag:$0x0] =	sbarrier.arrive $0xFFFF  }
0xe8: {  	[tilespmem:s3], [sflag:$0x2] =	stream.linear.gather [spmem:s26], $0x3840, $0x38;
	[tilespmem:$0x1CF80] =	vst v63  }
0xe9: {  	_ =	swait.ge [sflag:s12], $0x3840  }
0xea: {  	[sflag:s12] =	ssyncset.done $0x0  }
0xeb: {  	s19 =	rddreg [dreg:$0x4];
	[sflag:s12] =	ssyncadd.s32 $0xFFFFC7C0  }
0xec: {  	[hbm4b:s19+s1] =	stream.linear.scatter [tilespmem:s3], [sflag:$0x1], $0x3840, $0x38;
	[tilespmem:$0x1CF80] =	vst v63  }
0xed: {  	_ =	swait.ge [sflag:s9], $0x3840  }
0xee: {  	[sflag:s9] =	ssyncset.done $0x0  }
0xef: {  	[sflag:s9] =	ssyncadd.s32 $0xFFFFC7C0  }
0xf0: {  	[tilespmem:s3], [sflag:$0x2] =	stream.linear.gather [spmem:s28], $0x3840, $0x38;
	[tilespmem:$0x1CF80] =	vst v63  }
0xf1: {  	_ =	swait.ge [sflag:s12], $0x3840  }
0xf2: {  	[sflag:s12] =	ssyncset.done $0x0  }
0xf3: {  	s24 =	rddreg [dreg:$0x5];
	[sflag:s12] =	ssyncadd.s32 $0xFFFFC7C0  }
0xf4: {  	[hbm4b:s24+s1] =	stream.linear.scatter [tilespmem:s3], [sflag:$0x1], $0x3840, $0x38;
	[tilespmem:$0x1CF80] =	vst v63  }
0xf5: {  	_ =	swait.ge [sflag:s9], $0x3840  }
0xf6: {  	[sflag:s9] =	ssyncset.done $0x0  }
0xf7: {  	[sflag:s9] =	ssyncadd.s32 $0xFFFFC7C0  }
0xf8: {  	[tilespmem:s3], [sflag:$0x2] =	stream.linear.gather [spmem:s29], $0x3840, $0x38;
	[tilespmem:$0x1CF80] =	vst v63  }
0xf9: {  	_ =	swait.ge [sflag:s12], $0x3840  }
0xfa: {  	[sflag:s12] =	ssyncset.done $0x0  }
0xfb: {  	s20 =	rddreg [dreg:$0x6];
	[sflag:s12] =	ssyncadd.s32 $0xFFFFC7C0  }
0xfc: {  	[hbm4b:s20+s1] =	stream.linear.scatter [tilespmem:s3], [sflag:$0x1], $0x3840, $0x38;
	[tilespmem:$0x1CF80] =	vst v63  }
0xfd: {  	_ =	swait.ge [sflag:s9], $0x3840  }
0xfe: {  	[sflag:s9] =	ssyncset.done $0x0  }
0xff: {  	[sflag:s9] =	ssyncadd.s32 $0xFFFFC7C0  }
0x100: {  	[tilespmem:s3], [sflag:$0x2] =	stream.linear.gather [spmem:s30], $0x3840, $0x38;
	[tilespmem:$0x1CF80] =	vst v63  }
0x101: {  	_ =	swait.ge [sflag:s12], $0x3840  }
0x102: {  	[sflag:s12] =	ssyncset.done $0x0  }
0x103: {  	s21 =	rddreg [dreg:$0x7];
	[sflag:s12] =	ssyncadd.s32 $0xFFFFC7C0  }
0x104: {  	[hbm4b:s21+s1] =	stream.linear.scatter [tilespmem:s3], [sflag:$0x1], $0x3840, $0x38;
	[tilespmem:$0x1CF80] =	vst v63  }
0x105: {  	_ =	swait.ge [sflag:s9], $0x3840  }
0x106: {  	[sflag:s9] =	ssyncset.done $0x0  }
0x107: {  	[sflag:s9] =	ssyncadd.s32 $0xFFFFC7C0  }
0x108: {  	[tilespmem:s3], [sflag:$0x2] =	stream.linear.gather [spmem:s31], $0x3840, $0x38;
	[tilespmem:$0x1CF80] =	vst v63  }
0x109: {  	_ =	swait.ge [sflag:s12], $0x3840  }
0x10a: {  	[sflag:s12] =	ssyncset.done $0x0  }
0x10b: {  	s22 =	rddreg [dreg:$0x8];
	[sflag:s12] =	ssyncadd.s32 $0xFFFFC7C0  }
0x10c: {  	[hbm4b:s22+s1] =	stream.linear.scatter [tilespmem:s3], [sflag:$0x1], $0x3840, $0x38;
	[tilespmem:$0x1CF80] =	vst v63  }
0x10d: {  	_ =	swait.ge [sflag:s9], $0x3840  }
0x10e: {  	[sflag:s9] =	ssyncset.done $0x0  }
0x10f: {  	[sflag:s9] =	ssyncadd.s32 $0xFFFFC7C0  }
0x110: {  	[tilespmem:s3], [sflag:$0x2] =	stream.linear.gather [spmem:s8], $0x3840, $0x38;
	[tilespmem:$0x1CF80] =	vst v63  }
0x111: {  	_ =	swait.ge [sflag:s12], $0x3840  }
0x112: {  	[sflag:s12] =	ssyncset.done $0x0  }
0x113: {  	s23 =	rddreg [dreg:$0x9];
	[sflag:s12] =	ssyncadd.s32 $0xFFFFC7C0  }
0x114: {  	[hbm4b:s23+s1] =	stream.linear.scatter [tilespmem:s3], [sflag:$0x1], $0x3840, $0x38;
	[tilespmem:$0x1CF80] =	vst v63  }
0x115: {  	_ =	swait.ge [sflag:s9], $0x3840  }
0x116: {  	[sflag:s9] =	ssyncset.done $0x0  }
0x117: {  	s19 =	simm.s32 @!p0 $0x37B0;
	s20 =	simm.s32 @!p0 $0x2;
	[sflag:s9] =	ssyncadd.s32 $0xFFFFC7C0  }
0x118: {  	[tilespmem:s19], [sflag:$0x2] =	stream.linear.gather @!p0 [spmem:s0], $0x3840, $0x38;
	[tilespmem:$0x1CF80] =	vst v63  }
0x119: {  	_ =	swait.ge @!p0 [sflag:s20], $0x3840  }
0x11a: {  	[sflag:s20] =	ssyncset.done @!p0 $0x0  }
0x11b: {  	s21 =	rddreg [dreg:$0xa];
	[sflag:s20] =	ssyncadd.s32 @!p0 $0xFFFFC7C0;
	s20 =	simm.s32 @!p0 $0x0  }
0x11c: {  	[hbm4b:s21+s20] =	stream.linear.scatter @!p0 [tilespmem:s19], [sflag:$0x1], $0x3840, $0x38;
	[tilespmem:$0x1CF80] =	vst v63  }
0x11d: {  	s19 =	simm.s32 @!p0 $0x1  }
0x11e: {  	_ =	swait.ge @!p0 [sflag:s19], $0x3840  }
0x11f: {  	s18 =	sadd.s32 $0x1, s18;
	s24 =	rddreg [dreg:$0xb]  }
0x120: {  	p1 =	sne.s32 s18, s24  }
.Ltmp3:
0x121: {  	_ = 	snop;
	(pc) =	sbr.rel @p1 .LBB2_1-.Ltmp3, $3  }
0x122: {  	_ =	sdelay $0x1  }
0x123: {  	[sflag:s19] =	ssyncset.done @!p0 $0x0  }
0x124: {  	[sflag:s19] =	ssyncadd.s32 @!p0 $0xFFFFC7C0  }
0x125: {  	_ =	sfence.sel $0x180000  }
0x126: {  	[bflag:$0x0] =	sbarrier.arrive $0xFFFF  }
0x127: {  	_ =	strace $0x9000004A  }
0x128: {  	s0 =	stileid.u32;
	[bflag:$0x2] =	sbarrier.arrive $0xFFFF  }
0x129: {  	p0 =	sne.s32 s0, $0x0;
	s0 =	rddreg [dreg:$0x3]  }
0x12a: {  	s0 =	sadd.s32 @!p0 $0x100000, s0  }
0x12b: {  	[sflag:s0] =	ssyncadd.tile.s32 @!p0 $0x1;
	_ =	shalt  }
.Lfunc_end2:
_tile_overlayer_lowered:
.L_overlay_start_2:
0x12c: {  	(tag) =	ssettag $0x2  }
0x12d: {  	s0 =	rddreg [dreg:$0x0];
	s2 =	stileid.u32  }
0x12e: {  	s1 =	rddreg [dreg:$0x1];
	p0 =	sne.s32 s2, $0x0  }
0x12f: {  	s3 =	rddreg [dreg:$0x2];
	[bflag:$0x3] =	sbarrier.arrive $0xFFFF;
	s2 =	simm.s32 @!p0 $0x1C01  }
0x130: {  	[timem:s3], [sflag:s2] =	dma.local @!p0 [hbm:s0], s1  }
0x131: {  	s0 =	simm.s32 @!p0 $0x1  }
0x132: {  	_ =	swait.ge @!p0 [sflag:s0], s1  }
0x133: {  	s1 =	ssub.s32 @!p0 $0x0, s1;
	[sflag:s0] =	ssyncset.done @!p0 $0x0  }
0x134: {  	[sflag:s0] =	ssyncadd.s32 @!p0 s1  }
0x135: {  	[bflag:$0x3] =	sbarrier.arrive $0xFFFF  }
0x136: {  	_ =	shalt  }

// kernel: kernel.17.cloned.1.call-start
scs
__scs_entry_jumppad:
0x0: {  	(pc) =	sbr.rel $0x88, $3  }
0x1: {  	(tag) =	ssettag $0x0;
	lr =	simm.s32 $0x1  }
0x2: {  	[smem:$0x3F93] =	sst lr;
	_ =	strace $0xD0000000  }
0x3: {  	_ = 	snop  }
0x4: {  	_ = 	snop  }
0x5: {  	_ = 	snop  }
0x6: {  	_ = 	snop  }
0x7: {  	_ = 	snop  }
__scs_overlays_trampoline_lowered:
0x8: {  	[smem:$0x3FA2] =	sst s0  }
0x9: {  	[smem:$0x3FA3] =	sst s1  }
0xa: {  	[smem:$0x3FA4] =	sst s2  }
0xb: {  	[smem:$0x3FA5] =	sst s3  }
0xc: {  	[smem:$0x3FA6] =	sst s4  }
0xd: {  	[smem:$0x3FA7] =	sst s5  }
0xe: {  	[smem:$0x3FA8] =	sst s6  }
0xf: {  	[smem:$0x3FA9] =	sst s7  }
0x10: {  	[smem:$0x3FAA] =	sst s8  }
0x11: {  	[smem:$0x3FAB] =	sst s9;
	s0 =	simm.s32 @!p0 $0x0  }
0x12: {  	s1 =	sld [smem:$0x3F91];
	s0 =	simm.s32 @p0 $0x1  }
0x13: {  	[smem:$0x3FAC] =	sst s0;
	s0 =	simm.s32 @!p1 $0x0  }
0x14: {  	s2 =	sld [smem:$0x3F90];
	s0 =	simm.s32 @p1 $0x1  }
0x15: {  	[smem:$0x3FAD] =	sst s0;
	s0 =	simm.s32 @!p2 $0x0  }
0x16: {  	s3 =	sld [smem:$0x3FDB];
	s0 =	simm.s32 @p2 $0x1  }
0x17: {  	s4 =	simm.s32 $0x1BF5;
	[smem:$0x3FAF] =	sst s0  }
0x18: {  	s0 =	sld [smem:$0x3F92];
	_ =	swait.ge [sflag:s4], $0x0  }
0x19: {  	s7 =	sld [smem:$0x3F93]  }
0x1a: {  	s8 =	sadd.s32 $0xFFFFE003, lr  }
0x1b: {  	s9 =	sadd.s32 $0xFFFFFEF7, lr;
	s5 =	simm.s32 $0xFFFFFFFF;
	p2 =	slt.u32 s8, $0xFFFFF086  }
0x1c: {  	p1 =	slt.u32 s9, $0xF7A;
	s5 =	simm.s32 @!p2 $0x0  }
0x1d: {  	s5 =	simm.s32 @p1 $0x1;
	p0 =	seq.s32 s7, s2  }
0x1e: {  	s7 =	smul.u32 @!p0 $0xF7A, s2;
	p2 =	seq.s32 @!p0 s5, $0x0  }
0x1f: {  	s9 =	smul.u32 $0xF7A, s1;
	s8 =	simm.s32 @!p0 $0x1BF5;
	p2 =	por !p2, p0  }
0x20: {  	[sflag:s8] =	ssyncset.s32 @!p0 $0xFFFFF086;
	s6 =	sadd.s32 @!p0 s3, s7;
	s7 =	simm.s32 @!p0 $0x108  }
0x21: {  	s3 =	sadd.s32 s3, s9;
	s6 =	sadd.s32 @!p0 $0x88, s6;
	s7 =	simm.s32 @p2 $0x1082  }
0x22: {  	[simem:s7], [sflag:s8] =	dma.local @!p0 [hbm:s6], $0xF7A  }
0x23: {  	s9 =	sor.u32 $0xD0000000, s2;
	s6 =	simm.s32 $0x108;
	_ =	swait.ge @!p0 [sflag:s8], $0x0  }
0x24: {  	s3 =	sadd.s32 $0x88, s3;
	s6 =	simm.s32 @!p1 $0x1082;
	[sflag:s4] =	ssyncset.s32 $0xFFFFF086  }
0x25: {  	[simem:s6], [sflag:s4] =	dma.local [hbm:s3], $0xF7A  }
0x26: {  	[smem:$0x3F93] =	sst s1;
	(tag) =	ssettag s2;
	_ =	strace s9  }
0x27: {  	s1 =	sld [smem:$0x3FA3]  }
0x28: {  	s2 =	sld [smem:$0x3FA4]  }
0x29: {  	s4 =	sld [smem:$0x3FA6]  }
0x2a: {  	p0 =	seq.s32 s5, $0x0;
	s5 =	sld [smem:$0x3FA7]  }
0x2b: {  	s6 =	sld [smem:$0x3FA8]  }
0x2c: {  	s7 =	sld [smem:$0x3FA9]  }
0x2d: {  	s3 =	simm.s32 $0x108;
	s8 =	sld [smem:$0x3FAA]  }
0x2e: {  	s3 =	simm.s32 @!p0 $0x1082;
	s9 =	sld [smem:$0x3FAB]  }
0x2f: {  	lr =	sadd.s32 s0, s3;
	s0 =	sld [smem:$0x3FA2]  }
0x30: {  	s3 =	sld [smem:$0x3FA5]  }
0x31: {  	[smem:$0x3FAE] =	sst s10  }
0x32: {  	s10 =	sld [smem:$0x3FAC];
	_ =	sdelay $0x3  }
0x33: {  	p0 =	seq.s32 s10, $0x1;
	s10 =	sld [smem:$0x3FAE];
	_ =	sdelay $0x3  }
0x34: {  	[smem:$0x3FAE] =	sst s10  }
0x35: {  	s10 =	sld [smem:$0x3FAD];
	_ =	sdelay $0x3  }
0x36: {  	p1 =	seq.s32 s10, $0x1;
	s10 =	sld [smem:$0x3FAE];
	_ =	sdelay $0x3  }
0x37: {  	[smem:$0x3FAE] =	sst s10  }
0x38: {  	s10 =	sld [smem:$0x3FAF]  }
0x39: {  	_ = 	snop;
	(pc) =	sbr.ind lr, $3  }
0x3a: {  	_ = 	snop  }
0x3b: {  	_ = 	snop  }
0x3c: {  	p2 =	seq.s32 s10, $0x1;
	s10 =	sld [smem:$0x3FAE]  }
0x3d: {  	_ =	shalt  }
0x3e: {  	_ =	shalt  }
0x3f: {  	_ =	shalt  }
0x40: {  	_ =	shalt  }
0x41: {  	_ =	shalt  }
0x42: {  	_ =	shalt  }
0x43: {  	_ =	shalt  }
0x44: {  	_ =	shalt  }
0x45: {  	_ =	shalt  }
0x46: {  	_ =	shalt  }
0x47: {  	_ =	shalt  }
0x48: {  	_ =	shalt  }
0x49: {  	_ =	shalt  }
0x4a: {  	_ =	shalt  }
0x4b: {  	_ =	shalt  }
0x4c: {  	_ =	shalt  }
0x4d: {  	_ =	shalt  }
0x4e: {  	_ =	shalt  }
0x4f: {  	_ =	shalt  }
0x50: {  	_ =	shalt  }
0x51: {  	_ =	shalt  }
0x52: {  	_ =	shalt  }
0x53: {  	_ =	shalt  }
0x54: {  	_ =	shalt  }
0x55: {  	_ =	shalt  }
0x56: {  	_ =	shalt  }
0x57: {  	_ =	shalt  }
0x58: {  	_ =	shalt  }
0x59: {  	_ =	shalt  }
0x5a: {  	_ =	shalt  }
0x5b: {  	_ =	shalt  }
0x5c: {  	_ =	shalt  }
0x5d: {  	_ =	shalt  }
0x5e: {  	_ =	shalt  }
0x5f: {  	_ =	shalt  }
0x60: {  	_ =	shalt  }
0x61: {  	_ =	shalt  }
0x62: {  	_ =	shalt  }
0x63: {  	_ =	shalt  }
0x64: {  	_ =	shalt  }
0x65: {  	_ =	shalt  }
0x66: {  	_ =	shalt  }
0x67: {  	_ =	shalt  }
0x68: {  	_ =	shalt  }
0x69: {  	_ =	shalt  }
0x6a: {  	_ =	shalt  }
0x6b: {  	_ =	shalt  }
0x6c: {  	_ =	shalt  }
0x6d: {  	_ =	shalt  }
0x6e: {  	_ =	shalt  }
0x6f: {  	_ =	shalt  }
0x70: {  	_ =	shalt  }
0x71: {  	_ =	shalt  }
0x72: {  	_ =	shalt  }
0x73: {  	_ =	shalt  }
0x74: {  	_ =	shalt  }
0x75: {  	_ =	shalt  }
0x76: {  	_ =	shalt  }
0x77: {  	_ =	shalt  }
0x78: {  	_ =	shalt  }
0x79: {  	_ =	shalt  }
0x7a: {  	_ =	shalt  }
0x7b: {  	_ =	shalt  }
0x7c: {  	_ =	shalt  }
0x7d: {  	_ =	shalt  }
0x7e: {  	_ =	shalt  }
0x7f: {  	_ =	shalt  }
0x80: {  	_ =	shalt  }
0x81: {  	_ =	shalt  }
0x82: {  	_ =	shalt  }
0x83: {  	_ =	shalt  }
0x84: {  	_ =	shalt  }
0x85: {  	_ =	shalt  }
0x86: {  	_ =	shalt  }
0x87: {  	_ =	shalt  }
.Lfunc_end0:
.L_simem_size_0:
called_computation.2_lowered:
.L_overlay_start_0:
0x88: {  	s2 =	sld [smem:$0x3FD9]  }
0x89: {  	s3 =	sld [smem:$0x3FFE];
	_ =	sdelay $0x1  }
0x8a: {  	s1 =	srdreg.scid  }
0x8b: {  	s0 =	sand.u32 $0x1, s1  }
0x8c: {  	s17 =	sshll.u32 s0, $0xA;
	s2 =	sadd.s32 s3, s2  }
0x8d: {  	s2 =	sadd.s32 s2, s17  }
0x8e: {  	[smem:$0x3FBA] =	sst s2  }
0x8f: {  	_ = 	snop  }
0x90: {  	s2 =	sld [smem:$0x3FD0];
	(tm) =	ssettm $0x1  }
0x91: {  	s18 =	sld [smem:$0x3FFB];
	_ =	sdelay $0x3  }
0x92: {  	_ =	strace s18  }
0x93: {  	s3 =	sld [smem:$0x3FFC];
	_ =	sdelay $0x3  }
0x94: {  	_ =	strace s3  }
0x95: {  	s3 =	sld [smem:$0x3FFD];
	_ =	sdelay $0x3  }
0x96: {  	_ =	strace s3  }
0x97: {  	_ =	strace $0x8FFFFFFF  }
0x98: {  	s19 =	sld [smem:$0x3FDB];
	_ =	sdelay $0x1  }
0x99: {  	s4 =	simm.s32 $_scs_section_size  }
0x9a: {  	s5 =	simm.s32 $_size__tile_overlayer_lowered;
	s6 =	simm.s32 $_tile_overlayer_lowered  }
0x9b: {  	s22 =	simm.s32 $0x1BFF;
	s21 =	sshll.u32 s6, $0x1;
	s3 =	sadd.s32 s4, s19  }
0x9c: {  	s7 =	simm.s32 $0x0;
	s20 =	sshll.u32 s5, $0x1;
	s5 =	sadd.s32 s21, s3  }
0x9d: {  	[timem:s7], [sflag:s22] =	dma.local [hbm:s5], s20  }
0x9e: {  	_ =	swait.ge [sflag:s22], s20  }
0x9f: {  	s4 =	ssub.s32 $0x0, s20;
	[sflag:s22] =	ssyncset.done $0x0  }
0xa0: {  	[sflag:s22] =	ssyncadd.s32 s4;
	_ =	sdelay $0x1  }
0xa1: {  	s23 =	simm.s32 $0x1B8B  }
0xa2: {  	_ =	swait.ge [sflag:s23], $0x1  }
0xa3: {  	[sflag:s23] =	ssyncset.done $0x0  }
0xa4: {  	s25 =	simm.s32 $0x1B8E;
	s24 =	sld [smem:$0x3FFE];
	[sflag:s23] =	ssyncadd.s32 $0xFFFFFFFF  }
0xa5: {  	s26 =	simm.s32 $execute0_lowered;
	[smem:$0x3FD2] =	sst s25  }
0xa6: {  	s5 =	sshll.u32 s26, $0x1;
	_ =	strace $0x8000004C;
	[dreg:$0x1] =	wrdreg $0xFFFFFFFF  }
0xa7: {  	s28 =	simm.s32 $_size_execute0_lowered;
	s3 =	sadd.s32 s3, s5;
	[dreg:$0x0] =	wrdreg $0x0  }
0xa8: {  	s5 =	sshll.u32 s28, $0x1;
	[dreg:$0x2] =	wrdreg s3  }
0xa9: {  	[dreg:$0x3] =	wrdreg s5  }
0xaa: {  	[dreg:$0x4] =	wrdreg $0xC0  }
0xab: {  	_ =	task [dreg:s7], $0x5FFFF  }
0xac: {  	[dreg:$0x1] =	wrdreg $0xFFFFFFFF  }
0xad: {  	[dreg:$0x0] =	wrdreg $0x60  }
0xae: {  	[dreg:$0x2] =	wrdreg s24  }
0xaf: {  	[dreg:$0x3] =	wrdreg s2  }
0xb0: {  	[dreg:$0x4] =	wrdreg $0x6FF00  }
0xb1: {  	[dreg:$0x5] =	wrdreg $0x9  }
0xb2: {  	_ =	task.clear_ibuf [dreg:s7], $0x6FFFF;
	_ =	strace $0x9000004C  }
0xb3: {  	s29 =	simm.s32 $0x9;
	_ =	strace $0x8000004E  }
0xb4: {  	_ =	swait.ge [sflag:s29], $0x1  }
0xb5: {  	[sflag:s29] =	ssyncadd.s32 $0xFFFFFFFF  }
0xb6: {  	_ =	strace $0x9000004E  }
0xb7: {  	_ =	sfence  }
0xb8: {  	s30 =	sld [smem:$0x0];
	_ =	sdelay $0x2  }
0xb9: {  	s31 =	sshll.u32 s1, $0xD;
	s1 =	sshrl.u32 s1, $0x2  }
0xba: {  	s3 =	sand.u32 $0x4000, s31;
	s1 =	sadd.s32 s1, s30  }
0xbb: {  	s0 =	sor.u32 s3, s0;
	s1 =	sshll.u32 s1, $0x11  }
0xbc: {  	s0 =	sor.u32 s1, s0  }
0xbd: {  	s0 =	sadd.s32 $0x8F2B, s0  }
0xbe: {  	[sflag:s0] =	ssyncadd.remote.s32 $0x1  }
0xbf: {  	_ =	sfence.sel $0xFFFF  }
0xc0: {  	[dreg:$0x0] =	wrdreg $0xFFFFFFFF;
	(pc) =	sbr.abs _section_cstart, $3  }
0xc1: {  	[dreg:$0x1] =	wrdreg $0xFFFFFFFF  }
0xc2: {  	_ =	task.clear_ibuf [dreg:s7], $0x2FFFF;
	_ =	strace $0x9FFFFFFF  }
0xc3: {  	(tm) =	ssettm $0x7FFFFFFF  }
tec
execute0_lowered:
.L_overlay_start_1:
0x0: {  	(tag) =	ssettag $0x1  }
0x1: {  	s0 =	srdreg.scid  }
0x2: {  	s15 =	stileid.u32;
	s0 =	sand.u32 $0x1, s0  }
0x3: {  	s2 =	sshll.u32 s15, $0x1;
	s9 =	sor.u32 $0x20, s15;
	s7 =	smul.u32 $0x15F900, s0  }
0x4: {  	s2 =	sor.u32 s0, s2;
	s3 =	ssub.s32 $0x2, s0;
	s0 =	smul.u32 $0x3840, s15  }
0x5: {  	s4 =	rddreg [dreg:$0x0];
	s10 =	sor.u32 $0x30, s15;
	s18 =	smul.u32 $0x3840, s9  }
0x6: {  	s1 =	simm.s32 $0x0;
	s12 =	sor.u32 $0x40, s15;
	s21 =	smul.u32 $0x3840, s10  }
0x7: {  	[smem:$0x7FF] =	sst s1;
	s19 =	sor.u32 $0x50, s15;
	s22 =	smul.u32 $0x3840, s12  }
0x8: {  	s5 =	sadd.s32 $0x4E800, s4;
	s20 =	sor.u32 $0x60, s15;
	s23 =	smul.u32 $0x3840, s19  }
0x9: {  	s8 =	sor.u32 $0x10, s15;
	s24 =	smul.u32 $0x3840, s20;
	s6 =	sshrl.u32 s3, $0x1  }
0xa: {  	p0 =	sgt.u32 s20, $0x63;
	s6 =	ssub.s32 s3, s6;
	s3 =	smul.u32 $0x3840, s8  }
0xb: {  	s2 =	smul.u32 $0x2710, s2;
	s11 =	sadd.s32 s7, s0;
	s14 =	sadd.s32 s7, s18  }
0xc: {  	s16 =	sadd.s32 s7, s22;
	s11 =	sshrl.u32 s11, $0x3;
	s13 =	sadd.s32 s7, s3  }
0xd: {  	s25 =	sadd.s32 s7, s23;
	s11 =	sadd.s32 s5, s11;
	s13 =	sshrl.u32 s13, $0x3  }
0xe: {  	s14 =	sshrl.u32 s14, $0x3;
	[dreg:$0x4] =	wrdreg s11;
	s26 =	sadd.s32 s5, s13  }
0xf: {  	s6 =	smax.u32 s6, $0x1;
	s13 =	sadd.s32 s5, s14;
	[dreg:$0x5] =	wrdreg s26  }
0x10: {  	s14 =	sadd.s32 s7, s21;
	s7 =	sadd.s32 s7, s24;
	[dreg:$0x6] =	wrdreg s13  }
0x11: {  	s11 =	sshrl.u32 s14, $0x3;
	s13 =	sshrl.u32 s16, $0x3;
	s7 =	sshrl.u32 s7, $0x3  }
0x12: {  	s26 =	smul.u32 $0xE100, s15;
	s14 =	sadd.s32 $0x1D800, s4;
	s15 =	sadd.s32 $0x22800, s4  }
0x13: {  	s16 =	sadd.s32 $0xEA00, s4;
	s11 =	sadd.s32 s5, s11;
	s17 =	sadd.s32 s5, s13  }
0x14: {  	[dreg:$0x7] =	wrdreg s11;
	s11 =	sshrl.u32 s25, $0x3;
	s25 =	smul.u32 $0xE100, s9  }
0x15: {  	s13 =	sadd.s32 $0x18800, s4;
	[dreg:$0x8] =	wrdreg s17;
	s9 =	smul.u32 $0xE100, s12  }
0x16: {  	s17 =	sadd.s32 $0x4C00, s4;
	s12 =	smul.u32 $0xE100, s19;
	s11 =	sadd.s32 s5, s11  }
0x17: {  	s19 =	smul.u32 $0xE100, s20;
	s5 =	sadd.s32 s5, s7;
	[dreg:$0x9] =	wrdreg s11  }
0x18: {  	s7 =	simm.s32 $0x2D00;
	[dreg:$0xa] =	wrdreg s5;
	s5 =	smul.u32 $0xE100, s8  }
0x19: {  	s11 =	rddreg [dreg:$0x2];
	s8 =	sshrl.u32 s26, $0x2;
	s26 =	smul.u32 $0xE100, s10  }
0x1a: {  	s20 =	sshrl.u32 s9, $0x2;
	s9 =	simm.s32 $0x1;
	_ =	strace $0x8000004D  }
0x1b: {  	[dreg:$0xb] =	wrdreg s6;
	s4 =	sadd.s32 s8, s11;
	s8 =	sshrl.u32 s25, $0x2  }
0x1c: {  	s28 =	sadd.s32 s3, s11;
	s29 =	sadd.s32 s18, s11;
	s30 =	sadd.s32 s21, s11  }
0x1d: {  	s31 =	sadd.s32 s22, s11;
	s3 =	simm.s32 $0x37B0;
	s6 =	simm.s32 $0x50  }
0x1e: {  	s18 =	simm.s32 $0x0;
	[dreg:$0xc] =	wrdreg s4;
	s5 =	sshrl.u32 s5, $0x2  }
0x1f: {  	s10 =	sadd.s32 s8, s11;
	s4 =	sshrl.u32 s26, $0x2;
	s26 =	sshrl.u32 s19, $0x2  }
0x20: {  	s8 =	sadd.s32 s23, s11;
	s5 =	sadd.s32 s5, s11;
	[dreg:$0xe] =	wrdreg s10  }
0x21: {  	s4 =	sadd.s32 s4, s11;
	s10 =	simm.s32 $0x3200;
	[dreg:$0xd] =	wrdreg s5  }
0x22: {  	[dreg:$0xf] =	wrdreg s4;
	s5 =	sshrl.u32 s12, $0x2;
	s4 =	sadd.s32 s20, s11  }
0x23: {  	s12 =	simm.s32 $0x2;
	[dreg:$0x10] =	wrdreg s4;
	s25 =	sadd.s32 s5, s11  }
0x24: {  	v1 =	vlaneseq.u32;
	s4 =	simm.s32 $0x3700;
	s5 =	simm.s32 $0x3750;
	[dreg:$0x11] =	wrdreg s25  }
0x25: {  	v0 =	vimm.f32 $0.0e+00;
	vm0 =	vmmov $0xff;
	v1 =	vand.u32 $0x7, v1;
	s25 =	sadd.s32 s26, s11;
	s26 =	sadd.s32 s0, s11;
	s0 =	sadd.s32 s24, s11  }
.LBB2_1:
0x26: {  	s19 =	rddreg [dreg:$0x1];
	s20 =	simm.s32 $0x37A0  }
0x27: {  	[tilespmem:s20], [sflag:$0x1] =	stream.linear.gather [hbm4b:s19+s1], $0x10, $0x38;
	[tilespmem:$0x1CF80] =	vst v63  }
0x28: {  	_ =	swait.ge [sflag:s9], $0x10  }
0x29: {  	[sflag:s9] =	ssyncset.done $0x0  }
0x2a: {  	s19 =	simm.s32 $0x0;
	s20 =	simm.s32 $0x240;
	[sflag:s9] =	ssyncadd.s32 $0xFFFFFFF0  }
.LBB2_2:
0x2b: {  	p1 =	sne.s32 s20, $0xDEC0;
	[tilespmem:s19+$0x3830] =	vst v0  }
0x2c: {  	[tilespmem:s19+$0x37B0] =	vst v0  }
0x2d: {  	[tilespmem:s19+$0x37C0] =	vst v0  }
0x2e: {  	[tilespmem:s19+$0x37D0] =	vst v0  }
.Ltmp0:
0x2f: {  	[tilespmem:s19+$0x37E0] =	vst v0;
	(pc) =	sbr.rel @p1 .LBB2_2-.Ltmp0, $4  }
0x30: {  	[tilespmem:s19+$0x37F0] =	vst v0  }
0x31: {  	[tilespmem:s19+$0x3800] =	vst v0  }
0x32: {  	[tilespmem:s19+$0x3810] =	vst v0  }
0x33: {  	[tilespmem:s19+$0x3820] =	vst v0;
	s19 =	sshra.s32 s20, $0x2;
	s20 =	sadd.s32 $0x240, s20  }
0x34: {  	[tilespmem:s19+$0x3830] =	vst v0  }
0x35: {  	[tilespmem:s19+$0x37B0] =	vst v0  }
0x36: {  	[tilespmem:s19+$0x37C0] =	vst v0  }
0x37: {  	[tilespmem:s19+$0x37D0] =	vst v0  }
0x38: {  	[tilespmem:s19+$0x37E0] =	vst v0  }
0x39: {  	[tilespmem:s19+$0x37F0] =	vst v0  }
0x3a: {  	[tilespmem:s19+$0x3800] =	vst v0  }
0x3b: {  	[tilespmem:s19+$0x3810] =	vst v0  }
0x3c: {  	[tilespmem:s19+$0x3820] =	vst v0;
	s24 =	rddreg [dreg:$0xc]  }
0x3d: {  	[spmem:s24] =	stream.linear.scatter [tilespmem:s3], [sflag:$0x1], $0x3840, $0x38;
	[tilespmem:$0x1CF80] =	vst v63  }
0x3e: {  	_ =	swait.ge [sflag:s9], $0x3840  }
0x3f: {  	[sflag:s9] =	ssyncset.done $0x0  }
0x40: {  	s20 =	rddreg [dreg:$0xd];
	[sflag:s9] =	ssyncadd.s32 $0xFFFFC7C0  }
0x41: {  	[spmem:s20] =	stream.linear.scatter [tilespmem:s3], [sflag:$0x1], $0x3840, $0x38;
	[tilespmem:$0x1CF80] =	vst v63  }
0x42: {  	_ =	swait.ge [sflag:s9], $0x3840  }
0x43: {  	[sflag:s9] =	ssyncset.done $0x0  }
0x44: {  	s21 =	rddreg [dreg:$0xe];
	[sflag:s9] =	ssyncadd.s32 $0xFFFFC7C0  }
0x45: {  	[spmem:s21] =	stream.linear.scatter [tilespmem:s3], [sflag:$0x1], $0x3840, $0x38;
	[tilespmem:$0x1CF80] =	vst v63  }
0x46: {  	_ =	swait.ge [sflag:s9], $0x3840  }
0x47: {  	[sflag:s9] =	ssyncset.done $0x0  }
0x48: {  	s22 =	rddreg [dreg:$0xf];
	[sflag:s9] =	ssyncadd.s32 $0xFFFFC7C0  }
0x49: {  	[spmem:s22] =	stream.linear.scatter [tilespmem:s3], [sflag:$0x1], $0x3840, $0x38;
	[tilespmem:$0x1CF80] =	vst v63  }
0x4a: {  	_ =	swait.ge [sflag:s9], $0x3840  }
0x4b: {  	[sflag:s9] =	ssyncset.done $0x0  }
0x4c: {  	s23 =	rddreg [dreg:$0x10];
	[sflag:s9] =	ssyncadd.s32 $0xFFFFC7C0  }
0x4d: {  	[spmem:s23] =	stream.linear.scatter [tilespmem:s3], [sflag:$0x1], $0x3840, $0x38;
	[tilespmem:$0x1CF80] =	vst v63  }
0x4e: {  	_ =	swait.ge [sflag:s9], $0x3840  }
0x4f: {  	[sflag:s9] =	ssyncset.done $0x0  }
0x50: {  	s24 =	rddreg [dreg:$0x11];
	[sflag:s9] =	ssyncadd.s32 $0xFFFFC7C0  }
0x51: {  	[spmem:s24] =	stream.linear.scatter [tilespmem:s3], [sflag:$0x1], $0x3840, $0x38;
	[tilespmem:$0x1CF80] =	vst v63  }
0x52: {  	_ =	swait.ge [sflag:s9], $0x3840  }
0x53: {  	[sflag:s9] =	ssyncset.done $0x0  }
0x54: {  	s19 =	simm.s32 @!p0 $0x37B0;
	[sflag:s9] =	ssyncadd.s32 $0xFFFFC7C0  }
0x55: {  	[spmem:s25] =	stream.linear.scatter @!p0 [tilespmem:s19], [sflag:$0x1], $0x3840, $0x38;
	[tilespmem:$0x1CF80] =	vst v63  }
0x56: {  	s19 =	simm.s32 @!p0 $0x1  }
0x57: {  	_ =	swait.ge @!p0 [sflag:s19], $0x3840  }
0x58: {  	[sflag:s19] =	ssyncset.done @!p0 $0x0  }
0x59: {  	[sflag:s19] =	ssyncadd.s32 @!p0 $0xFFFFC7C0  }
0x5a: {  	[bflag:$0x0] =	sbarrier.arrive $0xFFFF  }
0x5b: {  	s19 =	simm.s32 $0x0;
	v2 =	vld [tilespmem:$0x37A0]  }
.LBB2_4:
0x5c: {  	s20 =	smul.u32 $0x50, s19;
	_ =	sdelay $0x1  }
0x5d: {  	s20 =	sadd.s32 s2, s20  }
0x5e: {  	s20 =	sshrl.u32 s20, $0x3  }
0x5f: {  	s21 =	sadd.s32 s16, s20  }
0x60: {  	[tilespmem:s4], [sflag:$0x1] =	stream.linear.gather [hbm4b:s21+s1], $0x50, $0x38;
	[tilespmem:$0x1CF80] =	vst v63  }
0x61: {  	_ =	swait.ge [sflag:s9], $0x50  }
0x62: {  	[sflag:s9] =	ssyncset.done $0x0  }
0x63: {  	s20 =	sadd.s32 s17, s20;
	[sflag:s9] =	ssyncadd.s32 $0xFFFFFFB0  }
0x64: {  	[tilespmem:s5], [sflag:$0x1] =	stream.linear.gather [hbm4b:s20+s1], $0x50, $0x38;
	[tilespmem:$0x1CF80] =	vst v63  }
0x65: {  	_ =	swait.ge [sflag:s9], $0x50  }
0x66: {  	[sflag:s9] =	ssyncset.done $0x0  }
0x67: {  	[sflag:s9] =	ssyncadd.s32 $0xFFFFFFB0  }
0x68: {  	[tilespmem:s7], [sflag:$0x1] =	stream.indirect.gather [hbm4b:s13+s6], $0x10, s4, s6, $0xb8;
	[tilespmem:$0x1CF80] =	vst v63  }
0x69: {  	_ =	swait.ge [sflag:s9], $0x500  }
0x6a: {  	[sflag:s9] =	ssyncset.done $0x0  }
0x6b: {  	[sflag:s9] =	ssyncadd.s32 $0xFFFFFB00  }
0x6c: {  	[tilespmem:s10], [sflag:$0x1] =	stream.indirect.gather [hbm4b:s14+s6], $0x10, s5, s6, $0xb8;
	[tilespmem:$0x1CF80] =	vst v63  }
0x6d: {  	_ =	swait.ge [sflag:s9], $0x500  }
0x6e: {  	[sflag:s9] =	ssyncset.done $0x0  }
0x6f: {  	[sflag:s9] =	ssyncadd.s32 $0xFFFFFB00  }
0x70: {  	[tilespmem:s1], [sflag:$0x1] =	stream.indirect.gather [hbm4b:s15+s6], $0x90, s4, s6, $0xb8;
	[tilespmem:$0x1CF80] =	vst v63  }
0x71: {  	_ =	swait.ge [sflag:s9], $0x2D00  }
0x72: {  	[sflag:s9] =	ssyncset.done $0x0  }
0x73: {  	s24 =	simm.s32 $0x2D20;
	[sflag:s9] =	ssyncadd.s32 $0xFFFFD300  }
0x74: {  	s21 =	simm.s32 $0x3220;
	v3 =	vld [tilespmem:s24+$0x10]  }
0x75: {  	v4 =	vld [tilespmem:s21+$0x10]  }
0x76: {  	v5 =	vld [tilespmem:s21+$0xFFFFFFE0]  }
0x77: {  	v6 =	vld [tilespmem:s24+$0xFFFFFFF0]  }
0x78: {  	v7 =	vld [tilespmem:s21+$0xFFFFFFF0]  }
0x79: {  	v8 =	vld [tilespmem:s24+$0x0]  }
0x7a: {  	v9 =	vld [tilespmem:s24+$0xFFFFFFE0]  }
0x7b: {  	v10 =	vld [tilespmem:s21+$0x0];
	_ =	sdelay $0x1  }
0x7c: {  	v3 =	vadd.f32 v4, v3;
	v4 =	vadd.f32 v4, v2  }
0x7d: {  	v11 =	vadd.f32 v5, v2;
	v6 =	vadd.f32 v7, v6  }
0x7e: {  	v7 =	vadd.f32 v7, v2;
	v12 =	vmul.f32 $9.999999770e-03, v3;
	v13 =	vmul.f32 $9.999999770e-03, v4  }
0x7f: {  	v5 =	vadd.f32 v5, v9;
	v8 =	vadd.f32 v10, v8  }
0x80: {  	v14 =	vmul.f32 $9.999999770e-03, v11;
	v3 =	vmax.f32 v3, v12;
	v4 =	vmax.f32 v4, v13  }
0x81: {  	v12 =	vmul.f32 $9.999999770e-03, v6;
	v3 =	vsub.f32 v3, v4;
	v4 =	vmul.f32 $9.999999770e-03, v7  }
0x82: {  	v9 =	vadd.f32 v10, v2;
	v10 =	vmax.f32 v11, v14;
	v11 =	vmul.f32 $9.999999770e-03, v5  }
0x83: {  	v13 =	vmul.f32 $9.999999770e-03, v8;
	v6 =	vmax.f32 v6, v12;
	v4 =	vmax.f32 v7, v4  }
0x84: {  	v5 =	vmax.f32 v5, v11;
	v7 =	vmul.f32 $9.999999770e-03, v9;
	v4 =	vsub.f32 v6, v4  }
0x85: {  	v3 =	vmul.f32 $1.442695020e+00, v3;
	v5 =	vsub.f32 v5, v10  }
0x86: {  	v6 =	vmax.f32 v8, v13;
	v7 =	vmax.f32 v9, v7;
	v4 =	vmul.f32 $1.442695020e+00, v4  }
0x87: {  	(erf) = vpow2.f32 v3;
	v5 =	vmul.f32 $1.442695020e+00, v5;
	v3 =	vsub.f32 v6, v7  }
0x88: {  	(erf) = vpow2.f32 v4  }
0x89: {  	v3 =	vmul.f32 $1.442695020e+00, v3;
	(erf) = vpow2.f32 v5  }
0x8a: {  	s20 =	simm.s32 $0x120  }
0x8b: {  	v15 =	vld [tilespmem:s20+$0xFFFFFF30];
	(erf) = vpow2.f32 v3  }
0x8c: {  	v16 =	vld [tilespmem:s20+$0xFFFFFF40]  }
0x8d: {  	v17 =	vld [tilespmem:s20+$0xFFFFFF50]  }
0x8e: {  	v14 =	vld [tilespmem:s20+$0xFFFFFF20]  }
0x8f: {  	v11 =	vld [tilespmem:s20+$0xFFFFFEF0]  }
0x90: {  	v4 =	vld [tilespmem:s20+$0x100];
	v3 =	vpop (erf)  }
0x91: {  	v10 =	vld [tilespmem:s20+$0xFFFFFEE0];
	v6 =	vpop (erf)  }
0x92: {  	v12 =	vld [tilespmem:s20+$0xFFFFFF00];
	v5 =	vnsel vm0, $0x0, v3;
	v7 =	vpop (erf)  }
0x93: {  	v13 =	vld [tilespmem:s20+$0xFFFFFF10];
	v3 =	vperm.xlane v5, v1;
	v8 =	vnsel vm0, $0x0, v7  }
0x94: {  	v23 =	vld [tilespmem:s20+$0xFFFFFF80];
	v6 =	vnsel vm0, $0x0, v6;
	v7 =	vpop (erf);
	v18 =	vperm.xlane v8, v1  }
0x95: {  	v22 =	vld [tilespmem:s20+$0xFFFFFF70];
	v19 =	vmul.f32 v4, v3;
	v9 =	vperm.xlane v6, v1;
	v7 =	vnsel vm0, $0x0, v7  }
0x96: {  	v24 =	vld [tilespmem:s20+$0xFFFFFF90];
	v4 =	vperm.xlane v7, v1;
	v20 =	vmul.f32 v10, v18  }
0x97: {  	[tilespmem:s20+$0x100] =	vst v19;
	v25 =	vmul.f32 v11, v18;
	v26 =	vmul.f32 v12, v18;
	v10 =	vld [tilespmem:s20+$0xFFFFFFA0]  }
0x98: {  	v13 =	vmul.f32 v13, v18;
	v21 =	vmul.f32 v14, v18;
	v11 =	vld [tilespmem:s20+$0xFFFFFFB0];
	[tilespmem:s20+$0xFFFFFEE0] =	vst v20  }
0x99: {  	v19 =	vmul.f32 v15, v18;
	v12 =	vld [tilespmem:s20+$0xFFFFFFC0];
	v15 =	vmul.f32 v23, v9;
	[tilespmem:s20+$0xFFFFFEF0] =	vst v25  }
0x9a: {  	v14 =	vld [tilespmem:s20+$0xFFFFFFD0];
	v20 =	vmul.f32 v16, v18;
	v16 =	vmul.f32 v17, v18;
	[tilespmem:s20+$0xFFFFFF00] =	vst v26  }
0x9b: {  	s23 =	simm.s32 $0x0;
	s22 =	simm.s32 $0x120;
	s24 =	simm.s32 $0x2D60;
	v17 =	vmul.f32 v22, v9;
	[tilespmem:s20+$0xFFFFFF10] =	vst v13;
	v13 =	vmul.f32 v24, v9;
	v18 =	vld [tilespmem:s20+$0xFFFFFFE0]  }
.LBB2_5:
0x9c: {  	v22 =	vld [tilespmem:s24+$0x10];
	[tilespmem:s20+$0xFFFFFF20] =	vst v21;
	v10 =	vmul.f32 v10, v9;
	s21 =	sadd.s32 $0x40, s21  }
0x9d: {  	s23 =	sadd.s32 $0x4, s23;
	v21 =	vld [tilespmem:s21+$0x10];
	[tilespmem:s20+$0xFFFFFF30] =	vst v19;
	v11 =	vmul.f32 v11, v9  }
0x9e: {  	p1 =	slt.u32 s23, $0x4C;
	v19 =	vld [tilespmem:s21+$0xFFFFFFE0];
	[tilespmem:s20+$0xFFFFFF40] =	vst v20;
	v12 =	vmul.f32 v12, v9  }
0x9f: {  	v20 =	vld [tilespmem:s24+$0xFFFFFFF0];
	[tilespmem:s20+$0xFFFFFF50] =	vst v16;
	v14 =	vmul.f32 v14, v9  }
0xa0: {  	v16 =	vld [tilespmem:s21+$0xFFFFFFF0];
	[tilespmem:s20+$0xFFFFFF70] =	vst v17;
	v9 =	vmul.f32 v18, v9  }
0xa1: {  	v17 =	vld [tilespmem:s24+$0x0];
	[tilespmem:s20+$0xFFFFFF80] =	vst v15  }
0xa2: {  	v15 =	vld [tilespmem:s21+$0x0];
	v18 =	vadd.f32 v21, v22;
	v21 =	vadd.f32 v21, v2;
	[tilespmem:s20+$0xFFFFFF90] =	vst v13  }
0xa3: {  	v13 =	vld [tilespmem:s24+$0xFFFFFFE0];
	v22 =	vadd.f32 v19, v2;
	[tilespmem:s20+$0xFFFFFFA0] =	vst v10  }
0xa4: {  	v10 =	vmul.f32 $9.999999770e-03, v18;
	v23 =	vmul.f32 $9.999999770e-03, v21;
	[tilespmem:s20+$0xFFFFFFB0] =	vst v11;
	v11 =	vld [tilespmem:s20+$0x0]  }
0xa5: {  	v24 =	vmul.f32 $9.999999770e-03, v22;
	v20 =	vadd.f32 v16, v20;
	v16 =	vadd.f32 v16, v2;
	[tilespmem:s20+$0xFFFFFFC0] =	vst v12;
	v12 =	vld [tilespmem:s20+$0x10]  }
0xa6: {  	v10 =	vmax.f32 v18, v10;
	v18 =	vmax.f32 v21, v23;
	[tilespmem:s20+$0xFFFFFFD0] =	vst v14;
	v14 =	vld [tilespmem:s20+$0x20]  }
0xa7: {  	v21 =	vmul.f32 $9.999999770e-03, v20;
	v17 =	vadd.f32 v15, v17;
	v10 =	vsub.f32 v10, v18;
	[tilespmem:s20+$0xFFFFFFE0] =	vst v9;
	v9 =	vld [tilespmem:s20+$0x30]  }
0xa8: {  	v18 =	vmul.f32 $9.999999770e-03, v16;
	v15 =	vadd.f32 v15, v2;
	v13 =	vadd.f32 v19, v13;
	[tilespmem:s20+$0xFFFFFF60] =	vst v8;
	v8 =	vld [tilespmem:s20+$0x40]  }
0xa9: {  	v19 =	vmax.f32 v22, v24;
	v22 =	vmul.f32 $9.999999770e-03, v17;
	v10 =	vmul.f32 $1.442695020e+00, v10;
	[tilespmem:s20+$0xFFFFFFF0] =	vst v6;
	v6 =	vld [tilespmem:s20+$0x50]  }
0xaa: {  	v20 =	vmax.f32 v20, v21;
	v21 =	vmul.f32 $9.999999770e-03, v15;
	v23 =	vmul.f32 $9.999999770e-03, v13;
	v24 =	vld [tilespmem:s20+$0x60];
	[tilespmem:s20+$0x80] =	vst v7  }
0xab: {  	v7 =	vmax.f32 v16, v18;
	v16 =	vmax.f32 v17, v22;
	(erf) = vpow2.f32 v10;
	v10 =	vld [tilespmem:s20+$0x70];
	[tilespmem:s20+$0x110] =	vst v5  }
0xac: {  	v7 =	vsub.f32 v20, v7;
	v5 =	vmax.f32 v13, v23;
	v13 =	vmax.f32 v15, v21;
	v15 =	vld [tilespmem:s20+$0x90]  }
0xad: {  	v11 =	vmul.f32 v11, v4;
	v5 =	vsub.f32 v5, v19;
	v13 =	vsub.f32 v16, v13;
	v16 =	vld [tilespmem:s20+$0xA0]  }
0xae: {  	v12 =	vmul.f32 v12, v4;
	v7 =	vmul.f32 $1.442695020e+00, v7;
	v17 =	vld [tilespmem:s20+$0xB0]  }
0xaf: {  	v5 =	vmul.f32 $1.442695020e+00, v5;
	v13 =	vmul.f32 $1.442695020e+00, v13;
	[tilespmem:s20+$0x0] =	vst v11;
	v11 =	vld [tilespmem:s20+$0xC0]  }
0xb0: {  	(erf) = vpow2.f32 v7;
	[tilespmem:s20+$0x10] =	vst v12;
	v7 =	vmul.f32 v14, v4;
	v12 =	vld [tilespmem:s20+$0xD0]  }
0xb1: {  	v19 =	vmul.f32 v9, v4;
	(erf) = vpow2.f32 v5;
	v9 =	vld [tilespmem:s20+$0xE0]  }
0xb2: {  	s20 =	sadd.s32 $0x240, s20;
	(erf) = vpow2.f32 v13;
	[tilespmem:s22+$0x20] =	vst v7;
	v7 =	vmul.f32 v8, v4;
	v8 =	vld [tilespmem:s22+$0xF0]  }
0xb3: {  	v6 =	vmul.f32 v6, v4;
	v14 =	vmul.f32 v24, v4;
	v13 =	vld [tilespmem:s20+$0x100];
	[tilespmem:s22+$0x30] =	vst v19  }
0xb4: {  	v4 =	vmul.f32 v10, v4;
	v18 =	vld [tilespmem:s20+$0xFFFFFEE0];
	v5 =	vpop (erf);
	[tilespmem:s22+$0x40] =	vst v7;
	v7 =	vmul.f32 v15, v3  }
0xb5: {  	v15 =	vmul.f32 v17, v3;
	v10 =	vld [tilespmem:s20+$0xFFFFFEF0];
	v5 =	vnsel vm0, $0x0, v5;
	[tilespmem:s22+$0x50] =	vst v6;
	v6 =	vmul.f32 v16, v3  }
0xb6: {  	v11 =	vmul.f32 v11, v3;
	v16 =	vld [tilespmem:s20+$0xFFFFFF00];
	v17 =	vperm.xlane v5, v1;
	[tilespmem:s22+$0x60] =	vst v14  }
0xb7: {  	v12 =	vmul.f32 v12, v3;
	v19 =	vmul.f32 v9, v3;
	v14 =	vld [tilespmem:s20+$0xFFFFFF10];
	[tilespmem:s22+$0x70] =	vst v4  }
0xb8: {  	v20 =	vld [tilespmem:s20+$0xFFFFFF20];
	v9 =	vmul.f32 v13, v17;
	[tilespmem:s22+$0x90] =	vst v7;
	v13 =	vmul.f32 v8, v3;
	v3 =	vmov v17  }
0xb9: {  	v17 =	vld [tilespmem:s20+$0xFFFFFF30];
	v7 =	vpop (erf);
	[tilespmem:s22+$0xA0] =	vst v6  }
0xba: {  	v22 =	vld [tilespmem:s20+$0xFFFFFF40];
	v6 =	vnsel vm0, $0x0, v7;
	[tilespmem:s20+$0x100] =	vst v9;
	v4 =	vpop (erf)  }
0xbb: {  	v8 =	vnsel vm0, $0x0, v4;
	v23 =	vld [tilespmem:s20+$0xFFFFFF50];
	v9 =	vperm.xlane v6, v1;
	v4 =	vpop (erf);
	[tilespmem:s22+$0xB0] =	vst v15  }
0xbc: {  	v15 =	vperm.xlane v8, v1;
	v24 =	vld [tilespmem:s20+$0xFFFFFF70];
	v7 =	vnsel vm0, $0x0, v4;
	[tilespmem:s22+$0xC0] =	vst v11  }
0xbd: {  	v25 =	vld [tilespmem:s20+$0xFFFFFF80];
	v4 =	vperm.xlane v7, v1;
	[tilespmem:s22+$0xD0] =	vst v12  }
0xbe: {  	v11 =	vmul.f32 v18, v15;
	v12 =	vmul.f32 v10, v15;
	v18 =	vld [tilespmem:s20+$0xFFFFFF90];
	[tilespmem:s22+$0xE0] =	vst v19  }
.Ltmp1:
0xbf: {  	v26 =	vmul.f32 v16, v15;
	v27 =	vmul.f32 v14, v15;
	v10 =	vld [tilespmem:s20+$0xFFFFFFA0];
	[tilespmem:s22+$0xF0] =	vst v13;
	s22 =	smov.u32 s20;
	(pc) =	sbr.rel @p1 .LBB2_5-.Ltmp1, $4  }
0xc0: {  	v21 =	vmul.f32 v20, v15;
	v19 =	vmul.f32 v17, v15;
	[tilespmem:s20+$0xFFFFFEE0] =	vst v11;
	v11 =	vld [tilespmem:s20+$0xFFFFFFB0]  }
0xc1: {  	v20 =	vmul.f32 v22, v15;
	v16 =	vmul.f32 v23, v15;
	[tilespmem:s20+$0xFFFFFEF0] =	vst v12;
	v12 =	vld [tilespmem:s20+$0xFFFFFFC0]  }
0xc2: {  	v17 =	vmul.f32 v24, v9;
	[tilespmem:s20+$0xFFFFFF00] =	vst v26;
	v15 =	vmul.f32 v25, v9;
	v14 =	vld [tilespmem:s20+$0xFFFFFFD0]  }
0xc3: {  	s24 =	sadd.s32 $0x40, s24;
	[tilespmem:s20+$0xFFFFFF10] =	vst v27;
	v13 =	vmul.f32 v18, v9;
	v18 =	vld [tilespmem:s20+$0xFFFFFFE0]  }
0xc4: {  	[tilespmem:s20+$0xFFFFFF20] =	vst v21  }
0xc5: {  	[tilespmem:s20+$0xFFFFFF30] =	vst v19  }
0xc6: {  	[tilespmem:s20+$0xFFFFFF40] =	vst v20  }
0xc7: {  	[tilespmem:s20+$0xFFFFFF50] =	vst v16  }
0xc8: {  	[tilespmem:s20+$0xFFFFFF70] =	vst v17  }
0xc9: {  	[tilespmem:s20+$0xFFFFFF80] =	vst v15  }
0xca: {  	[tilespmem:s20+$0xFFFFFF60] =	vst v8  }
0xcb: {  	[tilespmem:s20+$0xFFFFFFF0] =	vst v6  }
0xcc: {  	[tilespmem:s20+$0x80] =	vst v7  }
0xcd: {  	v10 =	vmul.f32 v10, v9;
	v36 =	vld [tilespmem:s20+$0x0];
	[tilespmem:s20+$0x110] =	vst v5  }
0xce: {  	v38 =	vld [tilespmem:s20+$0x10];
	v11 =	vmul.f32 v11, v9;
	[tilespmem:s20+$0xFFFFFF90] =	vst v13  }
0xcf: {  	v49 =	vld [tilespmem:s20+$0x90];
	v12 =	vmul.f32 v12, v9;
	[tilespmem:s20+$0xFFFFFFA0] =	vst v10  }
0xd0: {  	v51 =	vld [tilespmem:s20+$0xA0];
	v37 =	vmul.f32 v14, v9;
	[tilespmem:s20+$0xFFFFFFB0] =	vst v11  }
0xd1: {  	v53 =	vld [tilespmem:s20+$0xB0];
	v39 =	vmul.f32 v18, v9;
	[tilespmem:s20+$0xFFFFFFC0] =	vst v12  }
0xd2: {  	v55 =	vld [tilespmem:s20+$0xC0];
	[tilespmem:s20+$0xFFFFFFD0] =	vst v37;
	v45 =	vmul.f32 v36, v4  }
0xd3: {  	v56 =	vld [tilespmem:s20+$0xD0];
	v47 =	vmul.f32 v38, v4;
	[tilespmem:s20+$0xFFFFFFE0] =	vst v39  }
0xd4: {  	v58 =	vld [tilespmem:s20+$0xE0];
	v59 =	vmul.f32 v49, v3;
	[tilespmem:s20+$0x0] =	vst v45  }
0xd5: {  	v40 =	vld [tilespmem:s20+$0x20];
	v61 =	vmul.f32 v51, v3;
	[tilespmem:s20+$0x10] =	vst v47  }
0xd6: {  	v41 =	vld [tilespmem:s20+$0x30];
	v62 =	vmul.f32 v53, v3;
	[tilespmem:s22+$0x90] =	vst v59  }
0xd7: {  	v42 =	vld [tilespmem:s20+$0x40];
	v8 =	vmul.f32 v55, v3;
	[tilespmem:s22+$0xA0] =	vst v61  }
0xd8: {  	v43 =	vld [tilespmem:s20+$0x50];
	v7 =	vmul.f32 v56, v3;
	[tilespmem:s22+$0xB0] =	vst v62  }
0xd9: {  	v44 =	vld [tilespmem:s20+$0x60];
	v63 =	vmul.f32 v58, v3;
	[tilespmem:s22+$0xC0] =	vst v8  }
0xda: {  	v46 =	vld [tilespmem:s20+$0x70];
	v48 =	vmul.f32 v40, v4;
	[tilespmem:s22+$0xD0] =	vst v7  }
0xdb: {  	v60 =	vld [tilespmem:s22+$0xF0];
	v50 =	vmul.f32 v41, v4;
	[tilespmem:s22+$0xE0] =	vst v63  }
0xdc: {  	v52 =	vmul.f32 v42, v4;
	[tilespmem:s22+$0x20] =	vst v48  }
0xdd: {  	v54 =	vmul.f32 v43, v4;
	[tilespmem:s22+$0x30] =	vst v50  }
0xde: {  	v6 =	vmul.f32 v44, v4;
	[tilespmem:s22+$0x40] =	vst v52  }
0xdf: {  	v57 =	vmul.f32 v46, v4;
	[tilespmem:s22+$0x50] =	vst v54  }
0xe0: {  	s19 =	sadd.s32 $0x1, s19;
	v3 =	vmul.f32 v60, v3;
	[tilespmem:s22+$0x60] =	vst v6  }
0xe1: {  	p1 =	sne.s32 s19, $0x7D;
	[tilespmem:s22+$0x70] =	vst v57  }
.Ltmp2:
0xe2: {  	[tilespmem:s22+$0xF0] =	vst v3;
	(pc) =	sbr.rel @p1 .LBB2_4-.Ltmp2, $4  }
0xe3: {  	[spmem:s11] =	stream.indirect.scatter.add.f32 [tilespmem:s1], [sflag:$0x1], $0x90, s5, s6, $0xb8;
	[tilespmem:$0x1CF80] =	vst v63  }
0xe4: {  	_ =	swait.ge [sflag:s9], $0x2D00  }
0xe5: {  	[sflag:s9] =	ssyncset.done $0x0  }
0xe6: {  	[sflag:s9] =	ssyncadd.s32 $0xFFFFD300  }
0xe7: {  	[bflag:$0x0] =	sbarrier.arrive $0xFFFF  }
0xe8: {  	[tilespmem:s3], [sflag:$0x2] =	stream.linear.gather [spmem:s26], $0x3840, $0x38;
	[tilespmem:$0x1CF80] =	vst v63  }
0xe9: {  	_ =	swait.ge [sflag:s12], $0x3840  }
0xea: {  	[sflag:s12] =	ssyncset.done $0x0  }
0xeb: {  	s19 =	rddreg [dreg:$0x4];
	[sflag:s12] =	ssyncadd.s32 $0xFFFFC7C0  }
0xec: {  	[hbm4b:s19+s1] =	stream.linear.scatter [tilespmem:s3], [sflag:$0x1], $0x3840, $0x38;
	[tilespmem:$0x1CF80] =	vst v63  }
0xed: {  	_ =	swait.ge [sflag:s9], $0x3840  }
0xee: {  	[sflag:s9] =	ssyncset.done $0x0  }
0xef: {  	[sflag:s9] =	ssyncadd.s32 $0xFFFFC7C0  }
0xf0: {  	[tilespmem:s3], [sflag:$0x2] =	stream.linear.gather [spmem:s28], $0x3840, $0x38;
	[tilespmem:$0x1CF80] =	vst v63  }
0xf1: {  	_ =	swait.ge [sflag:s12], $0x3840  }
0xf2: {  	[sflag:s12] =	ssyncset.done $0x0  }
0xf3: {  	s24 =	rddreg [dreg:$0x5];
	[sflag:s12] =	ssyncadd.s32 $0xFFFFC7C0  }
0xf4: {  	[hbm4b:s24+s1] =	stream.linear.scatter [tilespmem:s3], [sflag:$0x1], $0x3840, $0x38;
	[tilespmem:$0x1CF80] =	vst v63  }
0xf5: {  	_ =	swait.ge [sflag:s9], $0x3840  }
0xf6: {  	[sflag:s9] =	ssyncset.done $0x0  }
0xf7: {  	[sflag:s9] =	ssyncadd.s32 $0xFFFFC7C0  }
0xf8: {  	[tilespmem:s3], [sflag:$0x2] =	stream.linear.gather [spmem:s29], $0x3840, $0x38;
	[tilespmem:$0x1CF80] =	vst v63  }
0xf9: {  	_ =	swait.ge [sflag:s12], $0x3840  }
0xfa: {  	[sflag:s12] =	ssyncset.done $0x0  }
0xfb: {  	s20 =	rddreg [dreg:$0x6];
	[sflag:s12] =	ssyncadd.s32 $0xFFFFC7C0  }
0xfc: {  	[hbm4b:s20+s1] =	stream.linear.scatter [tilespmem:s3], [sflag:$0x1], $0x3840, $0x38;
	[tilespmem:$0x1CF80] =	vst v63  }
0xfd: {  	_ =	swait.ge [sflag:s9], $0x3840  }
0xfe: {  	[sflag:s9] =	ssyncset.done $0x0  }
0xff: {  	[sflag:s9] =	ssyncadd.s32 $0xFFFFC7C0  }
0x100: {  	[tilespmem:s3], [sflag:$0x2] =	stream.linear.gather [spmem:s30], $0x3840, $0x38;
	[tilespmem:$0x1CF80] =	vst v63  }
0x101: {  	_ =	swait.ge [sflag:s12], $0x3840  }
0x102: {  	[sflag:s12] =	ssyncset.done $0x0  }
0x103: {  	s21 =	rddreg [dreg:$0x7];
	[sflag:s12] =	ssyncadd.s32 $0xFFFFC7C0  }
0x104: {  	[hbm4b:s21+s1] =	stream.linear.scatter [tilespmem:s3], [sflag:$0x1], $0x3840, $0x38;
	[tilespmem:$0x1CF80] =	vst v63  }
0x105: {  	_ =	swait.ge [sflag:s9], $0x3840  }
0x106: {  	[sflag:s9] =	ssyncset.done $0x0  }
0x107: {  	[sflag:s9] =	ssyncadd.s32 $0xFFFFC7C0  }
0x108: {  	[tilespmem:s3], [sflag:$0x2] =	stream.linear.gather [spmem:s31], $0x3840, $0x38;
	[tilespmem:$0x1CF80] =	vst v63  }
0x109: {  	_ =	swait.ge [sflag:s12], $0x3840  }
0x10a: {  	[sflag:s12] =	ssyncset.done $0x0  }
0x10b: {  	s22 =	rddreg [dreg:$0x8];
	[sflag:s12] =	ssyncadd.s32 $0xFFFFC7C0  }
0x10c: {  	[hbm4b:s22+s1] =	stream.linear.scatter [tilespmem:s3], [sflag:$0x1], $0x3840, $0x38;
	[tilespmem:$0x1CF80] =	vst v63  }
0x10d: {  	_ =	swait.ge [sflag:s9], $0x3840  }
0x10e: {  	[sflag:s9] =	ssyncset.done $0x0  }
0x10f: {  	[sflag:s9] =	ssyncadd.s32 $0xFFFFC7C0  }
0x110: {  	[tilespmem:s3], [sflag:$0x2] =	stream.linear.gather [spmem:s8], $0x3840, $0x38;
	[tilespmem:$0x1CF80] =	vst v63  }
0x111: {  	_ =	swait.ge [sflag:s12], $0x3840  }
0x112: {  	[sflag:s12] =	ssyncset.done $0x0  }
0x113: {  	s23 =	rddreg [dreg:$0x9];
	[sflag:s12] =	ssyncadd.s32 $0xFFFFC7C0  }
0x114: {  	[hbm4b:s23+s1] =	stream.linear.scatter [tilespmem:s3], [sflag:$0x1], $0x3840, $0x38;
	[tilespmem:$0x1CF80] =	vst v63  }
0x115: {  	_ =	swait.ge [sflag:s9], $0x3840  }
0x116: {  	[sflag:s9] =	ssyncset.done $0x0  }
0x117: {  	s19 =	simm.s32 @!p0 $0x37B0;
	s20 =	simm.s32 @!p0 $0x2;
	[sflag:s9] =	ssyncadd.s32 $0xFFFFC7C0  }
0x118: {  	[tilespmem:s19], [sflag:$0x2] =	stream.linear.gather @!p0 [spmem:s0], $0x3840, $0x38;
	[tilespmem:$0x1CF80] =	vst v63  }
0x119: {  	_ =	swait.ge @!p0 [sflag:s20], $0x3840  }
0x11a: {  	[sflag:s20] =	ssyncset.done @!p0 $0x0  }
0x11b: {  	s21 =	rddreg [dreg:$0xa];
	[sflag:s20] =	ssyncadd.s32 @!p0 $0xFFFFC7C0;
	s20 =	simm.s32 @!p0 $0x0  }
0x11c: {  	[hbm4b:s21+s20] =	stream.linear.scatter @!p0 [tilespmem:s19], [sflag:$0x1], $0x3840, $0x38;
	[tilespmem:$0x1CF80] =	vst v63  }
0x11d: {  	s19 =	simm.s32 @!p0 $0x1  }
0x11e: {  	_ =	swait.ge @!p0 [sflag:s19], $0x3840  }
0x11f: {  	s18 =	sadd.s32 $0x1, s18;
	s24 =	rddreg [dreg:$0xb]  }
0x120: {  	p1 =	sne.s32 s18, s24  }
.Ltmp3:
0x121: {  	_ = 	snop;
	(pc) =	sbr.rel @p1 .LBB2_1-.Ltmp3, $3  }
0x122: {  	_ =	sdelay $0x1  }
0x123: {  	[sflag:s19] =	ssyncset.done @!p0 $0x0  }
0x124: {  	[sflag:s19] =	ssyncadd.s32 @!p0 $0xFFFFC7C0  }
0x125: {  	_ =	sfence.sel $0x180000  }
0x126: {  	[bflag:$0x0] =	sbarrier.arrive $0xFFFF  }
0x127: {  	_ =	strace $0x9000004D  }
0x128: {  	s0 =	stileid.u32;
	[bflag:$0x2] =	sbarrier.arrive $0xFFFF  }
0x129: {  	p0 =	sne.s32 s0, $0x0;
	s0 =	rddreg [dreg:$0x3]  }
0x12a: {  	s0 =	sadd.s32 @!p0 $0x100000, s0  }
0x12b: {  	[sflag:s0] =	ssyncadd.tile.s32 @!p0 $0x1;
	_ =	shalt  }
.Lfunc_end2:
_tile_overlayer_lowered:
.L_overlay_start_2:
0x12c: {  	(tag) =	ssettag $0x2  }
0x12d: {  	s0 =	rddreg [dreg:$0x0];
	s2 =	stileid.u32  }
0x12e: {  	s1 =	rddreg [dreg:$0x1];
	p0 =	sne.s32 s2, $0x0  }
0x12f: {  	s3 =	rddreg [dreg:$0x2];
	[bflag:$0x3] =	sbarrier.arrive $0xFFFF;
	s2 =	simm.s32 @!p0 $0x1C01  }
0x130: {  	[timem:s3], [sflag:s2] =	dma.local @!p0 [hbm:s0], s1  }
0x131: {  	s0 =	simm.s32 @!p0 $0x1  }
0x132: {  	_ =	swait.ge @!p0 [sflag:s0], s1  }
0x133: {  	s1 =	ssub.s32 @!p0 $0x0, s1;
	[sflag:s0] =	ssyncset.done @!p0 $0x0  }
0x134: {  	[sflag:s0] =	ssyncadd.s32 @!p0 s1  }
0x135: {  	[bflag:$0x3] =	sbarrier.arrive $0xFFFF  }
0x136: {  	_ =	shalt  }

// kernel: kernel.20.cloned.1.call-start
scs
__scs_entry_jumppad:
0x0: {  	(pc) =	sbr.rel $0x88, $3  }
0x1: {  	(tag) =	ssettag $0x0;
	lr =	simm.s32 $0x1  }
0x2: {  	[smem:$0x3F93] =	sst lr;
	_ =	strace $0xD0000000  }
0x3: {  	_ = 	snop  }
0x4: {  	_ = 	snop  }
0x5: {  	_ = 	snop  }
0x6: {  	_ = 	snop  }
0x7: {  	_ = 	snop  }
__scs_overlays_trampoline_lowered:
0x8: {  	[smem:$0x3FA2] =	sst s0  }
0x9: {  	[smem:$0x3FA3] =	sst s1  }
0xa: {  	[smem:$0x3FA4] =	sst s2  }
0xb: {  	[smem:$0x3FA5] =	sst s3  }
0xc: {  	[smem:$0x3FA6] =	sst s4  }
0xd: {  	[smem:$0x3FA7] =	sst s5  }
0xe: {  	[smem:$0x3FA8] =	sst s6  }
0xf: {  	[smem:$0x3FA9] =	sst s7  }
0x10: {  	[smem:$0x3FAA] =	sst s8  }
0x11: {  	[smem:$0x3FAB] =	sst s9;
	s0 =	simm.s32 @!p0 $0x0  }
0x12: {  	s1 =	sld [smem:$0x3F91];
	s0 =	simm.s32 @p0 $0x1  }
0x13: {  	[smem:$0x3FAC] =	sst s0;
	s0 =	simm.s32 @!p1 $0x0  }
0x14: {  	s2 =	sld [smem:$0x3F90];
	s0 =	simm.s32 @p1 $0x1  }
0x15: {  	[smem:$0x3FAD] =	sst s0;
	s0 =	simm.s32 @!p2 $0x0  }
0x16: {  	s3 =	sld [smem:$0x3FDB];
	s0 =	simm.s32 @p2 $0x1  }
0x17: {  	s4 =	simm.s32 $0x1BF5;
	[smem:$0x3FAF] =	sst s0  }
0x18: {  	s0 =	sld [smem:$0x3F92];
	_ =	swait.ge [sflag:s4], $0x0  }
0x19: {  	s7 =	sld [smem:$0x3F93]  }
0x1a: {  	s8 =	sadd.s32 $0xFFFFE003, lr  }
0x1b: {  	s9 =	sadd.s32 $0xFFFFFEF7, lr;
	s5 =	simm.s32 $0xFFFFFFFF;
	p2 =	slt.u32 s8, $0xFFFFF086  }
0x1c: {  	p1 =	slt.u32 s9, $0xF7A;
	s5 =	simm.s32 @!p2 $0x0  }
0x1d: {  	s5 =	simm.s32 @p1 $0x1;
	p0 =	seq.s32 s7, s2  }
0x1e: {  	s7 =	smul.u32 @!p0 $0xF7A, s2;
	p2 =	seq.s32 @!p0 s5, $0x0  }
0x1f: {  	s9 =	smul.u32 $0xF7A, s1;
	s8 =	simm.s32 @!p0 $0x1BF5;
	p2 =	por !p2, p0  }
0x20: {  	[sflag:s8] =	ssyncset.s32 @!p0 $0xFFFFF086;
	s6 =	sadd.s32 @!p0 s3, s7;
	s7 =	simm.s32 @!p0 $0x108  }
0x21: {  	s3 =	sadd.s32 s3, s9;
	s6 =	sadd.s32 @!p0 $0x88, s6;
	s7 =	simm.s32 @p2 $0x1082  }
0x22: {  	[simem:s7], [sflag:s8] =	dma.local @!p0 [hbm:s6], $0xF7A  }
0x23: {  	s9 =	sor.u32 $0xD0000000, s2;
	s6 =	simm.s32 $0x108;
	_ =	swait.ge @!p0 [sflag:s8], $0x0  }
0x24: {  	s3 =	sadd.s32 $0x88, s3;
	s6 =	simm.s32 @!p1 $0x1082;
	[sflag:s4] =	ssyncset.s32 $0xFFFFF086  }
0x25: {  	[simem:s6], [sflag:s4] =	dma.local [hbm:s3], $0xF7A  }
0x26: {  	[smem:$0x3F93] =	sst s1;
	(tag) =	ssettag s2;
	_ =	strace s9  }
0x27: {  	s1 =	sld [smem:$0x3FA3]  }
0x28: {  	s2 =	sld [smem:$0x3FA4]  }
0x29: {  	s4 =	sld [smem:$0x3FA6]  }
0x2a: {  	p0 =	seq.s32 s5, $0x0;
	s5 =	sld [smem:$0x3FA7]  }
0x2b: {  	s6 =	sld [smem:$0x3FA8]  }
0x2c: {  	s7 =	sld [smem:$0x3FA9]  }
0x2d: {  	s3 =	simm.s32 $0x108;
	s8 =	sld [smem:$0x3FAA]  }
0x2e: {  	s3 =	simm.s32 @!p0 $0x1082;
	s9 =	sld [smem:$0x3FAB]  }
0x2f: {  	lr =	sadd.s32 s0, s3;
	s0 =	sld [smem:$0x3FA2]  }
0x30: {  	s3 =	sld [smem:$0x3FA5]  }
0x31: {  	[smem:$0x3FAE] =	sst s10  }
0x32: {  	s10 =	sld [smem:$0x3FAC];
	_ =	sdelay $0x3  }
0x33: {  	p0 =	seq.s32 s10, $0x1;
	s10 =	sld [smem:$0x3FAE];
	_ =	sdelay $0x3  }
0x34: {  	[smem:$0x3FAE] =	sst s10  }
0x35: {  	s10 =	sld [smem:$0x3FAD];
	_ =	sdelay $0x3  }
0x36: {  	p1 =	seq.s32 s10, $0x1;
	s10 =	sld [smem:$0x3FAE];
	_ =	sdelay $0x3  }
0x37: {  	[smem:$0x3FAE] =	sst s10  }
0x38: {  	s10 =	sld [smem:$0x3FAF]  }
0x39: {  	_ = 	snop;
	(pc) =	sbr.ind lr, $3  }
0x3a: {  	_ = 	snop  }
0x3b: {  	_ = 	snop  }
0x3c: {  	p2 =	seq.s32 s10, $0x1;
	s10 =	sld [smem:$0x3FAE]  }
0x3d: {  	_ =	shalt  }
0x3e: {  	_ =	shalt  }
0x3f: {  	_ =	shalt  }
0x40: {  	_ =	shalt  }
0x41: {  	_ =	shalt  }
0x42: {  	_ =	shalt  }
0x43: {  	_ =	shalt  }
0x44: {  	_ =	shalt  }
0x45: {  	_ =	shalt  }
0x46: {  	_ =	shalt  }
0x47: {  	_ =	shalt  }
0x48: {  	_ =	shalt  }
0x49: {  	_ =	shalt  }
0x4a: {  	_ =	shalt  }
0x4b: {  	_ =	shalt  }
0x4c: {  	_ =	shalt  }
0x4d: {  	_ =	shalt  }
0x4e: {  	_ =	shalt  }
0x4f: {  	_ =	shalt  }
0x50: {  	_ =	shalt  }
0x51: {  	_ =	shalt  }
0x52: {  	_ =	shalt  }
0x53: {  	_ =	shalt  }
0x54: {  	_ =	shalt  }
0x55: {  	_ =	shalt  }
0x56: {  	_ =	shalt  }
0x57: {  	_ =	shalt  }
0x58: {  	_ =	shalt  }
0x59: {  	_ =	shalt  }
0x5a: {  	_ =	shalt  }
0x5b: {  	_ =	shalt  }
0x5c: {  	_ =	shalt  }
0x5d: {  	_ =	shalt  }
0x5e: {  	_ =	shalt  }
0x5f: {  	_ =	shalt  }
0x60: {  	_ =	shalt  }
0x61: {  	_ =	shalt  }
0x62: {  	_ =	shalt  }
0x63: {  	_ =	shalt  }
0x64: {  	_ =	shalt  }
0x65: {  	_ =	shalt  }
0x66: {  	_ =	shalt  }
0x67: {  	_ =	shalt  }
0x68: {  	_ =	shalt  }
0x69: {  	_ =	shalt  }
0x6a: {  	_ =	shalt  }
0x6b: {  	_ =	shalt  }
0x6c: {  	_ =	shalt  }
0x6d: {  	_ =	shalt  }
0x6e: {  	_ =	shalt  }
0x6f: {  	_ =	shalt  }
0x70: {  	_ =	shalt  }
0x71: {  	_ =	shalt  }
0x72: {  	_ =	shalt  }
0x73: {  	_ =	shalt  }
0x74: {  	_ =	shalt  }
0x75: {  	_ =	shalt  }
0x76: {  	_ =	shalt  }
0x77: {  	_ =	shalt  }
0x78: {  	_ =	shalt  }
0x79: {  	_ =	shalt  }
0x7a: {  	_ =	shalt  }
0x7b: {  	_ =	shalt  }
0x7c: {  	_ =	shalt  }
0x7d: {  	_ =	shalt  }
0x7e: {  	_ =	shalt  }
0x7f: {  	_ =	shalt  }
0x80: {  	_ =	shalt  }
0x81: {  	_ =	shalt  }
0x82: {  	_ =	shalt  }
0x83: {  	_ =	shalt  }
0x84: {  	_ =	shalt  }
0x85: {  	_ =	shalt  }
0x86: {  	_ =	shalt  }
0x87: {  	_ =	shalt  }
.Lfunc_end0:
.L_simem_size_0:
called_computation.3_lowered:
.L_overlay_start_0:
0x88: {  	s2 =	sld [smem:$0x3FD9]  }
0x89: {  	s3 =	sld [smem:$0x3FFE];
	_ =	sdelay $0x1  }
0x8a: {  	s1 =	srdreg.scid  }
0x8b: {  	s0 =	sand.u32 $0x1, s1  }
0x8c: {  	s17 =	sshll.u32 s0, $0xA;
	s2 =	sadd.s32 s3, s2  }
0x8d: {  	s2 =	sadd.s32 s2, s17  }
0x8e: {  	[smem:$0x3FBA] =	sst s2  }
0x8f: {  	_ = 	snop  }
0x90: {  	s2 =	sld [smem:$0x3FD0];
	(tm) =	ssettm $0x1  }
0x91: {  	s18 =	sld [smem:$0x3FFB];
	_ =	sdelay $0x3  }
0x92: {  	_ =	strace s18  }
0x93: {  	s3 =	sld [smem:$0x3FFC];
	_ =	sdelay $0x3  }
0x94: {  	_ =	strace s3  }
0x95: {  	s3 =	sld [smem:$0x3FFD];
	_ =	sdelay $0x3  }
0x96: {  	_ =	strace s3  }
0x97: {  	_ =	strace $0x8FFFFFFF  }
0x98: {  	s19 =	sld [smem:$0x3FDB];
	_ =	sdelay $0x1  }
0x99: {  	s4 =	simm.s32 $_scs_section_size  }
0x9a: {  	s5 =	simm.s32 $_size__tile_overlayer_lowered;
	s6 =	simm.s32 $_tile_overlayer_lowered  }
0x9b: {  	s22 =	simm.s32 $0x1BFF;
	s21 =	sshll.u32 s6, $0x1;
	s3 =	sadd.s32 s4, s19  }
0x9c: {  	s7 =	simm.s32 $0x0;
	s20 =	sshll.u32 s5, $0x1;
	s5 =	sadd.s32 s21, s3  }
0x9d: {  	[timem:s7], [sflag:s22] =	dma.local [hbm:s5], s20  }
0x9e: {  	_ =	swait.ge [sflag:s22], s20  }
0x9f: {  	s4 =	ssub.s32 $0x0, s20;
	[sflag:s22] =	ssyncset.done $0x0  }
0xa0: {  	[sflag:s22] =	ssyncadd.s32 s4;
	_ =	sdelay $0x1  }
0xa1: {  	s23 =	simm.s32 $0x1B8B  }
0xa2: {  	_ =	swait.ge [sflag:s23], $0x1  }
0xa3: {  	[sflag:s23] =	ssyncset.done $0x0  }
0xa4: {  	s25 =	simm.s32 $0x1B8E;
	s24 =	sld [smem:$0x3FFE];
	[sflag:s23] =	ssyncadd.s32 $0xFFFFFFFF  }
0xa5: {  	s26 =	simm.s32 $execute0_lowered;
	[smem:$0x3FD2] =	sst s25  }
0xa6: {  	s5 =	sshll.u32 s26, $0x1;
	_ =	strace $0x8000004F;
	[dreg:$0x1] =	wrdreg $0xFFFFFFFF  }
0xa7: {  	s28 =	simm.s32 $_size_execute0_lowered;
	s3 =	sadd.s32 s3, s5;
	[dreg:$0x0] =	wrdreg $0x0  }
0xa8: {  	s5 =	sshll.u32 s28, $0x1;
	[dreg:$0x2] =	wrdreg s3  }
0xa9: {  	[dreg:$0x3] =	wrdreg s5  }
0xaa: {  	[dreg:$0x4] =	wrdreg $0xC0  }
0xab: {  	_ =	task [dreg:s7], $0x5FFFF  }
0xac: {  	[dreg:$0x1] =	wrdreg $0xFFFFFFFF  }
0xad: {  	[dreg:$0x0] =	wrdreg $0x60  }
0xae: {  	[dreg:$0x2] =	wrdreg s24  }
0xaf: {  	[dreg:$0x3] =	wrdreg s2  }
0xb0: {  	[dreg:$0x4] =	wrdreg $0x6FF00  }
0xb1: {  	[dreg:$0x5] =	wrdreg $0x9  }
0xb2: {  	_ =	task.clear_ibuf [dreg:s7], $0x6FFFF;
	_ =	strace $0x9000004F  }
0xb3: {  	s29 =	simm.s32 $0x9;
	_ =	strace $0x80000051  }
0xb4: {  	_ =	swait.ge [sflag:s29], $0x1  }
0xb5: {  	[sflag:s29] =	ssyncadd.s32 $0xFFFFFFFF  }
0xb6: {  	_ =	strace $0x90000051  }
0xb7: {  	_ =	sfence  }
0xb8: {  	s30 =	sld [smem:$0x0];
	_ =	sdelay $0x2  }
0xb9: {  	s31 =	sshll.u32 s1, $0xD;
	s1 =	sshrl.u32 s1, $0x2  }
0xba: {  	s3 =	sand.u32 $0x4000, s31;
	s1 =	sadd.s32 s1, s30  }
0xbb: {  	s0 =	sor.u32 s3, s0;
	s1 =	sshll.u32 s1, $0x11  }
0xbc: {  	s0 =	sor.u32 s1, s0  }
0xbd: {  	s0 =	sadd.s32 $0x8F2B, s0  }
0xbe: {  	[sflag:s0] =	ssyncadd.remote.s32 $0x1  }
0xbf: {  	_ =	sfence.sel $0xFFFF  }
0xc0: {  	[dreg:$0x0] =	wrdreg $0xFFFFFFFF;
	(pc) =	sbr.abs _section_cstart, $3  }
0xc1: {  	[dreg:$0x1] =	wrdreg $0xFFFFFFFF  }
0xc2: {  	_ =	task.clear_ibuf [dreg:s7], $0x2FFFF;
	_ =	strace $0x9FFFFFFF  }
0xc3: {  	(tm) =	ssettm $0x7FFFFFFF  }
tec
execute0_lowered:
.L_overlay_start_1:
0x0: {  	(tag) =	ssettag $0x1  }
0x1: {  	s0 =	srdreg.scid  }
0x2: {  	s15 =	stileid.u32;
	s0 =	sand.u32 $0x1, s0  }
0x3: {  	s2 =	sshll.u32 s15, $0x1;
	s9 =	sor.u32 $0x20, s15;
	s7 =	smul.u32 $0x15F900, s0  }
0x4: {  	s2 =	sor.u32 s0, s2;
	s3 =	ssub.s32 $0x2, s0;
	s0 =	smul.u32 $0x3840, s15  }
0x5: {  	s4 =	rddreg [dreg:$0x0];
	s10 =	sor.u32 $0x30, s15;
	s18 =	smul.u32 $0x3840, s9  }
0x6: {  	s1 =	simm.s32 $0x0;
	s12 =	sor.u32 $0x40, s15;
	s21 =	smul.u32 $0x3840, s10  }
0x7: {  	[smem:$0x7FF] =	sst s1;
	s19 =	sor.u32 $0x50, s15;
	s22 =	smul.u32 $0x3840, s12  }
0x8: {  	s5 =	sadd.s32 $0x4E800, s4;
	s20 =	sor.u32 $0x60, s15;
	s23 =	smul.u32 $0x3840, s19  }
0x9: {  	s8 =	sor.u32 $0x10, s15;
	s24 =	smul.u32 $0x3840, s20;
	s6 =	sshrl.u32 s3, $0x1  }
0xa: {  	p0 =	sgt.u32 s20, $0x63;
	s6 =	ssub.s32 s3, s6;
	s3 =	smul.u32 $0x3840, s8  }
0xb: {  	s2 =	smul.u32 $0x2710, s2;
	s11 =	sadd.s32 s7, s0;
	s14 =	sadd.s32 s7, s18  }
0xc: {  	s16 =	sadd.s32 s7, s22;
	s11 =	sshrl.u32 s11, $0x3;
	s13 =	sadd.s32 s7, s3  }
0xd: {  	s25 =	sadd.s32 s7, s23;
	s11 =	sadd.s32 s5, s11;
	s13 =	sshrl.u32 s13, $0x3  }
0xe: {  	s14 =	sshrl.u32 s14, $0x3;
	[dreg:$0x4] =	wrdreg s11;
	s26 =	sadd.s32 s5, s13  }
0xf: {  	s6 =	smax.u32 s6, $0x1;
	s13 =	sadd.s32 s5, s14;
	[dreg:$0x5] =	wrdreg s26  }
0x10: {  	s14 =	sadd.s32 s7, s21;
	s7 =	sadd.s32 s7, s24;
	[dreg:$0x6] =	wrdreg s13  }
0x11: {  	s11 =	sshrl.u32 s14, $0x3;
	s13 =	sshrl.u32 s16, $0x3;
	s7 =	sshrl.u32 s7, $0x3  }
0x12: {  	s26 =	smul.u32 $0xE100, s15;
	s14 =	sadd.s32 $0x1D800, s4;
	s15 =	sadd.s32 $0x22800, s4  }
0x13: {  	s16 =	sadd.s32 $0xEA00, s4;
	s11 =	sadd.s32 s5, s11;
	s17 =	sadd.s32 s5, s13  }
0x14: {  	[dreg:$0x7] =	wrdreg s11;
	s11 =	sshrl.u32 s25, $0x3;
	s25 =	smul.u32 $0xE100, s9  }
0x15: {  	s13 =	sadd.s32 $0x18800, s4;
	[dreg:$0x8] =	wrdreg s17;
	s9 =	smul.u32 $0xE100, s12  }
0x16: {  	s17 =	sadd.s32 $0x4C00, s4;
	s12 =	smul.u32 $0xE100, s19;
	s11 =	sadd.s32 s5, s11  }
0x17: {  	s19 =	smul.u32 $0xE100, s20;
	s5 =	sadd.s32 s5, s7;
	[dreg:$0x9] =	wrdreg s11  }
0x18: {  	s7 =	simm.s32 $0x2D00;
	[dreg:$0xa] =	wrdreg s5;
	s5 =	smul.u32 $0xE100, s8  }
0x19: {  	s11 =	rddreg [dreg:$0x2];
	s8 =	sshrl.u32 s26, $0x2;
	s26 =	smul.u32 $0xE100, s10  }
0x1a: {  	s20 =	sshrl.u32 s9, $0x2;
	s9 =	simm.s32 $0x1;
	_ =	strace $0x80000050  }
0x1b: {  	[dreg:$0xb] =	wrdreg s6;
	s4 =	sadd.s32 s8, s11;
	s8 =	sshrl.u32 s25, $0x2  }
0x1c: {  	s28 =	sadd.s32 s3, s11;
	s29 =	sadd.s32 s18, s11;
	s30 =	sadd.s32 s21, s11  }
0x1d: {  	s31 =	sadd.s32 s22, s11;
	s3 =	simm.s32 $0x37B0;
	s6 =	simm.s32 $0x50  }
0x1e: {  	s18 =	simm.s32 $0x0;
	[dreg:$0xc] =	wrdreg s4;
	s5 =	sshrl.u32 s5, $0x2  }
0x1f: {  	s10 =	sadd.s32 s8, s11;
	s4 =	sshrl.u32 s26, $0x2;
	s26 =	sshrl.u32 s19, $0x2  }
0x20: {  	s8 =	sadd.s32 s23, s11;
	s5 =	sadd.s32 s5, s11;
	[dreg:$0xe] =	wrdreg s10  }
0x21: {  	s4 =	sadd.s32 s4, s11;
	s10 =	simm.s32 $0x3200;
	[dreg:$0xd] =	wrdreg s5  }
0x22: {  	[dreg:$0xf] =	wrdreg s4;
	s5 =	sshrl.u32 s12, $0x2;
	s4 =	sadd.s32 s20, s11  }
0x23: {  	s12 =	simm.s32 $0x2;
	[dreg:$0x10] =	wrdreg s4;
	s25 =	sadd.s32 s5, s11  }
0x24: {  	v1 =	vlaneseq.u32;
	s4 =	simm.s32 $0x3700;
	s5 =	simm.s32 $0x3750;
	[dreg:$0x11] =	wrdreg s25  }
0x25: {  	v0 =	vimm.f32 $0.0e+00;
	vm0 =	vmmov $0xff;
	v1 =	vand.u32 $0x7, v1;
	s25 =	sadd.s32 s26, s11;
	s26 =	sadd.s32 s0, s11;
	s0 =	sadd.s32 s24, s11  }
.LBB2_1:
0x26: {  	s19 =	rddreg [dreg:$0x1];
	s20 =	simm.s32 $0x37A0  }
0x27: {  	[tilespmem:s20], [sflag:$0x1] =	stream.linear.gather [hbm4b:s19+s1], $0x10, $0x38;
	[tilespmem:$0x1CF80] =	vst v63  }
0x28: {  	_ =	swait.ge [sflag:s9], $0x10  }
0x29: {  	[sflag:s9] =	ssyncset.done $0x0  }
0x2a: {  	s19 =	simm.s32 $0x0;
	s20 =	simm.s32 $0x240;
	[sflag:s9] =	ssyncadd.s32 $0xFFFFFFF0  }
.LBB2_2:
0x2b: {  	p1 =	sne.s32 s20, $0xDEC0;
	[tilespmem:s19+$0x3830] =	vst v0  }
0x2c: {  	[tilespmem:s19+$0x37B0] =	vst v0  }
0x2d: {  	[tilespmem:s19+$0x37C0] =	vst v0  }
0x2e: {  	[tilespmem:s19+$0x37D0] =	vst v0  }
.Ltmp0:
0x2f: {  	[tilespmem:s19+$0x37E0] =	vst v0;
	(pc) =	sbr.rel @p1 .LBB2_2-.Ltmp0, $4  }
0x30: {  	[tilespmem:s19+$0x37F0] =	vst v0  }
0x31: {  	[tilespmem:s19+$0x3800] =	vst v0  }
0x32: {  	[tilespmem:s19+$0x3810] =	vst v0  }
0x33: {  	[tilespmem:s19+$0x3820] =	vst v0;
	s19 =	sshra.s32 s20, $0x2;
	s20 =	sadd.s32 $0x240, s20  }
0x34: {  	[tilespmem:s19+$0x3830] =	vst v0  }
0x35: {  	[tilespmem:s19+$0x37B0] =	vst v0  }
0x36: {  	[tilespmem:s19+$0x37C0] =	vst v0  }
0x37: {  	[tilespmem:s19+$0x37D0] =	vst v0  }
0x38: {  	[tilespmem:s19+$0x37E0] =	vst v0  }
0x39: {  	[tilespmem:s19+$0x37F0] =	vst v0  }
0x3a: {  	[tilespmem:s19+$0x3800] =	vst v0  }
0x3b: {  	[tilespmem:s19+$0x3810] =	vst v0  }
0x3c: {  	[tilespmem:s19+$0x3820] =	vst v0;
	s24 =	rddreg [dreg:$0xc]  }
0x3d: {  	[spmem:s24] =	stream.linear.scatter [tilespmem:s3], [sflag:$0x1], $0x3840, $0x38;
	[tilespmem:$0x1CF80] =	vst v63  }
0x3e: {  	_ =	swait.ge [sflag:s9], $0x3840  }
0x3f: {  	[sflag:s9] =	ssyncset.done $0x0  }
0x40: {  	s20 =	rddreg [dreg:$0xd];
	[sflag:s9] =	ssyncadd.s32 $0xFFFFC7C0  }
0x41: {  	[spmem:s20] =	stream.linear.scatter [tilespmem:s3], [sflag:$0x1], $0x3840, $0x38;
	[tilespmem:$0x1CF80] =	vst v63  }
0x42: {  	_ =	swait.ge [sflag:s9], $0x3840  }
0x43: {  	[sflag:s9] =	ssyncset.done $0x0  }
0x44: {  	s21 =	rddreg [dreg:$0xe];
	[sflag:s9] =	ssyncadd.s32 $0xFFFFC7C0  }
0x45: {  	[spmem:s21] =	stream.linear.scatter [tilespmem:s3], [sflag:$0x1], $0x3840, $0x38;
	[tilespmem:$0x1CF80] =	vst v63  }
0x46: {  	_ =	swait.ge [sflag:s9], $0x3840  }
0x47: {  	[sflag:s9] =	ssyncset.done $0x0  }
0x48: {  	s22 =	rddreg [dreg:$0xf];
	[sflag:s9] =	ssyncadd.s32 $0xFFFFC7C0  }
0x49: {  	[spmem:s22] =	stream.linear.scatter [tilespmem:s3], [sflag:$0x1], $0x3840, $0x38;
	[tilespmem:$0x1CF80] =	vst v63  }
0x4a: {  	_ =	swait.ge [sflag:s9], $0x3840  }
0x4b: {  	[sflag:s9] =	ssyncset.done $0x0  }
0x4c: {  	s23 =	rddreg [dreg:$0x10];
	[sflag:s9] =	ssyncadd.s32 $0xFFFFC7C0  }
0x4d: {  	[spmem:s23] =	stream.linear.scatter [tilespmem:s3], [sflag:$0x1], $0x3840, $0x38;
	[tilespmem:$0x1CF80] =	vst v63  }
0x4e: {  	_ =	swait.ge [sflag:s9], $0x3840  }
0x4f: {  	[sflag:s9] =	ssyncset.done $0x0  }
0x50: {  	s24 =	rddreg [dreg:$0x11];
	[sflag:s9] =	ssyncadd.s32 $0xFFFFC7C0  }
0x51: {  	[spmem:s24] =	stream.linear.scatter [tilespmem:s3], [sflag:$0x1], $0x3840, $0x38;
	[tilespmem:$0x1CF80] =	vst v63  }
0x52: {  	_ =	swait.ge [sflag:s9], $0x3840  }
0x53: {  	[sflag:s9] =	ssyncset.done $0x0  }
0x54: {  	s19 =	simm.s32 @!p0 $0x37B0;
	[sflag:s9] =	ssyncadd.s32 $0xFFFFC7C0  }
0x55: {  	[spmem:s25] =	stream.linear.scatter @!p0 [tilespmem:s19], [sflag:$0x1], $0x3840, $0x38;
	[tilespmem:$0x1CF80] =	vst v63  }
0x56: {  	s19 =	simm.s32 @!p0 $0x1  }
0x57: {  	_ =	swait.ge @!p0 [sflag:s19], $0x3840  }
0x58: {  	[sflag:s19] =	ssyncset.done @!p0 $0x0  }
0x59: {  	[sflag:s19] =	ssyncadd.s32 @!p0 $0xFFFFC7C0  }
0x5a: {  	[bflag:$0x0] =	sbarrier.arrive $0xFFFF  }
0x5b: {  	s19 =	simm.s32 $0x0;
	v2 =	vld [tilespmem:$0x37A0]  }
.LBB2_4:
0x5c: {  	s20 =	smul.u32 $0x50, s19;
	_ =	sdelay $0x1  }
0x5d: {  	s20 =	sadd.s32 s2, s20  }
0x5e: {  	s20 =	sshrl.u32 s20, $0x3  }
0x5f: {  	s21 =	sadd.s32 s16, s20  }
0x60: {  	[tilespmem:s4], [sflag:$0x1] =	stream.linear.gather [hbm4b:s21+s1], $0x50, $0x38;
	[tilespmem:$0x1CF80] =	vst v63  }
0x61: {  	_ =	swait.ge [sflag:s9], $0x50  }
0x62: {  	[sflag:s9] =	ssyncset.done $0x0  }
0x63: {  	s20 =	sadd.s32 s17, s20;
	[sflag:s9] =	ssyncadd.s32 $0xFFFFFFB0  }
0x64: {  	[tilespmem:s5], [sflag:$0x1] =	stream.linear.gather [hbm4b:s20+s1], $0x50, $0x38;
	[tilespmem:$0x1CF80] =	vst v63  }
0x65: {  	_ =	swait.ge [sflag:s9], $0x50  }
0x66: {  	[sflag:s9] =	ssyncset.done $0x0  }
0x67: {  	[sflag:s9] =	ssyncadd.s32 $0xFFFFFFB0  }
0x68: {  	[tilespmem:s7], [sflag:$0x1] =	stream.indirect.gather [hbm4b:s13+s6], $0x10, s4, s6, $0xb8;
	[tilespmem:$0x1CF80] =	vst v63  }
0x69: {  	_ =	swait.ge [sflag:s9], $0x500  }
0x6a: {  	[sflag:s9] =	ssyncset.done $0x0  }
0x6b: {  	[sflag:s9] =	ssyncadd.s32 $0xFFFFFB00  }
0x6c: {  	[tilespmem:s10], [sflag:$0x1] =	stream.indirect.gather [hbm4b:s14+s6], $0x10, s5, s6, $0xb8;
	[tilespmem:$0x1CF80] =	vst v63  }
0x6d: {  	_ =	swait.ge [sflag:s9], $0x500  }
0x6e: {  	[sflag:s9] =	ssyncset.done $0x0  }
0x6f: {  	[sflag:s9] =	ssyncadd.s32 $0xFFFFFB00  }
0x70: {  	[tilespmem:s1], [sflag:$0x1] =	stream.indirect.gather [hbm4b:s15+s6], $0x90, s4, s6, $0xb8;
	[tilespmem:$0x1CF80] =	vst v63  }
0x71: {  	_ =	swait.ge [sflag:s9], $0x2D00  }
0x72: {  	[sflag:s9] =	ssyncset.done $0x0  }
0x73: {  	s24 =	simm.s32 $0x2D20;
	[sflag:s9] =	ssyncadd.s32 $0xFFFFD300  }
0x74: {  	s21 =	simm.s32 $0x3220;
	v3 =	vld [tilespmem:s24+$0x10]  }
0x75: {  	v4 =	vld [tilespmem:s21+$0x10]  }
0x76: {  	v5 =	vld [tilespmem:s21+$0xFFFFFFE0]  }
0x77: {  	v6 =	vld [tilespmem:s24+$0xFFFFFFF0]  }
0x78: {  	v7 =	vld [tilespmem:s21+$0xFFFFFFF0]  }
0x79: {  	v8 =	vld [tilespmem:s24+$0x0]  }
0x7a: {  	v9 =	vld [tilespmem:s24+$0xFFFFFFE0]  }
0x7b: {  	v10 =	vld [tilespmem:s21+$0x0];
	_ =	sdelay $0x1  }
0x7c: {  	v3 =	vadd.f32 v4, v3;
	v4 =	vadd.f32 v4, v2  }
0x7d: {  	v11 =	vadd.f32 v5, v2;
	v6 =	vadd.f32 v7, v6  }
0x7e: {  	v7 =	vadd.f32 v7, v2;
	v12 =	vmul.f32 $9.999999770e-03, v3;
	v13 =	vmul.f32 $9.999999770e-03, v4  }
0x7f: {  	v5 =	vadd.f32 v5, v9;
	v8 =	vadd.f32 v10, v8  }
0x80: {  	v14 =	vmul.f32 $9.999999770e-03, v11;
	v3 =	vmax.f32 v3, v12;
	v4 =	vmax.f32 v4, v13  }
0x81: {  	v12 =	vmul.f32 $9.999999770e-03, v6;
	v3 =	vsub.f32 v3, v4;
	v4 =	vmul.f32 $9.999999770e-03, v7  }
0x82: {  	v9 =	vadd.f32 v10, v2;
	v10 =	vmax.f32 v11, v14;
	v11 =	vmul.f32 $9.999999770e-03, v5  }
0x83: {  	v13 =	vmul.f32 $9.999999770e-03, v8;
	v6 =	vmax.f32 v6, v12;
	v4 =	vmax.f32 v7, v4  }
0x84: {  	v5 =	vmax.f32 v5, v11;
	v7 =	vmul.f32 $9.999999770e-03, v9;
	v4 =	vsub.f32 v6, v4  }
0x85: {  	v3 =	vmul.f32 $1.442695020e+00, v3;
	v5 =	vsub.f32 v5, v10  }
0x86: {  	v6 =	vmax.f32 v8, v13;
	v7 =	vmax.f32 v9, v7;
	v4 =	vmul.f32 $1.442695020e+00, v4  }
0x87: {  	(erf) = vpow2.f32 v3;
	v5 =	vmul.f32 $1.442695020e+00, v5;
	v3 =	vsub.f32 v6, v7  }
0x88: {  	(erf) = vpow2.f32 v4  }
0x89: {  	v3 =	vmul.f32 $1.442695020e+00, v3;
	(erf) = vpow2.f32 v5  }
0x8a: {  	s20 =	simm.s32 $0x120  }
0x8b: {  	v15 =	vld [tilespmem:s20+$0xFFFFFF30];
	(erf) = vpow2.f32 v3  }
0x8c: {  	v16 =	vld [tilespmem:s20+$0xFFFFFF40]  }
0x8d: {  	v17 =	vld [tilespmem:s20+$0xFFFFFF50]  }
0x8e: {  	v14 =	vld [tilespmem:s20+$0xFFFFFF20]  }
0x8f: {  	v11 =	vld [tilespmem:s20+$0xFFFFFEF0]  }
0x90: {  	v4 =	vld [tilespmem:s20+$0x100];
	v3 =	vpop (erf)  }
0x91: {  	v10 =	vld [tilespmem:s20+$0xFFFFFEE0];
	v6 =	vpop (erf)  }
0x92: {  	v12 =	vld [tilespmem:s20+$0xFFFFFF00];
	v5 =	vnsel vm0, $0x0, v3;
	v7 =	vpop (erf)  }
0x93: {  	v13 =	vld [tilespmem:s20+$0xFFFFFF10];
	v3 =	vperm.xlane v5, v1;
	v8 =	vnsel vm0, $0x0, v7  }
0x94: {  	v23 =	vld [tilespmem:s20+$0xFFFFFF80];
	v6 =	vnsel vm0, $0x0, v6;
	v7 =	vpop (erf);
	v18 =	vperm.xlane v8, v1  }
0x95: {  	v22 =	vld [tilespmem:s20+$0xFFFFFF70];
	v19 =	vmul.f32 v4, v3;
	v9 =	vperm.xlane v6, v1;
	v7 =	vnsel vm0, $0x0, v7  }
0x96: {  	v24 =	vld [tilespmem:s20+$0xFFFFFF90];
	v4 =	vperm.xlane v7, v1;
	v20 =	vmul.f32 v10, v18  }
0x97: {  	[tilespmem:s20+$0x100] =	vst v19;
	v25 =	vmul.f32 v11, v18;
	v26 =	vmul.f32 v12, v18;
	v10 =	vld [tilespmem:s20+$0xFFFFFFA0]  }
0x98: {  	v13 =	vmul.f32 v13, v18;
	v21 =	vmul.f32 v14, v18;
	v11 =	vld [tilespmem:s20+$0xFFFFFFB0];
	[tilespmem:s20+$0xFFFFFEE0] =	vst v20  }
0x99: {  	v19 =	vmul.f32 v15, v18;
	v12 =	vld [tilespmem:s20+$0xFFFFFFC0];
	v15 =	vmul.f32 v23, v9;
	[tilespmem:s20+$0xFFFFFEF0] =	vst v25  }
0x9a: {  	v14 =	vld [tilespmem:s20+$0xFFFFFFD0];
	v20 =	vmul.f32 v16, v18;
	v16 =	vmul.f32 v17, v18;
	[tilespmem:s20+$0xFFFFFF00] =	vst v26  }
0x9b: {  	s23 =	simm.s32 $0x0;
	s22 =	simm.s32 $0x120;
	s24 =	simm.s32 $0x2D60;
	v17 =	vmul.f32 v22, v9;
	[tilespmem:s20+$0xFFFFFF10] =	vst v13;
	v13 =	vmul.f32 v24, v9;
	v18 =	vld [tilespmem:s20+$0xFFFFFFE0]  }
.LBB2_5:
0x9c: {  	v22 =	vld [tilespmem:s24+$0x10];
	[tilespmem:s20+$0xFFFFFF20] =	vst v21;
	v10 =	vmul.f32 v10, v9;
	s21 =	sadd.s32 $0x40, s21  }
0x9d: {  	s23 =	sadd.s32 $0x4, s23;
	v21 =	vld [tilespmem:s21+$0x10];
	[tilespmem:s20+$0xFFFFFF30] =	vst v19;
	v11 =	vmul.f32 v11, v9  }
0x9e: {  	p1 =	slt.u32 s23, $0x4C;
	v19 =	vld [tilespmem:s21+$0xFFFFFFE0];
	[tilespmem:s20+$0xFFFFFF40] =	vst v20;
	v12 =	vmul.f32 v12, v9  }
0x9f: {  	v20 =	vld [tilespmem:s24+$0xFFFFFFF0];
	[tilespmem:s20+$0xFFFFFF50] =	vst v16;
	v14 =	vmul.f32 v14, v9  }
0xa0: {  	v16 =	vld [tilespmem:s21+$0xFFFFFFF0];
	[tilespmem:s20+$0xFFFFFF70] =	vst v17;
	v9 =	vmul.f32 v18, v9  }
0xa1: {  	v17 =	vld [tilespmem:s24+$0x0];
	[tilespmem:s20+$0xFFFFFF80] =	vst v15  }
0xa2: {  	v15 =	vld [tilespmem:s21+$0x0];
	v18 =	vadd.f32 v21, v22;
	v21 =	vadd.f32 v21, v2;
	[tilespmem:s20+$0xFFFFFF90] =	vst v13  }
0xa3: {  	v13 =	vld [tilespmem:s24+$0xFFFFFFE0];
	v22 =	vadd.f32 v19, v2;
	[tilespmem:s20+$0xFFFFFFA0] =	vst v10  }
0xa4: {  	v10 =	vmul.f32 $9.999999770e-03, v18;
	v23 =	vmul.f32 $9.999999770e-03, v21;
	[tilespmem:s20+$0xFFFFFFB0] =	vst v11;
	v11 =	vld [tilespmem:s20+$0x0]  }
0xa5: {  	v24 =	vmul.f32 $9.999999770e-03, v22;
	v20 =	vadd.f32 v16, v20;
	v16 =	vadd.f32 v16, v2;
	[tilespmem:s20+$0xFFFFFFC0] =	vst v12;
	v12 =	vld [tilespmem:s20+$0x10]  }
0xa6: {  	v10 =	vmax.f32 v18, v10;
	v18 =	vmax.f32 v21, v23;
	[tilespmem:s20+$0xFFFFFFD0] =	vst v14;
	v14 =	vld [tilespmem:s20+$0x20]  }
0xa7: {  	v21 =	vmul.f32 $9.999999770e-03, v20;
	v17 =	vadd.f32 v15, v17;
	v10 =	vsub.f32 v10, v18;
	[tilespmem:s20+$0xFFFFFFE0] =	vst v9;
	v9 =	vld [tilespmem:s20+$0x30]  }
0xa8: {  	v18 =	vmul.f32 $9.999999770e-03, v16;
	v15 =	vadd.f32 v15, v2;
	v13 =	vadd.f32 v19, v13;
	[tilespmem:s20+$0xFFFFFF60] =	vst v8;
	v8 =	vld [tilespmem:s20+$0x40]  }
0xa9: {  	v19 =	vmax.f32 v22, v24;
	v22 =	vmul.f32 $9.999999770e-03, v17;
	v10 =	vmul.f32 $1.442695020e+00, v10;
	[tilespmem:s20+$0xFFFFFFF0] =	vst v6;
	v6 =	vld [tilespmem:s20+$0x50]  }
0xaa: {  	v20 =	vmax.f32 v20, v21;
	v21 =	vmul.f32 $9.999999770e-03, v15;
	v23 =	vmul.f32 $9.999999770e-03, v13;
	v24 =	vld [tilespmem:s20+$0x60];
	[tilespmem:s20+$0x80] =	vst v7  }
0xab: {  	v7 =	vmax.f32 v16, v18;
	v16 =	vmax.f32 v17, v22;
	(erf) = vpow2.f32 v10;
	v10 =	vld [tilespmem:s20+$0x70];
	[tilespmem:s20+$0x110] =	vst v5  }
0xac: {  	v7 =	vsub.f32 v20, v7;
	v5 =	vmax.f32 v13, v23;
	v13 =	vmax.f32 v15, v21;
	v15 =	vld [tilespmem:s20+$0x90]  }
0xad: {  	v11 =	vmul.f32 v11, v4;
	v5 =	vsub.f32 v5, v19;
	v13 =	vsub.f32 v16, v13;
	v16 =	vld [tilespmem:s20+$0xA0]  }
0xae: {  	v12 =	vmul.f32 v12, v4;
	v7 =	vmul.f32 $1.442695020e+00, v7;
	v17 =	vld [tilespmem:s20+$0xB0]  }
0xaf: {  	v5 =	vmul.f32 $1.442695020e+00, v5;
	v13 =	vmul.f32 $1.442695020e+00, v13;
	[tilespmem:s20+$0x0] =	vst v11;
	v11 =	vld [tilespmem:s20+$0xC0]  }
0xb0: {  	(erf) = vpow2.f32 v7;
	[tilespmem:s20+$0x10] =	vst v12;
	v7 =	vmul.f32 v14, v4;
	v12 =	vld [tilespmem:s20+$0xD0]  }
0xb1: {  	v19 =	vmul.f32 v9, v4;
	(erf) = vpow2.f32 v5;
	v9 =	vld [tilespmem:s20+$0xE0]  }
0xb2: {  	s20 =	sadd.s32 $0x240, s20;
	(erf) = vpow2.f32 v13;
	[tilespmem:s22+$0x20] =	vst v7;
	v7 =	vmul.f32 v8, v4;
	v8 =	vld [tilespmem:s22+$0xF0]  }
0xb3: {  	v6 =	vmul.f32 v6, v4;
	v14 =	vmul.f32 v24, v4;
	v13 =	vld [tilespmem:s20+$0x100];
	[tilespmem:s22+$0x30] =	vst v19  }
0xb4: {  	v4 =	vmul.f32 v10, v4;
	v18 =	vld [tilespmem:s20+$0xFFFFFEE0];
	v5 =	vpop (erf);
	[tilespmem:s22+$0x40] =	vst v7;
	v7 =	vmul.f32 v15, v3  }
0xb5: {  	v15 =	vmul.f32 v17, v3;
	v10 =	vld [tilespmem:s20+$0xFFFFFEF0];
	v5 =	vnsel vm0, $0x0, v5;
	[tilespmem:s22+$0x50] =	vst v6;
	v6 =	vmul.f32 v16, v3  }
0xb6: {  	v11 =	vmul.f32 v11, v3;
	v16 =	vld [tilespmem:s20+$0xFFFFFF00];
	v17 =	vperm.xlane v5, v1;
	[tilespmem:s22+$0x60] =	vst v14  }
0xb7: {  	v12 =	vmul.f32 v12, v3;
	v19 =	vmul.f32 v9, v3;
	v14 =	vld [tilespmem:s20+$0xFFFFFF10];
	[tilespmem:s22+$0x70] =	vst v4  }
0xb8: {  	v20 =	vld [tilespmem:s20+$0xFFFFFF20];
	v9 =	vmul.f32 v13, v17;
	[tilespmem:s22+$0x90] =	vst v7;
	v13 =	vmul.f32 v8, v3;
	v3 =	vmov v17  }
0xb9: {  	v17 =	vld [tilespmem:s20+$0xFFFFFF30];
	v7 =	vpop (erf);
	[tilespmem:s22+$0xA0] =	vst v6  }
0xba: {  	v22 =	vld [tilespmem:s20+$0xFFFFFF40];
	v6 =	vnsel vm0, $0x0, v7;
	[tilespmem:s20+$0x100] =	vst v9;
	v4 =	vpop (erf)  }
0xbb: {  	v8 =	vnsel vm0, $0x0, v4;
	v23 =	vld [tilespmem:s20+$0xFFFFFF50];
	v9 =	vperm.xlane v6, v1;
	v4 =	vpop (erf);
	[tilespmem:s22+$0xB0] =	vst v15  }
0xbc: {  	v15 =	vperm.xlane v8, v1;
	v24 =	vld [tilespmem:s20+$0xFFFFFF70];
	v7 =	vnsel vm0, $0x0, v4;
	[tilespmem:s22+$0xC0] =	vst v11  }
0xbd: {  	v25 =	vld [tilespmem:s20+$0xFFFFFF80];
	v4 =	vperm.xlane v7, v1;
	[tilespmem:s22+$0xD0] =	vst v12  }
0xbe: {  	v11 =	vmul.f32 v18, v15;
	v12 =	vmul.f32 v10, v15;
	v18 =	vld [tilespmem:s20+$0xFFFFFF90];
	[tilespmem:s22+$0xE0] =	vst v19  }
.Ltmp1:
0xbf: {  	v26 =	vmul.f32 v16, v15;
	v27 =	vmul.f32 v14, v15;
	v10 =	vld [tilespmem:s20+$0xFFFFFFA0];
	[tilespmem:s22+$0xF0] =	vst v13;
	s22 =	smov.u32 s20;
	(pc) =	sbr.rel @p1 .LBB2_5-.Ltmp1, $4  }
0xc0: {  	v21 =	vmul.f32 v20, v15;
	v19 =	vmul.f32 v17, v15;
	[tilespmem:s20+$0xFFFFFEE0] =	vst v11;
	v11 =	vld [tilespmem:s20+$0xFFFFFFB0]  }
0xc1: {  	v20 =	vmul.f32 v22, v15;
	v16 =	vmul.f32 v23, v15;
	[tilespmem:s20+$0xFFFFFEF0] =	vst v12;
	v12 =	vld [tilespmem:s20+$0xFFFFFFC0]  }
0xc2: {  	v17 =	vmul.f32 v24, v9;
	[tilespmem:s20+$0xFFFFFF00] =	vst v26;
	v15 =	vmul.f32 v25, v9;
	v14 =	vld [tilespmem:s20+$0xFFFFFFD0]  }
0xc3: {  	s24 =	sadd.s32 $0x40, s24;
	[tilespmem:s20+$0xFFFFFF10] =	vst v27;
	v13 =	vmul.f32 v18, v9;
	v18 =	vld [tilespmem:s20+$0xFFFFFFE0]  }
0xc4: {  	[tilespmem:s20+$0xFFFFFF20] =	vst v21  }
0xc5: {  	[tilespmem:s20+$0xFFFFFF30] =	vst v19  }
0xc6: {  	[tilespmem:s20+$0xFFFFFF40] =	vst v20  }
0xc7: {  	[tilespmem:s20+$0xFFFFFF50] =	vst v16  }
0xc8: {  	[tilespmem:s20+$0xFFFFFF70] =	vst v17  }
0xc9: {  	[tilespmem:s20+$0xFFFFFF80] =	vst v15  }
0xca: {  	[tilespmem:s20+$0xFFFFFF60] =	vst v8  }
0xcb: {  	[tilespmem:s20+$0xFFFFFFF0] =	vst v6  }
0xcc: {  	[tilespmem:s20+$0x80] =	vst v7  }
0xcd: {  	v10 =	vmul.f32 v10, v9;
	v36 =	vld [tilespmem:s20+$0x0];
	[tilespmem:s20+$0x110] =	vst v5  }
0xce: {  	v38 =	vld [tilespmem:s20+$0x10];
	v11 =	vmul.f32 v11, v9;
	[tilespmem:s20+$0xFFFFFF90] =	vst v13  }
0xcf: {  	v49 =	vld [tilespmem:s20+$0x90];
	v12 =	vmul.f32 v12, v9;
	[tilespmem:s20+$0xFFFFFFA0] =	vst v10  }
0xd0: {  	v51 =	vld [tilespmem:s20+$0xA0];
	v37 =	vmul.f32 v14, v9;
	[tilespmem:s20+$0xFFFFFFB0] =	vst v11  }
0xd1: {  	v53 =	vld [tilespmem:s20+$0xB0];
	v39 =	vmul.f32 v18, v9;
	[tilespmem:s20+$0xFFFFFFC0] =	vst v12  }
0xd2: {  	v55 =	vld [tilespmem:s20+$0xC0];
	[tilespmem:s20+$0xFFFFFFD0] =	vst v37;
	v45 =	vmul.f32 v36, v4  }
0xd3: {  	v56 =	vld [tilespmem:s20+$0xD0];
	v47 =	vmul.f32 v38, v4;
	[tilespmem:s20+$0xFFFFFFE0] =	vst v39  }
0xd4: {  	v58 =	vld [tilespmem:s20+$0xE0];
	v59 =	vmul.f32 v49, v3;
	[tilespmem:s20+$0x0] =	vst v45  }
0xd5: {  	v40 =	vld [tilespmem:s20+$0x20];
	v61 =	vmul.f32 v51, v3;
	[tilespmem:s20+$0x10] =	vst v47  }
0xd6: {  	v41 =	vld [tilespmem:s20+$0x30];
	v62 =	vmul.f32 v53, v3;
	[tilespmem:s22+$0x90] =	vst v59  }
0xd7: {  	v42 =	vld [tilespmem:s20+$0x40];
	v8 =	vmul.f32 v55, v3;
	[tilespmem:s22+$0xA0] =	vst v61  }
0xd8: {  	v43 =	vld [tilespmem:s20+$0x50];
	v7 =	vmul.f32 v56, v3;
	[tilespmem:s22+$0xB0] =	vst v62  }
0xd9: {  	v44 =	vld [tilespmem:s20+$0x60];
	v63 =	vmul.f32 v58, v3;
	[tilespmem:s22+$0xC0] =	vst v8  }
0xda: {  	v46 =	vld [tilespmem:s20+$0x70];
	v48 =	vmul.f32 v40, v4;
	[tilespmem:s22+$0xD0] =	vst v7  }
0xdb: {  	v60 =	vld [tilespmem:s22+$0xF0];
	v50 =	vmul.f32 v41, v4;
	[tilespmem:s22+$0xE0] =	vst v63  }
0xdc: {  	v52 =	vmul.f32 v42, v4;
	[tilespmem:s22+$0x20] =	vst v48  }
0xdd: {  	v54 =	vmul.f32 v43, v4;
	[tilespmem:s22+$0x30] =	vst v50  }
0xde: {  	v6 =	vmul.f32 v44, v4;
	[tilespmem:s22+$0x40] =	vst v52  }
0xdf: {  	v57 =	vmul.f32 v46, v4;
	[tilespmem:s22+$0x50] =	vst v54  }
0xe0: {  	s19 =	sadd.s32 $0x1, s19;
	v3 =	vmul.f32 v60, v3;
	[tilespmem:s22+$0x60] =	vst v6  }
0xe1: {  	p1 =	sne.s32 s19, $0x7D;
	[tilespmem:s22+$0x70] =	vst v57  }
.Ltmp2:
0xe2: {  	[tilespmem:s22+$0xF0] =	vst v3;
	(pc) =	sbr.rel @p1 .LBB2_4-.Ltmp2, $4  }
0xe3: {  	[spmem:s11] =	stream.indirect.scatter.add.f32 [tilespmem:s1], [sflag:$0x1], $0x90, s5, s6, $0xb8;
	[tilespmem:$0x1CF80] =	vst v63  }
0xe4: {  	_ =	swait.ge [sflag:s9], $0x2D00  }
0xe5: {  	[sflag:s9] =	ssyncset.done $0x0  }
0xe6: {  	[sflag:s9] =	ssyncadd.s32 $0xFFFFD300  }
0xe7: {  	[bflag:$0x0] =	sbarrier.arrive $0xFFFF  }
0xe8: {  	[tilespmem:s3], [sflag:$0x2] =	stream.linear.gather [spmem:s26], $0x3840, $0x38;
	[tilespmem:$0x1CF80] =	vst v63  }
0xe9: {  	_ =	swait.ge [sflag:s12], $0x3840  }
0xea: {  	[sflag:s12] =	ssyncset.done $0x0  }
0xeb: {  	s19 =	rddreg [dreg:$0x4];
	[sflag:s12] =	ssyncadd.s32 $0xFFFFC7C0  }
0xec: {  	[hbm4b:s19+s1] =	stream.linear.scatter [tilespmem:s3], [sflag:$0x1], $0x3840, $0x38;
	[tilespmem:$0x1CF80] =	vst v63  }
0xed: {  	_ =	swait.ge [sflag:s9], $0x3840  }
0xee: {  	[sflag:s9] =	ssyncset.done $0x0  }
0xef: {  	[sflag:s9] =	ssyncadd.s32 $0xFFFFC7C0  }
0xf0: {  	[tilespmem:s3], [sflag:$0x2] =	stream.linear.gather [spmem:s28], $0x3840, $0x38;
	[tilespmem:$0x1CF80] =	vst v63  }
0xf1: {  	_ =	swait.ge [sflag:s12], $0x3840  }
0xf2: {  	[sflag:s12] =	ssyncset.done $0x0  }
0xf3: {  	s24 =	rddreg [dreg:$0x5];
	[sflag:s12] =	ssyncadd.s32 $0xFFFFC7C0  }
0xf4: {  	[hbm4b:s24+s1] =	stream.linear.scatter [tilespmem:s3], [sflag:$0x1], $0x3840, $0x38;
	[tilespmem:$0x1CF80] =	vst v63  }
0xf5: {  	_ =	swait.ge [sflag:s9], $0x3840  }
0xf6: {  	[sflag:s9] =	ssyncset.done $0x0  }
0xf7: {  	[sflag:s9] =	ssyncadd.s32 $0xFFFFC7C0  }
0xf8: {  	[tilespmem:s3], [sflag:$0x2] =	stream.linear.gather [spmem:s29], $0x3840, $0x38;
	[tilespmem:$0x1CF80] =	vst v63  }
0xf9: {  	_ =	swait.ge [sflag:s12], $0x3840  }
0xfa: {  	[sflag:s12] =	ssyncset.done $0x0  }
0xfb: {  	s20 =	rddreg [dreg:$0x6];
	[sflag:s12] =	ssyncadd.s32 $0xFFFFC7C0  }
0xfc: {  	[hbm4b:s20+s1] =	stream.linear.scatter [tilespmem:s3], [sflag:$0x1], $0x3840, $0x38;
	[tilespmem:$0x1CF80] =	vst v63  }
0xfd: {  	_ =	swait.ge [sflag:s9], $0x3840  }
0xfe: {  	[sflag:s9] =	ssyncset.done $0x0  }
0xff: {  	[sflag:s9] =	ssyncadd.s32 $0xFFFFC7C0  }
0x100: {  	[tilespmem:s3], [sflag:$0x2] =	stream.linear.gather [spmem:s30], $0x3840, $0x38;
	[tilespmem:$0x1CF80] =	vst v63  }
0x101: {  	_ =	swait.ge [sflag:s12], $0x3840  }
0x102: {  	[sflag:s12] =	ssyncset.done $0x0  }
0x103: {  	s21 =	rddreg [dreg:$0x7];
	[sflag:s12] =	ssyncadd.s32 $0xFFFFC7C0  }
0x104: {  	[hbm4b:s21+s1] =	stream.linear.scatter [tilespmem:s3], [sflag:$0x1], $0x3840, $0x38;
	[tilespmem:$0x1CF80] =	vst v63  }
0x105: {  	_ =	swait.ge [sflag:s9], $0x3840  }
0x106: {  	[sflag:s9] =	ssyncset.done $0x0  }
0x107: {  	[sflag:s9] =	ssyncadd.s32 $0xFFFFC7C0  }
0x108: {  	[tilespmem:s3], [sflag:$0x2] =	stream.linear.gather [spmem:s31], $0x3840, $0x38;
	[tilespmem:$0x1CF80] =	vst v63  }
0x109: {  	_ =	swait.ge [sflag:s12], $0x3840  }
0x10a: {  	[sflag:s12] =	ssyncset.done $0x0  }
0x10b: {  	s22 =	rddreg [dreg:$0x8];
	[sflag:s12] =	ssyncadd.s32 $0xFFFFC7C0  }
0x10c: {  	[hbm4b:s22+s1] =	stream.linear.scatter [tilespmem:s3], [sflag:$0x1], $0x3840, $0x38;
	[tilespmem:$0x1CF80] =	vst v63  }
0x10d: {  	_ =	swait.ge [sflag:s9], $0x3840  }
0x10e: {  	[sflag:s9] =	ssyncset.done $0x0  }
0x10f: {  	[sflag:s9] =	ssyncadd.s32 $0xFFFFC7C0  }
0x110: {  	[tilespmem:s3], [sflag:$0x2] =	stream.linear.gather [spmem:s8], $0x3840, $0x38;
	[tilespmem:$0x1CF80] =	vst v63  }
0x111: {  	_ =	swait.ge [sflag:s12], $0x3840  }
0x112: {  	[sflag:s12] =	ssyncset.done $0x0  }
0x113: {  	s23 =	rddreg [dreg:$0x9];
	[sflag:s12] =	ssyncadd.s32 $0xFFFFC7C0  }
0x114: {  	[hbm4b:s23+s1] =	stream.linear.scatter [tilespmem:s3], [sflag:$0x1], $0x3840, $0x38;
	[tilespmem:$0x1CF80] =	vst v63  }
0x115: {  	_ =	swait.ge [sflag:s9], $0x3840  }
0x116: {  	[sflag:s9] =	ssyncset.done $0x0  }
0x117: {  	s19 =	simm.s32 @!p0 $0x37B0;
	s20 =	simm.s32 @!p0 $0x2;
	[sflag:s9] =	ssyncadd.s32 $0xFFFFC7C0  }
0x118: {  	[tilespmem:s19], [sflag:$0x2] =	stream.linear.gather @!p0 [spmem:s0], $0x3840, $0x38;
	[tilespmem:$0x1CF80] =	vst v63  }
0x119: {  	_ =	swait.ge @!p0 [sflag:s20], $0x3840  }
0x11a: {  	[sflag:s20] =	ssyncset.done @!p0 $0x0  }
0x11b: {  	s21 =	rddreg [dreg:$0xa];
	[sflag:s20] =	ssyncadd.s32 @!p0 $0xFFFFC7C0;
	s20 =	simm.s32 @!p0 $0x0  }
0x11c: {  	[hbm4b:s21+s20] =	stream.linear.scatter @!p0 [tilespmem:s19], [sflag:$0x1], $0x3840, $0x38;
	[tilespmem:$0x1CF80] =	vst v63  }
0x11d: {  	s19 =	simm.s32 @!p0 $0x1  }
0x11e: {  	_ =	swait.ge @!p0 [sflag:s19], $0x3840  }
0x11f: {  	s18 =	sadd.s32 $0x1, s18;
	s24 =	rddreg [dreg:$0xb]  }
0x120: {  	p1 =	sne.s32 s18, s24  }
.Ltmp3:
0x121: {  	_ = 	snop;
	(pc) =	sbr.rel @p1 .LBB2_1-.Ltmp3, $3  }
0x122: {  	_ =	sdelay $0x1  }
0x123: {  	[sflag:s19] =	ssyncset.done @!p0 $0x0  }
0x124: {  	[sflag:s19] =	ssyncadd.s32 @!p0 $0xFFFFC7C0  }
0x125: {  	_ =	sfence.sel $0x180000  }
0x126: {  	[bflag:$0x0] =	sbarrier.arrive $0xFFFF  }
0x127: {  	_ =	strace $0x90000050  }
0x128: {  	s0 =	stileid.u32;
	[bflag:$0x2] =	sbarrier.arrive $0xFFFF  }
0x129: {  	p0 =	sne.s32 s0, $0x0;
	s0 =	rddreg [dreg:$0x3]  }
0x12a: {  	s0 =	sadd.s32 @!p0 $0x100000, s0  }
0x12b: {  	[sflag:s0] =	ssyncadd.tile.s32 @!p0 $0x1;
	_ =	shalt  }
.Lfunc_end2:
_tile_overlayer_lowered:
.L_overlay_start_2:
0x12c: {  	(tag) =	ssettag $0x2  }
0x12d: {  	s0 =	rddreg [dreg:$0x0];
	s2 =	stileid.u32  }
0x12e: {  	s1 =	rddreg [dreg:$0x1];
	p0 =	sne.s32 s2, $0x0  }
0x12f: {  	s3 =	rddreg [dreg:$0x2];
	[bflag:$0x3] =	sbarrier.arrive $0xFFFF;
	s2 =	simm.s32 @!p0 $0x1C01  }
0x130: {  	[timem:s3], [sflag:s2] =	dma.local @!p0 [hbm:s0], s1  }
0x131: {  	s0 =	simm.s32 @!p0 $0x1  }
0x132: {  	_ =	swait.ge @!p0 [sflag:s0], s1  }
0x133: {  	s1 =	ssub.s32 @!p0 $0x0, s1;
	[sflag:s0] =	ssyncset.done @!p0 $0x0  }
0x134: {  	[sflag:s0] =	ssyncadd.s32 @!p0 s1  }
0x135: {  	[bflag:$0x3] =	sbarrier.arrive $0xFFFF  }
0x136: {  	_ =	shalt  }

</sc_bundles>
